<compile_context>
chip_gen: v7x
topology: tpu7x:2x2x1
jax: 0.10.2.dev20260603
libtpu: 0.0.44.dev20260713+nightly
codegen_flags: <defaults>
</compile_context>

<pallas_src>
import functools

import jax
import jax.numpy as jnp
from jax import lax
from jax.experimental import pallas as pl
from jax.experimental.pallas import tpu as pltpu
from jax.experimental.pallas import tpu_sc as plsc

NC, NS = 2, 16
NW = NC * NS
CHUNK = 128
LANES = 16
MASK_HI = 0xFFFF0000

INV_2PI = 0.15915493667125702
RND_MAGIC = 12582912.0
S0 = 6.283055994859666
S1 = -41.331226406885634
S2 = 81.36701207816412
S3 = -74.47917011197654
S4 = 32.78367310635748


def _sc_gather_pack(word_tab, aux_tab, widx, aidx, BL, H):
  per_w = BL // NW
  chunk = next(c for c in (CHUNK, 80, 64, 40, 32, 16, 8) if per_w % c == 0)
  n_chunks = per_w // chunk
  n_pairs = n_chunks // 2
  tail = n_chunks % 2
  mesh = plsc.VectorSubcoreMesh(core_axis_name="c", subcore_axis_name="s",
                                num_cores=NC, num_subcores=NS)

  n_order = aux_tab.shape[0]

  @functools.partial(
      pl.kernel,
      out_type=jax.ShapeDtypeStruct((BL, H), jnp.uint32),
      mesh=mesh,
      scratch_types=[
          pltpu.VMEM((per_w,), jnp.int32),
          pltpu.VMEM((per_w,), jnp.int32),
          pltpu.VMEM((chunk, H), jnp.uint32),
          pltpu.VMEM((chunk, H), jnp.uint32),
          pltpu.VMEM((chunk, H), jnp.uint32),
          pltpu.VMEM((chunk, H), jnp.uint32),
          pltpu.VMEM((chunk, H), jnp.uint32),
          pltpu.VMEM_SHARED((n_order, H), jnp.uint32),
          pltpu.SemaphoreType.DMA,
          pltpu.SemaphoreType.DMA,
          pltpu.SemaphoreType.DMA,
          pltpu.SemaphoreType.DMA,
      ],
  )
  def k(word_hbm, aux_hbm, widx_hbm, aidx_hbm, out_hbm,
        widx_v, aidx_v, wbuf0, abuf0, wbuf1, abuf1, obuf, order_sh,
        sem_w0, sem_a0, sem_w1, sem_a1):
    wid = lax.axis_index("s") * NC + lax.axis_index("c")
    base = pl.multiple_of(wid * per_w, per_w)

    @pl.when(lax.axis_index("s") == 0)
    def _():
      pltpu.sync_copy(aux_hbm, order_sh)
    pltpu.sync_copy(widx_hbm.at[pl.ds(base, per_w)], widx_v)
    pltpu.sync_copy(aidx_hbm.at[pl.ds(base, per_w)], aidx_v)
    plsc.subcore_barrier()

    def gather(c, wbuf, abuf, sem_w, sem_a):
      off = pl.multiple_of(c * chunk, chunk)
      pltpu.async_copy(word_hbm.at[widx_v.at[pl.ds(off, chunk)]], wbuf, sem_w)
      pltpu.async_copy(order_sh.at[aidx_v.at[pl.ds(off, chunk)]], abuf, sem_a)

    def wait(wbuf, abuf, sem_w, sem_a):
      pltpu.make_async_copy(word_hbm.at[widx_v.at[pl.ds(0, chunk)]],
                            wbuf, sem_w).wait()
      pltpu.make_async_copy(order_sh.at[aidx_v.at[pl.ds(0, chunk)]],
                            abuf, sem_a).wait()

    def pack_store(c, wbuf, abuf):
      mask = jnp.uint32(MASK_HI)
      def pack_row(t, carry):
        for kk in range(H // LANES):
          w16 = wbuf[t, pl.ds(LANES * kk, LANES)]
          a16 = abuf[t, pl.ds(LANES * kk, LANES)]
          obuf[t, pl.ds(LANES * kk, LANES)] = (w16 >> 16) | (a16 & mask)
        return carry
      lax.fori_loop(0, chunk, pack_row, 0)
      dst = pl.multiple_of(base + c * chunk, chunk)
      pltpu.sync_copy(obuf, out_hbm.at[pl.ds(dst, chunk)])

    gather(0, wbuf0, abuf0, sem_w0, sem_a0)

    def body(i, carry):
      c0 = 2 * i
      gather(c0 + 1, wbuf1, abuf1, sem_w1, sem_a1)
      wait(wbuf0, abuf0, sem_w0, sem_a0)
      pack_store(c0, wbuf0, abuf0)

      @pl.when(c0 + 2 < n_chunks)
      def _():
        gather(c0 + 2, wbuf0, abuf0, sem_w0, sem_a0)

      wait(wbuf1, abuf1, sem_w1, sem_a1)
      pack_store(c0 + 1, wbuf1, abuf1)
      return carry

    lax.fori_loop(0, n_pairs, body, 0)
    if tail:
      wait(wbuf0, abuf0, sem_w0, sem_a0)
      pack_store(n_chunks - 1, wbuf0, abuf0)

  return k(word_tab, aux_tab, widx, aidx)


def _fast_sin(x):
  y = x * INV_2PI
  k = (y + RND_MAGIC) - RND_MAGIC
  t = y - k
  u = t * t
  return t * (S0 + u * (S1 + u * (S2 + u * (S3 + u * S4))))


def _tc_math(prev, packed, deltas, ages, tsidx, tstab, wc, wta, cwc, cphc,
             b, gamma, beta, BL, H, T, TB, off):
  nb = packed.shape[0] // TB

  def body(*refs):
    if prev is None:
      (p_ref, d_ref, ag_ref, ts_ref, tstab_ref, wc_ref, wta_ref,
       cw_ref, cphi_ref, b_ref, gm_ref, bt_ref, out_ref) = refs
    else:
      (_, p_ref, d_ref, ag_ref, ts_ref, tstab_ref, wc_ref, wta_ref,
       cw_ref, cphi_ref, b_ref, gm_ref, bt_ref, out_ref) = refs
    d = d_ref[0]
    a = ag_ref[0]
    cwv = cw_ref[...]
    cph = cphi_ref[...]
    ph = jnp.concatenate(
        [d * cwv[:T] + cph[:T],
         a * cwv[T:] + cph[T:]], axis=0)
    feats_t = _fast_sin(ph)
    p = p_ref[...]
    code = lax.bitcast_convert_type(p << 16, jnp.float32)
    aux_f = lax.bitcast_convert_type(p & jnp.uint32(MASK_HI), jnp.float32)
    acc = jnp.dot(code, wc_ref[...], preferred_element_type=jnp.float32)
    acc += lax.dot_general(feats_t, wta_ref[...], (((0,), (0,)), ((), ())),
                           preferred_element_type=jnp.float32)
    ts = ts_ref[0]
    nts = tstab_ref.shape[0]
    rows = lax.broadcasted_iota(jnp.int32, (nts, TB), 0)
    onehot = jnp.where(rows == ts, 1.0, 0.0)
    ts_add = lax.dot_general(onehot, tstab_ref[...], (((0,), (0,)), ((), ())),
                             preferred_element_type=jnp.float32)
    tok = jnp.tanh(acc + b_ref[...]) + aux_f + ts_add
    mu = jnp.mean(tok, axis=1, keepdims=True)
    var = jnp.mean(jnp.square(tok - mu), axis=1, keepdims=True)
    out_ref[...] = ((tok - mu) * lax.rsqrt(var + 1e-12)
                    * gm_ref[...] + bt_ref[...])

  full = lambda r, c: pl.BlockSpec((r, c), lambda i: (0, 0))
  in_specs = [
      pl.BlockSpec((TB, H), lambda i: (i, 0)),
      pl.BlockSpec((1, 1, TB), lambda i: (i, 0, 0)),
      pl.BlockSpec((1, 1, TB), lambda i: (i, 0, 0)),
      pl.BlockSpec((1, 1, TB), lambda i: (i, 0, 0)),
      full(tstab.shape[0], H),
      full(H, H), full(2 * T, H),
      full(2 * T, 1), full(2 * T, 1),
      full(1, H), full(1, H), full(1, H),
  ]
  args = (packed, deltas, ages, tsidx, tstab, wc, wta, cwc, cphc,
          b, gamma, beta)
  aliases = {}
  if prev is not None:
    in_specs = [pl.BlockSpec(memory_space=pltpu.MemorySpace.HBM)] + in_specs
    args = (prev,) + args
    aliases = {0: 0}
  return pl.pallas_call(
      body,
      grid=(nb,),
      in_specs=in_specs,
      out_specs=pl.BlockSpec((TB, H), lambda i: (i + off, 0)),
      out_shape=jax.ShapeDtypeStruct((BL, H), jnp.float32),
      input_output_aliases=aliases,
      compiler_params=pltpu.CompilerParams(
          dimension_semantics=("arbitrary",)),
  )(*args)


def kernel(input_ids, token_type_ids, time_stamps, ages, visit_orders,
           visit_segments, word_emb, type_emb, order_emb, seg_emb,
           time_w, time_phi, age_w, age_phi, proj_W, proj_b,
           ln_gamma, ln_beta):
  B, Lx = input_ids.shape
  V, H = word_emb.shape
  T = time_w.shape[1]
  n_type, n_seg, n_order = type_emb.shape[0], seg_emb.shape[0], order_emb.shape[0]
  BL = B * Lx

  tstab = jnp.concatenate(
      [(type_emb[:, None, :] + seg_emb[None, :, :]).reshape(n_type * n_seg, H),
       jnp.zeros((32 - n_type * n_seg, H), jnp.float32)], axis=0)
  aidx = visit_orders.reshape(BL).astype(jnp.int32)
  widx = input_ids.reshape(BL).astype(jnp.int32)

  word_u = lax.bitcast_convert_type(word_emb, jnp.uint32)
  aux_u = lax.bitcast_convert_type(order_emb, jnp.uint32)

  TB = 2048
  NSLICE = 4
  SL = BL // NSLICE
  deltas = jnp.concatenate(
      [time_stamps[:, :1] * 0.0, time_stamps[:, 1:] - time_stamps[:, :-1]],
      axis=-1).reshape(BL // TB, 1, TB)
  ages2 = ages.reshape(BL // TB, 1, TB)
  tsidx = (token_type_ids * n_seg + visit_segments).reshape(
      BL // TB, 1, TB).astype(jnp.int32)
  wc = proj_W[:H]
  wta = proj_W[H:]
  cwc = jnp.concatenate([time_w, age_w], axis=1).reshape(2 * T, 1)
  cphc = jnp.concatenate([time_phi, age_phi], axis=1).reshape(2 * T, 1)
  bb = proj_b.reshape(1, H)
  gm = ln_gamma.reshape(1, H)
  bt = ln_beta.reshape(1, H)

  nbs = SL // TB
  packed = [
      _sc_gather_pack(word_u, aux_u,
                      widx[s * SL:(s + 1) * SL], aidx[s * SL:(s + 1) * SL],
                      SL, H)
      for s in range(NSLICE)
  ]
  out = None
  for s in range(NSLICE):
    out = _tc_math(out, packed[s],
                   deltas[s * nbs:(s + 1) * nbs], ages2[s * nbs:(s + 1) * nbs],
                   tsidx[s * nbs:(s + 1) * nbs], tstab,
                   wc, wta, cwc, cphc, bb, gm, bt,
                   BL, H, T, TB, off=s * nbs)
  return out.reshape(B, Lx, H)

# --- scband reference (transcript-rebuilt; emitter-appended) ---
"""Pipeline reference for scband-ehrmamba-embedding-adapter-16140487098517 (READ-ONLY COPY).

The authoritative reference and input builder live on the scoring server;
editing this copy changes nothing except your own understanding.
"""

import jax, jax.numpy as jnp
import numpy as np

B, L, V, H, T = 1024, 200, 100000, 128, 32


def setup_inputs(seed: int = 0) -> dict:
    key = jax.random.key(seed)
    ks = jax.random.split(key, 16)
    inp = {}
    inp["input_ids"] = jax.random.randint(ks[0], (B, L), 0, V)
    inp["token_type_ids"] = jax.random.randint(ks[1], (B, L), 0, 10)
    inp["time_stamps"] = jax.random.uniform(ks[2], (B, L), dtype=jnp.float32) * 100.0
    inp["ages"] = jax.random.uniform(ks[3], (B, L), dtype=jnp.float32) * 90.0
    inp["visit_orders"] = jax.random.randint(ks[4], (B, L), 0, 512)
    inp["visit_segments"] = jax.random.randint(ks[5], (B, L), 0, 3)
    inp["word_emb"] = jax.random.normal(ks[6], (V, H), dtype=jnp.float32) * 0.02
    inp["type_emb"] = jax.random.normal(ks[7], (10, H), dtype=jnp.float32) * 0.02
    inp["order_emb"] = jax.random.normal(ks[8], (512, H), dtype=jnp.float32) * 0.02
    inp["seg_emb"] = jax.random.normal(ks[9], (3, H), dtype=jnp.float32) * 0.02
    inp["time_w"] = jax.random.normal(ks[10], (1, T), dtype=jnp.float32) * 0.1
    inp["time_phi"] = jax.random.normal(ks[11], (1, T), dtype=jnp.float32) * 0.1
    inp["age_w"] = jax.random.normal(ks[12], (1, T), dtype=jnp.float32) * 0.1
    inp["age_phi"] = jax.random.normal(ks[13], (1, T), dtype=jnp.float32) * 0.1
    inp["proj_W"] = jax.random.normal(ks[14], (H + 2 * T, H), dtype=jnp.float32) * 0.05
    inp["proj_b"] = jnp.zeros((H,), dtype=jnp.float32)
    inp["ln_gamma"] = jnp.ones((H,), dtype=jnp.float32)
    inp["ln_beta"] = jnp.zeros((H,), dtype=jnp.float32)
    return inp


def reference(input_ids, token_type_ids, time_stamps, ages, visit_orders, visit_segments,
              word_emb, type_emb, order_emb, seg_emb,
              time_w, time_phi, age_w, age_phi,
              proj_W, proj_b, ln_gamma, ln_beta):
    # time deltas (is_time_delta=True)
    deltas = jnp.concatenate([time_stamps[:, :1] * 0.0,
                              time_stamps[:, 1:] - time_stamps[:, :-1]], axis=-1)
    time_e = jnp.sin(deltas[..., None] * time_w[0] + time_phi[0])      # (B,L,T)
    age_e = jnp.sin(ages[..., None] * age_w[0] + age_phi[0])           # (B,L,T)
    code_e = jnp.take(word_emb, input_ids, axis=0)                      # (B,L,H)
    fused = jnp.tanh(jnp.concatenate([code_e, time_e, age_e], axis=-1) @ proj_W + proj_b)
    tok = (fused
           + jnp.take(type_emb, token_type_ids, axis=0)
           + jnp.take(order_emb, visit_orders, axis=0)
           + jnp.take(seg_emb, visit_segments, axis=0))
    # dropout is identity in eval; LayerNorm eps=1e-12
    mu = jnp.mean(tok, axis=-1, keepdims=True)
    var = jnp.var(tok, axis=-1, keepdims=True)
    out = (tok - mu) / jnp.sqrt(var + 1e-12) * ln_gamma + ln_beta
    return out

if __name__ == "__main__":
    import jax
    _d = setup_inputs()
    print(jax.jit(kernel)(*tuple(_d.values())))

</pallas_src>

<mosaic_0001>
#map = affine_map<(d0, d1) -> (0, 0)>
#map1 = affine_map<(d0, d1) -> (0)>
module attributes {stable_mosaic.version = 14 : i64} {
  func.func @k(%arg0: i32, %arg1: i32, %arg2: memref<100000x128xi32, #tpu.memory_space<hbm>>, %arg3: memref<512x128xi32, #tpu.memory_space<hbm>>, %arg4: memref<51200xi32, #tpu.memory_space<hbm>>, %arg5: memref<51200xi32, #tpu.memory_space<hbm>>, %arg6: memref<51200x128xi32, #tpu.memory_space<hbm>>, %arg7: memref<1600xi32, #tpu.memory_space<vmem>>, %arg8: memref<1600xi32, #tpu.memory_space<vmem>>, %arg9: memref<80x128xi32, #tpu.memory_space<vmem>>, %arg10: memref<80x128xi32, #tpu.memory_space<vmem>>, %arg11: memref<80x128xi32, #tpu.memory_space<vmem>>, %arg12: memref<80x128xi32, #tpu.memory_space<vmem>>, %arg13: memref<80x128xi32, #tpu.memory_space<vmem>>, %arg14: memref<512x128xi32, #tpu.memory_space<vmem_shared>>, %arg15: memref<!tpu.dma_semaphore, #tpu.memory_space<semaphore_mem>>, %arg16: memref<!tpu.dma_semaphore, #tpu.memory_space<semaphore_mem>>, %arg17: memref<!tpu.dma_semaphore, #tpu.memory_space<semaphore_mem>>, %arg18: memref<!tpu.dma_semaphore, #tpu.memory_space<semaphore_mem>>) attributes {dimension_semantics = [#tpu.dimension_semantics<core_parallel>, #tpu.dimension_semantics<subcore_parallel>], iteration_bounds = array<i64: 2, 16>, scalar_prefetch = 0 : i64, scratch_operands = 12 : i64, tpu.core_type = #tpu.core_type<sc_vector_subcore>, window_params = [{transform_indices = #map}, {transform_indices = #map}, {transform_indices = #map1}, {transform_indices = #map1}, {transform_indices = #map}]} {
    %mul3A = arith.constant 2 : i32
    %mul3A_0 = arith.muli %arg1, %mul3A : i32
    %add3A = arith.addi %mul3A_0, %arg0 : i32
    %mul3A_1 = arith.constant 1600 : i32
    %mul3A_2 = arith.muli %add3A, %mul3A_1 : i32
    %multiple_of3A = tpu.assume_multiple %mul3A_2, 1600 : i32
    %eq3A = arith.constant 0 : i32
    %eq3A_3 = arith.cmpi eq, %arg1, %eq3A : i32
    %convert_element_type3A = arith.extui %eq3A_3 : i1 to i32
    %cond3A = arith.constant 0 : i32
    %cond3A_4 = arith.cmpi ne, %convert_element_type3A, %cond3A : i32
    scf.if %cond3A_4 {
      "tpu.region"() ({
        %run_scoped3A = tpu.sem_alloc : memref<!tpu.dma_semaphore, #tpu.memory_space<semaphore_mem>>
        tpu.enqueue_dma source(%arg3 : memref<512x128xi32, #tpu.memory_space<hbm>>) target(%arg14 : memref<512x128xi32, #tpu.memory_space<vmem_shared>>) target_semaphore(%run_scoped3A : memref<!tpu.dma_semaphore, #tpu.memory_space<semaphore_mem>>)
        tpu.wait_dma2 semaphore(%run_scoped3A : memref<!tpu.dma_semaphore, #tpu.memory_space<semaphore_mem>>) src(%arg3 : memref<512x128xi32, #tpu.memory_space<hbm>>) dst(%arg14 : memref<512x128xi32, #tpu.memory_space<vmem_shared>>)
        tpu.yield
      }) : () -> ()
    } else {
    }
    "tpu.region"() ({
      %run_scoped3A = tpu.sem_alloc : memref<!tpu.dma_semaphore, #tpu.memory_space<semaphore_mem>>
      %dma_start3A_19 = tpu.memref_slice %arg4[%multiple_of3A] : memref<51200xi32, #tpu.memory_space<hbm>> -> memref<1600xi32, #tpu.memory_space<hbm>>
      %dma_start3A_20 = tpu.memref_slice %arg4[%multiple_of3A] : memref<51200xi32, #tpu.memory_space<hbm>> -> memref<1600xi32, #tpu.memory_space<hbm>>
      tpu.enqueue_dma source(%dma_start3A_20 : memref<1600xi32, #tpu.memory_space<hbm>>) target(%arg7 : memref<1600xi32, #tpu.memory_space<vmem>>) target_semaphore(%run_scoped3A : memref<!tpu.dma_semaphore, #tpu.memory_space<semaphore_mem>>)
      %dma_wait3A = tpu.memref_slice %arg4[%multiple_of3A] : memref<51200xi32, #tpu.memory_space<hbm>> -> memref<1600xi32, #tpu.memory_space<hbm>>
      %dma_wait3A_21 = tpu.memref_slice %arg4[%multiple_of3A] : memref<51200xi32, #tpu.memory_space<hbm>> -> memref<1600xi32, #tpu.memory_space<hbm>>
      tpu.wait_dma2 semaphore(%run_scoped3A : memref<!tpu.dma_semaphore, #tpu.memory_space<semaphore_mem>>) src(%dma_wait3A_21 : memref<1600xi32, #tpu.memory_space<hbm>>) dst(%arg7 : memref<1600xi32, #tpu.memory_space<vmem>>)
      tpu.yield
    }) : () -> ()
    "tpu.region"() ({
      %run_scoped3A = tpu.sem_alloc : memref<!tpu.dma_semaphore, #tpu.memory_space<semaphore_mem>>
      %dma_start3A_19 = tpu.memref_slice %arg5[%multiple_of3A] : memref<51200xi32, #tpu.memory_space<hbm>> -> memref<1600xi32, #tpu.memory_space<hbm>>
      %dma_start3A_20 = tpu.memref_slice %arg5[%multiple_of3A] : memref<51200xi32, #tpu.memory_space<hbm>> -> memref<1600xi32, #tpu.memory_space<hbm>>
      tpu.enqueue_dma source(%dma_start3A_20 : memref<1600xi32, #tpu.memory_space<hbm>>) target(%arg8 : memref<1600xi32, #tpu.memory_space<vmem>>) target_semaphore(%run_scoped3A : memref<!tpu.dma_semaphore, #tpu.memory_space<semaphore_mem>>)
      %dma_wait3A = tpu.memref_slice %arg5[%multiple_of3A] : memref<51200xi32, #tpu.memory_space<hbm>> -> memref<1600xi32, #tpu.memory_space<hbm>>
      %dma_wait3A_21 = tpu.memref_slice %arg5[%multiple_of3A] : memref<51200xi32, #tpu.memory_space<hbm>> -> memref<1600xi32, #tpu.memory_space<hbm>>
      tpu.wait_dma2 semaphore(%run_scoped3A : memref<!tpu.dma_semaphore, #tpu.memory_space<semaphore_mem>>) src(%dma_wait3A_21 : memref<1600xi32, #tpu.memory_space<hbm>>) dst(%arg8 : memref<1600xi32, #tpu.memory_space<vmem>>)
      tpu.yield
    }) : () -> ()
    %barrier3A = arith.constant 0 : index
    tpu.barrier barrier_id(%barrier3A)
    %multiple_of3A_5 = arith.constant 0 : i32
    %multiple_of3A_6 = tpu.assume_multiple %multiple_of3A_5, 80 : i32
    %dma_start3A = tpu.memref_slice %arg7[%multiple_of3A_6] : memref<1600xi32, #tpu.memory_space<vmem>> -> memref<80xi32, #tpu.memory_space<vmem>>
    %dma_start3A_7 = arith.constant 0 : i32
    %dma_start3A_8 = arith.constant 0 : i32
    %dma_start3A_9 = tpu.memref_slice %arg2[%dma_start3A_7, %dma_start3A_8] : memref<100000x128xi32, #tpu.memory_space<hbm>> -> memref<100000x128xi32, #tpu.memory_space<hbm>>
    tpu.enqueue_indirect_dma source(%dma_start3A_9 : memref<100000x128xi32, #tpu.memory_space<hbm>>) target(%arg9 : memref<80x128xi32, #tpu.memory_space<vmem>>) offsets(%dma_start3A : memref<80xi32, #tpu.memory_space<vmem>>) semaphore(%arg15 : memref<!tpu.dma_semaphore, #tpu.memory_space<semaphore_mem>>)
    %dma_start3A_10 = tpu.memref_slice %arg8[%multiple_of3A_6] : memref<1600xi32, #tpu.memory_space<vmem>> -> memref<80xi32, #tpu.memory_space<vmem>>
    %dma_start3A_11 = arith.constant 0 : i32
    %dma_start3A_12 = arith.constant 0 : i32
    %dma_start3A_13 = tpu.memref_slice %arg14[%dma_start3A_11, %dma_start3A_12] : memref<512x128xi32, #tpu.memory_space<vmem_shared>> -> memref<512x128xi32, #tpu.memory_space<vmem_shared>>
    tpu.enqueue_indirect_dma source(%dma_start3A_13 : memref<512x128xi32, #tpu.memory_space<vmem_shared>>) target(%arg10 : memref<80x128xi32, #tpu.memory_space<vmem>>) offsets(%dma_start3A_10 : memref<80xi32, #tpu.memory_space<vmem>>) semaphore(%arg16 : memref<!tpu.dma_semaphore, #tpu.memory_space<semaphore_mem>>)
    %scan3A = arith.constant 0 : i32
    %scan3A_14 = arith.constant 0 : i32
    %scan3A_15 = arith.constant 10 : i32
    %scan3A_16 = arith.addi %scan3A_14, %scan3A_15 : i32
    %scan3A_17 = arith.constant 1 : i32
    scf.for %scan3A_19 = %scan3A_14 to %scan3A_16 step %scan3A_17  : i32 {
      %mul3A_20 = arith.constant 2 : i32
      %mul3A_21 = arith.muli %mul3A_20, %scan3A_19 : i32
      %add3A_22 = arith.constant 1 : i32
      %add3A_23 = arith.addi %mul3A_21, %add3A_22 : i32
      %mul3A_24 = arith.constant 80 : i32
      %mul3A_25 = arith.muli %add3A_23, %mul3A_24 : i32
      %multiple_of3A_26 = tpu.assume_multiple %mul3A_25, 80 : i32
      %dma_start3A_27 = tpu.memref_slice %arg7[%multiple_of3A_26] : memref<1600xi32, #tpu.memory_space<vmem>> -> memref<80xi32, #tpu.memory_space<vmem>>
      %dma_start3A_28 = arith.constant 0 : i32
      %dma_start3A_29 = arith.constant 0 : i32
      %dma_start3A_30 = tpu.memref_slice %arg2[%dma_start3A_28, %dma_start3A_29] : memref<100000x128xi32, #tpu.memory_space<hbm>> -> memref<100000x128xi32, #tpu.memory_space<hbm>>
      tpu.enqueue_indirect_dma source(%dma_start3A_30 : memref<100000x128xi32, #tpu.memory_space<hbm>>) target(%arg11 : memref<80x128xi32, #tpu.memory_space<vmem>>) offsets(%dma_start3A_27 : memref<80xi32, #tpu.memory_space<vmem>>) semaphore(%arg17 : memref<!tpu.dma_semaphore, #tpu.memory_space<semaphore_mem>>)
      %dma_start3A_31 = tpu.memref_slice %arg8[%multiple_of3A_26] : memref<1600xi32, #tpu.memory_space<vmem>> -> memref<80xi32, #tpu.memory_space<vmem>>
      %dma_start3A_32 = arith.constant 0 : i32
      %dma_start3A_33 = arith.constant 0 : i32
      %dma_start3A_34 = tpu.memref_slice %arg14[%dma_start3A_32, %dma_start3A_33] : memref<512x128xi32, #tpu.memory_space<vmem_shared>> -> memref<512x128xi32, #tpu.memory_space<vmem_shared>>
      tpu.enqueue_indirect_dma source(%dma_start3A_34 : memref<512x128xi32, #tpu.memory_space<vmem_shared>>) target(%arg12 : memref<80x128xi32, #tpu.memory_space<vmem>>) offsets(%dma_start3A_31 : memref<80xi32, #tpu.memory_space<vmem>>) semaphore(%arg18 : memref<!tpu.dma_semaphore, #tpu.memory_space<semaphore_mem>>)
      %dma_wait3A = arith.constant 0 : i32
      %dma_wait3A_35 = tpu.memref_slice %arg7[%dma_wait3A] : memref<1600xi32, #tpu.memory_space<vmem>> -> memref<80xi32, #tpu.memory_space<vmem>>
      %dma_wait3A_36 = arith.constant 0 : i32
      %dma_wait3A_37 = arith.constant 0 : i32
      %dma_wait3A_38 = tpu.memref_slice %arg2[%dma_wait3A_36, %dma_wait3A_37] : memref<100000x128xi32, #tpu.memory_space<hbm>> -> memref<100000x128xi32, #tpu.memory_space<hbm>>
      tpu.wait_indirect_dma semaphore(%arg15 : memref<!tpu.dma_semaphore, #tpu.memory_space<semaphore_mem>>) src(%dma_wait3A_38 : memref<100000x128xi32, #tpu.memory_space<hbm>>) dst(%arg9 : memref<80x128xi32, #tpu.memory_space<vmem>>)
      %dma_wait3A_39 = arith.constant 0 : i32
      %dma_wait3A_40 = tpu.memref_slice %arg8[%dma_wait3A_39] : memref<1600xi32, #tpu.memory_space<vmem>> -> memref<80xi32, #tpu.memory_space<vmem>>
      %dma_wait3A_41 = arith.constant 0 : i32
      %dma_wait3A_42 = arith.constant 0 : i32
      %dma_wait3A_43 = tpu.memref_slice %arg14[%dma_wait3A_41, %dma_wait3A_42] : memref<512x128xi32, #tpu.memory_space<vmem_shared>> -> memref<512x128xi32, #tpu.memory_space<vmem_shared>>
      tpu.wait_indirect_dma semaphore(%arg16 : memref<!tpu.dma_semaphore, #tpu.memory_space<semaphore_mem>>) src(%dma_wait3A_43 : memref<512x128xi32, #tpu.memory_space<vmem_shared>>) dst(%arg10 : memref<80x128xi32, #tpu.memory_space<vmem>>)
      %scan3A_44 = arith.constant 0 : i32
      %scan3A_45 = arith.constant -65536 : i32
      %scan3A_46 = arith.constant 0 : i32
      %scan3A_47 = arith.constant 80 : i32
      %scan3A_48 = arith.addi %scan3A_46, %scan3A_47 : i32
      %scan3A_49 = arith.constant 1 : i32
      scf.for %scan3A_84 = %scan3A_46 to %scan3A_48 step %scan3A_49  : i32 {
        %get3A = arith.index_cast %scan3A_84 : i32 to index
        %get3A_85 = arith.constant 0 : index
        %get3A_86 = tpu.vector_load %arg9[%get3A, %get3A_85] {strides = array<i32>} : memref<80x128xi32, #tpu.memory_space<vmem>>, vector<1x16xi32>,
        %get3A_87 = vector.shape_cast %get3A_86 : vector<1x16xi32> to vector<16xi32>
        %get3A_88 = arith.index_cast %scan3A_84 : i32 to index
        %get3A_89 = arith.constant 0 : index
        %get3A_90 = tpu.vector_load %arg10[%get3A_88, %get3A_89] {strides = array<i32>} : memref<80x128xi32, #tpu.memory_space<vmem>>, vector<1x16xi32>,
        %get3A_91 = vector.shape_cast %get3A_90 : vector<1x16xi32> to vector<16xi32>
        %shift_right_logical3A = arith.constant 16 : i32
        %shift_right_logical3A_92 = vector.broadcast %shift_right_logical3A : i32 to vector<16xi32>
        %shift_right_logical3A_93 = arith.shrui %get3A_87, %shift_right_logical3A_92 : vector<16xi32>
        %and3A = vector.broadcast %scan3A_45 : i32 to vector<16xi32>
        %and3A_94 = arith.andi %get3A_91, %and3A : vector<16xi32>
        %or3A = arith.ori %shift_right_logical3A_93, %and3A_94 : vector<16xi32>
        %swap3A = arith.index_cast %scan3A_84 : i32 to index
        %swap3A_95 = arith.constant 0 : index
        %swap3A_96 = tpu.vector_load %arg13[%swap3A, %swap3A_95] {strides = array<i32>} : memref<80x128xi32, #tpu.memory_space<vmem>>, vector<1x16xi32>,
        %swap3A_97 = vector.shape_cast %swap3A_96 : vector<1x16xi32> to vector<16xi32>
        %swap3A_98 = vector.shape_cast %or3A : vector<16xi32> to vector<1x16xi32>
        tpu.vector_store %arg13[%swap3A, %swap3A_95], %swap3A_98 {strides = array<i32>} : memref<80x128xi32, #tpu.memory_space<vmem>>, vector<1x16xi32>,
        %get3A_99 = arith.index_cast %scan3A_84 : i32 to index
        %get3A_100 = arith.constant 16 : index
        %get3A_101 = tpu.vector_load %arg9[%get3A_99, %get3A_100] {strides = array<i32>} : memref<80x128xi32, #tpu.memory_space<vmem>>, vector<1x16xi32>,
        %get3A_102 = vector.shape_cast %get3A_101 : vector<1x16xi32> to vector<16xi32>
        %get3A_103 = arith.index_cast %scan3A_84 : i32 to index
        %get3A_104 = arith.constant 16 : index
        %get3A_105 = tpu.vector_load %arg10[%get3A_103, %get3A_104] {strides = array<i32>} : memref<80x128xi32, #tpu.memory_space<vmem>>, vector<1x16xi32>,
        %get3A_106 = vector.shape_cast %get3A_105 : vector<1x16xi32> to vector<16xi32>
        %shift_right_logical3A_107 = arith.constant 16 : i32
        %shift_right_logical3A_108 = vector.broadcast %shift_right_logical3A_107 : i32 to vector<16xi32>
        %shift_right_logical3A_109 = arith.shrui %get3A_102, %shift_right_logical3A_108 : vector<16xi32>
        %and3A_110 = vector.broadcast %scan3A_45 : i32 to vector<16xi32>
        %and3A_111 = arith.andi %get3A_106, %and3A_110 : vector<16xi32>
        %or3A_112 = arith.ori %shift_right_logical3A_109, %and3A_111 : vector<16xi32>
        %swap3A_113 = arith.index_cast %scan3A_84 : i32 to index
        %swap3A_114 = arith.constant 16 : index
        %swap3A_115 = tpu.vector_load %arg13[%swap3A_113, %swap3A_114] {strides = array<i32>} : memref<80x128xi32, #tpu.memory_space<vmem>>, vector<1x16xi32>,
        %swap3A_116 = vector.shape_cast %swap3A_115 : vector<1x16xi32> to vector<16xi32>
        %swap3A_117 = vector.shape_cast %or3A_112 : vector<16xi32> to vector<1x16xi32>
        tpu.vector_store %arg13[%swap3A_113, %swap3A_114], %swap3A_117 {strides = array<i32>} : memref<80x128xi32, #tpu.memory_space<vmem>>, vector<1x16xi32>,
        %get3A_118 = arith.index_cast %scan3A_84 : i32 to index
        %get3A_119 = arith.constant 32 : index
        %get3A_120 = tpu.vector_load %arg9[%get3A_118, %get3A_119] {strides = array<i32>} : memref<80x128xi32, #tpu.memory_space<vmem>>, vector<1x16xi32>,
        %get3A_121 = vector.shape_cast %get3A_120 : vector<1x16xi32> to vector<16xi32>
        %get3A_122 = arith.index_cast %scan3A_84 : i32 to index
        %get3A_123 = arith.constant 32 : index
        %get3A_124 = tpu.vector_load %arg10[%get3A_122, %get3A_123] {strides = array<i32>} : memref<80x128xi32, #tpu.memory_space<vmem>>, vector<1x16xi32>,
        %get3A_125 = vector.shape_cast %get3A_124 : vector<1x16xi32> to vector<16xi32>
        %shift_right_logical3A_126 = arith.constant 16 : i32
        %shift_right_logical3A_127 = vector.broadcast %shift_right_logical3A_126 : i32 to vector<16xi32>
        %shift_right_logical3A_128 = arith.shrui %get3A_121, %shift_right_logical3A_127 : vector<16xi32>
        %and3A_129 = vector.broadcast %scan3A_45 : i32 to vector<16xi32>
        %and3A_130 = arith.andi %get3A_125, %and3A_129 : vector<16xi32>
        %or3A_131 = arith.ori %shift_right_logical3A_128, %and3A_130 : vector<16xi32>
        %swap3A_132 = arith.index_cast %scan3A_84 : i32 to index
        %swap3A_133 = arith.constant 32 : index
        %swap3A_134 = tpu.vector_load %arg13[%swap3A_132, %swap3A_133] {strides = array<i32>} : memref<80x128xi32, #tpu.memory_space<vmem>>, vector<1x16xi32>,
        %swap3A_135 = vector.shape_cast %swap3A_134 : vector<1x16xi32> to vector<16xi32>
        %swap3A_136 = vector.shape_cast %or3A_131 : vector<16xi32> to vector<1x16xi32>
        tpu.vector_store %arg13[%swap3A_132, %swap3A_133], %swap3A_136 {strides = array<i32>} : memref<80x128xi32, #tpu.memory_space<vmem>>, vector<1x16xi32>,
        %get3A_137 = arith.index_cast %scan3A_84 : i32 to index
        %get3A_138 = arith.constant 48 : index
        %get3A_139 = tpu.vector_load %arg9[%get3A_137, %get3A_138] {strides = array<i32>} : memref<80x128xi32, #tpu.memory_space<vmem>>, vector<1x16xi32>,
        %get3A_140 = vector.shape_cast %get3A_139 : vector<1x16xi32> to vector<16xi32>
        %get3A_141 = arith.index_cast %scan3A_84 : i32 to index
        %get3A_142 = arith.constant 48 : index
        %get3A_143 = tpu.vector_load %arg10[%get3A_141, %get3A_142] {strides = array<i32>} : memref<80x128xi32, #tpu.memory_space<vmem>>, vector<1x16xi32>,
        %get3A_144 = vector.shape_cast %get3A_143 : vector<1x16xi32> to vector<16xi32>
        %shift_right_logical3A_145 = arith.constant 16 : i32
        %shift_right_logical3A_146 = vector.broadcast %shift_right_logical3A_145 : i32 to vector<16xi32>
        %shift_right_logical3A_147 = arith.shrui %get3A_140, %shift_right_logical3A_146 : vector<16xi32>
        %and3A_148 = vector.broadcast %scan3A_45 : i32 to vector<16xi32>
        %and3A_149 = arith.andi %get3A_144, %and3A_148 : vector<16xi32>
        %or3A_150 = arith.ori %shift_right_logical3A_147, %and3A_149 : vector<16xi32>
        %swap3A_151 = arith.index_cast %scan3A_84 : i32 to index
        %swap3A_152 = arith.constant 48 : index
        %swap3A_153 = tpu.vector_load %arg13[%swap3A_151, %swap3A_152] {strides = array<i32>} : memref<80x128xi32, #tpu.memory_space<vmem>>, vector<1x16xi32>,
        %swap3A_154 = vector.shape_cast %swap3A_153 : vector<1x16xi32> to vector<16xi32>
        %swap3A_155 = vector.shape_cast %or3A_150 : vector<16xi32> to vector<1x16xi32>
        tpu.vector_store %arg13[%swap3A_151, %swap3A_152], %swap3A_155 {strides = array<i32>} : memref<80x128xi32, #tpu.memory_space<vmem>>, vector<1x16xi32>,
        %get3A_156 = arith.index_cast %scan3A_84 : i32 to index
        %get3A_157 = arith.constant 64 : index
        %get3A_158 = tpu.vector_load %arg9[%get3A_156, %get3A_157] {strides = array<i32>} : memref<80x128xi32, #tpu.memory_space<vmem>>, vector<1x16xi32>,
        %get3A_159 = vector.shape_cast %get3A_158 : vector<1x16xi32> to vector<16xi32>
        %get3A_160 = arith.index_cast %scan3A_84 : i32 to index
        %get3A_161 = arith.constant 64 : index
        %get3A_162 = tpu.vector_load %arg10[%get3A_160, %get3A_161] {strides = array<i32>} : memref<80x128xi32, #tpu.memory_space<vmem>>, vector<1x16xi32>,
        %get3A_163 = vector.shape_cast %get3A_162 : vector<1x16xi32> to vector<16xi32>
        %shift_right_logical3A_164 = arith.constant 16 : i32
        %shift_right_logical3A_165 = vector.broadcast %shift_right_logical3A_164 : i32 to vector<16xi32>
        %shift_right_logical3A_166 = arith.shrui %get3A_159, %shift_right_logical3A_165 : vector<16xi32>
        %and3A_167 = vector.broadcast %scan3A_45 : i32 to vector<16xi32>
        %and3A_168 = arith.andi %get3A_163, %and3A_167 : vector<16xi32>
        %or3A_169 = arith.ori %shift_right_logical3A_166, %and3A_168 : vector<16xi32>
        %swap3A_170 = arith.index_cast %scan3A_84 : i32 to index
        %swap3A_171 = arith.constant 64 : index
        %swap3A_172 = tpu.vector_load %arg13[%swap3A_170, %swap3A_171] {strides = array<i32>} : memref<80x128xi32, #tpu.memory_space<vmem>>, vector<1x16xi32>,
        %swap3A_173 = vector.shape_cast %swap3A_172 : vector<1x16xi32> to vector<16xi32>
        %swap3A_174 = vector.shape_cast %or3A_169 : vector<16xi32> to vector<1x16xi32>
        tpu.vector_store %arg13[%swap3A_170, %swap3A_171], %swap3A_174 {strides = array<i32>} : memref<80x128xi32, #tpu.memory_space<vmem>>, vector<1x16xi32>,
        %get3A_175 = arith.index_cast %scan3A_84 : i32 to index
        %get3A_176 = arith.constant 80 : index
        %get3A_177 = tpu.vector_load %arg9[%get3A_175, %get3A_176] {strides = array<i32>} : memref<80x128xi32, #tpu.memory_space<vmem>>, vector<1x16xi32>,
        %get3A_178 = vector.shape_cast %get3A_177 : vector<1x16xi32> to vector<16xi32>
        %get3A_179 = arith.index_cast %scan3A_84 : i32 to index
        %get3A_180 = arith.constant 80 : index
        %get3A_181 = tpu.vector_load %arg10[%get3A_179, %get3A_180] {strides = array<i32>} : memref<80x128xi32, #tpu.memory_space<vmem>>, vector<1x16xi32>,
        %get3A_182 = vector.shape_cast %get3A_181 : vector<1x16xi32> to vector<16xi32>
        %shift_right_logical3A_183 = arith.constant 16 : i32
        %shift_right_logical3A_184 = vector.broadcast %shift_right_logical3A_183 : i32 to vector<16xi32>
        %shift_right_logical3A_185 = arith.shrui %get3A_178, %shift_right_logical3A_184 : vector<16xi32>
        %and3A_186 = vector.broadcast %scan3A_45 : i32 to vector<16xi32>
        %and3A_187 = arith.andi %get3A_182, %and3A_186 : vector<16xi32>
        %or3A_188 = arith.ori %shift_right_logical3A_185, %and3A_187 : vector<16xi32>
        %swap3A_189 = arith.index_cast %scan3A_84 : i32 to index
        %swap3A_190 = arith.constant 80 : index
        %swap3A_191 = tpu.vector_load %arg13[%swap3A_189, %swap3A_190] {strides = array<i32>} : memref<80x128xi32, #tpu.memory_space<vmem>>, vector<1x16xi32>,
        %swap3A_192 = vector.shape_cast %swap3A_191 : vector<1x16xi32> to vector<16xi32>
        %swap3A_193 = vector.shape_cast %or3A_188 : vector<16xi32> to vector<1x16xi32>
        tpu.vector_store %arg13[%swap3A_189, %swap3A_190], %swap3A_193 {strides = array<i32>} : memref<80x128xi32, #tpu.memory_space<vmem>>, vector<1x16xi32>,
        %get3A_194 = arith.index_cast %scan3A_84 : i32 to index
        %get3A_195 = arith.constant 96 : index
        %get3A_196 = tpu.vector_load %arg9[%get3A_194, %get3A_195] {strides = array<i32>} : memref<80x128xi32, #tpu.memory_space<vmem>>, vector<1x16xi32>,
        %get3A_197 = vector.shape_cast %get3A_196 : vector<1x16xi32> to vector<16xi32>
        %get3A_198 = arith.index_cast %scan3A_84 : i32 to index
        %get3A_199 = arith.constant 96 : index
        %get3A_200 = tpu.vector_load %arg10[%get3A_198, %get3A_199] {strides = array<i32>} : memref<80x128xi32, #tpu.memory_space<vmem>>, vector<1x16xi32>,
        %get3A_201 = vector.shape_cast %get3A_200 : vector<1x16xi32> to vector<16xi32>
        %shift_right_logical3A_202 = arith.constant 16 : i32
        %shift_right_logical3A_203 = vector.broadcast %shift_right_logical3A_202 : i32 to vector<16xi32>
        %shift_right_logical3A_204 = arith.shrui %get3A_197, %shift_right_logical3A_203 : vector<16xi32>
        %and3A_205 = vector.broadcast %scan3A_45 : i32 to vector<16xi32>
        %and3A_206 = arith.andi %get3A_201, %and3A_205 : vector<16xi32>
        %or3A_207 = arith.ori %shift_right_logical3A_204, %and3A_206 : vector<16xi32>
        %swap3A_208 = arith.index_cast %scan3A_84 : i32 to index
        %swap3A_209 = arith.constant 96 : index
        %swap3A_210 = tpu.vector_load %arg13[%swap3A_208, %swap3A_209] {strides = array<i32>} : memref<80x128xi32, #tpu.memory_space<vmem>>, vector<1x16xi32>,
        %swap3A_211 = vector.shape_cast %swap3A_210 : vector<1x16xi32> to vector<16xi32>
        %swap3A_212 = vector.shape_cast %or3A_207 : vector<16xi32> to vector<1x16xi32>
        tpu.vector_store %arg13[%swap3A_208, %swap3A_209], %swap3A_212 {strides = array<i32>} : memref<80x128xi32, #tpu.memory_space<vmem>>, vector<1x16xi32>,
        %get3A_213 = arith.index_cast %scan3A_84 : i32 to index
        %get3A_214 = arith.constant 112 : index
        %get3A_215 = tpu.vector_load %arg9[%get3A_213, %get3A_214] {strides = array<i32>} : memref<80x128xi32, #tpu.memory_space<vmem>>, vector<1x16xi32>,
        %get3A_216 = vector.shape_cast %get3A_215 : vector<1x16xi32> to vector<16xi32>
        %get3A_217 = arith.index_cast %scan3A_84 : i32 to index
        %get3A_218 = arith.constant 112 : index
        %get3A_219 = tpu.vector_load %arg10[%get3A_217, %get3A_218] {strides = array<i32>} : memref<80x128xi32, #tpu.memory_space<vmem>>, vector<1x16xi32>,
        %get3A_220 = vector.shape_cast %get3A_219 : vector<1x16xi32> to vector<16xi32>
        %shift_right_logical3A_221 = arith.constant 16 : i32
        %shift_right_logical3A_222 = vector.broadcast %shift_right_logical3A_221 : i32 to vector<16xi32>
        %shift_right_logical3A_223 = arith.shrui %get3A_216, %shift_right_logical3A_222 : vector<16xi32>
        %and3A_224 = vector.broadcast %scan3A_45 : i32 to vector<16xi32>
        %and3A_225 = arith.andi %get3A_220, %and3A_224 : vector<16xi32>
        %or3A_226 = arith.ori %shift_right_logical3A_223, %and3A_225 : vector<16xi32>
        %swap3A_227 = arith.index_cast %scan3A_84 : i32 to index
        %swap3A_228 = arith.constant 112 : index
        %swap3A_229 = tpu.vector_load %arg13[%swap3A_227, %swap3A_228] {strides = array<i32>} : memref<80x128xi32, #tpu.memory_space<vmem>>, vector<1x16xi32>,
        %swap3A_230 = vector.shape_cast %swap3A_229 : vector<1x16xi32> to vector<16xi32>
        %swap3A_231 = vector.shape_cast %or3A_226 : vector<16xi32> to vector<1x16xi32>
        tpu.vector_store %arg13[%swap3A_227, %swap3A_228], %swap3A_231 {strides = array<i32>} : memref<80x128xi32, #tpu.memory_space<vmem>>, vector<1x16xi32>,
      }
      %scan3A_50 = arith.constant 80 : i32
      %mul3A_51 = arith.constant 80 : i32
      %mul3A_52 = arith.muli %mul3A_21, %mul3A_51 : i32
      %add3A_53 = arith.addi %multiple_of3A, %mul3A_52 : i32
      %multiple_of3A_54 = tpu.assume_multiple %add3A_53, 80 : i32
      "tpu.region"() ({
        %run_scoped3A = tpu.sem_alloc : memref<!tpu.dma_semaphore, #tpu.memory_space<semaphore_mem>>
        %dma_start3A_84 = arith.constant 0 : i32
        %dma_start3A_85 = tpu.memref_slice %arg6[%multiple_of3A_54, %dma_start3A_84] : memref<51200x128xi32, #tpu.memory_space<hbm>> -> memref<80x128xi32, #tpu.memory_space<hbm>>
        %dma_start3A_86 = arith.constant 0 : i32
        %dma_start3A_87 = tpu.memref_slice %arg6[%multiple_of3A_54, %dma_start3A_86] : memref<51200x128xi32, #tpu.memory_space<hbm>> -> memref<80x128xi32, #tpu.memory_space<hbm>>
        tpu.enqueue_dma source(%arg13 : memref<80x128xi32, #tpu.memory_space<vmem>>) target(%dma_start3A_87 : memref<80x128xi32, #tpu.memory_space<hbm>>) target_semaphore(%run_scoped3A : memref<!tpu.dma_semaphore, #tpu.memory_space<semaphore_mem>>)
        %dma_wait3A_88 = arith.constant 0 : i32
        %dma_wait3A_89 = tpu.memref_slice %arg6[%multiple_of3A_54, %dma_wait3A_88] : memref<51200x128xi32, #tpu.memory_space<hbm>> -> memref<80x128xi32, #tpu.memory_space<hbm>>
        %dma_wait3A_90 = arith.constant 0 : i32
        %dma_wait3A_91 = tpu.memref_slice %arg6[%multiple_of3A_54, %dma_wait3A_90] : memref<51200x128xi32, #tpu.memory_space<hbm>> -> memref<80x128xi32, #tpu.memory_space<hbm>>
        tpu.wait_dma2 semaphore(%run_scoped3A : memref<!tpu.dma_semaphore, #tpu.memory_space<semaphore_mem>>) src(%arg13 : memref<80x128xi32, #tpu.memory_space<vmem>>) dst(%dma_wait3A_91 : memref<80x128xi32, #tpu.memory_space<hbm>>)
        tpu.yield
      }) : () -> ()
      %add3A_55 = arith.constant 2 : i32
      %add3A_56 = arith.addi %mul3A_21, %add3A_55 : i32
      %lt3A = arith.constant 20 : i32
      %lt3A_57 = arith.cmpi slt, %add3A_56, %lt3A : i32
      %convert_element_type3A_58 = arith.extui %lt3A_57 : i1 to i32
      %cond3A_59 = arith.constant 0 : i32
      %cond3A_60 = arith.cmpi ne, %convert_element_type3A_58, %cond3A_59 : i32
      scf.if %cond3A_60 {
        %add3A_84 = arith.constant 2 : i32
        %add3A_85 = arith.addi %mul3A_21, %add3A_84 : i32
        %mul3A_86 = arith.constant 80 : i32
        %mul3A_87 = arith.muli %add3A_85, %mul3A_86 : i32
        %multiple_of3A_88 = tpu.assume_multiple %mul3A_87, 80 : i32
        %dma_start3A_89 = tpu.memref_slice %arg7[%multiple_of3A_88] : memref<1600xi32, #tpu.memory_space<vmem>> -> memref<80xi32, #tpu.memory_space<vmem>>
        %dma_start3A_90 = arith.constant 0 : i32
        %dma_start3A_91 = arith.constant 0 : i32
        %dma_start3A_92 = tpu.memref_slice %arg2[%dma_start3A_90, %dma_start3A_91] : memref<100000x128xi32, #tpu.memory_space<hbm>> -> memref<100000x128xi32, #tpu.memory_space<hbm>>
        tpu.enqueue_indirect_dma source(%dma_start3A_92 : memref<100000x128xi32, #tpu.memory_space<hbm>>) target(%arg9 : memref<80x128xi32, #tpu.memory_space<vmem>>) offsets(%dma_start3A_89 : memref<80xi32, #tpu.memory_space<vmem>>) semaphore(%arg15 : memref<!tpu.dma_semaphore, #tpu.memory_space<semaphore_mem>>)
        %dma_start3A_93 = tpu.memref_slice %arg8[%multiple_of3A_88] : memref<1600xi32, #tpu.memory_space<vmem>> -> memref<80xi32, #tpu.memory_space<vmem>>
        %dma_start3A_94 = arith.constant 0 : i32
        %dma_start3A_95 = arith.constant 0 : i32
        %dma_start3A_96 = tpu.memref_slice %arg14[%dma_start3A_94, %dma_start3A_95] : memref<512x128xi32, #tpu.memory_space<vmem_shared>> -> memref<512x128xi32, #tpu.memory_space<vmem_shared>>
        tpu.enqueue_indirect_dma source(%dma_start3A_96 : memref<512x128xi32, #tpu.memory_space<vmem_shared>>) target(%arg10 : memref<80x128xi32, #tpu.memory_space<vmem>>) offsets(%dma_start3A_93 : memref<80xi32, #tpu.memory_space<vmem>>) semaphore(%arg16 : memref<!tpu.dma_semaphore, #tpu.memory_space<semaphore_mem>>)
      } else {
      }
      %dma_wait3A_61 = arith.constant 0 : i32
      %dma_wait3A_62 = tpu.memref_slice %arg7[%dma_wait3A_61] : memref<1600xi32, #tpu.memory_space<vmem>> -> memref<80xi32, #tpu.memory_space<vmem>>
      %dma_wait3A_63 = arith.constant 0 : i32
      %dma_wait3A_64 = arith.constant 0 : i32
      %dma_wait3A_65 = tpu.memref_slice %arg2[%dma_wait3A_63, %dma_wait3A_64] : memref<100000x128xi32, #tpu.memory_space<hbm>> -> memref<100000x128xi32, #tpu.memory_space<hbm>>
      tpu.wait_indirect_dma semaphore(%arg17 : memref<!tpu.dma_semaphore, #tpu.memory_space<semaphore_mem>>) src(%dma_wait3A_65 : memref<100000x128xi32, #tpu.memory_space<hbm>>) dst(%arg11 : memref<80x128xi32, #tpu.memory_space<vmem>>)
      %dma_wait3A_66 = arith.constant 0 : i32
      %dma_wait3A_67 = tpu.memref_slice %arg8[%dma_wait3A_66] : memref<1600xi32, #tpu.memory_space<vmem>> -> memref<80xi32, #tpu.memory_space<vmem>>
      %dma_wait3A_68 = arith.constant 0 : i32
      %dma_wait3A_69 = arith.constant 0 : i32
      %dma_wait3A_70 = tpu.memref_slice %arg14[%dma_wait3A_68, %dma_wait3A_69] : memref<512x128xi32, #tpu.memory_space<vmem_shared>> -> memref<512x128xi32, #tpu.memory_space<vmem_shared>>
      tpu.wait_indirect_dma semaphore(%arg18 : memref<!tpu.dma_semaphore, #tpu.memory_space<semaphore_mem>>) src(%dma_wait3A_70 : memref<512x128xi32, #tpu.memory_space<vmem_shared>>) dst(%arg12 : memref<80x128xi32, #tpu.memory_space<vmem>>)
      %add3A_71 = arith.constant 1 : i32
      %add3A_72 = arith.addi %mul3A_21, %add3A_71 : i32
      %scan3A_73 = arith.constant 0 : i32
      %scan3A_74 = arith.constant -65536 : i32
      %scan3A_75 = arith.constant 0 : i32
      %scan3A_76 = arith.constant 80 : i32
      %scan3A_77 = arith.addi %scan3A_75, %scan3A_76 : i32
      %scan3A_78 = arith.constant 1 : i32
      scf.for %scan3A_84 = %scan3A_75 to %scan3A_77 step %scan3A_78  : i32 {
        %get3A = arith.index_cast %scan3A_84 : i32 to index
        %get3A_85 = arith.constant 0 : index
        %get3A_86 = tpu.vector_load %arg11[%get3A, %get3A_85] {strides = array<i32>} : memref<80x128xi32, #tpu.memory_space<vmem>>, vector<1x16xi32>,
        %get3A_87 = vector.shape_cast %get3A_86 : vector<1x16xi32> to vector<16xi32>
        %get3A_88 = arith.index_cast %scan3A_84 : i32 to index
        %get3A_89 = arith.constant 0 : index
        %get3A_90 = tpu.vector_load %arg12[%get3A_88, %get3A_89] {strides = array<i32>} : memref<80x128xi32, #tpu.memory_space<vmem>>, vector<1x16xi32>,
        %get3A_91 = vector.shape_cast %get3A_90 : vector<1x16xi32> to vector<16xi32>
        %shift_right_logical3A = arith.constant 16 : i32
        %shift_right_logical3A_92 = vector.broadcast %shift_right_logical3A : i32 to vector<16xi32>
        %shift_right_logical3A_93 = arith.shrui %get3A_87, %shift_right_logical3A_92 : vector<16xi32>
        %and3A = vector.broadcast %scan3A_74 : i32 to vector<16xi32>
        %and3A_94 = arith.andi %get3A_91, %and3A : vector<16xi32>
        %or3A = arith.ori %shift_right_logical3A_93, %and3A_94 : vector<16xi32>
        %swap3A = arith.index_cast %scan3A_84 : i32 to index
        %swap3A_95 = arith.constant 0 : index
        %swap3A_96 = tpu.vector_load %arg13[%swap3A, %swap3A_95] {strides = array<i32>} : memref<80x128xi32, #tpu.memory_space<vmem>>, vector<1x16xi32>,
        %swap3A_97 = vector.shape_cast %swap3A_96 : vector<1x16xi32> to vector<16xi32>
        %swap3A_98 = vector.shape_cast %or3A : vector<16xi32> to vector<1x16xi32>
        tpu.vector_store %arg13[%swap3A, %swap3A_95], %swap3A_98 {strides = array<i32>} : memref<80x128xi32, #tpu.memory_space<vmem>>, vector<1x16xi32>,
        %get3A_99 = arith.index_cast %scan3A_84 : i32 to index
        %get3A_100 = arith.constant 16 : index
        %get3A_101 = tpu.vector_load %arg11[%get3A_99, %get3A_100] {strides = array<i32>} : memref<80x128xi32, #tpu.memory_space<vmem>>, vector<1x16xi32>,
        %get3A_102 = vector.shape_cast %get3A_101 : vector<1x16xi32> to vector<16xi32>
        %get3A_103 = arith.index_cast %scan3A_84 : i32 to index
        %get3A_104 = arith.constant 16 : index
        %get3A_105 = tpu.vector_load %arg12[%get3A_103, %get3A_104] {strides = array<i32>} : memref<80x128xi32, #tpu.memory_space<vmem>>, vector<1x16xi32>,
        %get3A_106 = vector.shape_cast %get3A_105 : vector<1x16xi32> to vector<16xi32>
        %shift_right_logical3A_107 = arith.constant 16 : i32
        %shift_right_logical3A_108 = vector.broadcast %shift_right_logical3A_107 : i32 to vector<16xi32>
        %shift_right_logical3A_109 = arith.shrui %get3A_102, %shift_right_logical3A_108 : vector<16xi32>
        %and3A_110 = vector.broadcast %scan3A_74 : i32 to vector<16xi32>
        %and3A_111 = arith.andi %get3A_106, %and3A_110 : vector<16xi32>
        %or3A_112 = arith.ori %shift_right_logical3A_109, %and3A_111 : vector<16xi32>
        %swap3A_113 = arith.index_cast %scan3A_84 : i32 to index
        %swap3A_114 = arith.constant 16 : index
        %swap3A_115 = tpu.vector_load %arg13[%swap3A_113, %swap3A_114] {strides = array<i32>} : memref<80x128xi32, #tpu.memory_space<vmem>>, vector<1x16xi32>,
        %swap3A_116 = vector.shape_cast %swap3A_115 : vector<1x16xi32> to vector<16xi32>
        %swap3A_117 = vector.shape_cast %or3A_112 : vector<16xi32> to vector<1x16xi32>
        tpu.vector_store %arg13[%swap3A_113, %swap3A_114], %swap3A_117 {strides = array<i32>} : memref<80x128xi32, #tpu.memory_space<vmem>>, vector<1x16xi32>,
        %get3A_118 = arith.index_cast %scan3A_84 : i32 to index
        %get3A_119 = arith.constant 32 : index
        %get3A_120 = tpu.vector_load %arg11[%get3A_118, %get3A_119] {strides = array<i32>} : memref<80x128xi32, #tpu.memory_space<vmem>>, vector<1x16xi32>,
        %get3A_121 = vector.shape_cast %get3A_120 : vector<1x16xi32> to vector<16xi32>
        %get3A_122 = arith.index_cast %scan3A_84 : i32 to index
        %get3A_123 = arith.constant 32 : index
        %get3A_124 = tpu.vector_load %arg12[%get3A_122, %get3A_123] {strides = array<i32>} : memref<80x128xi32, #tpu.memory_space<vmem>>, vector<1x16xi32>,
        %get3A_125 = vector.shape_cast %get3A_124 : vector<1x16xi32> to vector<16xi32>
        %shift_right_logical3A_126 = arith.constant 16 : i32
        %shift_right_logical3A_127 = vector.broadcast %shift_right_logical3A_126 : i32 to vector<16xi32>
        %shift_right_logical3A_128 = arith.shrui %get3A_121, %shift_right_logical3A_127 : vector<16xi32>
        %and3A_129 = vector.broadcast %scan3A_74 : i32 to vector<16xi32>
        %and3A_130 = arith.andi %get3A_125, %and3A_129 : vector<16xi32>
        %or3A_131 = arith.ori %shift_right_logical3A_128, %and3A_130 : vector<16xi32>
        %swap3A_132 = arith.index_cast %scan3A_84 : i32 to index
        %swap3A_133 = arith.constant 32 : index
        %swap3A_134 = tpu.vector_load %arg13[%swap3A_132, %swap3A_133] {strides = array<i32>} : memref<80x128xi32, #tpu.memory_space<vmem>>, vector<1x16xi32>,
        %swap3A_135 = vector.shape_cast %swap3A_134 : vector<1x16xi32> to vector<16xi32>
        %swap3A_136 = vector.shape_cast %or3A_131 : vector<16xi32> to vector<1x16xi32>
        tpu.vector_store %arg13[%swap3A_132, %swap3A_133], %swap3A_136 {strides = array<i32>} : memref<80x128xi32, #tpu.memory_space<vmem>>, vector<1x16xi32>,
        %get3A_137 = arith.index_cast %scan3A_84 : i32 to index
        %get3A_138 = arith.constant 48 : index
        %get3A_139 = tpu.vector_load %arg11[%get3A_137, %get3A_138] {strides = array<i32>} : memref<80x128xi32, #tpu.memory_space<vmem>>, vector<1x16xi32>,
        %get3A_140 = vector.shape_cast %get3A_139 : vector<1x16xi32> to vector<16xi32>
        %get3A_141 = arith.index_cast %scan3A_84 : i32 to index
        %get3A_142 = arith.constant 48 : index
        %get3A_143 = tpu.vector_load %arg12[%get3A_141, %get3A_142] {strides = array<i32>} : memref<80x128xi32, #tpu.memory_space<vmem>>, vector<1x16xi32>,
        %get3A_144 = vector.shape_cast %get3A_143 : vector<1x16xi32> to vector<16xi32>
        %shift_right_logical3A_145 = arith.constant 16 : i32
        %shift_right_logical3A_146 = vector.broadcast %shift_right_logical3A_145 : i32 to vector<16xi32>
        %shift_right_logical3A_147 = arith.shrui %get3A_140, %shift_right_logical3A_146 : vector<16xi32>
        %and3A_148 = vector.broadcast %scan3A_74 : i32 to vector<16xi32>
        %and3A_149 = arith.andi %get3A_144, %and3A_148 : vector<16xi32>
        %or3A_150 = arith.ori %shift_right_logical3A_147, %and3A_149 : vector<16xi32>
        %swap3A_151 = arith.index_cast %scan3A_84 : i32 to index
        %swap3A_152 = arith.constant 48 : index
        %swap3A_153 = tpu.vector_load %arg13[%swap3A_151, %swap3A_152] {strides = array<i32>} : memref<80x128xi32, #tpu.memory_space<vmem>>, vector<1x16xi32>,
        %swap3A_154 = vector.shape_cast %swap3A_153 : vector<1x16xi32> to vector<16xi32>
        %swap3A_155 = vector.shape_cast %or3A_150 : vector<16xi32> to vector<1x16xi32>
        tpu.vector_store %arg13[%swap3A_151, %swap3A_152], %swap3A_155 {strides = array<i32>} : memref<80x128xi32, #tpu.memory_space<vmem>>, vector<1x16xi32>,
        %get3A_156 = arith.index_cast %scan3A_84 : i32 to index
        %get3A_157 = arith.constant 64 : index
        %get3A_158 = tpu.vector_load %arg11[%get3A_156, %get3A_157] {strides = array<i32>} : memref<80x128xi32, #tpu.memory_space<vmem>>, vector<1x16xi32>,
        %get3A_159 = vector.shape_cast %get3A_158 : vector<1x16xi32> to vector<16xi32>
        %get3A_160 = arith.index_cast %scan3A_84 : i32 to index
        %get3A_161 = arith.constant 64 : index
        %get3A_162 = tpu.vector_load %arg12[%get3A_160, %get3A_161] {strides = array<i32>} : memref<80x128xi32, #tpu.memory_space<vmem>>, vector<1x16xi32>,
        %get3A_163 = vector.shape_cast %get3A_162 : vector<1x16xi32> to vector<16xi32>
        %shift_right_logical3A_164 = arith.constant 16 : i32
        %shift_right_logical3A_165 = vector.broadcast %shift_right_logical3A_164 : i32 to vector<16xi32>
        %shift_right_logical3A_166 = arith.shrui %get3A_159, %shift_right_logical3A_165 : vector<16xi32>
        %and3A_167 = vector.broadcast %scan3A_74 : i32 to vector<16xi32>
        %and3A_168 = arith.andi %get3A_163, %and3A_167 : vector<16xi32>
        %or3A_169 = arith.ori %shift_right_logical3A_166, %and3A_168 : vector<16xi32>
        %swap3A_170 = arith.index_cast %scan3A_84 : i32 to index
        %swap3A_171 = arith.constant 64 : index
        %swap3A_172 = tpu.vector_load %arg13[%swap3A_170, %swap3A_171] {strides = array<i32>} : memref<80x128xi32, #tpu.memory_space<vmem>>, vector<1x16xi32>,
        %swap3A_173 = vector.shape_cast %swap3A_172 : vector<1x16xi32> to vector<16xi32>
        %swap3A_174 = vector.shape_cast %or3A_169 : vector<16xi32> to vector<1x16xi32>
        tpu.vector_store %arg13[%swap3A_170, %swap3A_171], %swap3A_174 {strides = array<i32>} : memref<80x128xi32, #tpu.memory_space<vmem>>, vector<1x16xi32>,
        %get3A_175 = arith.index_cast %scan3A_84 : i32 to index
        %get3A_176 = arith.constant 80 : index
        %get3A_177 = tpu.vector_load %arg11[%get3A_175, %get3A_176] {strides = array<i32>} : memref<80x128xi32, #tpu.memory_space<vmem>>, vector<1x16xi32>,
        %get3A_178 = vector.shape_cast %get3A_177 : vector<1x16xi32> to vector<16xi32>
        %get3A_179 = arith.index_cast %scan3A_84 : i32 to index
        %get3A_180 = arith.constant 80 : index
        %get3A_181 = tpu.vector_load %arg12[%get3A_179, %get3A_180] {strides = array<i32>} : memref<80x128xi32, #tpu.memory_space<vmem>>, vector<1x16xi32>,
        %get3A_182 = vector.shape_cast %get3A_181 : vector<1x16xi32> to vector<16xi32>
        %shift_right_logical3A_183 = arith.constant 16 : i32
        %shift_right_logical3A_184 = vector.broadcast %shift_right_logical3A_183 : i32 to vector<16xi32>
        %shift_right_logical3A_185 = arith.shrui %get3A_178, %shift_right_logical3A_184 : vector<16xi32>
        %and3A_186 = vector.broadcast %scan3A_74 : i32 to vector<16xi32>
        %and3A_187 = arith.andi %get3A_182, %and3A_186 : vector<16xi32>
        %or3A_188 = arith.ori %shift_right_logical3A_185, %and3A_187 : vector<16xi32>
        %swap3A_189 = arith.index_cast %scan3A_84 : i32 to index
        %swap3A_190 = arith.constant 80 : index
        %swap3A_191 = tpu.vector_load %arg13[%swap3A_189, %swap3A_190] {strides = array<i32>} : memref<80x128xi32, #tpu.memory_space<vmem>>, vector<1x16xi32>,
        %swap3A_192 = vector.shape_cast %swap3A_191 : vector<1x16xi32> to vector<16xi32>
        %swap3A_193 = vector.shape_cast %or3A_188 : vector<16xi32> to vector<1x16xi32>
        tpu.vector_store %arg13[%swap3A_189, %swap3A_190], %swap3A_193 {strides = array<i32>} : memref<80x128xi32, #tpu.memory_space<vmem>>, vector<1x16xi32>,
        %get3A_194 = arith.index_cast %scan3A_84 : i32 to index
        %get3A_195 = arith.constant 96 : index
        %get3A_196 = tpu.vector_load %arg11[%get3A_194, %get3A_195] {strides = array<i32>} : memref<80x128xi32, #tpu.memory_space<vmem>>, vector<1x16xi32>,
        %get3A_197 = vector.shape_cast %get3A_196 : vector<1x16xi32> to vector<16xi32>
        %get3A_198 = arith.index_cast %scan3A_84 : i32 to index
        %get3A_199 = arith.constant 96 : index
        %get3A_200 = tpu.vector_load %arg12[%get3A_198, %get3A_199] {strides = array<i32>} : memref<80x128xi32, #tpu.memory_space<vmem>>, vector<1x16xi32>,
        %get3A_201 = vector.shape_cast %get3A_200 : vector<1x16xi32> to vector<16xi32>
        %shift_right_logical3A_202 = arith.constant 16 : i32
        %shift_right_logical3A_203 = vector.broadcast %shift_right_logical3A_202 : i32 to vector<16xi32>
        %shift_right_logical3A_204 = arith.shrui %get3A_197, %shift_right_logical3A_203 : vector<16xi32>
        %and3A_205 = vector.broadcast %scan3A_74 : i32 to vector<16xi32>
        %and3A_206 = arith.andi %get3A_201, %and3A_205 : vector<16xi32>
        %or3A_207 = arith.ori %shift_right_logical3A_204, %and3A_206 : vector<16xi32>
        %swap3A_208 = arith.index_cast %scan3A_84 : i32 to index
        %swap3A_209 = arith.constant 96 : index
        %swap3A_210 = tpu.vector_load %arg13[%swap3A_208, %swap3A_209] {strides = array<i32>} : memref<80x128xi32, #tpu.memory_space<vmem>>, vector<1x16xi32>,
        %swap3A_211 = vector.shape_cast %swap3A_210 : vector<1x16xi32> to vector<16xi32>
        %swap3A_212 = vector.shape_cast %or3A_207 : vector<16xi32> to vector<1x16xi32>
        tpu.vector_store %arg13[%swap3A_208, %swap3A_209], %swap3A_212 {strides = array<i32>} : memref<80x128xi32, #tpu.memory_space<vmem>>, vector<1x16xi32>,
        %get3A_213 = arith.index_cast %scan3A_84 : i32 to index
        %get3A_214 = arith.constant 112 : index
        %get3A_215 = tpu.vector_load %arg11[%get3A_213, %get3A_214] {strides = array<i32>} : memref<80x128xi32, #tpu.memory_space<vmem>>, vector<1x16xi32>,
        %get3A_216 = vector.shape_cast %get3A_215 : vector<1x16xi32> to vector<16xi32>
        %get3A_217 = arith.index_cast %scan3A_84 : i32 to index
        %get3A_218 = arith.constant 112 : index
        %get3A_219 = tpu.vector_load %arg12[%get3A_217, %get3A_218] {strides = array<i32>} : memref<80x128xi32, #tpu.memory_space<vmem>>, vector<1x16xi32>,
        %get3A_220 = vector.shape_cast %get3A_219 : vector<1x16xi32> to vector<16xi32>
        %shift_right_logical3A_221 = arith.constant 16 : i32
        %shift_right_logical3A_222 = vector.broadcast %shift_right_logical3A_221 : i32 to vector<16xi32>
        %shift_right_logical3A_223 = arith.shrui %get3A_216, %shift_right_logical3A_222 : vector<16xi32>
        %and3A_224 = vector.broadcast %scan3A_74 : i32 to vector<16xi32>
        %and3A_225 = arith.andi %get3A_220, %and3A_224 : vector<16xi32>
        %or3A_226 = arith.ori %shift_right_logical3A_223, %and3A_225 : vector<16xi32>
        %swap3A_227 = arith.index_cast %scan3A_84 : i32 to index
        %swap3A_228 = arith.constant 112 : index
        %swap3A_229 = tpu.vector_load %arg13[%swap3A_227, %swap3A_228] {strides = array<i32>} : memref<80x128xi32, #tpu.memory_space<vmem>>, vector<1x16xi32>,
        %swap3A_230 = vector.shape_cast %swap3A_229 : vector<1x16xi32> to vector<16xi32>
        %swap3A_231 = vector.shape_cast %or3A_226 : vector<16xi32> to vector<1x16xi32>
        tpu.vector_store %arg13[%swap3A_227, %swap3A_228], %swap3A_231 {strides = array<i32>} : memref<80x128xi32, #tpu.memory_space<vmem>>, vector<1x16xi32>,
      }
      %scan3A_79 = arith.constant 80 : i32
      %mul3A_80 = arith.constant 80 : i32
      %mul3A_81 = arith.muli %add3A_72, %mul3A_80 : i32
      %add3A_82 = arith.addi %multiple_of3A, %mul3A_81 : i32
      %multiple_of3A_83 = tpu.assume_multiple %add3A_82, 80 : i32
      "tpu.region"() ({
        %run_scoped3A = tpu.sem_alloc : memref<!tpu.dma_semaphore, #tpu.memory_space<semaphore_mem>>
        %dma_start3A_84 = arith.constant 0 : i32
        %dma_start3A_85 = tpu.memref_slice %arg6[%multiple_of3A_83, %dma_start3A_84] : memref<51200x128xi32, #tpu.memory_space<hbm>> -> memref<80x128xi32, #tpu.memory_space<hbm>>
        %dma_start3A_86 = arith.constant 0 : i32
        %dma_start3A_87 = tpu.memref_slice %arg6[%multiple_of3A_83, %dma_start3A_86] : memref<51200x128xi32, #tpu.memory_space<hbm>> -> memref<80x128xi32, #tpu.memory_space<hbm>>
        tpu.enqueue_dma source(%arg13 : memref<80x128xi32, #tpu.memory_space<vmem>>) target(%dma_start3A_87 : memref<80x128xi32, #tpu.memory_space<hbm>>) target_semaphore(%run_scoped3A : memref<!tpu.dma_semaphore, #tpu.memory_space<semaphore_mem>>)
        %dma_wait3A_88 = arith.constant 0 : i32
        %dma_wait3A_89 = tpu.memref_slice %arg6[%multiple_of3A_83, %dma_wait3A_88] : memref<51200x128xi32, #tpu.memory_space<hbm>> -> memref<80x128xi32, #tpu.memory_space<hbm>>
        %dma_wait3A_90 = arith.constant 0 : i32
        %dma_wait3A_91 = tpu.memref_slice %arg6[%multiple_of3A_83, %dma_wait3A_90] : memref<51200x128xi32, #tpu.memory_space<hbm>> -> memref<80x128xi32, #tpu.memory_space<hbm>>
        tpu.wait_dma2 semaphore(%run_scoped3A : memref<!tpu.dma_semaphore, #tpu.memory_space<semaphore_mem>>) src(%arg13 : memref<80x128xi32, #tpu.memory_space<vmem>>) dst(%dma_wait3A_91 : memref<80x128xi32, #tpu.memory_space<hbm>>)
        tpu.yield
      }) : () -> ()
    }
    %scan3A_18 = arith.constant 10 : i32
    return
  }
}

#map = affine_map<(d0, d1) -> (0, 0)>
#map1 = affine_map<(d0, d1) -> (0)>
module attributes {stable_mosaic.version = 14 : i64} {
  func.func @k(%arg0: i32, %arg1: i32, %arg2: memref<100000x128xi32, #tpu.memory_space<hbm>>, %arg3: memref<512x128xi32, #tpu.memory_space<hbm>>, %arg4: memref<51200xi32, #tpu.memory_space<hbm>>, %arg5: memref<51200xi32, #tpu.memory_space<hbm>>, %arg6: memref<51200x128xi32, #tpu.memory_space<hbm>>, %arg7: memref<1600xi32, #tpu.memory_space<vmem>>, %arg8: memref<1600xi32, #tpu.memory_space<vmem>>, %arg9: memref<80x128xi32, #tpu.memory_space<vmem>>, %arg10: memref<80x128xi32, #tpu.memory_space<vmem>>, %arg11: memref<80x128xi32, #tpu.memory_space<vmem>>, %arg12: memref<80x128xi32, #tpu.memory_space<vmem>>, %arg13: memref<80x128xi32, #tpu.memory_space<vmem>>, %arg14: memref<512x128xi32, #tpu.memory_space<vmem_shared>>, %arg15: memref<!tpu.dma_semaphore, #tpu.memory_space<semaphore_mem>>, %arg16: memref<!tpu.dma_semaphore, #tpu.memory_space<semaphore_mem>>, %arg17: memref<!tpu.dma_semaphore, #tpu.memory_space<semaphore_mem>>, %arg18: memref<!tpu.dma_semaphore, #tpu.memory_space<semaphore_mem>>) attributes {dimension_semantics = [#tpu.dimension_semantics<core_parallel>, #tpu.dimension_semantics<subcore_parallel>], iteration_bounds = array<i64: 2, 16>, scalar_prefetch = 0 : i64, scratch_operands = 12 : i64, tpu.core_type = #tpu.core_type<sc_vector_subcore>, window_params = [{transform_indices = #map}, {transform_indices = #map}, {transform_indices = #map1}, {transform_indices = #map1}, {transform_indices = #map}]} {
    %mul3A = arith.constant 2 : i32
    %mul3A_0 = arith.muli %arg1, %mul3A : i32
    %add3A = arith.addi %mul3A_0, %arg0 : i32
    %mul3A_1 = arith.constant 1600 : i32
    %mul3A_2 = arith.muli %add3A, %mul3A_1 : i32
    %multiple_of3A = tpu.assume_multiple %mul3A_2, 1600 : i32
    %eq3A = arith.constant 0 : i32
    %eq3A_3 = arith.cmpi eq, %arg1, %eq3A : i32
    %convert_element_type3A = arith.extui %eq3A_3 : i1 to i32
    %cond3A = arith.constant 0 : i32
    %cond3A_4 = arith.cmpi ne, %convert_element_type3A, %cond3A : i32
    scf.if %cond3A_4 {
      "tpu.region"() ({
        %run_scoped3A = tpu.sem_alloc : memref<!tpu.dma_semaphore, #tpu.memory_space<semaphore_mem>>
        tpu.enqueue_dma source(%arg3 : memref<512x128xi32, #tpu.memory_space<hbm>>) target(%arg14 : memref<512x128xi32, #tpu.memory_space<vmem_shared>>) target_semaphore(%run_scoped3A : memref<!tpu.dma_semaphore, #tpu.memory_space<semaphore_mem>>)
        tpu.wait_dma2 semaphore(%run_scoped3A : memref<!tpu.dma_semaphore, #tpu.memory_space<semaphore_mem>>) src(%arg3 : memref<512x128xi32, #tpu.memory_space<hbm>>) dst(%arg14 : memref<512x128xi32, #tpu.memory_space<vmem_shared>>)
        tpu.yield
      }) : () -> ()
    } else {
    }
    "tpu.region"() ({
      %run_scoped3A = tpu.sem_alloc : memref<!tpu.dma_semaphore, #tpu.memory_space<semaphore_mem>>
      %dma_start3A_19 = tpu.memref_slice %arg4[%multiple_of3A] : memref<51200xi32, #tpu.memory_space<hbm>> -> memref<1600xi32, #tpu.memory_space<hbm>>
      %dma_start3A_20 = tpu.memref_slice %arg4[%multiple_of3A] : memref<51200xi32, #tpu.memory_space<hbm>> -> memref<1600xi32, #tpu.memory_space<hbm>>
      tpu.enqueue_dma source(%dma_start3A_20 : memref<1600xi32, #tpu.memory_space<hbm>>) target(%arg7 : memref<1600xi32, #tpu.memory_space<vmem>>) target_semaphore(%run_scoped3A : memref<!tpu.dma_semaphore, #tpu.memory_space<semaphore_mem>>)
      %dma_wait3A = tpu.memref_slice %arg4[%multiple_of3A] : memref<51200xi32, #tpu.memory_space<hbm>> -> memref<1600xi32, #tpu.memory_space<hbm>>
      %dma_wait3A_21 = tpu.memref_slice %arg4[%multiple_of3A] : memref<51200xi32, #tpu.memory_space<hbm>> -> memref<1600xi32, #tpu.memory_space<hbm>>
      tpu.wait_dma2 semaphore(%run_scoped3A : memref<!tpu.dma_semaphore, #tpu.memory_space<semaphore_mem>>) src(%dma_wait3A_21 : memref<1600xi32, #tpu.memory_space<hbm>>) dst(%arg7 : memref<1600xi32, #tpu.memory_space<vmem>>)
      tpu.yield
    }) : () -> ()
    "tpu.region"() ({
      %run_scoped3A = tpu.sem_alloc : memref<!tpu.dma_semaphore, #tpu.memory_space<semaphore_mem>>
      %dma_start3A_19 = tpu.memref_slice %arg5[%multiple_of3A] : memref<51200xi32, #tpu.memory_space<hbm>> -> memref<1600xi32, #tpu.memory_space<hbm>>
      %dma_start3A_20 = tpu.memref_slice %arg5[%multiple_of3A] : memref<51200xi32, #tpu.memory_space<hbm>> -> memref<1600xi32, #tpu.memory_space<hbm>>
      tpu.enqueue_dma source(%dma_start3A_20 : memref<1600xi32, #tpu.memory_space<hbm>>) target(%arg8 : memref<1600xi32, #tpu.memory_space<vmem>>) target_semaphore(%run_scoped3A : memref<!tpu.dma_semaphore, #tpu.memory_space<semaphore_mem>>)
      %dma_wait3A = tpu.memref_slice %arg5[%multiple_of3A] : memref<51200xi32, #tpu.memory_space<hbm>> -> memref<1600xi32, #tpu.memory_space<hbm>>
      %dma_wait3A_21 = tpu.memref_slice %arg5[%multiple_of3A] : memref<51200xi32, #tpu.memory_space<hbm>> -> memref<1600xi32, #tpu.memory_space<hbm>>
      tpu.wait_dma2 semaphore(%run_scoped3A : memref<!tpu.dma_semaphore, #tpu.memory_space<semaphore_mem>>) src(%dma_wait3A_21 : memref<1600xi32, #tpu.memory_space<hbm>>) dst(%arg8 : memref<1600xi32, #tpu.memory_space<vmem>>)
      tpu.yield
    }) : () -> ()
    %barrier3A = arith.constant 0 : index
    tpu.barrier barrier_id(%barrier3A)
    %multiple_of3A_5 = arith.constant 0 : i32
    %multiple_of3A_6 = tpu.assume_multiple %multiple_of3A_5, 80 : i32
    %dma_start3A = tpu.memref_slice %arg7[%multiple_of3A_6] : memref<1600xi32, #tpu.memory_space<vmem>> -> memref<80xi32, #tpu.memory_space<vmem>>
    %dma_start3A_7 = arith.constant 0 : i32
    %dma_start3A_8 = arith.constant 0 : i32
    %dma_start3A_9 = tpu.memref_slice %arg2[%dma_start3A_7, %dma_start3A_8] : memref<100000x128xi32, #tpu.memory_space<hbm>> -> memref<100000x128xi32, #tpu.memory_space<hbm>>
    tpu.enqueue_indirect_dma source(%dma_start3A_9 : memref<100000x128xi32, #tpu.memory_space<hbm>>) target(%arg9 : memref<80x128xi32, #tpu.memory_space<vmem>>) offsets(%dma_start3A : memref<80xi32, #tpu.memory_space<vmem>>) semaphore(%arg15 : memref<!tpu.dma_semaphore, #tpu.memory_space<semaphore_mem>>)
    %dma_start3A_10 = tpu.memref_slice %arg8[%multiple_of3A_6] : memref<1600xi32, #tpu.memory_space<vmem>> -> memref<80xi32, #tpu.memory_space<vmem>>
    %dma_start3A_11 = arith.constant 0 : i32
    %dma_start3A_12 = arith.constant 0 : i32
    %dma_start3A_13 = tpu.memref_slice %arg14[%dma_start3A_11, %dma_start3A_12] : memref<512x128xi32, #tpu.memory_space<vmem_shared>> -> memref<512x128xi32, #tpu.memory_space<vmem_shared>>
    tpu.enqueue_indirect_dma source(%dma_start3A_13 : memref<512x128xi32, #tpu.memory_space<vmem_shared>>) target(%arg10 : memref<80x128xi32, #tpu.memory_space<vmem>>) offsets(%dma_start3A_10 : memref<80xi32, #tpu.memory_space<vmem>>) semaphore(%arg16 : memref<!tpu.dma_semaphore, #tpu.memory_space<semaphore_mem>>)
    %scan3A = arith.constant 0 : i32
    %scan3A_14 = arith.constant 0 : i32
    %scan3A_15 = arith.constant 10 : i32
    %scan3A_16 = arith.addi %scan3A_14, %scan3A_15 : i32
    %scan3A_17 = arith.constant 1 : i32
    scf.for %scan3A_19 = %scan3A_14 to %scan3A_16 step %scan3A_17  : i32 {
      %mul3A_20 = arith.constant 2 : i32
      %mul3A_21 = arith.muli %mul3A_20, %scan3A_19 : i32
      %add3A_22 = arith.constant 1 : i32
      %add3A_23 = arith.addi %mul3A_21, %add3A_22 : i32
      %mul3A_24 = arith.constant 80 : i32
      %mul3A_25 = arith.muli %add3A_23, %mul3A_24 : i32
      %multiple_of3A_26 = tpu.assume_multiple %mul3A_25, 80 : i32
      %dma_start3A_27 = tpu.memref_slice %arg7[%multiple_of3A_26] : memref<1600xi32, #tpu.memory_space<vmem>> -> memref<80xi32, #tpu.memory_space<vmem>>
      %dma_start3A_28 = arith.constant 0 : i32
      %dma_start3A_29 = arith.constant 0 : i32
      %dma_start3A_30 = tpu.memref_slice %arg2[%dma_start3A_28, %dma_start3A_29] : memref<100000x128xi32, #tpu.memory_space<hbm>> -> memref<100000x128xi32, #tpu.memory_space<hbm>>
      tpu.enqueue_indirect_dma source(%dma_start3A_30 : memref<100000x128xi32, #tpu.memory_space<hbm>>) target(%arg11 : memref<80x128xi32, #tpu.memory_space<vmem>>) offsets(%dma_start3A_27 : memref<80xi32, #tpu.memory_space<vmem>>) semaphore(%arg17 : memref<!tpu.dma_semaphore, #tpu.memory_space<semaphore_mem>>)
      %dma_start3A_31 = tpu.memref_slice %arg8[%multiple_of3A_26] : memref<1600xi32, #tpu.memory_space<vmem>> -> memref<80xi32, #tpu.memory_space<vmem>>
      %dma_start3A_32 = arith.constant 0 : i32
      %dma_start3A_33 = arith.constant 0 : i32
      %dma_start3A_34 = tpu.memref_slice %arg14[%dma_start3A_32, %dma_start3A_33] : memref<512x128xi32, #tpu.memory_space<vmem_shared>> -> memref<512x128xi32, #tpu.memory_space<vmem_shared>>
      tpu.enqueue_indirect_dma source(%dma_start3A_34 : memref<512x128xi32, #tpu.memory_space<vmem_shared>>) target(%arg12 : memref<80x128xi32, #tpu.memory_space<vmem>>) offsets(%dma_start3A_31 : memref<80xi32, #tpu.memory_space<vmem>>) semaphore(%arg18 : memref<!tpu.dma_semaphore, #tpu.memory_space<semaphore_mem>>)
      %dma_wait3A = arith.constant 0 : i32
      %dma_wait3A_35 = tpu.memref_slice %arg7[%dma_wait3A] : memref<1600xi32, #tpu.memory_space<vmem>> -> memref<80xi32, #tpu.memory_space<vmem>>
      %dma_wait3A_36 = arith.constant 0 : i32
      %dma_wait3A_37 = arith.constant 0 : i32
      %dma_wait3A_38 = tpu.memref_slice %arg2[%dma_wait3A_36, %dma_wait3A_37] : memref<100000x128xi32, #tpu.memory_space<hbm>> -> memref<100000x128xi32, #tpu.memory_space<hbm>>
      tpu.wait_indirect_dma semaphore(%arg15 : memref<!tpu.dma_semaphore, #tpu.memory_space<semaphore_mem>>) src(%dma_wait3A_38 : memref<100000x128xi32, #tpu.memory_space<hbm>>) dst(%arg9 : memref<80x128xi32, #tpu.memory_space<vmem>>)
      %dma_wait3A_39 = arith.constant 0 : i32
      %dma_wait3A_40 = tpu.memref_slice %arg8[%dma_wait3A_39] : memref<1600xi32, #tpu.memory_space<vmem>> -> memref<80xi32, #tpu.memory_space<vmem>>
      %dma_wait3A_41 = arith.constant 0 : i32
      %dma_wait3A_42 = arith.constant 0 : i32
      %dma_wait3A_43 = tpu.memref_slice %arg14[%dma_wait3A_41, %dma_wait3A_42] : memref<512x128xi32, #tpu.memory_space<vmem_shared>> -> memref<512x128xi32, #tpu.memory_space<vmem_shared>>
      tpu.wait_indirect_dma semaphore(%arg16 : memref<!tpu.dma_semaphore, #tpu.memory_space<semaphore_mem>>) src(%dma_wait3A_43 : memref<512x128xi32, #tpu.memory_space<vmem_shared>>) dst(%arg10 : memref<80x128xi32, #tpu.memory_space<vmem>>)
      %scan3A_44 = arith.constant 0 : i32
      %scan3A_45 = arith.constant -65536 : i32
      %scan3A_46 = arith.constant 0 : i32
      %scan3A_47 = arith.constant 80 : i32
      %scan3A_48 = arith.addi %scan3A_46, %scan3A_47 : i32
      %scan3A_49 = arith.constant 1 : i32
      scf.for %scan3A_84 = %scan3A_46 to %scan3A_48 step %scan3A_49  : i32 {
        %get3A = arith.index_cast %scan3A_84 : i32 to index
        %get3A_85 = arith.constant 0 : index
        %get3A_86 = tpu.vector_load %arg9[%get3A, %get3A_85] {strides = array<i32>} : memref<80x128xi32, #tpu.memory_space<vmem>>, vector<1x16xi32>,
        %get3A_87 = vector.shape_cast %get3A_86 : vector<1x16xi32> to vector<16xi32>
        %get3A_88 = arith.index_cast %scan3A_84 : i32 to index
        %get3A_89 = arith.constant 0 : index
        %get3A_90 = tpu.vector_load %arg10[%get3A_88, %get3A_89] {strides = array<i32>} : memref<80x128xi32, #tpu.memory_space<vmem>>, vector<1x16xi32>,
        %get3A_91 = vector.shape_cast %get3A_90 : vector<1x16xi32> to vector<16xi32>
        %shift_right_logical3A = arith.constant 16 : i32
        %shift_right_logical3A_92 = vector.broadcast %shift_right_logical3A : i32 to vector<16xi32>
        %shift_right_logical3A_93 = arith.shrui %get3A_87, %shift_right_logical3A_92 : vector<16xi32>
        %and3A = vector.broadcast %scan3A_45 : i32 to vector<16xi32>
        %and3A_94 = arith.andi %get3A_91, %and3A : vector<16xi32>
        %or3A = arith.ori %shift_right_logical3A_93, %and3A_94 : vector<16xi32>
        %swap3A = arith.index_cast %scan3A_84 : i32 to index
        %swap3A_95 = arith.constant 0 : index
        %swap3A_96 = tpu.vector_load %arg13[%swap3A, %swap3A_95] {strides = array<i32>} : memref<80x128xi32, #tpu.memory_space<vmem>>, vector<1x16xi32>,
        %swap3A_97 = vector.shape_cast %swap3A_96 : vector<1x16xi32> to vector<16xi32>
        %swap3A_98 = vector.shape_cast %or3A : vector<16xi32> to vector<1x16xi32>
        tpu.vector_store %arg13[%swap3A, %swap3A_95], %swap3A_98 {strides = array<i32>} : memref<80x128xi32, #tpu.memory_space<vmem>>, vector<1x16xi32>,
        %get3A_99 = arith.index_cast %scan3A_84 : i32 to index
        %get3A_100 = arith.constant 16 : index
        %get3A_101 = tpu.vector_load %arg9[%get3A_99, %get3A_100] {strides = array<i32>} : memref<80x128xi32, #tpu.memory_space<vmem>>, vector<1x16xi32>,
        %get3A_102 = vector.shape_cast %get3A_101 : vector<1x16xi32> to vector<16xi32>
        %get3A_103 = arith.index_cast %scan3A_84 : i32 to index
        %get3A_104 = arith.constant 16 : index
        %get3A_105 = tpu.vector_load %arg10[%get3A_103, %get3A_104] {strides = array<i32>} : memref<80x128xi32, #tpu.memory_space<vmem>>, vector<1x16xi32>,
        %get3A_106 = vector.shape_cast %get3A_105 : vector<1x16xi32> to vector<16xi32>
        %shift_right_logical3A_107 = arith.constant 16 : i32
        %shift_right_logical3A_108 = vector.broadcast %shift_right_logical3A_107 : i32 to vector<16xi32>
        %shift_right_logical3A_109 = arith.shrui %get3A_102, %shift_right_logical3A_108 : vector<16xi32>
        %and3A_110 = vector.broadcast %scan3A_45 : i32 to vector<16xi32>
        %and3A_111 = arith.andi %get3A_106, %and3A_110 : vector<16xi32>
        %or3A_112 = arith.ori %shift_right_logical3A_109, %and3A_111 : vector<16xi32>
        %swap3A_113 = arith.index_cast %scan3A_84 : i32 to index
        %swap3A_114 = arith.constant 16 : index
        %swap3A_115 = tpu.vector_load %arg13[%swap3A_113, %swap3A_114] {strides = array<i32>} : memref<80x128xi32, #tpu.memory_space<vmem>>, vector<1x16xi32>,
        %swap3A_116 = vector.shape_cast %swap3A_115 : vector<1x16xi32> to vector<16xi32>
        %swap3A_117 = vector.shape_cast %or3A_112 : vector<16xi32> to vector<1x16xi32>
        tpu.vector_store %arg13[%swap3A_113, %swap3A_114], %swap3A_117 {strides = array<i32>} : memref<80x128xi32, #tpu.memory_space<vmem>>, vector<1x16xi32>,
        %get3A_118 = arith.index_cast %scan3A_84 : i32 to index
        %get3A_119 = arith.constant 32 : index
        %get3A_120 = tpu.vector_load %arg9[%get3A_118, %get3A_119] {strides = array<i32>} : memref<80x128xi32, #tpu.memory_space<vmem>>, vector<1x16xi32>,
        %get3A_121 = vector.shape_cast %get3A_120 : vector<1x16xi32> to vector<16xi32>
        %get3A_122 = arith.index_cast %scan3A_84 : i32 to index
        %get3A_123 = arith.constant 32 : index
        %get3A_124 = tpu.vector_load %arg10[%get3A_122, %get3A_123] {strides = array<i32>} : memref<80x128xi32, #tpu.memory_space<vmem>>, vector<1x16xi32>,
        %get3A_125 = vector.shape_cast %get3A_124 : vector<1x16xi32> to vector<16xi32>
        %shift_right_logical3A_126 = arith.constant 16 : i32
        %shift_right_logical3A_127 = vector.broadcast %shift_right_logical3A_126 : i32 to vector<16xi32>
        %shift_right_logical3A_128 = arith.shrui %get3A_121, %shift_right_logical3A_127 : vector<16xi32>
        %and3A_129 = vector.broadcast %scan3A_45 : i32 to vector<16xi32>
        %and3A_130 = arith.andi %get3A_125, %and3A_129 : vector<16xi32>
        %or3A_131 = arith.ori %shift_right_logical3A_128, %and3A_130 : vector<16xi32>
        %swap3A_132 = arith.index_cast %scan3A_84 : i32 to index
        %swap3A_133 = arith.constant 32 : index
        %swap3A_134 = tpu.vector_load %arg13[%swap3A_132, %swap3A_133] {strides = array<i32>} : memref<80x128xi32, #tpu.memory_space<vmem>>, vector<1x16xi32>,
        %swap3A_135 = vector.shape_cast %swap3A_134 : vector<1x16xi32> to vector<16xi32>
        %swap3A_136 = vector.shape_cast %or3A_131 : vector<16xi32> to vector<1x16xi32>
        tpu.vector_store %arg13[%swap3A_132, %swap3A_133], %swap3A_136 {strides = array<i32>} : memref<80x128xi32, #tpu.memory_space<vmem>>, vector<1x16xi32>,
        %get3A_137 = arith.index_cast %scan3A_84 : i32 to index
        %get3A_138 = arith.constant 48 : index
        %get3A_139 = tpu.vector_load %arg9[%get3A_137, %get3A_138] {strides = array<i32>} : memref<80x128xi32, #tpu.memory_space<vmem>>, vector<1x16xi32>,
        %get3A_140 = vector.shape_cast %get3A_139 : vector<1x16xi32> to vector<16xi32>
        %get3A_141 = arith.index_cast %scan3A_84 : i32 to index
        %get3A_142 = arith.constant 48 : index
        %get3A_143 = tpu.vector_load %arg10[%get3A_141, %get3A_142] {strides = array<i32>} : memref<80x128xi32, #tpu.memory_space<vmem>>, vector<1x16xi32>,
        %get3A_144 = vector.shape_cast %get3A_143 : vector<1x16xi32> to vector<16xi32>
        %shift_right_logical3A_145 = arith.constant 16 : i32
        %shift_right_logical3A_146 = vector.broadcast %shift_right_logical3A_145 : i32 to vector<16xi32>
        %shift_right_logical3A_147 = arith.shrui %get3A_140, %shift_right_logical3A_146 : vector<16xi32>
        %and3A_148 = vector.broadcast %scan3A_45 : i32 to vector<16xi32>
        %and3A_149 = arith.andi %get3A_144, %and3A_148 : vector<16xi32>
        %or3A_150 = arith.ori %shift_right_logical3A_147, %and3A_149 : vector<16xi32>
        %swap3A_151 = arith.index_cast %scan3A_84 : i32 to index
        %swap3A_152 = arith.constant 48 : index
        %swap3A_153 = tpu.vector_load %arg13[%swap3A_151, %swap3A_152] {strides = array<i32>} : memref<80x128xi32, #tpu.memory_space<vmem>>, vector<1x16xi32>,
        %swap3A_154 = vector.shape_cast %swap3A_153 : vector<1x16xi32> to vector<16xi32>
        %swap3A_155 = vector.shape_cast %or3A_150 : vector<16xi32> to vector<1x16xi32>
        tpu.vector_store %arg13[%swap3A_151, %swap3A_152], %swap3A_155 {strides = array<i32>} : memref<80x128xi32, #tpu.memory_space<vmem>>, vector<1x16xi32>,
        %get3A_156 = arith.index_cast %scan3A_84 : i32 to index
        %get3A_157 = arith.constant 64 : index
        %get3A_158 = tpu.vector_load %arg9[%get3A_156, %get3A_157] {strides = array<i32>} : memref<80x128xi32, #tpu.memory_space<vmem>>, vector<1x16xi32>,
        %get3A_159 = vector.shape_cast %get3A_158 : vector<1x16xi32> to vector<16xi32>
        %get3A_160 = arith.index_cast %scan3A_84 : i32 to index
        %get3A_161 = arith.constant 64 : index
        %get3A_162 = tpu.vector_load %arg10[%get3A_160, %get3A_161] {strides = array<i32>} : memref<80x128xi32, #tpu.memory_space<vmem>>, vector<1x16xi32>,
        %get3A_163 = vector.shape_cast %get3A_162 : vector<1x16xi32> to vector<16xi32>
        %shift_right_logical3A_164 = arith.constant 16 : i32
        %shift_right_logical3A_165 = vector.broadcast %shift_right_logical3A_164 : i32 to vector<16xi32>
        %shift_right_logical3A_166 = arith.shrui %get3A_159, %shift_right_logical3A_165 : vector<16xi32>
        %and3A_167 = vector.broadcast %scan3A_45 : i32 to vector<16xi32>
        %and3A_168 = arith.andi %get3A_163, %and3A_167 : vector<16xi32>
        %or3A_169 = arith.ori %shift_right_logical3A_166, %and3A_168 : vector<16xi32>
        %swap3A_170 = arith.index_cast %scan3A_84 : i32 to index
        %swap3A_171 = arith.constant 64 : index
        %swap3A_172 = tpu.vector_load %arg13[%swap3A_170, %swap3A_171] {strides = array<i32>} : memref<80x128xi32, #tpu.memory_space<vmem>>, vector<1x16xi32>,
        %swap3A_173 = vector.shape_cast %swap3A_172 : vector<1x16xi32> to vector<16xi32>
        %swap3A_174 = vector.shape_cast %or3A_169 : vector<16xi32> to vector<1x16xi32>
        tpu.vector_store %arg13[%swap3A_170, %swap3A_171], %swap3A_174 {strides = array<i32>} : memref<80x128xi32, #tpu.memory_space<vmem>>, vector<1x16xi32>,
        %get3A_175 = arith.index_cast %scan3A_84 : i32 to index
        %get3A_176 = arith.constant 80 : index
        %get3A_177 = tpu.vector_load %arg9[%get3A_175, %get3A_176] {strides = array<i32>} : memref<80x128xi32, #tpu.memory_space<vmem>>, vector<1x16xi32>,
        %get3A_178 = vector.shape_cast %get3A_177 : vector<1x16xi32> to vector<16xi32>
        %get3A_179 = arith.index_cast %scan3A_84 : i32 to index
        %get3A_180 = arith.constant 80 : index
        %get3A_181 = tpu.vector_load %arg10[%get3A_179, %get3A_180] {strides = array<i32>} : memref<80x128xi32, #tpu.memory_space<vmem>>, vector<1x16xi32>,
        %get3A_182 = vector.shape_cast %get3A_181 : vector<1x16xi32> to vector<16xi32>
        %shift_right_logical3A_183 = arith.constant 16 : i32
        %shift_right_logical3A_184 = vector.broadcast %shift_right_logical3A_183 : i32 to vector<16xi32>
        %shift_right_logical3A_185 = arith.shrui %get3A_178, %shift_right_logical3A_184 : vector<16xi32>
        %and3A_186 = vector.broadcast %scan3A_45 : i32 to vector<16xi32>
        %and3A_187 = arith.andi %get3A_182, %and3A_186 : vector<16xi32>
        %or3A_188 = arith.ori %shift_right_logical3A_185, %and3A_187 : vector<16xi32>
        %swap3A_189 = arith.index_cast %scan3A_84 : i32 to index
        %swap3A_190 = arith.constant 80 : index
        %swap3A_191 = tpu.vector_load %arg13[%swap3A_189, %swap3A_190] {strides = array<i32>} : memref<80x128xi32, #tpu.memory_space<vmem>>, vector<1x16xi32>,
        %swap3A_192 = vector.shape_cast %swap3A_191 : vector<1x16xi32> to vector<16xi32>
        %swap3A_193 = vector.shape_cast %or3A_188 : vector<16xi32> to vector<1x16xi32>
        tpu.vector_store %arg13[%swap3A_189, %swap3A_190], %swap3A_193 {strides = array<i32>} : memref<80x128xi32, #tpu.memory_space<vmem>>, vector<1x16xi32>,
        %get3A_194 = arith.index_cast %scan3A_84 : i32 to index
        %get3A_195 = arith.constant 96 : index
        %get3A_196 = tpu.vector_load %arg9[%get3A_194, %get3A_195] {strides = array<i32>} : memref<80x128xi32, #tpu.memory_space<vmem>>, vector<1x16xi32>,
        %get3A_197 = vector.shape_cast %get3A_196 : vector<1x16xi32> to vector<16xi32>
        %get3A_198 = arith.index_cast %scan3A_84 : i32 to index
        %get3A_199 = arith.constant 96 : index
        %get3A_200 = tpu.vector_load %arg10[%get3A_198, %get3A_199] {strides = array<i32>} : memref<80x128xi32, #tpu.memory_space<vmem>>, vector<1x16xi32>,
        %get3A_201 = vector.shape_cast %get3A_200 : vector<1x16xi32> to vector<16xi32>
        %shift_right_logical3A_202 = arith.constant 16 : i32
        %shift_right_logical3A_203 = vector.broadcast %shift_right_logical3A_202 : i32 to vector<16xi32>
        %shift_right_logical3A_204 = arith.shrui %get3A_197, %shift_right_logical3A_203 : vector<16xi32>
        %and3A_205 = vector.broadcast %scan3A_45 : i32 to vector<16xi32>
        %and3A_206 = arith.andi %get3A_201, %and3A_205 : vector<16xi32>
        %or3A_207 = arith.ori %shift_right_logical3A_204, %and3A_206 : vector<16xi32>
        %swap3A_208 = arith.index_cast %scan3A_84 : i32 to index
        %swap3A_209 = arith.constant 96 : index
        %swap3A_210 = tpu.vector_load %arg13[%swap3A_208, %swap3A_209] {strides = array<i32>} : memref<80x128xi32, #tpu.memory_space<vmem>>, vector<1x16xi32>,
        %swap3A_211 = vector.shape_cast %swap3A_210 : vector<1x16xi32> to vector<16xi32>
        %swap3A_212 = vector.shape_cast %or3A_207 : vector<16xi32> to vector<1x16xi32>
        tpu.vector_store %arg13[%swap3A_208, %swap3A_209], %swap3A_212 {strides = array<i32>} : memref<80x128xi32, #tpu.memory_space<vmem>>, vector<1x16xi32>,
        %get3A_213 = arith.index_cast %scan3A_84 : i32 to index
        %get3A_214 = arith.constant 112 : index
        %get3A_215 = tpu.vector_load %arg9[%get3A_213, %get3A_214] {strides = array<i32>} : memref<80x128xi32, #tpu.memory_space<vmem>>, vector<1x16xi32>,
        %get3A_216 = vector.shape_cast %get3A_215 : vector<1x16xi32> to vector<16xi32>
        %get3A_217 = arith.index_cast %scan3A_84 : i32 to index
        %get3A_218 = arith.constant 112 : index
        %get3A_219 = tpu.vector_load %arg10[%get3A_217, %get3A_218] {strides = array<i32>} : memref<80x128xi32, #tpu.memory_space<vmem>>, vector<1x16xi32>,
        %get3A_220 = vector.shape_cast %get3A_219 : vector<1x16xi32> to vector<16xi32>
        %shift_right_logical3A_221 = arith.constant 16 : i32
        %shift_right_logical3A_222 = vector.broadcast %shift_right_logical3A_221 : i32 to vector<16xi32>
        %shift_right_logical3A_223 = arith.shrui %get3A_216, %shift_right_logical3A_222 : vector<16xi32>
        %and3A_224 = vector.broadcast %scan3A_45 : i32 to vector<16xi32>
        %and3A_225 = arith.andi %get3A_220, %and3A_224 : vector<16xi32>
        %or3A_226 = arith.ori %shift_right_logical3A_223, %and3A_225 : vector<16xi32>
        %swap3A_227 = arith.index_cast %scan3A_84 : i32 to index
        %swap3A_228 = arith.constant 112 : index
        %swap3A_229 = tpu.vector_load %arg13[%swap3A_227, %swap3A_228] {strides = array<i32>} : memref<80x128xi32, #tpu.memory_space<vmem>>, vector<1x16xi32>,
        %swap3A_230 = vector.shape_cast %swap3A_229 : vector<1x16xi32> to vector<16xi32>
        %swap3A_231 = vector.shape_cast %or3A_226 : vector<16xi32> to vector<1x16xi32>
        tpu.vector_store %arg13[%swap3A_227, %swap3A_228], %swap3A_231 {strides = array<i32>} : memref<80x128xi32, #tpu.memory_space<vmem>>, vector<1x16xi32>,
      }
      %scan3A_50 = arith.constant 80 : i32
      %mul3A_51 = arith.constant 80 : i32
      %mul3A_52 = arith.muli %mul3A_21, %mul3A_51 : i32
      %add3A_53 = arith.addi %multiple_of3A, %mul3A_52 : i32
      %multiple_of3A_54 = tpu.assume_multiple %add3A_53, 80 : i32
      "tpu.region"() ({
        %run_scoped3A = tpu.sem_alloc : memref<!tpu.dma_semaphore, #tpu.memory_space<semaphore_mem>>
        %dma_start3A_84 = arith.constant 0 : i32
        %dma_start3A_85 = tpu.memref_slice %arg6[%multiple_of3A_54, %dma_start3A_84] : memref<51200x128xi32, #tpu.memory_space<hbm>> -> memref<80x128xi32, #tpu.memory_space<hbm>>
        %dma_start3A_86 = arith.constant 0 : i32
        %dma_start3A_87 = tpu.memref_slice %arg6[%multiple_of3A_54, %dma_start3A_86] : memref<51200x128xi32, #tpu.memory_space<hbm>> -> memref<80x128xi32, #tpu.memory_space<hbm>>
        tpu.enqueue_dma source(%arg13 : memref<80x128xi32, #tpu.memory_space<vmem>>) target(%dma_start3A_87 : memref<80x128xi32, #tpu.memory_space<hbm>>) target_semaphore(%run_scoped3A : memref<!tpu.dma_semaphore, #tpu.memory_space<semaphore_mem>>)
        %dma_wait3A_88 = arith.constant 0 : i32
        %dma_wait3A_89 = tpu.memref_slice %arg6[%multiple_of3A_54, %dma_wait3A_88] : memref<51200x128xi32, #tpu.memory_space<hbm>> -> memref<80x128xi32, #tpu.memory_space<hbm>>
        %dma_wait3A_90 = arith.constant 0 : i32
        %dma_wait3A_91 = tpu.memref_slice %arg6[%multiple_of3A_54, %dma_wait3A_90] : memref<51200x128xi32, #tpu.memory_space<hbm>> -> memref<80x128xi32, #tpu.memory_space<hbm>>
        tpu.wait_dma2 semaphore(%run_scoped3A : memref<!tpu.dma_semaphore, #tpu.memory_space<semaphore_mem>>) src(%arg13 : memref<80x128xi32, #tpu.memory_space<vmem>>) dst(%dma_wait3A_91 : memref<80x128xi32, #tpu.memory_space<hbm>>)
        tpu.yield
      }) : () -> ()
      %add3A_55 = arith.constant 2 : i32
      %add3A_56 = arith.addi %mul3A_21, %add3A_55 : i32
      %lt3A = arith.constant 20 : i32
      %lt3A_57 = arith.cmpi slt, %add3A_56, %lt3A : i32
      %convert_element_type3A_58 = arith.extui %lt3A_57 : i1 to i32
      %cond3A_59 = arith.constant 0 : i32
      %cond3A_60 = arith.cmpi ne, %convert_element_type3A_58, %cond3A_59 : i32
      scf.if %cond3A_60 {
        %add3A_84 = arith.constant 2 : i32
        %add3A_85 = arith.addi %mul3A_21, %add3A_84 : i32
        %mul3A_86 = arith.constant 80 : i32
        %mul3A_87 = arith.muli %add3A_85, %mul3A_86 : i32
        %multiple_of3A_88 = tpu.assume_multiple %mul3A_87, 80 : i32
        %dma_start3A_89 = tpu.memref_slice %arg7[%multiple_of3A_88] : memref<1600xi32, #tpu.memory_space<vmem>> -> memref<80xi32, #tpu.memory_space<vmem>>
        %dma_start3A_90 = arith.constant 0 : i32
        %dma_start3A_91 = arith.constant 0 : i32
        %dma_start3A_92 = tpu.memref_slice %arg2[%dma_start3A_90, %dma_start3A_91] : memref<100000x128xi32, #tpu.memory_space<hbm>> -> memref<100000x128xi32, #tpu.memory_space<hbm>>
        tpu.enqueue_indirect_dma source(%dma_start3A_92 : memref<100000x128xi32, #tpu.memory_space<hbm>>) target(%arg9 : memref<80x128xi32, #tpu.memory_space<vmem>>) offsets(%dma_start3A_89 : memref<80xi32, #tpu.memory_space<vmem>>) semaphore(%arg15 : memref<!tpu.dma_semaphore, #tpu.memory_space<semaphore_mem>>)
        %dma_start3A_93 = tpu.memref_slice %arg8[%multiple_of3A_88] : memref<1600xi32, #tpu.memory_space<vmem>> -> memref<80xi32, #tpu.memory_space<vmem>>
        %dma_start3A_94 = arith.constant 0 : i32
        %dma_start3A_95 = arith.constant 0 : i32
        %dma_start3A_96 = tpu.memref_slice %arg14[%dma_start3A_94, %dma_start3A_95] : memref<512x128xi32, #tpu.memory_space<vmem_shared>> -> memref<512x128xi32, #tpu.memory_space<vmem_shared>>
        tpu.enqueue_indirect_dma source(%dma_start3A_96 : memref<512x128xi32, #tpu.memory_space<vmem_shared>>) target(%arg10 : memref<80x128xi32, #tpu.memory_space<vmem>>) offsets(%dma_start3A_93 : memref<80xi32, #tpu.memory_space<vmem>>) semaphore(%arg16 : memref<!tpu.dma_semaphore, #tpu.memory_space<semaphore_mem>>)
      } else {
      }
      %dma_wait3A_61 = arith.constant 0 : i32
      %dma_wait3A_62 = tpu.memref_slice %arg7[%dma_wait3A_61] : memref<1600xi32, #tpu.memory_space<vmem>> -> memref<80xi32, #tpu.memory_space<vmem>>
      %dma_wait3A_63 = arith.constant 0 : i32
      %dma_wait3A_64 = arith.constant 0 : i32
      %dma_wait3A_65 = tpu.memref_slice %arg2[%dma_wait3A_63, %dma_wait3A_64] : memref<100000x128xi32, #tpu.memory_space<hbm>> -> memref<100000x128xi32, #tpu.memory_space<hbm>>
      tpu.wait_indirect_dma semaphore(%arg17 : memref<!tpu.dma_semaphore, #tpu.memory_space<semaphore_mem>>) src(%dma_wait3A_65 : memref<100000x128xi32, #tpu.memory_space<hbm>>) dst(%arg11 : memref<80x128xi32, #tpu.memory_space<vmem>>)
      %dma_wait3A_66 = arith.constant 0 : i32
      %dma_wait3A_67 = tpu.memref_slice %arg8[%dma_wait3A_66] : memref<1600xi32, #tpu.memory_space<vmem>> -> memref<80xi32, #tpu.memory_space<vmem>>
      %dma_wait3A_68 = arith.constant 0 : i32
      %dma_wait3A_69 = arith.constant 0 : i32
      %dma_wait3A_70 = tpu.memref_slice %arg14[%dma_wait3A_68, %dma_wait3A_69] : memref<512x128xi32, #tpu.memory_space<vmem_shared>> -> memref<512x128xi32, #tpu.memory_space<vmem_shared>>
      tpu.wait_indirect_dma semaphore(%arg18 : memref<!tpu.dma_semaphore, #tpu.memory_space<semaphore_mem>>) src(%dma_wait3A_70 : memref<512x128xi32, #tpu.memory_space<vmem_shared>>) dst(%arg12 : memref<80x128xi32, #tpu.memory_space<vmem>>)
      %add3A_71 = arith.constant 1 : i32
      %add3A_72 = arith.addi %mul3A_21, %add3A_71 : i32
      %scan3A_73 = arith.constant 0 : i32
      %scan3A_74 = arith.constant -65536 : i32
      %scan3A_75 = arith.constant 0 : i32
      %scan3A_76 = arith.constant 80 : i32
      %scan3A_77 = arith.addi %scan3A_75, %scan3A_76 : i32
      %scan3A_78 = arith.constant 1 : i32
      scf.for %scan3A_84 = %scan3A_75 to %scan3A_77 step %scan3A_78  : i32 {
        %get3A = arith.index_cast %scan3A_84 : i32 to index
        %get3A_85 = arith.constant 0 : index
        %get3A_86 = tpu.vector_load %arg11[%get3A, %get3A_85] {strides = array<i32>} : memref<80x128xi32, #tpu.memory_space<vmem>>, vector<1x16xi32>,
        %get3A_87 = vector.shape_cast %get3A_86 : vector<1x16xi32> to vector<16xi32>
        %get3A_88 = arith.index_cast %scan3A_84 : i32 to index
        %get3A_89 = arith.constant 0 : index
        %get3A_90 = tpu.vector_load %arg12[%get3A_88, %get3A_89] {strides = array<i32>} : memref<80x128xi32, #tpu.memory_space<vmem>>, vector<1x16xi32>,
        %get3A_91 = vector.shape_cast %get3A_90 : vector<1x16xi32> to vector<16xi32>
        %shift_right_logical3A = arith.constant 16 : i32
        %shift_right_logical3A_92 = vector.broadcast %shift_right_logical3A : i32 to vector<16xi32>
        %shift_right_logical3A_93 = arith.shrui %get3A_87, %shift_right_logical3A_92 : vector<16xi32>
        %and3A = vector.broadcast %scan3A_74 : i32 to vector<16xi32>
        %and3A_94 = arith.andi %get3A_91, %and3A : vector<16xi32>
        %or3A = arith.ori %shift_right_logical3A_93, %and3A_94 : vector<16xi32>
        %swap3A = arith.index_cast %scan3A_84 : i32 to index
        %swap3A_95 = arith.constant 0 : index
        %swap3A_96 = tpu.vector_load %arg13[%swap3A, %swap3A_95] {strides = array<i32>} : memref<80x128xi32, #tpu.memory_space<vmem>>, vector<1x16xi32>,
        %swap3A_97 = vector.shape_cast %swap3A_96 : vector<1x16xi32> to vector<16xi32>
        %swap3A_98 = vector.shape_cast %or3A : vector<16xi32> to vector<1x16xi32>
        tpu.vector_store %arg13[%swap3A, %swap3A_95], %swap3A_98 {strides = array<i32>} : memref<80x128xi32, #tpu.memory_space<vmem>>, vector<1x16xi32>,
        %get3A_99 = arith.index_cast %scan3A_84 : i32 to index
        %get3A_100 = arith.constant 16 : index
        %get3A_101 = tpu.vector_load %arg11[%get3A_99, %get3A_100] {strides = array<i32>} : memref<80x128xi32, #tpu.memory_space<vmem>>, vector<1x16xi32>,
        %get3A_102 = vector.shape_cast %get3A_101 : vector<1x16xi32> to vector<16xi32>
        %get3A_103 = arith.index_cast %scan3A_84 : i32 to index
        %get3A_104 = arith.constant 16 : index
        %get3A_105 = tpu.vector_load %arg12[%get3A_103, %get3A_104] {strides = array<i32>} : memref<80x128xi32, #tpu.memory_space<vmem>>, vector<1x16xi32>,
        %get3A_106 = vector.shape_cast %get3A_105 : vector<1x16xi32> to vector<16xi32>
        %shift_right_logical3A_107 = arith.constant 16 : i32
        %shift_right_logical3A_108 = vector.broadcast %shift_right_logical3A_107 : i32 to vector<16xi32>
        %shift_right_logical3A_109 = arith.shrui %get3A_102, %shift_right_logical3A_108 : vector<16xi32>
        %and3A_110 = vector.broadcast %scan3A_74 : i32 to vector<16xi32>
        %and3A_111 = arith.andi %get3A_106, %and3A_110 : vector<16xi32>
        %or3A_112 = arith.ori %shift_right_logical3A_109, %and3A_111 : vector<16xi32>
        %swap3A_113 = arith.index_cast %scan3A_84 : i32 to index
        %swap3A_114 = arith.constant 16 : index
        %swap3A_115 = tpu.vector_load %arg13[%swap3A_113, %swap3A_114] {strides = array<i32>} : memref<80x128xi32, #tpu.memory_space<vmem>>, vector<1x16xi32>,
        %swap3A_116 = vector.shape_cast %swap3A_115 : vector<1x16xi32> to vector<16xi32>
        %swap3A_117 = vector.shape_cast %or3A_112 : vector<16xi32> to vector<1x16xi32>
        tpu.vector_store %arg13[%swap3A_113, %swap3A_114], %swap3A_117 {strides = array<i32>} : memref<80x128xi32, #tpu.memory_space<vmem>>, vector<1x16xi32>,
        %get3A_118 = arith.index_cast %scan3A_84 : i32 to index
        %get3A_119 = arith.constant 32 : index
        %get3A_120 = tpu.vector_load %arg11[%get3A_118, %get3A_119] {strides = array<i32>} : memref<80x128xi32, #tpu.memory_space<vmem>>, vector<1x16xi32>,
        %get3A_121 = vector.shape_cast %get3A_120 : vector<1x16xi32> to vector<16xi32>
        %get3A_122 = arith.index_cast %scan3A_84 : i32 to index
        %get3A_123 = arith.constant 32 : index
        %get3A_124 = tpu.vector_load %arg12[%get3A_122, %get3A_123] {strides = array<i32>} : memref<80x128xi32, #tpu.memory_space<vmem>>, vector<1x16xi32>,
        %get3A_125 = vector.shape_cast %get3A_124 : vector<1x16xi32> to vector<16xi32>
        %shift_right_logical3A_126 = arith.constant 16 : i32
        %shift_right_logical3A_127 = vector.broadcast %shift_right_logical3A_126 : i32 to vector<16xi32>
        %shift_right_logical3A_128 = arith.shrui %get3A_121, %shift_right_logical3A_127 : vector<16xi32>
        %and3A_129 = vector.broadcast %scan3A_74 : i32 to vector<16xi32>
        %and3A_130 = arith.andi %get3A_125, %and3A_129 : vector<16xi32>
        %or3A_131 = arith.ori %shift_right_logical3A_128, %and3A_130 : vector<16xi32>
        %swap3A_132 = arith.index_cast %scan3A_84 : i32 to index
        %swap3A_133 = arith.constant 32 : index
        %swap3A_134 = tpu.vector_load %arg13[%swap3A_132, %swap3A_133] {strides = array<i32>} : memref<80x128xi32, #tpu.memory_space<vmem>>, vector<1x16xi32>,
        %swap3A_135 = vector.shape_cast %swap3A_134 : vector<1x16xi32> to vector<16xi32>
        %swap3A_136 = vector.shape_cast %or3A_131 : vector<16xi32> to vector<1x16xi32>
        tpu.vector_store %arg13[%swap3A_132, %swap3A_133], %swap3A_136 {strides = array<i32>} : memref<80x128xi32, #tpu.memory_space<vmem>>, vector<1x16xi32>,
        %get3A_137 = arith.index_cast %scan3A_84 : i32 to index
        %get3A_138 = arith.constant 48 : index
        %get3A_139 = tpu.vector_load %arg11[%get3A_137, %get3A_138] {strides = array<i32>} : memref<80x128xi32, #tpu.memory_space<vmem>>, vector<1x16xi32>,
        %get3A_140 = vector.shape_cast %get3A_139 : vector<1x16xi32> to vector<16xi32>
        %get3A_141 = arith.index_cast %scan3A_84 : i32 to index
        %get3A_142 = arith.constant 48 : index
        %get3A_143 = tpu.vector_load %arg12[%get3A_141, %get3A_142] {strides = array<i32>} : memref<80x128xi32, #tpu.memory_space<vmem>>, vector<1x16xi32>,
        %get3A_144 = vector.shape_cast %get3A_143 : vector<1x16xi32> to vector<16xi32>
        %shift_right_logical3A_145 = arith.constant 16 : i32
        %shift_right_logical3A_146 = vector.broadcast %shift_right_logical3A_145 : i32 to vector<16xi32>
        %shift_right_logical3A_147 = arith.shrui %get3A_140, %shift_right_logical3A_146 : vector<16xi32>
        %and3A_148 = vector.broadcast %scan3A_74 : i32 to vector<16xi32>
        %and3A_149 = arith.andi %get3A_144, %and3A_148 : vector<16xi32>
        %or3A_150 = arith.ori %shift_right_logical3A_147, %and3A_149 : vector<16xi32>
        %swap3A_151 = arith.index_cast %scan3A_84 : i32 to index
        %swap3A_152 = arith.constant 48 : index
        %swap3A_153 = tpu.vector_load %arg13[%swap3A_151, %swap3A_152] {strides = array<i32>} : memref<80x128xi32, #tpu.memory_space<vmem>>, vector<1x16xi32>,
        %swap3A_154 = vector.shape_cast %swap3A_153 : vector<1x16xi32> to vector<16xi32>
        %swap3A_155 = vector.shape_cast %or3A_150 : vector<16xi32> to vector<1x16xi32>
        tpu.vector_store %arg13[%swap3A_151, %swap3A_152], %swap3A_155 {strides = array<i32>} : memref<80x128xi32, #tpu.memory_space<vmem>>, vector<1x16xi32>,
        %get3A_156 = arith.index_cast %scan3A_84 : i32 to index
        %get3A_157 = arith.constant 64 : index
        %get3A_158 = tpu.vector_load %arg11[%get3A_156, %get3A_157] {strides = array<i32>} : memref<80x128xi32, #tpu.memory_space<vmem>>, vector<1x16xi32>,
        %get3A_159 = vector.shape_cast %get3A_158 : vector<1x16xi32> to vector<16xi32>
        %get3A_160 = arith.index_cast %scan3A_84 : i32 to index
        %get3A_161 = arith.constant 64 : index
        %get3A_162 = tpu.vector_load %arg12[%get3A_160, %get3A_161] {strides = array<i32>} : memref<80x128xi32, #tpu.memory_space<vmem>>, vector<1x16xi32>,
        %get3A_163 = vector.shape_cast %get3A_162 : vector<1x16xi32> to vector<16xi32>
        %shift_right_logical3A_164 = arith.constant 16 : i32
        %shift_right_logical3A_165 = vector.broadcast %shift_right_logical3A_164 : i32 to vector<16xi32>
        %shift_right_logical3A_166 = arith.shrui %get3A_159, %shift_right_logical3A_165 : vector<16xi32>
        %and3A_167 = vector.broadcast %scan3A_74 : i32 to vector<16xi32>
        %and3A_168 = arith.andi %get3A_163, %and3A_167 : vector<16xi32>
        %or3A_169 = arith.ori %shift_right_logical3A_166, %and3A_168 : vector<16xi32>
        %swap3A_170 = arith.index_cast %scan3A_84 : i32 to index
        %swap3A_171 = arith.constant 64 : index
        %swap3A_172 = tpu.vector_load %arg13[%swap3A_170, %swap3A_171] {strides = array<i32>} : memref<80x128xi32, #tpu.memory_space<vmem>>, vector<1x16xi32>,
        %swap3A_173 = vector.shape_cast %swap3A_172 : vector<1x16xi32> to vector<16xi32>
        %swap3A_174 = vector.shape_cast %or3A_169 : vector<16xi32> to vector<1x16xi32>
        tpu.vector_store %arg13[%swap3A_170, %swap3A_171], %swap3A_174 {strides = array<i32>} : memref<80x128xi32, #tpu.memory_space<vmem>>, vector<1x16xi32>,
        %get3A_175 = arith.index_cast %scan3A_84 : i32 to index
        %get3A_176 = arith.constant 80 : index
        %get3A_177 = tpu.vector_load %arg11[%get3A_175, %get3A_176] {strides = array<i32>} : memref<80x128xi32, #tpu.memory_space<vmem>>, vector<1x16xi32>,
        %get3A_178 = vector.shape_cast %get3A_177 : vector<1x16xi32> to vector<16xi32>
        %get3A_179 = arith.index_cast %scan3A_84 : i32 to index
        %get3A_180 = arith.constant 80 : index
        %get3A_181 = tpu.vector_load %arg12[%get3A_179, %get3A_180] {strides = array<i32>} : memref<80x128xi32, #tpu.memory_space<vmem>>, vector<1x16xi32>,
        %get3A_182 = vector.shape_cast %get3A_181 : vector<1x16xi32> to vector<16xi32>
        %shift_right_logical3A_183 = arith.constant 16 : i32
        %shift_right_logical3A_184 = vector.broadcast %shift_right_logical3A_183 : i32 to vector<16xi32>
        %shift_right_logical3A_185 = arith.shrui %get3A_178, %shift_right_logical3A_184 : vector<16xi32>
        %and3A_186 = vector.broadcast %scan3A_74 : i32 to vector<16xi32>
        %and3A_187 = arith.andi %get3A_182, %and3A_186 : vector<16xi32>
        %or3A_188 = arith.ori %shift_right_logical3A_185, %and3A_187 : vector<16xi32>
        %swap3A_189 = arith.index_cast %scan3A_84 : i32 to index
        %swap3A_190 = arith.constant 80 : index
        %swap3A_191 = tpu.vector_load %arg13[%swap3A_189, %swap3A_190] {strides = array<i32>} : memref<80x128xi32, #tpu.memory_space<vmem>>, vector<1x16xi32>,
        %swap3A_192 = vector.shape_cast %swap3A_191 : vector<1x16xi32> to vector<16xi32>
        %swap3A_193 = vector.shape_cast %or3A_188 : vector<16xi32> to vector<1x16xi32>
        tpu.vector_store %arg13[%swap3A_189, %swap3A_190], %swap3A_193 {strides = array<i32>} : memref<80x128xi32, #tpu.memory_space<vmem>>, vector<1x16xi32>,
        %get3A_194 = arith.index_cast %scan3A_84 : i32 to index
        %get3A_195 = arith.constant 96 : index
        %get3A_196 = tpu.vector_load %arg11[%get3A_194, %get3A_195] {strides = array<i32>} : memref<80x128xi32, #tpu.memory_space<vmem>>, vector<1x16xi32>,
        %get3A_197 = vector.shape_cast %get3A_196 : vector<1x16xi32> to vector<16xi32>
        %get3A_198 = arith.index_cast %scan3A_84 : i32 to index
        %get3A_199 = arith.constant 96 : index
        %get3A_200 = tpu.vector_load %arg12[%get3A_198, %get3A_199] {strides = array<i32>} : memref<80x128xi32, #tpu.memory_space<vmem>>, vector<1x16xi32>,
        %get3A_201 = vector.shape_cast %get3A_200 : vector<1x16xi32> to vector<16xi32>
        %shift_right_logical3A_202 = arith.constant 16 : i32
        %shift_right_logical3A_203 = vector.broadcast %shift_right_logical3A_202 : i32 to vector<16xi32>
        %shift_right_logical3A_204 = arith.shrui %get3A_197, %shift_right_logical3A_203 : vector<16xi32>
        %and3A_205 = vector.broadcast %scan3A_74 : i32 to vector<16xi32>
        %and3A_206 = arith.andi %get3A_201, %and3A_205 : vector<16xi32>
        %or3A_207 = arith.ori %shift_right_logical3A_204, %and3A_206 : vector<16xi32>
        %swap3A_208 = arith.index_cast %scan3A_84 : i32 to index
        %swap3A_209 = arith.constant 96 : index
        %swap3A_210 = tpu.vector_load %arg13[%swap3A_208, %swap3A_209] {strides = array<i32>} : memref<80x128xi32, #tpu.memory_space<vmem>>, vector<1x16xi32>,
        %swap3A_211 = vector.shape_cast %swap3A_210 : vector<1x16xi32> to vector<16xi32>
        %swap3A_212 = vector.shape_cast %or3A_207 : vector<16xi32> to vector<1x16xi32>
        tpu.vector_store %arg13[%swap3A_208, %swap3A_209], %swap3A_212 {strides = array<i32>} : memref<80x128xi32, #tpu.memory_space<vmem>>, vector<1x16xi32>,
        %get3A_213 = arith.index_cast %scan3A_84 : i32 to index
        %get3A_214 = arith.constant 112 : index
        %get3A_215 = tpu.vector_load %arg11[%get3A_213, %get3A_214] {strides = array<i32>} : memref<80x128xi32, #tpu.memory_space<vmem>>, vector<1x16xi32>,
        %get3A_216 = vector.shape_cast %get3A_215 : vector<1x16xi32> to vector<16xi32>
        %get3A_217 = arith.index_cast %scan3A_84 : i32 to index
        %get3A_218 = arith.constant 112 : index
        %get3A_219 = tpu.vector_load %arg12[%get3A_217, %get3A_218] {strides = array<i32>} : memref<80x128xi32, #tpu.memory_space<vmem>>, vector<1x16xi32>,
        %get3A_220 = vector.shape_cast %get3A_219 : vector<1x16xi32> to vector<16xi32>
        %shift_right_logical3A_221 = arith.constant 16 : i32
        %shift_right_logical3A_222 = vector.broadcast %shift_right_logical3A_221 : i32 to vector<16xi32>
        %shift_right_logical3A_223 = arith.shrui %get3A_216, %shift_right_logical3A_222 : vector<16xi32>
        %and3A_224 = vector.broadcast %scan3A_74 : i32 to vector<16xi32>
        %and3A_225 = arith.andi %get3A_220, %and3A_224 : vector<16xi32>
        %or3A_226 = arith.ori %shift_right_logical3A_223, %and3A_225 : vector<16xi32>
        %swap3A_227 = arith.index_cast %scan3A_84 : i32 to index
        %swap3A_228 = arith.constant 112 : index
        %swap3A_229 = tpu.vector_load %arg13[%swap3A_227, %swap3A_228] {strides = array<i32>} : memref<80x128xi32, #tpu.memory_space<vmem>>, vector<1x16xi32>,
        %swap3A_230 = vector.shape_cast %swap3A_229 : vector<1x16xi32> to vector<16xi32>
        %swap3A_231 = vector.shape_cast %or3A_226 : vector<16xi32> to vector<1x16xi32>
        tpu.vector_store %arg13[%swap3A_227, %swap3A_228], %swap3A_231 {strides = array<i32>} : memref<80x128xi32, #tpu.memory_space<vmem>>, vector<1x16xi32>,
      }
      %scan3A_79 = arith.constant 80 : i32
      %mul3A_80 = arith.constant 80 : i32
      %mul3A_81 = arith.muli %add3A_72, %mul3A_80 : i32
      %add3A_82 = arith.addi %multiple_of3A, %mul3A_81 : i32
      %multiple_of3A_83 = tpu.assume_multiple %add3A_82, 80 : i32
      "tpu.region"() ({
        %run_scoped3A = tpu.sem_alloc : memref<!tpu.dma_semaphore, #tpu.memory_space<semaphore_mem>>
        %dma_start3A_84 = arith.constant 0 : i32
        %dma_start3A_85 = tpu.memref_slice %arg6[%multiple_of3A_83, %dma_start3A_84] : memref<51200x128xi32, #tpu.memory_space<hbm>> -> memref<80x128xi32, #tpu.memory_space<hbm>>
        %dma_start3A_86 = arith.constant 0 : i32
        %dma_start3A_87 = tpu.memref_slice %arg6[%multiple_of3A_83, %dma_start3A_86] : memref<51200x128xi32, #tpu.memory_space<hbm>> -> memref<80x128xi32, #tpu.memory_space<hbm>>
        tpu.enqueue_dma source(%arg13 : memref<80x128xi32, #tpu.memory_space<vmem>>) target(%dma_start3A_87 : memref<80x128xi32, #tpu.memory_space<hbm>>) target_semaphore(%run_scoped3A : memref<!tpu.dma_semaphore, #tpu.memory_space<semaphore_mem>>)
        %dma_wait3A_88 = arith.constant 0 : i32
        %dma_wait3A_89 = tpu.memref_slice %arg6[%multiple_of3A_83, %dma_wait3A_88] : memref<51200x128xi32, #tpu.memory_space<hbm>> -> memref<80x128xi32, #tpu.memory_space<hbm>>
        %dma_wait3A_90 = arith.constant 0 : i32
        %dma_wait3A_91 = tpu.memref_slice %arg6[%multiple_of3A_83, %dma_wait3A_90] : memref<51200x128xi32, #tpu.memory_space<hbm>> -> memref<80x128xi32, #tpu.memory_space<hbm>>
        tpu.wait_dma2 semaphore(%run_scoped3A : memref<!tpu.dma_semaphore, #tpu.memory_space<semaphore_mem>>) src(%arg13 : memref<80x128xi32, #tpu.memory_space<vmem>>) dst(%dma_wait3A_91 : memref<80x128xi32, #tpu.memory_space<hbm>>)
        tpu.yield
      }) : () -> ()
    }
    %scan3A_18 = arith.constant 10 : i32
    return
  }
}

#map = affine_map<(d0, d1) -> (0, 0)>
#map1 = affine_map<(d0, d1) -> (0)>
module attributes {stable_mosaic.version = 14 : i64} {
  func.func @k(%arg0: i32, %arg1: i32, %arg2: memref<100000x128xi32, #tpu.memory_space<hbm>>, %arg3: memref<512x128xi32, #tpu.memory_space<hbm>>, %arg4: memref<51200xi32, #tpu.memory_space<hbm>>, %arg5: memref<51200xi32, #tpu.memory_space<hbm>>, %arg6: memref<51200x128xi32, #tpu.memory_space<hbm>>, %arg7: memref<1600xi32, #tpu.memory_space<vmem>>, %arg8: memref<1600xi32, #tpu.memory_space<vmem>>, %arg9: memref<80x128xi32, #tpu.memory_space<vmem>>, %arg10: memref<80x128xi32, #tpu.memory_space<vmem>>, %arg11: memref<80x128xi32, #tpu.memory_space<vmem>>, %arg12: memref<80x128xi32, #tpu.memory_space<vmem>>, %arg13: memref<80x128xi32, #tpu.memory_space<vmem>>, %arg14: memref<512x128xi32, #tpu.memory_space<vmem_shared>>, %arg15: memref<!tpu.dma_semaphore, #tpu.memory_space<semaphore_mem>>, %arg16: memref<!tpu.dma_semaphore, #tpu.memory_space<semaphore_mem>>, %arg17: memref<!tpu.dma_semaphore, #tpu.memory_space<semaphore_mem>>, %arg18: memref<!tpu.dma_semaphore, #tpu.memory_space<semaphore_mem>>) attributes {dimension_semantics = [#tpu.dimension_semantics<core_parallel>, #tpu.dimension_semantics<subcore_parallel>], iteration_bounds = array<i64: 2, 16>, scalar_prefetch = 0 : i64, scratch_operands = 12 : i64, tpu.core_type = #tpu.core_type<sc_vector_subcore>, window_params = [{transform_indices = #map}, {transform_indices = #map}, {transform_indices = #map1}, {transform_indices = #map1}, {transform_indices = #map}]} {
    %mul3A = arith.constant 2 : i32
    %mul3A_0 = arith.muli %arg1, %mul3A : i32
    %add3A = arith.addi %mul3A_0, %arg0 : i32
    %mul3A_1 = arith.constant 1600 : i32
    %mul3A_2 = arith.muli %add3A, %mul3A_1 : i32
    %multiple_of3A = tpu.assume_multiple %mul3A_2, 1600 : i32
    %eq3A = arith.constant 0 : i32
    %eq3A_3 = arith.cmpi eq, %arg1, %eq3A : i32
    %convert_element_type3A = arith.extui %eq3A_3 : i1 to i32
    %cond3A = arith.constant 0 : i32
    %cond3A_4 = arith.cmpi ne, %convert_element_type3A, %cond3A : i32
    scf.if %cond3A_4 {
      "tpu.region"() ({
        %run_scoped3A = tpu.sem_alloc : memref<!tpu.dma_semaphore, #tpu.memory_space<semaphore_mem>>
        tpu.enqueue_dma source(%arg3 : memref<512x128xi32, #tpu.memory_space<hbm>>) target(%arg14 : memref<512x128xi32, #tpu.memory_space<vmem_shared>>) target_semaphore(%run_scoped3A : memref<!tpu.dma_semaphore, #tpu.memory_space<semaphore_mem>>)
        tpu.wait_dma2 semaphore(%run_scoped3A : memref<!tpu.dma_semaphore, #tpu.memory_space<semaphore_mem>>) src(%arg3 : memref<512x128xi32, #tpu.memory_space<hbm>>) dst(%arg14 : memref<512x128xi32, #tpu.memory_space<vmem_shared>>)
        tpu.yield
      }) : () -> ()
    } else {
    }
    "tpu.region"() ({
      %run_scoped3A = tpu.sem_alloc : memref<!tpu.dma_semaphore, #tpu.memory_space<semaphore_mem>>
      %dma_start3A_19 = tpu.memref_slice %arg4[%multiple_of3A] : memref<51200xi32, #tpu.memory_space<hbm>> -> memref<1600xi32, #tpu.memory_space<hbm>>
      %dma_start3A_20 = tpu.memref_slice %arg4[%multiple_of3A] : memref<51200xi32, #tpu.memory_space<hbm>> -> memref<1600xi32, #tpu.memory_space<hbm>>
      tpu.enqueue_dma source(%dma_start3A_20 : memref<1600xi32, #tpu.memory_space<hbm>>) target(%arg7 : memref<1600xi32, #tpu.memory_space<vmem>>) target_semaphore(%run_scoped3A : memref<!tpu.dma_semaphore, #tpu.memory_space<semaphore_mem>>)
      %dma_wait3A = tpu.memref_slice %arg4[%multiple_of3A] : memref<51200xi32, #tpu.memory_space<hbm>> -> memref<1600xi32, #tpu.memory_space<hbm>>
      %dma_wait3A_21 = tpu.memref_slice %arg4[%multiple_of3A] : memref<51200xi32, #tpu.memory_space<hbm>> -> memref<1600xi32, #tpu.memory_space<hbm>>
      tpu.wait_dma2 semaphore(%run_scoped3A : memref<!tpu.dma_semaphore, #tpu.memory_space<semaphore_mem>>) src(%dma_wait3A_21 : memref<1600xi32, #tpu.memory_space<hbm>>) dst(%arg7 : memref<1600xi32, #tpu.memory_space<vmem>>)
      tpu.yield
    }) : () -> ()
    "tpu.region"() ({
      %run_scoped3A = tpu.sem_alloc : memref<!tpu.dma_semaphore, #tpu.memory_space<semaphore_mem>>
      %dma_start3A_19 = tpu.memref_slice %arg5[%multiple_of3A] : memref<51200xi32, #tpu.memory_space<hbm>> -> memref<1600xi32, #tpu.memory_space<hbm>>
      %dma_start3A_20 = tpu.memref_slice %arg5[%multiple_of3A] : memref<51200xi32, #tpu.memory_space<hbm>> -> memref<1600xi32, #tpu.memory_space<hbm>>
      tpu.enqueue_dma source(%dma_start3A_20 : memref<1600xi32, #tpu.memory_space<hbm>>) target(%arg8 : memref<1600xi32, #tpu.memory_space<vmem>>) target_semaphore(%run_scoped3A : memref<!tpu.dma_semaphore, #tpu.memory_space<semaphore_mem>>)
      %dma_wait3A = tpu.memref_slice %arg5[%multiple_of3A] : memref<51200xi32, #tpu.memory_space<hbm>> -> memref<1600xi32, #tpu.memory_space<hbm>>
      %dma_wait3A_21 = tpu.memref_slice %arg5[%multiple_of3A] : memref<51200xi32, #tpu.memory_space<hbm>> -> memref<1600xi32, #tpu.memory_space<hbm>>
      tpu.wait_dma2 semaphore(%run_scoped3A : memref<!tpu.dma_semaphore, #tpu.memory_space<semaphore_mem>>) src(%dma_wait3A_21 : memref<1600xi32, #tpu.memory_space<hbm>>) dst(%arg8 : memref<1600xi32, #tpu.memory_space<vmem>>)
      tpu.yield
    }) : () -> ()
    %barrier3A = arith.constant 0 : index
    tpu.barrier barrier_id(%barrier3A)
    %multiple_of3A_5 = arith.constant 0 : i32
    %multiple_of3A_6 = tpu.assume_multiple %multiple_of3A_5, 80 : i32
    %dma_start3A = tpu.memref_slice %arg7[%multiple_of3A_6] : memref<1600xi32, #tpu.memory_space<vmem>> -> memref<80xi32, #tpu.memory_space<vmem>>
    %dma_start3A_7 = arith.constant 0 : i32
    %dma_start3A_8 = arith.constant 0 : i32
    %dma_start3A_9 = tpu.memref_slice %arg2[%dma_start3A_7, %dma_start3A_8] : memref<100000x128xi32, #tpu.memory_space<hbm>> -> memref<100000x128xi32, #tpu.memory_space<hbm>>
    tpu.enqueue_indirect_dma source(%dma_start3A_9 : memref<100000x128xi32, #tpu.memory_space<hbm>>) target(%arg9 : memref<80x128xi32, #tpu.memory_space<vmem>>) offsets(%dma_start3A : memref<80xi32, #tpu.memory_space<vmem>>) semaphore(%arg15 : memref<!tpu.dma_semaphore, #tpu.memory_space<semaphore_mem>>)
    %dma_start3A_10 = tpu.memref_slice %arg8[%multiple_of3A_6] : memref<1600xi32, #tpu.memory_space<vmem>> -> memref<80xi32, #tpu.memory_space<vmem>>
    %dma_start3A_11 = arith.constant 0 : i32
    %dma_start3A_12 = arith.constant 0 : i32
    %dma_start3A_13 = tpu.memref_slice %arg14[%dma_start3A_11, %dma_start3A_12] : memref<512x128xi32, #tpu.memory_space<vmem_shared>> -> memref<512x128xi32, #tpu.memory_space<vmem_shared>>
    tpu.enqueue_indirect_dma source(%dma_start3A_13 : memref<512x128xi32, #tpu.memory_space<vmem_shared>>) target(%arg10 : memref<80x128xi32, #tpu.memory_space<vmem>>) offsets(%dma_start3A_10 : memref<80xi32, #tpu.memory_space<vmem>>) semaphore(%arg16 : memref<!tpu.dma_semaphore, #tpu.memory_space<semaphore_mem>>)
    %scan3A = arith.constant 0 : i32
    %scan3A_14 = arith.constant 0 : i32
    %scan3A_15 = arith.constant 10 : i32
    %scan3A_16 = arith.addi %scan3A_14, %scan3A_15 : i32
    %scan3A_17 = arith.constant 1 : i32
    scf.for %scan3A_19 = %scan3A_14 to %scan3A_16 step %scan3A_17  : i32 {
      %mul3A_20 = arith.constant 2 : i32
      %mul3A_21 = arith.muli %mul3A_20, %scan3A_19 : i32
      %add3A_22 = arith.constant 1 : i32
      %add3A_23 = arith.addi %mul3A_21, %add3A_22 : i32
      %mul3A_24 = arith.constant 80 : i32
      %mul3A_25 = arith.muli %add3A_23, %mul3A_24 : i32
      %multiple_of3A_26 = tpu.assume_multiple %mul3A_25, 80 : i32
      %dma_start3A_27 = tpu.memref_slice %arg7[%multiple_of3A_26] : memref<1600xi32, #tpu.memory_space<vmem>> -> memref<80xi32, #tpu.memory_space<vmem>>
      %dma_start3A_28 = arith.constant 0 : i32
      %dma_start3A_29 = arith.constant 0 : i32
      %dma_start3A_30 = tpu.memref_slice %arg2[%dma_start3A_28, %dma_start3A_29] : memref<100000x128xi32, #tpu.memory_space<hbm>> -> memref<100000x128xi32, #tpu.memory_space<hbm>>
      tpu.enqueue_indirect_dma source(%dma_start3A_30 : memref<100000x128xi32, #tpu.memory_space<hbm>>) target(%arg11 : memref<80x128xi32, #tpu.memory_space<vmem>>) offsets(%dma_start3A_27 : memref<80xi32, #tpu.memory_space<vmem>>) semaphore(%arg17 : memref<!tpu.dma_semaphore, #tpu.memory_space<semaphore_mem>>)
      %dma_start3A_31 = tpu.memref_slice %arg8[%multiple_of3A_26] : memref<1600xi32, #tpu.memory_space<vmem>> -> memref<80xi32, #tpu.memory_space<vmem>>
      %dma_start3A_32 = arith.constant 0 : i32
      %dma_start3A_33 = arith.constant 0 : i32
      %dma_start3A_34 = tpu.memref_slice %arg14[%dma_start3A_32, %dma_start3A_33] : memref<512x128xi32, #tpu.memory_space<vmem_shared>> -> memref<512x128xi32, #tpu.memory_space<vmem_shared>>
      tpu.enqueue_indirect_dma source(%dma_start3A_34 : memref<512x128xi32, #tpu.memory_space<vmem_shared>>) target(%arg12 : memref<80x128xi32, #tpu.memory_space<vmem>>) offsets(%dma_start3A_31 : memref<80xi32, #tpu.memory_space<vmem>>) semaphore(%arg18 : memref<!tpu.dma_semaphore, #tpu.memory_space<semaphore_mem>>)
      %dma_wait3A = arith.constant 0 : i32
      %dma_wait3A_35 = tpu.memref_slice %arg7[%dma_wait3A] : memref<1600xi32, #tpu.memory_space<vmem>> -> memref<80xi32, #tpu.memory_space<vmem>>
      %dma_wait3A_36 = arith.constant 0 : i32
      %dma_wait3A_37 = arith.constant 0 : i32
      %dma_wait3A_38 = tpu.memref_slice %arg2[%dma_wait3A_36, %dma_wait3A_37] : memref<100000x128xi32, #tpu.memory_space<hbm>> -> memref<100000x128xi32, #tpu.memory_space<hbm>>
      tpu.wait_indirect_dma semaphore(%arg15 : memref<!tpu.dma_semaphore, #tpu.memory_space<semaphore_mem>>) src(%dma_wait3A_38 : memref<100000x128xi32, #tpu.memory_space<hbm>>) dst(%arg9 : memref<80x128xi32, #tpu.memory_space<vmem>>)
      %dma_wait3A_39 = arith.constant 0 : i32
      %dma_wait3A_40 = tpu.memref_slice %arg8[%dma_wait3A_39] : memref<1600xi32, #tpu.memory_space<vmem>> -> memref<80xi32, #tpu.memory_space<vmem>>
      %dma_wait3A_41 = arith.constant 0 : i32
      %dma_wait3A_42 = arith.constant 0 : i32
      %dma_wait3A_43 = tpu.memref_slice %arg14[%dma_wait3A_41, %dma_wait3A_42] : memref<512x128xi32, #tpu.memory_space<vmem_shared>> -> memref<512x128xi32, #tpu.memory_space<vmem_shared>>
      tpu.wait_indirect_dma semaphore(%arg16 : memref<!tpu.dma_semaphore, #tpu.memory_space<semaphore_mem>>) src(%dma_wait3A_43 : memref<512x128xi32, #tpu.memory_space<vmem_shared>>) dst(%arg10 : memref<80x128xi32, #tpu.memory_space<vmem>>)
      %scan3A_44 = arith.constant 0 : i32
      %scan3A_45 = arith.constant -65536 : i32
      %scan3A_46 = arith.constant 0 : i32
      %scan3A_47 = arith.constant 80 : i32
      %scan3A_48 = arith.addi %scan3A_46, %scan3A_47 : i32
      %scan3A_49 = arith.constant 1 : i32
      scf.for %scan3A_84 = %scan3A_46 to %scan3A_48 step %scan3A_49  : i32 {
        %get3A = arith.index_cast %scan3A_84 : i32 to index
        %get3A_85 = arith.constant 0 : index
        %get3A_86 = tpu.vector_load %arg9[%get3A, %get3A_85] {strides = array<i32>} : memref<80x128xi32, #tpu.memory_space<vmem>>, vector<1x16xi32>,
        %get3A_87 = vector.shape_cast %get3A_86 : vector<1x16xi32> to vector<16xi32>
        %get3A_88 = arith.index_cast %scan3A_84 : i32 to index
        %get3A_89 = arith.constant 0 : index
        %get3A_90 = tpu.vector_load %arg10[%get3A_88, %get3A_89] {strides = array<i32>} : memref<80x128xi32, #tpu.memory_space<vmem>>, vector<1x16xi32>,
        %get3A_91 = vector.shape_cast %get3A_90 : vector<1x16xi32> to vector<16xi32>
        %shift_right_logical3A = arith.constant 16 : i32
        %shift_right_logical3A_92 = vector.broadcast %shift_right_logical3A : i32 to vector<16xi32>
        %shift_right_logical3A_93 = arith.shrui %get3A_87, %shift_right_logical3A_92 : vector<16xi32>
        %and3A = vector.broadcast %scan3A_45 : i32 to vector<16xi32>
        %and3A_94 = arith.andi %get3A_91, %and3A : vector<16xi32>
        %or3A = arith.ori %shift_right_logical3A_93, %and3A_94 : vector<16xi32>
        %swap3A = arith.index_cast %scan3A_84 : i32 to index
        %swap3A_95 = arith.constant 0 : index
        %swap3A_96 = tpu.vector_load %arg13[%swap3A, %swap3A_95] {strides = array<i32>} : memref<80x128xi32, #tpu.memory_space<vmem>>, vector<1x16xi32>,
        %swap3A_97 = vector.shape_cast %swap3A_96 : vector<1x16xi32> to vector<16xi32>
        %swap3A_98 = vector.shape_cast %or3A : vector<16xi32> to vector<1x16xi32>
        tpu.vector_store %arg13[%swap3A, %swap3A_95], %swap3A_98 {strides = array<i32>} : memref<80x128xi32, #tpu.memory_space<vmem>>, vector<1x16xi32>,
        %get3A_99 = arith.index_cast %scan3A_84 : i32 to index
        %get3A_100 = arith.constant 16 : index
        %get3A_101 = tpu.vector_load %arg9[%get3A_99, %get3A_100] {strides = array<i32>} : memref<80x128xi32, #tpu.memory_space<vmem>>, vector<1x16xi32>,
        %get3A_102 = vector.shape_cast %get3A_101 : vector<1x16xi32> to vector<16xi32>
        %get3A_103 = arith.index_cast %scan3A_84 : i32 to index
        %get3A_104 = arith.constant 16 : index
        %get3A_105 = tpu.vector_load %arg10[%get3A_103, %get3A_104] {strides = array<i32>} : memref<80x128xi32, #tpu.memory_space<vmem>>, vector<1x16xi32>,
        %get3A_106 = vector.shape_cast %get3A_105 : vector<1x16xi32> to vector<16xi32>
        %shift_right_logical3A_107 = arith.constant 16 : i32
        %shift_right_logical3A_108 = vector.broadcast %shift_right_logical3A_107 : i32 to vector<16xi32>
        %shift_right_logical3A_109 = arith.shrui %get3A_102, %shift_right_logical3A_108 : vector<16xi32>
        %and3A_110 = vector.broadcast %scan3A_45 : i32 to vector<16xi32>
        %and3A_111 = arith.andi %get3A_106, %and3A_110 : vector<16xi32>
        %or3A_112 = arith.ori %shift_right_logical3A_109, %and3A_111 : vector<16xi32>
        %swap3A_113 = arith.index_cast %scan3A_84 : i32 to index
        %swap3A_114 = arith.constant 16 : index
        %swap3A_115 = tpu.vector_load %arg13[%swap3A_113, %swap3A_114] {strides = array<i32>} : memref<80x128xi32, #tpu.memory_space<vmem>>, vector<1x16xi32>,
        %swap3A_116 = vector.shape_cast %swap3A_115 : vector<1x16xi32> to vector<16xi32>
        %swap3A_117 = vector.shape_cast %or3A_112 : vector<16xi32> to vector<1x16xi32>
        tpu.vector_store %arg13[%swap3A_113, %swap3A_114], %swap3A_117 {strides = array<i32>} : memref<80x128xi32, #tpu.memory_space<vmem>>, vector<1x16xi32>,
        %get3A_118 = arith.index_cast %scan3A_84 : i32 to index
        %get3A_119 = arith.constant 32 : index
        %get3A_120 = tpu.vector_load %arg9[%get3A_118, %get3A_119] {strides = array<i32>} : memref<80x128xi32, #tpu.memory_space<vmem>>, vector<1x16xi32>,
        %get3A_121 = vector.shape_cast %get3A_120 : vector<1x16xi32> to vector<16xi32>
        %get3A_122 = arith.index_cast %scan3A_84 : i32 to index
        %get3A_123 = arith.constant 32 : index
        %get3A_124 = tpu.vector_load %arg10[%get3A_122, %get3A_123] {strides = array<i32>} : memref<80x128xi32, #tpu.memory_space<vmem>>, vector<1x16xi32>,
        %get3A_125 = vector.shape_cast %get3A_124 : vector<1x16xi32> to vector<16xi32>
        %shift_right_logical3A_126 = arith.constant 16 : i32
        %shift_right_logical3A_127 = vector.broadcast %shift_right_logical3A_126 : i32 to vector<16xi32>
        %shift_right_logical3A_128 = arith.shrui %get3A_121, %shift_right_logical3A_127 : vector<16xi32>
        %and3A_129 = vector.broadcast %scan3A_45 : i32 to vector<16xi32>
        %and3A_130 = arith.andi %get3A_125, %and3A_129 : vector<16xi32>
        %or3A_131 = arith.ori %shift_right_logical3A_128, %and3A_130 : vector<16xi32>
        %swap3A_132 = arith.index_cast %scan3A_84 : i32 to index
        %swap3A_133 = arith.constant 32 : index
        %swap3A_134 = tpu.vector_load %arg13[%swap3A_132, %swap3A_133] {strides = array<i32>} : memref<80x128xi32, #tpu.memory_space<vmem>>, vector<1x16xi32>,
        %swap3A_135 = vector.shape_cast %swap3A_134 : vector<1x16xi32> to vector<16xi32>
        %swap3A_136 = vector.shape_cast %or3A_131 : vector<16xi32> to vector<1x16xi32>
        tpu.vector_store %arg13[%swap3A_132, %swap3A_133], %swap3A_136 {strides = array<i32>} : memref<80x128xi32, #tpu.memory_space<vmem>>, vector<1x16xi32>,
        %get3A_137 = arith.index_cast %scan3A_84 : i32 to index
        %get3A_138 = arith.constant 48 : index
        %get3A_139 = tpu.vector_load %arg9[%get3A_137, %get3A_138] {strides = array<i32>} : memref<80x128xi32, #tpu.memory_space<vmem>>, vector<1x16xi32>,
        %get3A_140 = vector.shape_cast %get3A_139 : vector<1x16xi32> to vector<16xi32>
        %get3A_141 = arith.index_cast %scan3A_84 : i32 to index
        %get3A_142 = arith.constant 48 : index
        %get3A_143 = tpu.vector_load %arg10[%get3A_141, %get3A_142] {strides = array<i32>} : memref<80x128xi32, #tpu.memory_space<vmem>>, vector<1x16xi32>,
        %get3A_144 = vector.shape_cast %get3A_143 : vector<1x16xi32> to vector<16xi32>
        %shift_right_logical3A_145 = arith.constant 16 : i32
        %shift_right_logical3A_146 = vector.broadcast %shift_right_logical3A_145 : i32 to vector<16xi32>
        %shift_right_logical3A_147 = arith.shrui %get3A_140, %shift_right_logical3A_146 : vector<16xi32>
        %and3A_148 = vector.broadcast %scan3A_45 : i32 to vector<16xi32>
        %and3A_149 = arith.andi %get3A_144, %and3A_148 : vector<16xi32>
        %or3A_150 = arith.ori %shift_right_logical3A_147, %and3A_149 : vector<16xi32>
        %swap3A_151 = arith.index_cast %scan3A_84 : i32 to index
        %swap3A_152 = arith.constant 48 : index
        %swap3A_153 = tpu.vector_load %arg13[%swap3A_151, %swap3A_152] {strides = array<i32>} : memref<80x128xi32, #tpu.memory_space<vmem>>, vector<1x16xi32>,
        %swap3A_154 = vector.shape_cast %swap3A_153 : vector<1x16xi32> to vector<16xi32>
        %swap3A_155 = vector.shape_cast %or3A_150 : vector<16xi32> to vector<1x16xi32>
        tpu.vector_store %arg13[%swap3A_151, %swap3A_152], %swap3A_155 {strides = array<i32>} : memref<80x128xi32, #tpu.memory_space<vmem>>, vector<1x16xi32>,
        %get3A_156 = arith.index_cast %scan3A_84 : i32 to index
        %get3A_157 = arith.constant 64 : index
        %get3A_158 = tpu.vector_load %arg9[%get3A_156, %get3A_157] {strides = array<i32>} : memref<80x128xi32, #tpu.memory_space<vmem>>, vector<1x16xi32>,
        %get3A_159 = vector.shape_cast %get3A_158 : vector<1x16xi32> to vector<16xi32>
        %get3A_160 = arith.index_cast %scan3A_84 : i32 to index
        %get3A_161 = arith.constant 64 : index
        %get3A_162 = tpu.vector_load %arg10[%get3A_160, %get3A_161] {strides = array<i32>} : memref<80x128xi32, #tpu.memory_space<vmem>>, vector<1x16xi32>,
        %get3A_163 = vector.shape_cast %get3A_162 : vector<1x16xi32> to vector<16xi32>
        %shift_right_logical3A_164 = arith.constant 16 : i32
        %shift_right_logical3A_165 = vector.broadcast %shift_right_logical3A_164 : i32 to vector<16xi32>
        %shift_right_logical3A_166 = arith.shrui %get3A_159, %shift_right_logical3A_165 : vector<16xi32>
        %and3A_167 = vector.broadcast %scan3A_45 : i32 to vector<16xi32>
        %and3A_168 = arith.andi %get3A_163, %and3A_167 : vector<16xi32>
        %or3A_169 = arith.ori %shift_right_logical3A_166, %and3A_168 : vector<16xi32>
        %swap3A_170 = arith.index_cast %scan3A_84 : i32 to index
        %swap3A_171 = arith.constant 64 : index
        %swap3A_172 = tpu.vector_load %arg13[%swap3A_170, %swap3A_171] {strides = array<i32>} : memref<80x128xi32, #tpu.memory_space<vmem>>, vector<1x16xi32>,
        %swap3A_173 = vector.shape_cast %swap3A_172 : vector<1x16xi32> to vector<16xi32>
        %swap3A_174 = vector.shape_cast %or3A_169 : vector<16xi32> to vector<1x16xi32>
        tpu.vector_store %arg13[%swap3A_170, %swap3A_171], %swap3A_174 {strides = array<i32>} : memref<80x128xi32, #tpu.memory_space<vmem>>, vector<1x16xi32>,
        %get3A_175 = arith.index_cast %scan3A_84 : i32 to index
        %get3A_176 = arith.constant 80 : index
        %get3A_177 = tpu.vector_load %arg9[%get3A_175, %get3A_176] {strides = array<i32>} : memref<80x128xi32, #tpu.memory_space<vmem>>, vector<1x16xi32>,
        %get3A_178 = vector.shape_cast %get3A_177 : vector<1x16xi32> to vector<16xi32>
        %get3A_179 = arith.index_cast %scan3A_84 : i32 to index
        %get3A_180 = arith.constant 80 : index
        %get3A_181 = tpu.vector_load %arg10[%get3A_179, %get3A_180] {strides = array<i32>} : memref<80x128xi32, #tpu.memory_space<vmem>>, vector<1x16xi32>,
        %get3A_182 = vector.shape_cast %get3A_181 : vector<1x16xi32> to vector<16xi32>
        %shift_right_logical3A_183 = arith.constant 16 : i32
        %shift_right_logical3A_184 = vector.broadcast %shift_right_logical3A_183 : i32 to vector<16xi32>
        %shift_right_logical3A_185 = arith.shrui %get3A_178, %shift_right_logical3A_184 : vector<16xi32>
        %and3A_186 = vector.broadcast %scan3A_45 : i32 to vector<16xi32>
        %and3A_187 = arith.andi %get3A_182, %and3A_186 : vector<16xi32>
        %or3A_188 = arith.ori %shift_right_logical3A_185, %and3A_187 : vector<16xi32>
        %swap3A_189 = arith.index_cast %scan3A_84 : i32 to index
        %swap3A_190 = arith.constant 80 : index
        %swap3A_191 = tpu.vector_load %arg13[%swap3A_189, %swap3A_190] {strides = array<i32>} : memref<80x128xi32, #tpu.memory_space<vmem>>, vector<1x16xi32>,
        %swap3A_192 = vector.shape_cast %swap3A_191 : vector<1x16xi32> to vector<16xi32>
        %swap3A_193 = vector.shape_cast %or3A_188 : vector<16xi32> to vector<1x16xi32>
        tpu.vector_store %arg13[%swap3A_189, %swap3A_190], %swap3A_193 {strides = array<i32>} : memref<80x128xi32, #tpu.memory_space<vmem>>, vector<1x16xi32>,
        %get3A_194 = arith.index_cast %scan3A_84 : i32 to index
        %get3A_195 = arith.constant 96 : index
        %get3A_196 = tpu.vector_load %arg9[%get3A_194, %get3A_195] {strides = array<i32>} : memref<80x128xi32, #tpu.memory_space<vmem>>, vector<1x16xi32>,
        %get3A_197 = vector.shape_cast %get3A_196 : vector<1x16xi32> to vector<16xi32>
        %get3A_198 = arith.index_cast %scan3A_84 : i32 to index
        %get3A_199 = arith.constant 96 : index
        %get3A_200 = tpu.vector_load %arg10[%get3A_198, %get3A_199] {strides = array<i32>} : memref<80x128xi32, #tpu.memory_space<vmem>>, vector<1x16xi32>,
        %get3A_201 = vector.shape_cast %get3A_200 : vector<1x16xi32> to vector<16xi32>
        %shift_right_logical3A_202 = arith.constant 16 : i32
        %shift_right_logical3A_203 = vector.broadcast %shift_right_logical3A_202 : i32 to vector<16xi32>
        %shift_right_logical3A_204 = arith.shrui %get3A_197, %shift_right_logical3A_203 : vector<16xi32>
        %and3A_205 = vector.broadcast %scan3A_45 : i32 to vector<16xi32>
        %and3A_206 = arith.andi %get3A_201, %and3A_205 : vector<16xi32>
        %or3A_207 = arith.ori %shift_right_logical3A_204, %and3A_206 : vector<16xi32>
        %swap3A_208 = arith.index_cast %scan3A_84 : i32 to index
        %swap3A_209 = arith.constant 96 : index
        %swap3A_210 = tpu.vector_load %arg13[%swap3A_208, %swap3A_209] {strides = array<i32>} : memref<80x128xi32, #tpu.memory_space<vmem>>, vector<1x16xi32>,
        %swap3A_211 = vector.shape_cast %swap3A_210 : vector<1x16xi32> to vector<16xi32>
        %swap3A_212 = vector.shape_cast %or3A_207 : vector<16xi32> to vector<1x16xi32>
        tpu.vector_store %arg13[%swap3A_208, %swap3A_209], %swap3A_212 {strides = array<i32>} : memref<80x128xi32, #tpu.memory_space<vmem>>, vector<1x16xi32>,
        %get3A_213 = arith.index_cast %scan3A_84 : i32 to index
        %get3A_214 = arith.constant 112 : index
        %get3A_215 = tpu.vector_load %arg9[%get3A_213, %get3A_214] {strides = array<i32>} : memref<80x128xi32, #tpu.memory_space<vmem>>, vector<1x16xi32>,
        %get3A_216 = vector.shape_cast %get3A_215 : vector<1x16xi32> to vector<16xi32>
        %get3A_217 = arith.index_cast %scan3A_84 : i32 to index
        %get3A_218 = arith.constant 112 : index
        %get3A_219 = tpu.vector_load %arg10[%get3A_217, %get3A_218] {strides = array<i32>} : memref<80x128xi32, #tpu.memory_space<vmem>>, vector<1x16xi32>,
        %get3A_220 = vector.shape_cast %get3A_219 : vector<1x16xi32> to vector<16xi32>
        %shift_right_logical3A_221 = arith.constant 16 : i32
        %shift_right_logical3A_222 = vector.broadcast %shift_right_logical3A_221 : i32 to vector<16xi32>
        %shift_right_logical3A_223 = arith.shrui %get3A_216, %shift_right_logical3A_222 : vector<16xi32>
        %and3A_224 = vector.broadcast %scan3A_45 : i32 to vector<16xi32>
        %and3A_225 = arith.andi %get3A_220, %and3A_224 : vector<16xi32>
        %or3A_226 = arith.ori %shift_right_logical3A_223, %and3A_225 : vector<16xi32>
        %swap3A_227 = arith.index_cast %scan3A_84 : i32 to index
        %swap3A_228 = arith.constant 112 : index
        %swap3A_229 = tpu.vector_load %arg13[%swap3A_227, %swap3A_228] {strides = array<i32>} : memref<80x128xi32, #tpu.memory_space<vmem>>, vector<1x16xi32>,
        %swap3A_230 = vector.shape_cast %swap3A_229 : vector<1x16xi32> to vector<16xi32>
        %swap3A_231 = vector.shape_cast %or3A_226 : vector<16xi32> to vector<1x16xi32>
        tpu.vector_store %arg13[%swap3A_227, %swap3A_228], %swap3A_231 {strides = array<i32>} : memref<80x128xi32, #tpu.memory_space<vmem>>, vector<1x16xi32>,
      }
      %scan3A_50 = arith.constant 80 : i32
      %mul3A_51 = arith.constant 80 : i32
      %mul3A_52 = arith.muli %mul3A_21, %mul3A_51 : i32
      %add3A_53 = arith.addi %multiple_of3A, %mul3A_52 : i32
      %multiple_of3A_54 = tpu.assume_multiple %add3A_53, 80 : i32
      "tpu.region"() ({
        %run_scoped3A = tpu.sem_alloc : memref<!tpu.dma_semaphore, #tpu.memory_space<semaphore_mem>>
        %dma_start3A_84 = arith.constant 0 : i32
        %dma_start3A_85 = tpu.memref_slice %arg6[%multiple_of3A_54, %dma_start3A_84] : memref<51200x128xi32, #tpu.memory_space<hbm>> -> memref<80x128xi32, #tpu.memory_space<hbm>>
        %dma_start3A_86 = arith.constant 0 : i32
        %dma_start3A_87 = tpu.memref_slice %arg6[%multiple_of3A_54, %dma_start3A_86] : memref<51200x128xi32, #tpu.memory_space<hbm>> -> memref<80x128xi32, #tpu.memory_space<hbm>>
        tpu.enqueue_dma source(%arg13 : memref<80x128xi32, #tpu.memory_space<vmem>>) target(%dma_start3A_87 : memref<80x128xi32, #tpu.memory_space<hbm>>) target_semaphore(%run_scoped3A : memref<!tpu.dma_semaphore, #tpu.memory_space<semaphore_mem>>)
        %dma_wait3A_88 = arith.constant 0 : i32
        %dma_wait3A_89 = tpu.memref_slice %arg6[%multiple_of3A_54, %dma_wait3A_88] : memref<51200x128xi32, #tpu.memory_space<hbm>> -> memref<80x128xi32, #tpu.memory_space<hbm>>
        %dma_wait3A_90 = arith.constant 0 : i32
        %dma_wait3A_91 = tpu.memref_slice %arg6[%multiple_of3A_54, %dma_wait3A_90] : memref<51200x128xi32, #tpu.memory_space<hbm>> -> memref<80x128xi32, #tpu.memory_space<hbm>>
        tpu.wait_dma2 semaphore(%run_scoped3A : memref<!tpu.dma_semaphore, #tpu.memory_space<semaphore_mem>>) src(%arg13 : memref<80x128xi32, #tpu.memory_space<vmem>>) dst(%dma_wait3A_91 : memref<80x128xi32, #tpu.memory_space<hbm>>)
        tpu.yield
      }) : () -> ()
      %add3A_55 = arith.constant 2 : i32
      %add3A_56 = arith.addi %mul3A_21, %add3A_55 : i32
      %lt3A = arith.constant 20 : i32
      %lt3A_57 = arith.cmpi slt, %add3A_56, %lt3A : i32
      %convert_element_type3A_58 = arith.extui %lt3A_57 : i1 to i32
      %cond3A_59 = arith.constant 0 : i32
      %cond3A_60 = arith.cmpi ne, %convert_element_type3A_58, %cond3A_59 : i32
      scf.if %cond3A_60 {
        %add3A_84 = arith.constant 2 : i32
        %add3A_85 = arith.addi %mul3A_21, %add3A_84 : i32
        %mul3A_86 = arith.constant 80 : i32
        %mul3A_87 = arith.muli %add3A_85, %mul3A_86 : i32
        %multiple_of3A_88 = tpu.assume_multiple %mul3A_87, 80 : i32
        %dma_start3A_89 = tpu.memref_slice %arg7[%multiple_of3A_88] : memref<1600xi32, #tpu.memory_space<vmem>> -> memref<80xi32, #tpu.memory_space<vmem>>
        %dma_start3A_90 = arith.constant 0 : i32
        %dma_start3A_91 = arith.constant 0 : i32
        %dma_start3A_92 = tpu.memref_slice %arg2[%dma_start3A_90, %dma_start3A_91] : memref<100000x128xi32, #tpu.memory_space<hbm>> -> memref<100000x128xi32, #tpu.memory_space<hbm>>
        tpu.enqueue_indirect_dma source(%dma_start3A_92 : memref<100000x128xi32, #tpu.memory_space<hbm>>) target(%arg9 : memref<80x128xi32, #tpu.memory_space<vmem>>) offsets(%dma_start3A_89 : memref<80xi32, #tpu.memory_space<vmem>>) semaphore(%arg15 : memref<!tpu.dma_semaphore, #tpu.memory_space<semaphore_mem>>)
        %dma_start3A_93 = tpu.memref_slice %arg8[%multiple_of3A_88] : memref<1600xi32, #tpu.memory_space<vmem>> -> memref<80xi32, #tpu.memory_space<vmem>>
        %dma_start3A_94 = arith.constant 0 : i32
        %dma_start3A_95 = arith.constant 0 : i32
        %dma_start3A_96 = tpu.memref_slice %arg14[%dma_start3A_94, %dma_start3A_95] : memref<512x128xi32, #tpu.memory_space<vmem_shared>> -> memref<512x128xi32, #tpu.memory_space<vmem_shared>>
        tpu.enqueue_indirect_dma source(%dma_start3A_96 : memref<512x128xi32, #tpu.memory_space<vmem_shared>>) target(%arg10 : memref<80x128xi32, #tpu.memory_space<vmem>>) offsets(%dma_start3A_93 : memref<80xi32, #tpu.memory_space<vmem>>) semaphore(%arg16 : memref<!tpu.dma_semaphore, #tpu.memory_space<semaphore_mem>>)
      } else {
      }
      %dma_wait3A_61 = arith.constant 0 : i32
      %dma_wait3A_62 = tpu.memref_slice %arg7[%dma_wait3A_61] : memref<1600xi32, #tpu.memory_space<vmem>> -> memref<80xi32, #tpu.memory_space<vmem>>
      %dma_wait3A_63 = arith.constant 0 : i32
      %dma_wait3A_64 = arith.constant 0 : i32
      %dma_wait3A_65 = tpu.memref_slice %arg2[%dma_wait3A_63, %dma_wait3A_64] : memref<100000x128xi32, #tpu.memory_space<hbm>> -> memref<100000x128xi32, #tpu.memory_space<hbm>>
      tpu.wait_indirect_dma semaphore(%arg17 : memref<!tpu.dma_semaphore, #tpu.memory_space<semaphore_mem>>) src(%dma_wait3A_65 : memref<100000x128xi32, #tpu.memory_space<hbm>>) dst(%arg11 : memref<80x128xi32, #tpu.memory_space<vmem>>)
      %dma_wait3A_66 = arith.constant 0 : i32
      %dma_wait3A_67 = tpu.memref_slice %arg8[%dma_wait3A_66] : memref<1600xi32, #tpu.memory_space<vmem>> -> memref<80xi32, #tpu.memory_space<vmem>>
      %dma_wait3A_68 = arith.constant 0 : i32
      %dma_wait3A_69 = arith.constant 0 : i32
      %dma_wait3A_70 = tpu.memref_slice %arg14[%dma_wait3A_68, %dma_wait3A_69] : memref<512x128xi32, #tpu.memory_space<vmem_shared>> -> memref<512x128xi32, #tpu.memory_space<vmem_shared>>
      tpu.wait_indirect_dma semaphore(%arg18 : memref<!tpu.dma_semaphore, #tpu.memory_space<semaphore_mem>>) src(%dma_wait3A_70 : memref<512x128xi32, #tpu.memory_space<vmem_shared>>) dst(%arg12 : memref<80x128xi32, #tpu.memory_space<vmem>>)
      %add3A_71 = arith.constant 1 : i32
      %add3A_72 = arith.addi %mul3A_21, %add3A_71 : i32
      %scan3A_73 = arith.constant 0 : i32
      %scan3A_74 = arith.constant -65536 : i32
      %scan3A_75 = arith.constant 0 : i32
      %scan3A_76 = arith.constant 80 : i32
      %scan3A_77 = arith.addi %scan3A_75, %scan3A_76 : i32
      %scan3A_78 = arith.constant 1 : i32
      scf.for %scan3A_84 = %scan3A_75 to %scan3A_77 step %scan3A_78  : i32 {
        %get3A = arith.index_cast %scan3A_84 : i32 to index
        %get3A_85 = arith.constant 0 : index
        %get3A_86 = tpu.vector_load %arg11[%get3A, %get3A_85] {strides = array<i32>} : memref<80x128xi32, #tpu.memory_space<vmem>>, vector<1x16xi32>,
        %get3A_87 = vector.shape_cast %get3A_86 : vector<1x16xi32> to vector<16xi32>
        %get3A_88 = arith.index_cast %scan3A_84 : i32 to index
        %get3A_89 = arith.constant 0 : index
        %get3A_90 = tpu.vector_load %arg12[%get3A_88, %get3A_89] {strides = array<i32>} : memref<80x128xi32, #tpu.memory_space<vmem>>, vector<1x16xi32>,
        %get3A_91 = vector.shape_cast %get3A_90 : vector<1x16xi32> to vector<16xi32>
        %shift_right_logical3A = arith.constant 16 : i32
        %shift_right_logical3A_92 = vector.broadcast %shift_right_logical3A : i32 to vector<16xi32>
        %shift_right_logical3A_93 = arith.shrui %get3A_87, %shift_right_logical3A_92 : vector<16xi32>
        %and3A = vector.broadcast %scan3A_74 : i32 to vector<16xi32>
        %and3A_94 = arith.andi %get3A_91, %and3A : vector<16xi32>
        %or3A = arith.ori %shift_right_logical3A_93, %and3A_94 : vector<16xi32>
        %swap3A = arith.index_cast %scan3A_84 : i32 to index
        %swap3A_95 = arith.constant 0 : index
        %swap3A_96 = tpu.vector_load %arg13[%swap3A, %swap3A_95] {strides = array<i32>} : memref<80x128xi32, #tpu.memory_space<vmem>>, vector<1x16xi32>,
        %swap3A_97 = vector.shape_cast %swap3A_96 : vector<1x16xi32> to vector<16xi32>
        %swap3A_98 = vector.shape_cast %or3A : vector<16xi32> to vector<1x16xi32>
        tpu.vector_store %arg13[%swap3A, %swap3A_95], %swap3A_98 {strides = array<i32>} : memref<80x128xi32, #tpu.memory_space<vmem>>, vector<1x16xi32>,
        %get3A_99 = arith.index_cast %scan3A_84 : i32 to index
        %get3A_100 = arith.constant 16 : index
        %get3A_101 = tpu.vector_load %arg11[%get3A_99, %get3A_100] {strides = array<i32>} : memref<80x128xi32, #tpu.memory_space<vmem>>, vector<1x16xi32>,
        %get3A_102 = vector.shape_cast %get3A_101 : vector<1x16xi32> to vector<16xi32>
        %get3A_103 = arith.index_cast %scan3A_84 : i32 to index
        %get3A_104 = arith.constant 16 : index
        %get3A_105 = tpu.vector_load %arg12[%get3A_103, %get3A_104] {strides = array<i32>} : memref<80x128xi32, #tpu.memory_space<vmem>>, vector<1x16xi32>,
        %get3A_106 = vector.shape_cast %get3A_105 : vector<1x16xi32> to vector<16xi32>
        %shift_right_logical3A_107 = arith.constant 16 : i32
        %shift_right_logical3A_108 = vector.broadcast %shift_right_logical3A_107 : i32 to vector<16xi32>
        %shift_right_logical3A_109 = arith.shrui %get3A_102, %shift_right_logical3A_108 : vector<16xi32>
        %and3A_110 = vector.broadcast %scan3A_74 : i32 to vector<16xi32>
        %and3A_111 = arith.andi %get3A_106, %and3A_110 : vector<16xi32>
        %or3A_112 = arith.ori %shift_right_logical3A_109, %and3A_111 : vector<16xi32>
        %swap3A_113 = arith.index_cast %scan3A_84 : i32 to index
        %swap3A_114 = arith.constant 16 : index
        %swap3A_115 = tpu.vector_load %arg13[%swap3A_113, %swap3A_114] {strides = array<i32>} : memref<80x128xi32, #tpu.memory_space<vmem>>, vector<1x16xi32>,
        %swap3A_116 = vector.shape_cast %swap3A_115 : vector<1x16xi32> to vector<16xi32>
        %swap3A_117 = vector.shape_cast %or3A_112 : vector<16xi32> to vector<1x16xi32>
        tpu.vector_store %arg13[%swap3A_113, %swap3A_114], %swap3A_117 {strides = array<i32>} : memref<80x128xi32, #tpu.memory_space<vmem>>, vector<1x16xi32>,
        %get3A_118 = arith.index_cast %scan3A_84 : i32 to index
        %get3A_119 = arith.constant 32 : index
        %get3A_120 = tpu.vector_load %arg11[%get3A_118, %get3A_119] {strides = array<i32>} : memref<80x128xi32, #tpu.memory_space<vmem>>, vector<1x16xi32>,
        %get3A_121 = vector.shape_cast %get3A_120 : vector<1x16xi32> to vector<16xi32>
        %get3A_122 = arith.index_cast %scan3A_84 : i32 to index
        %get3A_123 = arith.constant 32 : index
        %get3A_124 = tpu.vector_load %arg12[%get3A_122, %get3A_123] {strides = array<i32>} : memref<80x128xi32, #tpu.memory_space<vmem>>, vector<1x16xi32>,
        %get3A_125 = vector.shape_cast %get3A_124 : vector<1x16xi32> to vector<16xi32>
        %shift_right_logical3A_126 = arith.constant 16 : i32
        %shift_right_logical3A_127 = vector.broadcast %shift_right_logical3A_126 : i32 to vector<16xi32>
        %shift_right_logical3A_128 = arith.shrui %get3A_121, %shift_right_logical3A_127 : vector<16xi32>
        %and3A_129 = vector.broadcast %scan3A_74 : i32 to vector<16xi32>
        %and3A_130 = arith.andi %get3A_125, %and3A_129 : vector<16xi32>
        %or3A_131 = arith.ori %shift_right_logical3A_128, %and3A_130 : vector<16xi32>
        %swap3A_132 = arith.index_cast %scan3A_84 : i32 to index
        %swap3A_133 = arith.constant 32 : index
        %swap3A_134 = tpu.vector_load %arg13[%swap3A_132, %swap3A_133] {strides = array<i32>} : memref<80x128xi32, #tpu.memory_space<vmem>>, vector<1x16xi32>,
        %swap3A_135 = vector.shape_cast %swap3A_134 : vector<1x16xi32> to vector<16xi32>
        %swap3A_136 = vector.shape_cast %or3A_131 : vector<16xi32> to vector<1x16xi32>
        tpu.vector_store %arg13[%swap3A_132, %swap3A_133], %swap3A_136 {strides = array<i32>} : memref<80x128xi32, #tpu.memory_space<vmem>>, vector<1x16xi32>,
        %get3A_137 = arith.index_cast %scan3A_84 : i32 to index
        %get3A_138 = arith.constant 48 : index
        %get3A_139 = tpu.vector_load %arg11[%get3A_137, %get3A_138] {strides = array<i32>} : memref<80x128xi32, #tpu.memory_space<vmem>>, vector<1x16xi32>,
        %get3A_140 = vector.shape_cast %get3A_139 : vector<1x16xi32> to vector<16xi32>
        %get3A_141 = arith.index_cast %scan3A_84 : i32 to index
        %get3A_142 = arith.constant 48 : index
        %get3A_143 = tpu.vector_load %arg12[%get3A_141, %get3A_142] {strides = array<i32>} : memref<80x128xi32, #tpu.memory_space<vmem>>, vector<1x16xi32>,
        %get3A_144 = vector.shape_cast %get3A_143 : vector<1x16xi32> to vector<16xi32>
        %shift_right_logical3A_145 = arith.constant 16 : i32
        %shift_right_logical3A_146 = vector.broadcast %shift_right_logical3A_145 : i32 to vector<16xi32>
        %shift_right_logical3A_147 = arith.shrui %get3A_140, %shift_right_logical3A_146 : vector<16xi32>
        %and3A_148 = vector.broadcast %scan3A_74 : i32 to vector<16xi32>
        %and3A_149 = arith.andi %get3A_144, %and3A_148 : vector<16xi32>
        %or3A_150 = arith.ori %shift_right_logical3A_147, %and3A_149 : vector<16xi32>
        %swap3A_151 = arith.index_cast %scan3A_84 : i32 to index
        %swap3A_152 = arith.constant 48 : index
        %swap3A_153 = tpu.vector_load %arg13[%swap3A_151, %swap3A_152] {strides = array<i32>} : memref<80x128xi32, #tpu.memory_space<vmem>>, vector<1x16xi32>,
        %swap3A_154 = vector.shape_cast %swap3A_153 : vector<1x16xi32> to vector<16xi32>
        %swap3A_155 = vector.shape_cast %or3A_150 : vector<16xi32> to vector<1x16xi32>
        tpu.vector_store %arg13[%swap3A_151, %swap3A_152], %swap3A_155 {strides = array<i32>} : memref<80x128xi32, #tpu.memory_space<vmem>>, vector<1x16xi32>,
        %get3A_156 = arith.index_cast %scan3A_84 : i32 to index
        %get3A_157 = arith.constant 64 : index
        %get3A_158 = tpu.vector_load %arg11[%get3A_156, %get3A_157] {strides = array<i32>} : memref<80x128xi32, #tpu.memory_space<vmem>>, vector<1x16xi32>,
        %get3A_159 = vector.shape_cast %get3A_158 : vector<1x16xi32> to vector<16xi32>
        %get3A_160 = arith.index_cast %scan3A_84 : i32 to index
        %get3A_161 = arith.constant 64 : index
        %get3A_162 = tpu.vector_load %arg12[%get3A_160, %get3A_161] {strides = array<i32>} : memref<80x128xi32, #tpu.memory_space<vmem>>, vector<1x16xi32>,
        %get3A_163 = vector.shape_cast %get3A_162 : vector<1x16xi32> to vector<16xi32>
        %shift_right_logical3A_164 = arith.constant 16 : i32
        %shift_right_logical3A_165 = vector.broadcast %shift_right_logical3A_164 : i32 to vector<16xi32>
        %shift_right_logical3A_166 = arith.shrui %get3A_159, %shift_right_logical3A_165 : vector<16xi32>
        %and3A_167 = vector.broadcast %scan3A_74 : i32 to vector<16xi32>
        %and3A_168 = arith.andi %get3A_163, %and3A_167 : vector<16xi32>
        %or3A_169 = arith.ori %shift_right_logical3A_166, %and3A_168 : vector<16xi32>
        %swap3A_170 = arith.index_cast %scan3A_84 : i32 to index
        %swap3A_171 = arith.constant 64 : index
        %swap3A_172 = tpu.vector_load %arg13[%swap3A_170, %swap3A_171] {strides = array<i32>} : memref<80x128xi32, #tpu.memory_space<vmem>>, vector<1x16xi32>,
        %swap3A_173 = vector.shape_cast %swap3A_172 : vector<1x16xi32> to vector<16xi32>
        %swap3A_174 = vector.shape_cast %or3A_169 : vector<16xi32> to vector<1x16xi32>
        tpu.vector_store %arg13[%swap3A_170, %swap3A_171], %swap3A_174 {strides = array<i32>} : memref<80x128xi32, #tpu.memory_space<vmem>>, vector<1x16xi32>,
        %get3A_175 = arith.index_cast %scan3A_84 : i32 to index
        %get3A_176 = arith.constant 80 : index
        %get3A_177 = tpu.vector_load %arg11[%get3A_175, %get3A_176] {strides = array<i32>} : memref<80x128xi32, #tpu.memory_space<vmem>>, vector<1x16xi32>,
        %get3A_178 = vector.shape_cast %get3A_177 : vector<1x16xi32> to vector<16xi32>
        %get3A_179 = arith.index_cast %scan3A_84 : i32 to index
        %get3A_180 = arith.constant 80 : index
        %get3A_181 = tpu.vector_load %arg12[%get3A_179, %get3A_180] {strides = array<i32>} : memref<80x128xi32, #tpu.memory_space<vmem>>, vector<1x16xi32>,
        %get3A_182 = vector.shape_cast %get3A_181 : vector<1x16xi32> to vector<16xi32>
        %shift_right_logical3A_183 = arith.constant 16 : i32
        %shift_right_logical3A_184 = vector.broadcast %shift_right_logical3A_183 : i32 to vector<16xi32>
        %shift_right_logical3A_185 = arith.shrui %get3A_178, %shift_right_logical3A_184 : vector<16xi32>
        %and3A_186 = vector.broadcast %scan3A_74 : i32 to vector<16xi32>
        %and3A_187 = arith.andi %get3A_182, %and3A_186 : vector<16xi32>
        %or3A_188 = arith.ori %shift_right_logical3A_185, %and3A_187 : vector<16xi32>
        %swap3A_189 = arith.index_cast %scan3A_84 : i32 to index
        %swap3A_190 = arith.constant 80 : index
        %swap3A_191 = tpu.vector_load %arg13[%swap3A_189, %swap3A_190] {strides = array<i32>} : memref<80x128xi32, #tpu.memory_space<vmem>>, vector<1x16xi32>,
        %swap3A_192 = vector.shape_cast %swap3A_191 : vector<1x16xi32> to vector<16xi32>
        %swap3A_193 = vector.shape_cast %or3A_188 : vector<16xi32> to vector<1x16xi32>
        tpu.vector_store %arg13[%swap3A_189, %swap3A_190], %swap3A_193 {strides = array<i32>} : memref<80x128xi32, #tpu.memory_space<vmem>>, vector<1x16xi32>,
        %get3A_194 = arith.index_cast %scan3A_84 : i32 to index
        %get3A_195 = arith.constant 96 : index
        %get3A_196 = tpu.vector_load %arg11[%get3A_194, %get3A_195] {strides = array<i32>} : memref<80x128xi32, #tpu.memory_space<vmem>>, vector<1x16xi32>,
        %get3A_197 = vector.shape_cast %get3A_196 : vector<1x16xi32> to vector<16xi32>
        %get3A_198 = arith.index_cast %scan3A_84 : i32 to index
        %get3A_199 = arith.constant 96 : index
        %get3A_200 = tpu.vector_load %arg12[%get3A_198, %get3A_199] {strides = array<i32>} : memref<80x128xi32, #tpu.memory_space<vmem>>, vector<1x16xi32>,
        %get3A_201 = vector.shape_cast %get3A_200 : vector<1x16xi32> to vector<16xi32>
        %shift_right_logical3A_202 = arith.constant 16 : i32
        %shift_right_logical3A_203 = vector.broadcast %shift_right_logical3A_202 : i32 to vector<16xi32>
        %shift_right_logical3A_204 = arith.shrui %get3A_197, %shift_right_logical3A_203 : vector<16xi32>
        %and3A_205 = vector.broadcast %scan3A_74 : i32 to vector<16xi32>
        %and3A_206 = arith.andi %get3A_201, %and3A_205 : vector<16xi32>
        %or3A_207 = arith.ori %shift_right_logical3A_204, %and3A_206 : vector<16xi32>
        %swap3A_208 = arith.index_cast %scan3A_84 : i32 to index
        %swap3A_209 = arith.constant 96 : index
        %swap3A_210 = tpu.vector_load %arg13[%swap3A_208, %swap3A_209] {strides = array<i32>} : memref<80x128xi32, #tpu.memory_space<vmem>>, vector<1x16xi32>,
        %swap3A_211 = vector.shape_cast %swap3A_210 : vector<1x16xi32> to vector<16xi32>
        %swap3A_212 = vector.shape_cast %or3A_207 : vector<16xi32> to vector<1x16xi32>
        tpu.vector_store %arg13[%swap3A_208, %swap3A_209], %swap3A_212 {strides = array<i32>} : memref<80x128xi32, #tpu.memory_space<vmem>>, vector<1x16xi32>,
        %get3A_213 = arith.index_cast %scan3A_84 : i32 to index
        %get3A_214 = arith.constant 112 : index
        %get3A_215 = tpu.vector_load %arg11[%get3A_213, %get3A_214] {strides = array<i32>} : memref<80x128xi32, #tpu.memory_space<vmem>>, vector<1x16xi32>,
        %get3A_216 = vector.shape_cast %get3A_215 : vector<1x16xi32> to vector<16xi32>
        %get3A_217 = arith.index_cast %scan3A_84 : i32 to index
        %get3A_218 = arith.constant 112 : index
        %get3A_219 = tpu.vector_load %arg12[%get3A_217, %get3A_218] {strides = array<i32>} : memref<80x128xi32, #tpu.memory_space<vmem>>, vector<1x16xi32>,
        %get3A_220 = vector.shape_cast %get3A_219 : vector<1x16xi32> to vector<16xi32>
        %shift_right_logical3A_221 = arith.constant 16 : i32
        %shift_right_logical3A_222 = vector.broadcast %shift_right_logical3A_221 : i32 to vector<16xi32>
        %shift_right_logical3A_223 = arith.shrui %get3A_216, %shift_right_logical3A_222 : vector<16xi32>
        %and3A_224 = vector.broadcast %scan3A_74 : i32 to vector<16xi32>
        %and3A_225 = arith.andi %get3A_220, %and3A_224 : vector<16xi32>
        %or3A_226 = arith.ori %shift_right_logical3A_223, %and3A_225 : vector<16xi32>
        %swap3A_227 = arith.index_cast %scan3A_84 : i32 to index
        %swap3A_228 = arith.constant 112 : index
        %swap3A_229 = tpu.vector_load %arg13[%swap3A_227, %swap3A_228] {strides = array<i32>} : memref<80x128xi32, #tpu.memory_space<vmem>>, vector<1x16xi32>,
        %swap3A_230 = vector.shape_cast %swap3A_229 : vector<1x16xi32> to vector<16xi32>
        %swap3A_231 = vector.shape_cast %or3A_226 : vector<16xi32> to vector<1x16xi32>
        tpu.vector_store %arg13[%swap3A_227, %swap3A_228], %swap3A_231 {strides = array<i32>} : memref<80x128xi32, #tpu.memory_space<vmem>>, vector<1x16xi32>,
      }
      %scan3A_79 = arith.constant 80 : i32
      %mul3A_80 = arith.constant 80 : i32
      %mul3A_81 = arith.muli %add3A_72, %mul3A_80 : i32
      %add3A_82 = arith.addi %multiple_of3A, %mul3A_81 : i32
      %multiple_of3A_83 = tpu.assume_multiple %add3A_82, 80 : i32
      "tpu.region"() ({
        %run_scoped3A = tpu.sem_alloc : memref<!tpu.dma_semaphore, #tpu.memory_space<semaphore_mem>>
        %dma_start3A_84 = arith.constant 0 : i32
        %dma_start3A_85 = tpu.memref_slice %arg6[%multiple_of3A_83, %dma_start3A_84] : memref<51200x128xi32, #tpu.memory_space<hbm>> -> memref<80x128xi32, #tpu.memory_space<hbm>>
        %dma_start3A_86 = arith.constant 0 : i32
        %dma_start3A_87 = tpu.memref_slice %arg6[%multiple_of3A_83, %dma_start3A_86] : memref<51200x128xi32, #tpu.memory_space<hbm>> -> memref<80x128xi32, #tpu.memory_space<hbm>>
        tpu.enqueue_dma source(%arg13 : memref<80x128xi32, #tpu.memory_space<vmem>>) target(%dma_start3A_87 : memref<80x128xi32, #tpu.memory_space<hbm>>) target_semaphore(%run_scoped3A : memref<!tpu.dma_semaphore, #tpu.memory_space<semaphore_mem>>)
        %dma_wait3A_88 = arith.constant 0 : i32
        %dma_wait3A_89 = tpu.memref_slice %arg6[%multiple_of3A_83, %dma_wait3A_88] : memref<51200x128xi32, #tpu.memory_space<hbm>> -> memref<80x128xi32, #tpu.memory_space<hbm>>
        %dma_wait3A_90 = arith.constant 0 : i32
        %dma_wait3A_91 = tpu.memref_slice %arg6[%multiple_of3A_83, %dma_wait3A_90] : memref<51200x128xi32, #tpu.memory_space<hbm>> -> memref<80x128xi32, #tpu.memory_space<hbm>>
        tpu.wait_dma2 semaphore(%run_scoped3A : memref<!tpu.dma_semaphore, #tpu.memory_space<semaphore_mem>>) src(%arg13 : memref<80x128xi32, #tpu.memory_space<vmem>>) dst(%dma_wait3A_91 : memref<80x128xi32, #tpu.memory_space<hbm>>)
        tpu.yield
      }) : () -> ()
    }
    %scan3A_18 = arith.constant 10 : i32
    return
  }
}

#map = affine_map<(d0, d1) -> (0, 0)>
#map1 = affine_map<(d0, d1) -> (0)>
module attributes {stable_mosaic.version = 14 : i64} {
  func.func @k(%arg0: i32, %arg1: i32, %arg2: memref<100000x128xi32, #tpu.memory_space<hbm>>, %arg3: memref<512x128xi32, #tpu.memory_space<hbm>>, %arg4: memref<51200xi32, #tpu.memory_space<hbm>>, %arg5: memref<51200xi32, #tpu.memory_space<hbm>>, %arg6: memref<51200x128xi32, #tpu.memory_space<hbm>>, %arg7: memref<1600xi32, #tpu.memory_space<vmem>>, %arg8: memref<1600xi32, #tpu.memory_space<vmem>>, %arg9: memref<80x128xi32, #tpu.memory_space<vmem>>, %arg10: memref<80x128xi32, #tpu.memory_space<vmem>>, %arg11: memref<80x128xi32, #tpu.memory_space<vmem>>, %arg12: memref<80x128xi32, #tpu.memory_space<vmem>>, %arg13: memref<80x128xi32, #tpu.memory_space<vmem>>, %arg14: memref<512x128xi32, #tpu.memory_space<vmem_shared>>, %arg15: memref<!tpu.dma_semaphore, #tpu.memory_space<semaphore_mem>>, %arg16: memref<!tpu.dma_semaphore, #tpu.memory_space<semaphore_mem>>, %arg17: memref<!tpu.dma_semaphore, #tpu.memory_space<semaphore_mem>>, %arg18: memref<!tpu.dma_semaphore, #tpu.memory_space<semaphore_mem>>) attributes {dimension_semantics = [#tpu.dimension_semantics<core_parallel>, #tpu.dimension_semantics<subcore_parallel>], iteration_bounds = array<i64: 2, 16>, scalar_prefetch = 0 : i64, scratch_operands = 12 : i64, tpu.core_type = #tpu.core_type<sc_vector_subcore>, window_params = [{transform_indices = #map}, {transform_indices = #map}, {transform_indices = #map1}, {transform_indices = #map1}, {transform_indices = #map}]} {
    %mul3A = arith.constant 2 : i32
    %mul3A_0 = arith.muli %arg1, %mul3A : i32
    %add3A = arith.addi %mul3A_0, %arg0 : i32
    %mul3A_1 = arith.constant 1600 : i32
    %mul3A_2 = arith.muli %add3A, %mul3A_1 : i32
    %multiple_of3A = tpu.assume_multiple %mul3A_2, 1600 : i32
    %eq3A = arith.constant 0 : i32
    %eq3A_3 = arith.cmpi eq, %arg1, %eq3A : i32
    %convert_element_type3A = arith.extui %eq3A_3 : i1 to i32
    %cond3A = arith.constant 0 : i32
    %cond3A_4 = arith.cmpi ne, %convert_element_type3A, %cond3A : i32
    scf.if %cond3A_4 {
      "tpu.region"() ({
        %run_scoped3A = tpu.sem_alloc : memref<!tpu.dma_semaphore, #tpu.memory_space<semaphore_mem>>
        tpu.enqueue_dma source(%arg3 : memref<512x128xi32, #tpu.memory_space<hbm>>) target(%arg14 : memref<512x128xi32, #tpu.memory_space<vmem_shared>>) target_semaphore(%run_scoped3A : memref<!tpu.dma_semaphore, #tpu.memory_space<semaphore_mem>>)
        tpu.wait_dma2 semaphore(%run_scoped3A : memref<!tpu.dma_semaphore, #tpu.memory_space<semaphore_mem>>) src(%arg3 : memref<512x128xi32, #tpu.memory_space<hbm>>) dst(%arg14 : memref<512x128xi32, #tpu.memory_space<vmem_shared>>)
        tpu.yield
      }) : () -> ()
    } else {
    }
    "tpu.region"() ({
      %run_scoped3A = tpu.sem_alloc : memref<!tpu.dma_semaphore, #tpu.memory_space<semaphore_mem>>
      %dma_start3A_19 = tpu.memref_slice %arg4[%multiple_of3A] : memref<51200xi32, #tpu.memory_space<hbm>> -> memref<1600xi32, #tpu.memory_space<hbm>>
      %dma_start3A_20 = tpu.memref_slice %arg4[%multiple_of3A] : memref<51200xi32, #tpu.memory_space<hbm>> -> memref<1600xi32, #tpu.memory_space<hbm>>
      tpu.enqueue_dma source(%dma_start3A_20 : memref<1600xi32, #tpu.memory_space<hbm>>) target(%arg7 : memref<1600xi32, #tpu.memory_space<vmem>>) target_semaphore(%run_scoped3A : memref<!tpu.dma_semaphore, #tpu.memory_space<semaphore_mem>>)
      %dma_wait3A = tpu.memref_slice %arg4[%multiple_of3A] : memref<51200xi32, #tpu.memory_space<hbm>> -> memref<1600xi32, #tpu.memory_space<hbm>>
      %dma_wait3A_21 = tpu.memref_slice %arg4[%multiple_of3A] : memref<51200xi32, #tpu.memory_space<hbm>> -> memref<1600xi32, #tpu.memory_space<hbm>>
      tpu.wait_dma2 semaphore(%run_scoped3A : memref<!tpu.dma_semaphore, #tpu.memory_space<semaphore_mem>>) src(%dma_wait3A_21 : memref<1600xi32, #tpu.memory_space<hbm>>) dst(%arg7 : memref<1600xi32, #tpu.memory_space<vmem>>)
      tpu.yield
    }) : () -> ()
    "tpu.region"() ({
      %run_scoped3A = tpu.sem_alloc : memref<!tpu.dma_semaphore, #tpu.memory_space<semaphore_mem>>
      %dma_start3A_19 = tpu.memref_slice %arg5[%multiple_of3A] : memref<51200xi32, #tpu.memory_space<hbm>> -> memref<1600xi32, #tpu.memory_space<hbm>>
      %dma_start3A_20 = tpu.memref_slice %arg5[%multiple_of3A] : memref<51200xi32, #tpu.memory_space<hbm>> -> memref<1600xi32, #tpu.memory_space<hbm>>
      tpu.enqueue_dma source(%dma_start3A_20 : memref<1600xi32, #tpu.memory_space<hbm>>) target(%arg8 : memref<1600xi32, #tpu.memory_space<vmem>>) target_semaphore(%run_scoped3A : memref<!tpu.dma_semaphore, #tpu.memory_space<semaphore_mem>>)
      %dma_wait3A = tpu.memref_slice %arg5[%multiple_of3A] : memref<51200xi32, #tpu.memory_space<hbm>> -> memref<1600xi32, #tpu.memory_space<hbm>>
      %dma_wait3A_21 = tpu.memref_slice %arg5[%multiple_of3A] : memref<51200xi32, #tpu.memory_space<hbm>> -> memref<1600xi32, #tpu.memory_space<hbm>>
      tpu.wait_dma2 semaphore(%run_scoped3A : memref<!tpu.dma_semaphore, #tpu.memory_space<semaphore_mem>>) src(%dma_wait3A_21 : memref<1600xi32, #tpu.memory_space<hbm>>) dst(%arg8 : memref<1600xi32, #tpu.memory_space<vmem>>)
      tpu.yield
    }) : () -> ()
    %barrier3A = arith.constant 0 : index
    tpu.barrier barrier_id(%barrier3A)
    %multiple_of3A_5 = arith.constant 0 : i32
    %multiple_of3A_6 = tpu.assume_multiple %multiple_of3A_5, 80 : i32
    %dma_start3A = tpu.memref_slice %arg7[%multiple_of3A_6] : memref<1600xi32, #tpu.memory_space<vmem>> -> memref<80xi32, #tpu.memory_space<vmem>>
    %dma_start3A_7 = arith.constant 0 : i32
    %dma_start3A_8 = arith.constant 0 : i32
    %dma_start3A_9 = tpu.memref_slice %arg2[%dma_start3A_7, %dma_start3A_8] : memref<100000x128xi32, #tpu.memory_space<hbm>> -> memref<100000x128xi32, #tpu.memory_space<hbm>>
    tpu.enqueue_indirect_dma source(%dma_start3A_9 : memref<100000x128xi32, #tpu.memory_space<hbm>>) target(%arg9 : memref<80x128xi32, #tpu.memory_space<vmem>>) offsets(%dma_start3A : memref<80xi32, #tpu.memory_space<vmem>>) semaphore(%arg15 : memref<!tpu.dma_semaphore, #tpu.memory_space<semaphore_mem>>)
    %dma_start3A_10 = tpu.memref_slice %arg8[%multiple_of3A_6] : memref<1600xi32, #tpu.memory_space<vmem>> -> memref<80xi32, #tpu.memory_space<vmem>>
    %dma_start3A_11 = arith.constant 0 : i32
    %dma_start3A_12 = arith.constant 0 : i32
    %dma_start3A_13 = tpu.memref_slice %arg14[%dma_start3A_11, %dma_start3A_12] : memref<512x128xi32, #tpu.memory_space<vmem_shared>> -> memref<512x128xi32, #tpu.memory_space<vmem_shared>>
    tpu.enqueue_indirect_dma source(%dma_start3A_13 : memref<512x128xi32, #tpu.memory_space<vmem_shared>>) target(%arg10 : memref<80x128xi32, #tpu.memory_space<vmem>>) offsets(%dma_start3A_10 : memref<80xi32, #tpu.memory_space<vmem>>) semaphore(%arg16 : memref<!tpu.dma_semaphore, #tpu.memory_space<semaphore_mem>>)
    %scan3A = arith.constant 0 : i32
    %scan3A_14 = arith.constant 0 : i32
    %scan3A_15 = arith.constant 10 : i32
    %scan3A_16 = arith.addi %scan3A_14, %scan3A_15 : i32
    %scan3A_17 = arith.constant 1 : i32
    scf.for %scan3A_19 = %scan3A_14 to %scan3A_16 step %scan3A_17  : i32 {
      %mul3A_20 = arith.constant 2 : i32
      %mul3A_21 = arith.muli %mul3A_20, %scan3A_19 : i32
      %add3A_22 = arith.constant 1 : i32
      %add3A_23 = arith.addi %mul3A_21, %add3A_22 : i32
      %mul3A_24 = arith.constant 80 : i32
      %mul3A_25 = arith.muli %add3A_23, %mul3A_24 : i32
      %multiple_of3A_26 = tpu.assume_multiple %mul3A_25, 80 : i32
      %dma_start3A_27 = tpu.memref_slice %arg7[%multiple_of3A_26] : memref<1600xi32, #tpu.memory_space<vmem>> -> memref<80xi32, #tpu.memory_space<vmem>>
      %dma_start3A_28 = arith.constant 0 : i32
      %dma_start3A_29 = arith.constant 0 : i32
      %dma_start3A_30 = tpu.memref_slice %arg2[%dma_start3A_28, %dma_start3A_29] : memref<100000x128xi32, #tpu.memory_space<hbm>> -> memref<100000x128xi32, #tpu.memory_space<hbm>>
      tpu.enqueue_indirect_dma source(%dma_start3A_30 : memref<100000x128xi32, #tpu.memory_space<hbm>>) target(%arg11 : memref<80x128xi32, #tpu.memory_space<vmem>>) offsets(%dma_start3A_27 : memref<80xi32, #tpu.memory_space<vmem>>) semaphore(%arg17 : memref<!tpu.dma_semaphore, #tpu.memory_space<semaphore_mem>>)
      %dma_start3A_31 = tpu.memref_slice %arg8[%multiple_of3A_26] : memref<1600xi32, #tpu.memory_space<vmem>> -> memref<80xi32, #tpu.memory_space<vmem>>
      %dma_start3A_32 = arith.constant 0 : i32
      %dma_start3A_33 = arith.constant 0 : i32
      %dma_start3A_34 = tpu.memref_slice %arg14[%dma_start3A_32, %dma_start3A_33] : memref<512x128xi32, #tpu.memory_space<vmem_shared>> -> memref<512x128xi32, #tpu.memory_space<vmem_shared>>
      tpu.enqueue_indirect_dma source(%dma_start3A_34 : memref<512x128xi32, #tpu.memory_space<vmem_shared>>) target(%arg12 : memref<80x128xi32, #tpu.memory_space<vmem>>) offsets(%dma_start3A_31 : memref<80xi32, #tpu.memory_space<vmem>>) semaphore(%arg18 : memref<!tpu.dma_semaphore, #tpu.memory_space<semaphore_mem>>)
      %dma_wait3A = arith.constant 0 : i32
      %dma_wait3A_35 = tpu.memref_slice %arg7[%dma_wait3A] : memref<1600xi32, #tpu.memory_space<vmem>> -> memref<80xi32, #tpu.memory_space<vmem>>
      %dma_wait3A_36 = arith.constant 0 : i32
      %dma_wait3A_37 = arith.constant 0 : i32
      %dma_wait3A_38 = tpu.memref_slice %arg2[%dma_wait3A_36, %dma_wait3A_37] : memref<100000x128xi32, #tpu.memory_space<hbm>> -> memref<100000x128xi32, #tpu.memory_space<hbm>>
      tpu.wait_indirect_dma semaphore(%arg15 : memref<!tpu.dma_semaphore, #tpu.memory_space<semaphore_mem>>) src(%dma_wait3A_38 : memref<100000x128xi32, #tpu.memory_space<hbm>>) dst(%arg9 : memref<80x128xi32, #tpu.memory_space<vmem>>)
      %dma_wait3A_39 = arith.constant 0 : i32
      %dma_wait3A_40 = tpu.memref_slice %arg8[%dma_wait3A_39] : memref<1600xi32, #tpu.memory_space<vmem>> -> memref<80xi32, #tpu.memory_space<vmem>>
      %dma_wait3A_41 = arith.constant 0 : i32
      %dma_wait3A_42 = arith.constant 0 : i32
      %dma_wait3A_43 = tpu.memref_slice %arg14[%dma_wait3A_41, %dma_wait3A_42] : memref<512x128xi32, #tpu.memory_space<vmem_shared>> -> memref<512x128xi32, #tpu.memory_space<vmem_shared>>
      tpu.wait_indirect_dma semaphore(%arg16 : memref<!tpu.dma_semaphore, #tpu.memory_space<semaphore_mem>>) src(%dma_wait3A_43 : memref<512x128xi32, #tpu.memory_space<vmem_shared>>) dst(%arg10 : memref<80x128xi32, #tpu.memory_space<vmem>>)
      %scan3A_44 = arith.constant 0 : i32
      %scan3A_45 = arith.constant -65536 : i32
      %scan3A_46 = arith.constant 0 : i32
      %scan3A_47 = arith.constant 80 : i32
      %scan3A_48 = arith.addi %scan3A_46, %scan3A_47 : i32
      %scan3A_49 = arith.constant 1 : i32
      scf.for %scan3A_84 = %scan3A_46 to %scan3A_48 step %scan3A_49  : i32 {
        %get3A = arith.index_cast %scan3A_84 : i32 to index
        %get3A_85 = arith.constant 0 : index
        %get3A_86 = tpu.vector_load %arg9[%get3A, %get3A_85] {strides = array<i32>} : memref<80x128xi32, #tpu.memory_space<vmem>>, vector<1x16xi32>,
        %get3A_87 = vector.shape_cast %get3A_86 : vector<1x16xi32> to vector<16xi32>
        %get3A_88 = arith.index_cast %scan3A_84 : i32 to index
        %get3A_89 = arith.constant 0 : index
        %get3A_90 = tpu.vector_load %arg10[%get3A_88, %get3A_89] {strides = array<i32>} : memref<80x128xi32, #tpu.memory_space<vmem>>, vector<1x16xi32>,
        %get3A_91 = vector.shape_cast %get3A_90 : vector<1x16xi32> to vector<16xi32>
        %shift_right_logical3A = arith.constant 16 : i32
        %shift_right_logical3A_92 = vector.broadcast %shift_right_logical3A : i32 to vector<16xi32>
        %shift_right_logical3A_93 = arith.shrui %get3A_87, %shift_right_logical3A_92 : vector<16xi32>
        %and3A = vector.broadcast %scan3A_45 : i32 to vector<16xi32>
        %and3A_94 = arith.andi %get3A_91, %and3A : vector<16xi32>
        %or3A = arith.ori %shift_right_logical3A_93, %and3A_94 : vector<16xi32>
        %swap3A = arith.index_cast %scan3A_84 : i32 to index
        %swap3A_95 = arith.constant 0 : index
        %swap3A_96 = tpu.vector_load %arg13[%swap3A, %swap3A_95] {strides = array<i32>} : memref<80x128xi32, #tpu.memory_space<vmem>>, vector<1x16xi32>,
        %swap3A_97 = vector.shape_cast %swap3A_96 : vector<1x16xi32> to vector<16xi32>
        %swap3A_98 = vector.shape_cast %or3A : vector<16xi32> to vector<1x16xi32>
        tpu.vector_store %arg13[%swap3A, %swap3A_95], %swap3A_98 {strides = array<i32>} : memref<80x128xi32, #tpu.memory_space<vmem>>, vector<1x16xi32>,
        %get3A_99 = arith.index_cast %scan3A_84 : i32 to index
        %get3A_100 = arith.constant 16 : index
        %get3A_101 = tpu.vector_load %arg9[%get3A_99, %get3A_100] {strides = array<i32>} : memref<80x128xi32, #tpu.memory_space<vmem>>, vector<1x16xi32>,
        %get3A_102 = vector.shape_cast %get3A_101 : vector<1x16xi32> to vector<16xi32>
        %get3A_103 = arith.index_cast %scan3A_84 : i32 to index
        %get3A_104 = arith.constant 16 : index
        %get3A_105 = tpu.vector_load %arg10[%get3A_103, %get3A_104] {strides = array<i32>} : memref<80x128xi32, #tpu.memory_space<vmem>>, vector<1x16xi32>,
        %get3A_106 = vector.shape_cast %get3A_105 : vector<1x16xi32> to vector<16xi32>
        %shift_right_logical3A_107 = arith.constant 16 : i32
        %shift_right_logical3A_108 = vector.broadcast %shift_right_logical3A_107 : i32 to vector<16xi32>
        %shift_right_logical3A_109 = arith.shrui %get3A_102, %shift_right_logical3A_108 : vector<16xi32>
        %and3A_110 = vector.broadcast %scan3A_45 : i32 to vector<16xi32>
        %and3A_111 = arith.andi %get3A_106, %and3A_110 : vector<16xi32>
        %or3A_112 = arith.ori %shift_right_logical3A_109, %and3A_111 : vector<16xi32>
        %swap3A_113 = arith.index_cast %scan3A_84 : i32 to index
        %swap3A_114 = arith.constant 16 : index
        %swap3A_115 = tpu.vector_load %arg13[%swap3A_113, %swap3A_114] {strides = array<i32>} : memref<80x128xi32, #tpu.memory_space<vmem>>, vector<1x16xi32>,
        %swap3A_116 = vector.shape_cast %swap3A_115 : vector<1x16xi32> to vector<16xi32>
        %swap3A_117 = vector.shape_cast %or3A_112 : vector<16xi32> to vector<1x16xi32>
        tpu.vector_store %arg13[%swap3A_113, %swap3A_114], %swap3A_117 {strides = array<i32>} : memref<80x128xi32, #tpu.memory_space<vmem>>, vector<1x16xi32>,
        %get3A_118 = arith.index_cast %scan3A_84 : i32 to index
        %get3A_119 = arith.constant 32 : index
        %get3A_120 = tpu.vector_load %arg9[%get3A_118, %get3A_119] {strides = array<i32>} : memref<80x128xi32, #tpu.memory_space<vmem>>, vector<1x16xi32>,
        %get3A_121 = vector.shape_cast %get3A_120 : vector<1x16xi32> to vector<16xi32>
        %get3A_122 = arith.index_cast %scan3A_84 : i32 to index
        %get3A_123 = arith.constant 32 : index
        %get3A_124 = tpu.vector_load %arg10[%get3A_122, %get3A_123] {strides = array<i32>} : memref<80x128xi32, #tpu.memory_space<vmem>>, vector<1x16xi32>,
        %get3A_125 = vector.shape_cast %get3A_124 : vector<1x16xi32> to vector<16xi32>
        %shift_right_logical3A_126 = arith.constant 16 : i32
        %shift_right_logical3A_127 = vector.broadcast %shift_right_logical3A_126 : i32 to vector<16xi32>
        %shift_right_logical3A_128 = arith.shrui %get3A_121, %shift_right_logical3A_127 : vector<16xi32>
        %and3A_129 = vector.broadcast %scan3A_45 : i32 to vector<16xi32>
        %and3A_130 = arith.andi %get3A_125, %and3A_129 : vector<16xi32>
        %or3A_131 = arith.ori %shift_right_logical3A_128, %and3A_130 : vector<16xi32>
        %swap3A_132 = arith.index_cast %scan3A_84 : i32 to index
        %swap3A_133 = arith.constant 32 : index
        %swap3A_134 = tpu.vector_load %arg13[%swap3A_132, %swap3A_133] {strides = array<i32>} : memref<80x128xi32, #tpu.memory_space<vmem>>, vector<1x16xi32>,
        %swap3A_135 = vector.shape_cast %swap3A_134 : vector<1x16xi32> to vector<16xi32>
        %swap3A_136 = vector.shape_cast %or3A_131 : vector<16xi32> to vector<1x16xi32>
        tpu.vector_store %arg13[%swap3A_132, %swap3A_133], %swap3A_136 {strides = array<i32>} : memref<80x128xi32, #tpu.memory_space<vmem>>, vector<1x16xi32>,
        %get3A_137 = arith.index_cast %scan3A_84 : i32 to index
        %get3A_138 = arith.constant 48 : index
        %get3A_139 = tpu.vector_load %arg9[%get3A_137, %get3A_138] {strides = array<i32>} : memref<80x128xi32, #tpu.memory_space<vmem>>, vector<1x16xi32>,
        %get3A_140 = vector.shape_cast %get3A_139 : vector<1x16xi32> to vector<16xi32>
        %get3A_141 = arith.index_cast %scan3A_84 : i32 to index
        %get3A_142 = arith.constant 48 : index
        %get3A_143 = tpu.vector_load %arg10[%get3A_141, %get3A_142] {strides = array<i32>} : memref<80x128xi32, #tpu.memory_space<vmem>>, vector<1x16xi32>,
        %get3A_144 = vector.shape_cast %get3A_143 : vector<1x16xi32> to vector<16xi32>
        %shift_right_logical3A_145 = arith.constant 16 : i32
        %shift_right_logical3A_146 = vector.broadcast %shift_right_logical3A_145 : i32 to vector<16xi32>
        %shift_right_logical3A_147 = arith.shrui %get3A_140, %shift_right_logical3A_146 : vector<16xi32>
        %and3A_148 = vector.broadcast %scan3A_45 : i32 to vector<16xi32>
        %and3A_149 = arith.andi %get3A_144, %and3A_148 : vector<16xi32>
        %or3A_150 = arith.ori %shift_right_logical3A_147, %and3A_149 : vector<16xi32>
        %swap3A_151 = arith.index_cast %scan3A_84 : i32 to index
        %swap3A_152 = arith.constant 48 : index
        %swap3A_153 = tpu.vector_load %arg13[%swap3A_151, %swap3A_152] {strides = array<i32>} : memref<80x128xi32, #tpu.memory_space<vmem>>, vector<1x16xi32>,
        %swap3A_154 = vector.shape_cast %swap3A_153 : vector<1x16xi32> to vector<16xi32>
        %swap3A_155 = vector.shape_cast %or3A_150 : vector<16xi32> to vector<1x16xi32>
        tpu.vector_store %arg13[%swap3A_151, %swap3A_152], %swap3A_155 {strides = array<i32>} : memref<80x128xi32, #tpu.memory_space<vmem>>, vector<1x16xi32>,
        %get3A_156 = arith.index_cast %scan3A_84 : i32 to index
        %get3A_157 = arith.constant 64 : index
        %get3A_158 = tpu.vector_load %arg9[%get3A_156, %get3A_157] {strides = array<i32>} : memref<80x128xi32, #tpu.memory_space<vmem>>, vector<1x16xi32>,
        %get3A_159 = vector.shape_cast %get3A_158 : vector<1x16xi32> to vector<16xi32>
        %get3A_160 = arith.index_cast %scan3A_84 : i32 to index
        %get3A_161 = arith.constant 64 : index
        %get3A_162 = tpu.vector_load %arg10[%get3A_160, %get3A_161] {strides = array<i32>} : memref<80x128xi32, #tpu.memory_space<vmem>>, vector<1x16xi32>,
        %get3A_163 = vector.shape_cast %get3A_162 : vector<1x16xi32> to vector<16xi32>
        %shift_right_logical3A_164 = arith.constant 16 : i32
        %shift_right_logical3A_165 = vector.broadcast %shift_right_logical3A_164 : i32 to vector<16xi32>
        %shift_right_logical3A_166 = arith.shrui %get3A_159, %shift_right_logical3A_165 : vector<16xi32>
        %and3A_167 = vector.broadcast %scan3A_45 : i32 to vector<16xi32>
        %and3A_168 = arith.andi %get3A_163, %and3A_167 : vector<16xi32>
        %or3A_169 = arith.ori %shift_right_logical3A_166, %and3A_168 : vector<16xi32>
        %swap3A_170 = arith.index_cast %scan3A_84 : i32 to index
        %swap3A_171 = arith.constant 64 : index
        %swap3A_172 = tpu.vector_load %arg13[%swap3A_170, %swap3A_171] {strides = array<i32>} : memref<80x128xi32, #tpu.memory_space<vmem>>, vector<1x16xi32>,
        %swap3A_173 = vector.shape_cast %swap3A_172 : vector<1x16xi32> to vector<16xi32>
        %swap3A_174 = vector.shape_cast %or3A_169 : vector<16xi32> to vector<1x16xi32>
        tpu.vector_store %arg13[%swap3A_170, %swap3A_171], %swap3A_174 {strides = array<i32>} : memref<80x128xi32, #tpu.memory_space<vmem>>, vector<1x16xi32>,
        %get3A_175 = arith.index_cast %scan3A_84 : i32 to index
        %get3A_176 = arith.constant 80 : index
        %get3A_177 = tpu.vector_load %arg9[%get3A_175, %get3A_176] {strides = array<i32>} : memref<80x128xi32, #tpu.memory_space<vmem>>, vector<1x16xi32>,
        %get3A_178 = vector.shape_cast %get3A_177 : vector<1x16xi32> to vector<16xi32>
        %get3A_179 = arith.index_cast %scan3A_84 : i32 to index
        %get3A_180 = arith.constant 80 : index
        %get3A_181 = tpu.vector_load %arg10[%get3A_179, %get3A_180] {strides = array<i32>} : memref<80x128xi32, #tpu.memory_space<vmem>>, vector<1x16xi32>,
        %get3A_182 = vector.shape_cast %get3A_181 : vector<1x16xi32> to vector<16xi32>
        %shift_right_logical3A_183 = arith.constant 16 : i32
        %shift_right_logical3A_184 = vector.broadcast %shift_right_logical3A_183 : i32 to vector<16xi32>
        %shift_right_logical3A_185 = arith.shrui %get3A_178, %shift_right_logical3A_184 : vector<16xi32>
        %and3A_186 = vector.broadcast %scan3A_45 : i32 to vector<16xi32>
        %and3A_187 = arith.andi %get3A_182, %and3A_186 : vector<16xi32>
        %or3A_188 = arith.ori %shift_right_logical3A_185, %and3A_187 : vector<16xi32>
        %swap3A_189 = arith.index_cast %scan3A_84 : i32 to index
        %swap3A_190 = arith.constant 80 : index
        %swap3A_191 = tpu.vector_load %arg13[%swap3A_189, %swap3A_190] {strides = array<i32>} : memref<80x128xi32, #tpu.memory_space<vmem>>, vector<1x16xi32>,
        %swap3A_192 = vector.shape_cast %swap3A_191 : vector<1x16xi32> to vector<16xi32>
        %swap3A_193 = vector.shape_cast %or3A_188 : vector<16xi32> to vector<1x16xi32>
        tpu.vector_store %arg13[%swap3A_189, %swap3A_190], %swap3A_193 {strides = array<i32>} : memref<80x128xi32, #tpu.memory_space<vmem>>, vector<1x16xi32>,
        %get3A_194 = arith.index_cast %scan3A_84 : i32 to index
        %get3A_195 = arith.constant 96 : index
        %get3A_196 = tpu.vector_load %arg9[%get3A_194, %get3A_195] {strides = array<i32>} : memref<80x128xi32, #tpu.memory_space<vmem>>, vector<1x16xi32>,
        %get3A_197 = vector.shape_cast %get3A_196 : vector<1x16xi32> to vector<16xi32>
        %get3A_198 = arith.index_cast %scan3A_84 : i32 to index
        %get3A_199 = arith.constant 96 : index
        %get3A_200 = tpu.vector_load %arg10[%get3A_198, %get3A_199] {strides = array<i32>} : memref<80x128xi32, #tpu.memory_space<vmem>>, vector<1x16xi32>,
        %get3A_201 = vector.shape_cast %get3A_200 : vector<1x16xi32> to vector<16xi32>
        %shift_right_logical3A_202 = arith.constant 16 : i32
        %shift_right_logical3A_203 = vector.broadcast %shift_right_logical3A_202 : i32 to vector<16xi32>
        %shift_right_logical3A_204 = arith.shrui %get3A_197, %shift_right_logical3A_203 : vector<16xi32>
        %and3A_205 = vector.broadcast %scan3A_45 : i32 to vector<16xi32>
        %and3A_206 = arith.andi %get3A_201, %and3A_205 : vector<16xi32>
        %or3A_207 = arith.ori %shift_right_logical3A_204, %and3A_206 : vector<16xi32>
        %swap3A_208 = arith.index_cast %scan3A_84 : i32 to index
        %swap3A_209 = arith.constant 96 : index
        %swap3A_210 = tpu.vector_load %arg13[%swap3A_208, %swap3A_209] {strides = array<i32>} : memref<80x128xi32, #tpu.memory_space<vmem>>, vector<1x16xi32>,
        %swap3A_211 = vector.shape_cast %swap3A_210 : vector<1x16xi32> to vector<16xi32>
        %swap3A_212 = vector.shape_cast %or3A_207 : vector<16xi32> to vector<1x16xi32>
        tpu.vector_store %arg13[%swap3A_208, %swap3A_209], %swap3A_212 {strides = array<i32>} : memref<80x128xi32, #tpu.memory_space<vmem>>, vector<1x16xi32>,
        %get3A_213 = arith.index_cast %scan3A_84 : i32 to index
        %get3A_214 = arith.constant 112 : index
        %get3A_215 = tpu.vector_load %arg9[%get3A_213, %get3A_214] {strides = array<i32>} : memref<80x128xi32, #tpu.memory_space<vmem>>, vector<1x16xi32>,
        %get3A_216 = vector.shape_cast %get3A_215 : vector<1x16xi32> to vector<16xi32>
        %get3A_217 = arith.index_cast %scan3A_84 : i32 to index
        %get3A_218 = arith.constant 112 : index
        %get3A_219 = tpu.vector_load %arg10[%get3A_217, %get3A_218] {strides = array<i32>} : memref<80x128xi32, #tpu.memory_space<vmem>>, vector<1x16xi32>,
        %get3A_220 = vector.shape_cast %get3A_219 : vector<1x16xi32> to vector<16xi32>
        %shift_right_logical3A_221 = arith.constant 16 : i32
        %shift_right_logical3A_222 = vector.broadcast %shift_right_logical3A_221 : i32 to vector<16xi32>
        %shift_right_logical3A_223 = arith.shrui %get3A_216, %shift_right_logical3A_222 : vector<16xi32>
        %and3A_224 = vector.broadcast %scan3A_45 : i32 to vector<16xi32>
        %and3A_225 = arith.andi %get3A_220, %and3A_224 : vector<16xi32>
        %or3A_226 = arith.ori %shift_right_logical3A_223, %and3A_225 : vector<16xi32>
        %swap3A_227 = arith.index_cast %scan3A_84 : i32 to index
        %swap3A_228 = arith.constant 112 : index
        %swap3A_229 = tpu.vector_load %arg13[%swap3A_227, %swap3A_228] {strides = array<i32>} : memref<80x128xi32, #tpu.memory_space<vmem>>, vector<1x16xi32>,
        %swap3A_230 = vector.shape_cast %swap3A_229 : vector<1x16xi32> to vector<16xi32>
        %swap3A_231 = vector.shape_cast %or3A_226 : vector<16xi32> to vector<1x16xi32>
        tpu.vector_store %arg13[%swap3A_227, %swap3A_228], %swap3A_231 {strides = array<i32>} : memref<80x128xi32, #tpu.memory_space<vmem>>, vector<1x16xi32>,
      }
      %scan3A_50 = arith.constant 80 : i32
      %mul3A_51 = arith.constant 80 : i32
      %mul3A_52 = arith.muli %mul3A_21, %mul3A_51 : i32
      %add3A_53 = arith.addi %multiple_of3A, %mul3A_52 : i32
      %multiple_of3A_54 = tpu.assume_multiple %add3A_53, 80 : i32
      "tpu.region"() ({
        %run_scoped3A = tpu.sem_alloc : memref<!tpu.dma_semaphore, #tpu.memory_space<semaphore_mem>>
        %dma_start3A_84 = arith.constant 0 : i32
        %dma_start3A_85 = tpu.memref_slice %arg6[%multiple_of3A_54, %dma_start3A_84] : memref<51200x128xi32, #tpu.memory_space<hbm>> -> memref<80x128xi32, #tpu.memory_space<hbm>>
        %dma_start3A_86 = arith.constant 0 : i32
        %dma_start3A_87 = tpu.memref_slice %arg6[%multiple_of3A_54, %dma_start3A_86] : memref<51200x128xi32, #tpu.memory_space<hbm>> -> memref<80x128xi32, #tpu.memory_space<hbm>>
        tpu.enqueue_dma source(%arg13 : memref<80x128xi32, #tpu.memory_space<vmem>>) target(%dma_start3A_87 : memref<80x128xi32, #tpu.memory_space<hbm>>) target_semaphore(%run_scoped3A : memref<!tpu.dma_semaphore, #tpu.memory_space<semaphore_mem>>)
        %dma_wait3A_88 = arith.constant 0 : i32
        %dma_wait3A_89 = tpu.memref_slice %arg6[%multiple_of3A_54, %dma_wait3A_88] : memref<51200x128xi32, #tpu.memory_space<hbm>> -> memref<80x128xi32, #tpu.memory_space<hbm>>
        %dma_wait3A_90 = arith.constant 0 : i32
        %dma_wait3A_91 = tpu.memref_slice %arg6[%multiple_of3A_54, %dma_wait3A_90] : memref<51200x128xi32, #tpu.memory_space<hbm>> -> memref<80x128xi32, #tpu.memory_space<hbm>>
        tpu.wait_dma2 semaphore(%run_scoped3A : memref<!tpu.dma_semaphore, #tpu.memory_space<semaphore_mem>>) src(%arg13 : memref<80x128xi32, #tpu.memory_space<vmem>>) dst(%dma_wait3A_91 : memref<80x128xi32, #tpu.memory_space<hbm>>)
        tpu.yield
      }) : () -> ()
      %add3A_55 = arith.constant 2 : i32
      %add3A_56 = arith.addi %mul3A_21, %add3A_55 : i32
      %lt3A = arith.constant 20 : i32
      %lt3A_57 = arith.cmpi slt, %add3A_56, %lt3A : i32
      %convert_element_type3A_58 = arith.extui %lt3A_57 : i1 to i32
      %cond3A_59 = arith.constant 0 : i32
      %cond3A_60 = arith.cmpi ne, %convert_element_type3A_58, %cond3A_59 : i32
      scf.if %cond3A_60 {
        %add3A_84 = arith.constant 2 : i32
        %add3A_85 = arith.addi %mul3A_21, %add3A_84 : i32
        %mul3A_86 = arith.constant 80 : i32
        %mul3A_87 = arith.muli %add3A_85, %mul3A_86 : i32
        %multiple_of3A_88 = tpu.assume_multiple %mul3A_87, 80 : i32
        %dma_start3A_89 = tpu.memref_slice %arg7[%multiple_of3A_88] : memref<1600xi32, #tpu.memory_space<vmem>> -> memref<80xi32, #tpu.memory_space<vmem>>
        %dma_start3A_90 = arith.constant 0 : i32
        %dma_start3A_91 = arith.constant 0 : i32
        %dma_start3A_92 = tpu.memref_slice %arg2[%dma_start3A_90, %dma_start3A_91] : memref<100000x128xi32, #tpu.memory_space<hbm>> -> memref<100000x128xi32, #tpu.memory_space<hbm>>
        tpu.enqueue_indirect_dma source(%dma_start3A_92 : memref<100000x128xi32, #tpu.memory_space<hbm>>) target(%arg9 : memref<80x128xi32, #tpu.memory_space<vmem>>) offsets(%dma_start3A_89 : memref<80xi32, #tpu.memory_space<vmem>>) semaphore(%arg15 : memref<!tpu.dma_semaphore, #tpu.memory_space<semaphore_mem>>)
        %dma_start3A_93 = tpu.memref_slice %arg8[%multiple_of3A_88] : memref<1600xi32, #tpu.memory_space<vmem>> -> memref<80xi32, #tpu.memory_space<vmem>>
        %dma_start3A_94 = arith.constant 0 : i32
        %dma_start3A_95 = arith.constant 0 : i32
        %dma_start3A_96 = tpu.memref_slice %arg14[%dma_start3A_94, %dma_start3A_95] : memref<512x128xi32, #tpu.memory_space<vmem_shared>> -> memref<512x128xi32, #tpu.memory_space<vmem_shared>>
        tpu.enqueue_indirect_dma source(%dma_start3A_96 : memref<512x128xi32, #tpu.memory_space<vmem_shared>>) target(%arg10 : memref<80x128xi32, #tpu.memory_space<vmem>>) offsets(%dma_start3A_93 : memref<80xi32, #tpu.memory_space<vmem>>) semaphore(%arg16 : memref<!tpu.dma_semaphore, #tpu.memory_space<semaphore_mem>>)
      } else {
      }
      %dma_wait3A_61 = arith.constant 0 : i32
      %dma_wait3A_62 = tpu.memref_slice %arg7[%dma_wait3A_61] : memref<1600xi32, #tpu.memory_space<vmem>> -> memref<80xi32, #tpu.memory_space<vmem>>
      %dma_wait3A_63 = arith.constant 0 : i32
      %dma_wait3A_64 = arith.constant 0 : i32
      %dma_wait3A_65 = tpu.memref_slice %arg2[%dma_wait3A_63, %dma_wait3A_64] : memref<100000x128xi32, #tpu.memory_space<hbm>> -> memref<100000x128xi32, #tpu.memory_space<hbm>>
      tpu.wait_indirect_dma semaphore(%arg17 : memref<!tpu.dma_semaphore, #tpu.memory_space<semaphore_mem>>) src(%dma_wait3A_65 : memref<100000x128xi32, #tpu.memory_space<hbm>>) dst(%arg11 : memref<80x128xi32, #tpu.memory_space<vmem>>)
      %dma_wait3A_66 = arith.constant 0 : i32
      %dma_wait3A_67 = tpu.memref_slice %arg8[%dma_wait3A_66] : memref<1600xi32, #tpu.memory_space<vmem>> -> memref<80xi32, #tpu.memory_space<vmem>>
      %dma_wait3A_68 = arith.constant 0 : i32
      %dma_wait3A_69 = arith.constant 0 : i32
      %dma_wait3A_70 = tpu.memref_slice %arg14[%dma_wait3A_68, %dma_wait3A_69] : memref<512x128xi32, #tpu.memory_space<vmem_shared>> -> memref<512x128xi32, #tpu.memory_space<vmem_shared>>
      tpu.wait_indirect_dma semaphore(%arg18 : memref<!tpu.dma_semaphore, #tpu.memory_space<semaphore_mem>>) src(%dma_wait3A_70 : memref<512x128xi32, #tpu.memory_space<vmem_shared>>) dst(%arg12 : memref<80x128xi32, #tpu.memory_space<vmem>>)
      %add3A_71 = arith.constant 1 : i32
      %add3A_72 = arith.addi %mul3A_21, %add3A_71 : i32
      %scan3A_73 = arith.constant 0 : i32
      %scan3A_74 = arith.constant -65536 : i32
      %scan3A_75 = arith.constant 0 : i32
      %scan3A_76 = arith.constant 80 : i32
      %scan3A_77 = arith.addi %scan3A_75, %scan3A_76 : i32
      %scan3A_78 = arith.constant 1 : i32
      scf.for %scan3A_84 = %scan3A_75 to %scan3A_77 step %scan3A_78  : i32 {
        %get3A = arith.index_cast %scan3A_84 : i32 to index
        %get3A_85 = arith.constant 0 : index
        %get3A_86 = tpu.vector_load %arg11[%get3A, %get3A_85] {strides = array<i32>} : memref<80x128xi32, #tpu.memory_space<vmem>>, vector<1x16xi32>,
        %get3A_87 = vector.shape_cast %get3A_86 : vector<1x16xi32> to vector<16xi32>
        %get3A_88 = arith.index_cast %scan3A_84 : i32 to index
        %get3A_89 = arith.constant 0 : index
        %get3A_90 = tpu.vector_load %arg12[%get3A_88, %get3A_89] {strides = array<i32>} : memref<80x128xi32, #tpu.memory_space<vmem>>, vector<1x16xi32>,
        %get3A_91 = vector.shape_cast %get3A_90 : vector<1x16xi32> to vector<16xi32>
        %shift_right_logical3A = arith.constant 16 : i32
        %shift_right_logical3A_92 = vector.broadcast %shift_right_logical3A : i32 to vector<16xi32>
        %shift_right_logical3A_93 = arith.shrui %get3A_87, %shift_right_logical3A_92 : vector<16xi32>
        %and3A = vector.broadcast %scan3A_74 : i32 to vector<16xi32>
        %and3A_94 = arith.andi %get3A_91, %and3A : vector<16xi32>
        %or3A = arith.ori %shift_right_logical3A_93, %and3A_94 : vector<16xi32>
        %swap3A = arith.index_cast %scan3A_84 : i32 to index
        %swap3A_95 = arith.constant 0 : index
        %swap3A_96 = tpu.vector_load %arg13[%swap3A, %swap3A_95] {strides = array<i32>} : memref<80x128xi32, #tpu.memory_space<vmem>>, vector<1x16xi32>,
        %swap3A_97 = vector.shape_cast %swap3A_96 : vector<1x16xi32> to vector<16xi32>
        %swap3A_98 = vector.shape_cast %or3A : vector<16xi32> to vector<1x16xi32>
        tpu.vector_store %arg13[%swap3A, %swap3A_95], %swap3A_98 {strides = array<i32>} : memref<80x128xi32, #tpu.memory_space<vmem>>, vector<1x16xi32>,
        %get3A_99 = arith.index_cast %scan3A_84 : i32 to index
        %get3A_100 = arith.constant 16 : index
        %get3A_101 = tpu.vector_load %arg11[%get3A_99, %get3A_100] {strides = array<i32>} : memref<80x128xi32, #tpu.memory_space<vmem>>, vector<1x16xi32>,
        %get3A_102 = vector.shape_cast %get3A_101 : vector<1x16xi32> to vector<16xi32>
        %get3A_103 = arith.index_cast %scan3A_84 : i32 to index
        %get3A_104 = arith.constant 16 : index
        %get3A_105 = tpu.vector_load %arg12[%get3A_103, %get3A_104] {strides = array<i32>} : memref<80x128xi32, #tpu.memory_space<vmem>>, vector<1x16xi32>,
        %get3A_106 = vector.shape_cast %get3A_105 : vector<1x16xi32> to vector<16xi32>
        %shift_right_logical3A_107 = arith.constant 16 : i32
        %shift_right_logical3A_108 = vector.broadcast %shift_right_logical3A_107 : i32 to vector<16xi32>
        %shift_right_logical3A_109 = arith.shrui %get3A_102, %shift_right_logical3A_108 : vector<16xi32>
        %and3A_110 = vector.broadcast %scan3A_74 : i32 to vector<16xi32>
        %and3A_111 = arith.andi %get3A_106, %and3A_110 : vector<16xi32>
        %or3A_112 = arith.ori %shift_right_logical3A_109, %and3A_111 : vector<16xi32>
        %swap3A_113 = arith.index_cast %scan3A_84 : i32 to index
        %swap3A_114 = arith.constant 16 : index
        %swap3A_115 = tpu.vector_load %arg13[%swap3A_113, %swap3A_114] {strides = array<i32>} : memref<80x128xi32, #tpu.memory_space<vmem>>, vector<1x16xi32>,
        %swap3A_116 = vector.shape_cast %swap3A_115 : vector<1x16xi32> to vector<16xi32>
        %swap3A_117 = vector.shape_cast %or3A_112 : vector<16xi32> to vector<1x16xi32>
        tpu.vector_store %arg13[%swap3A_113, %swap3A_114], %swap3A_117 {strides = array<i32>} : memref<80x128xi32, #tpu.memory_space<vmem>>, vector<1x16xi32>,
        %get3A_118 = arith.index_cast %scan3A_84 : i32 to index
        %get3A_119 = arith.constant 32 : index
        %get3A_120 = tpu.vector_load %arg11[%get3A_118, %get3A_119] {strides = array<i32>} : memref<80x128xi32, #tpu.memory_space<vmem>>, vector<1x16xi32>,
        %get3A_121 = vector.shape_cast %get3A_120 : vector<1x16xi32> to vector<16xi32>
        %get3A_122 = arith.index_cast %scan3A_84 : i32 to index
        %get3A_123 = arith.constant 32 : index
        %get3A_124 = tpu.vector_load %arg12[%get3A_122, %get3A_123] {strides = array<i32>} : memref<80x128xi32, #tpu.memory_space<vmem>>, vector<1x16xi32>,
        %get3A_125 = vector.shape_cast %get3A_124 : vector<1x16xi32> to vector<16xi32>
        %shift_right_logical3A_126 = arith.constant 16 : i32
        %shift_right_logical3A_127 = vector.broadcast %shift_right_logical3A_126 : i32 to vector<16xi32>
        %shift_right_logical3A_128 = arith.shrui %get3A_121, %shift_right_logical3A_127 : vector<16xi32>
        %and3A_129 = vector.broadcast %scan3A_74 : i32 to vector<16xi32>
        %and3A_130 = arith.andi %get3A_125, %and3A_129 : vector<16xi32>
        %or3A_131 = arith.ori %shift_right_logical3A_128, %and3A_130 : vector<16xi32>
        %swap3A_132 = arith.index_cast %scan3A_84 : i32 to index
        %swap3A_133 = arith.constant 32 : index
        %swap3A_134 = tpu.vector_load %arg13[%swap3A_132, %swap3A_133] {strides = array<i32>} : memref<80x128xi32, #tpu.memory_space<vmem>>, vector<1x16xi32>,
        %swap3A_135 = vector.shape_cast %swap3A_134 : vector<1x16xi32> to vector<16xi32>
        %swap3A_136 = vector.shape_cast %or3A_131 : vector<16xi32> to vector<1x16xi32>
        tpu.vector_store %arg13[%swap3A_132, %swap3A_133], %swap3A_136 {strides = array<i32>} : memref<80x128xi32, #tpu.memory_space<vmem>>, vector<1x16xi32>,
        %get3A_137 = arith.index_cast %scan3A_84 : i32 to index
        %get3A_138 = arith.constant 48 : index
        %get3A_139 = tpu.vector_load %arg11[%get3A_137, %get3A_138] {strides = array<i32>} : memref<80x128xi32, #tpu.memory_space<vmem>>, vector<1x16xi32>,
        %get3A_140 = vector.shape_cast %get3A_139 : vector<1x16xi32> to vector<16xi32>
        %get3A_141 = arith.index_cast %scan3A_84 : i32 to index
        %get3A_142 = arith.constant 48 : index
        %get3A_143 = tpu.vector_load %arg12[%get3A_141, %get3A_142] {strides = array<i32>} : memref<80x128xi32, #tpu.memory_space<vmem>>, vector<1x16xi32>,
        %get3A_144 = vector.shape_cast %get3A_143 : vector<1x16xi32> to vector<16xi32>
        %shift_right_logical3A_145 = arith.constant 16 : i32
        %shift_right_logical3A_146 = vector.broadcast %shift_right_logical3A_145 : i32 to vector<16xi32>
        %shift_right_logical3A_147 = arith.shrui %get3A_140, %shift_right_logical3A_146 : vector<16xi32>
        %and3A_148 = vector.broadcast %scan3A_74 : i32 to vector<16xi32>
        %and3A_149 = arith.andi %get3A_144, %and3A_148 : vector<16xi32>
        %or3A_150 = arith.ori %shift_right_logical3A_147, %and3A_149 : vector<16xi32>
        %swap3A_151 = arith.index_cast %scan3A_84 : i32 to index
        %swap3A_152 = arith.constant 48 : index
        %swap3A_153 = tpu.vector_load %arg13[%swap3A_151, %swap3A_152] {strides = array<i32>} : memref<80x128xi32, #tpu.memory_space<vmem>>, vector<1x16xi32>,
        %swap3A_154 = vector.shape_cast %swap3A_153 : vector<1x16xi32> to vector<16xi32>
        %swap3A_155 = vector.shape_cast %or3A_150 : vector<16xi32> to vector<1x16xi32>
        tpu.vector_store %arg13[%swap3A_151, %swap3A_152], %swap3A_155 {strides = array<i32>} : memref<80x128xi32, #tpu.memory_space<vmem>>, vector<1x16xi32>,
        %get3A_156 = arith.index_cast %scan3A_84 : i32 to index
        %get3A_157 = arith.constant 64 : index
        %get3A_158 = tpu.vector_load %arg11[%get3A_156, %get3A_157] {strides = array<i32>} : memref<80x128xi32, #tpu.memory_space<vmem>>, vector<1x16xi32>,
        %get3A_159 = vector.shape_cast %get3A_158 : vector<1x16xi32> to vector<16xi32>
        %get3A_160 = arith.index_cast %scan3A_84 : i32 to index
        %get3A_161 = arith.constant 64 : index
        %get3A_162 = tpu.vector_load %arg12[%get3A_160, %get3A_161] {strides = array<i32>} : memref<80x128xi32, #tpu.memory_space<vmem>>, vector<1x16xi32>,
        %get3A_163 = vector.shape_cast %get3A_162 : vector<1x16xi32> to vector<16xi32>
        %shift_right_logical3A_164 = arith.constant 16 : i32
        %shift_right_logical3A_165 = vector.broadcast %shift_right_logical3A_164 : i32 to vector<16xi32>
        %shift_right_logical3A_166 = arith.shrui %get3A_159, %shift_right_logical3A_165 : vector<16xi32>
        %and3A_167 = vector.broadcast %scan3A_74 : i32 to vector<16xi32>
        %and3A_168 = arith.andi %get3A_163, %and3A_167 : vector<16xi32>
        %or3A_169 = arith.ori %shift_right_logical3A_166, %and3A_168 : vector<16xi32>
        %swap3A_170 = arith.index_cast %scan3A_84 : i32 to index
        %swap3A_171 = arith.constant 64 : index
        %swap3A_172 = tpu.vector_load %arg13[%swap3A_170, %swap3A_171] {strides = array<i32>} : memref<80x128xi32, #tpu.memory_space<vmem>>, vector<1x16xi32>,
        %swap3A_173 = vector.shape_cast %swap3A_172 : vector<1x16xi32> to vector<16xi32>
        %swap3A_174 = vector.shape_cast %or3A_169 : vector<16xi32> to vector<1x16xi32>
        tpu.vector_store %arg13[%swap3A_170, %swap3A_171], %swap3A_174 {strides = array<i32>} : memref<80x128xi32, #tpu.memory_space<vmem>>, vector<1x16xi32>,
        %get3A_175 = arith.index_cast %scan3A_84 : i32 to index
        %get3A_176 = arith.constant 80 : index
        %get3A_177 = tpu.vector_load %arg11[%get3A_175, %get3A_176] {strides = array<i32>} : memref<80x128xi32, #tpu.memory_space<vmem>>, vector<1x16xi32>,
        %get3A_178 = vector.shape_cast %get3A_177 : vector<1x16xi32> to vector<16xi32>
        %get3A_179 = arith.index_cast %scan3A_84 : i32 to index
        %get3A_180 = arith.constant 80 : index
        %get3A_181 = tpu.vector_load %arg12[%get3A_179, %get3A_180] {strides = array<i32>} : memref<80x128xi32, #tpu.memory_space<vmem>>, vector<1x16xi32>,
        %get3A_182 = vector.shape_cast %get3A_181 : vector<1x16xi32> to vector<16xi32>
        %shift_right_logical3A_183 = arith.constant 16 : i32
        %shift_right_logical3A_184 = vector.broadcast %shift_right_logical3A_183 : i32 to vector<16xi32>
        %shift_right_logical3A_185 = arith.shrui %get3A_178, %shift_right_logical3A_184 : vector<16xi32>
        %and3A_186 = vector.broadcast %scan3A_74 : i32 to vector<16xi32>
        %and3A_187 = arith.andi %get3A_182, %and3A_186 : vector<16xi32>
        %or3A_188 = arith.ori %shift_right_logical3A_185, %and3A_187 : vector<16xi32>
        %swap3A_189 = arith.index_cast %scan3A_84 : i32 to index
        %swap3A_190 = arith.constant 80 : index
        %swap3A_191 = tpu.vector_load %arg13[%swap3A_189, %swap3A_190] {strides = array<i32>} : memref<80x128xi32, #tpu.memory_space<vmem>>, vector<1x16xi32>,
        %swap3A_192 = vector.shape_cast %swap3A_191 : vector<1x16xi32> to vector<16xi32>
        %swap3A_193 = vector.shape_cast %or3A_188 : vector<16xi32> to vector<1x16xi32>
        tpu.vector_store %arg13[%swap3A_189, %swap3A_190], %swap3A_193 {strides = array<i32>} : memref<80x128xi32, #tpu.memory_space<vmem>>, vector<1x16xi32>,
        %get3A_194 = arith.index_cast %scan3A_84 : i32 to index
        %get3A_195 = arith.constant 96 : index
        %get3A_196 = tpu.vector_load %arg11[%get3A_194, %get3A_195] {strides = array<i32>} : memref<80x128xi32, #tpu.memory_space<vmem>>, vector<1x16xi32>,
        %get3A_197 = vector.shape_cast %get3A_196 : vector<1x16xi32> to vector<16xi32>
        %get3A_198 = arith.index_cast %scan3A_84 : i32 to index
        %get3A_199 = arith.constant 96 : index
        %get3A_200 = tpu.vector_load %arg12[%get3A_198, %get3A_199] {strides = array<i32>} : memref<80x128xi32, #tpu.memory_space<vmem>>, vector<1x16xi32>,
        %get3A_201 = vector.shape_cast %get3A_200 : vector<1x16xi32> to vector<16xi32>
        %shift_right_logical3A_202 = arith.constant 16 : i32
        %shift_right_logical3A_203 = vector.broadcast %shift_right_logical3A_202 : i32 to vector<16xi32>
        %shift_right_logical3A_204 = arith.shrui %get3A_197, %shift_right_logical3A_203 : vector<16xi32>
        %and3A_205 = vector.broadcast %scan3A_74 : i32 to vector<16xi32>
        %and3A_206 = arith.andi %get3A_201, %and3A_205 : vector<16xi32>
        %or3A_207 = arith.ori %shift_right_logical3A_204, %and3A_206 : vector<16xi32>
        %swap3A_208 = arith.index_cast %scan3A_84 : i32 to index
        %swap3A_209 = arith.constant 96 : index
        %swap3A_210 = tpu.vector_load %arg13[%swap3A_208, %swap3A_209] {strides = array<i32>} : memref<80x128xi32, #tpu.memory_space<vmem>>, vector<1x16xi32>,
        %swap3A_211 = vector.shape_cast %swap3A_210 : vector<1x16xi32> to vector<16xi32>
        %swap3A_212 = vector.shape_cast %or3A_207 : vector<16xi32> to vector<1x16xi32>
        tpu.vector_store %arg13[%swap3A_208, %swap3A_209], %swap3A_212 {strides = array<i32>} : memref<80x128xi32, #tpu.memory_space<vmem>>, vector<1x16xi32>,
        %get3A_213 = arith.index_cast %scan3A_84 : i32 to index
        %get3A_214 = arith.constant 112 : index
        %get3A_215 = tpu.vector_load %arg11[%get3A_213, %get3A_214] {strides = array<i32>} : memref<80x128xi32, #tpu.memory_space<vmem>>, vector<1x16xi32>,
        %get3A_216 = vector.shape_cast %get3A_215 : vector<1x16xi32> to vector<16xi32>
        %get3A_217 = arith.index_cast %scan3A_84 : i32 to index
        %get3A_218 = arith.constant 112 : index
        %get3A_219 = tpu.vector_load %arg12[%get3A_217, %get3A_218] {strides = array<i32>} : memref<80x128xi32, #tpu.memory_space<vmem>>, vector<1x16xi32>,
        %get3A_220 = vector.shape_cast %get3A_219 : vector<1x16xi32> to vector<16xi32>
        %shift_right_logical3A_221 = arith.constant 16 : i32
        %shift_right_logical3A_222 = vector.broadcast %shift_right_logical3A_221 : i32 to vector<16xi32>
        %shift_right_logical3A_223 = arith.shrui %get3A_216, %shift_right_logical3A_222 : vector<16xi32>
        %and3A_224 = vector.broadcast %scan3A_74 : i32 to vector<16xi32>
        %and3A_225 = arith.andi %get3A_220, %and3A_224 : vector<16xi32>
        %or3A_226 = arith.ori %shift_right_logical3A_223, %and3A_225 : vector<16xi32>
        %swap3A_227 = arith.index_cast %scan3A_84 : i32 to index
        %swap3A_228 = arith.constant 112 : index
        %swap3A_229 = tpu.vector_load %arg13[%swap3A_227, %swap3A_228] {strides = array<i32>} : memref<80x128xi32, #tpu.memory_space<vmem>>, vector<1x16xi32>,
        %swap3A_230 = vector.shape_cast %swap3A_229 : vector<1x16xi32> to vector<16xi32>
        %swap3A_231 = vector.shape_cast %or3A_226 : vector<16xi32> to vector<1x16xi32>
        tpu.vector_store %arg13[%swap3A_227, %swap3A_228], %swap3A_231 {strides = array<i32>} : memref<80x128xi32, #tpu.memory_space<vmem>>, vector<1x16xi32>,
      }
      %scan3A_79 = arith.constant 80 : i32
      %mul3A_80 = arith.constant 80 : i32
      %mul3A_81 = arith.muli %add3A_72, %mul3A_80 : i32
      %add3A_82 = arith.addi %multiple_of3A, %mul3A_81 : i32
      %multiple_of3A_83 = tpu.assume_multiple %add3A_82, 80 : i32
      "tpu.region"() ({
        %run_scoped3A = tpu.sem_alloc : memref<!tpu.dma_semaphore, #tpu.memory_space<semaphore_mem>>
        %dma_start3A_84 = arith.constant 0 : i32
        %dma_start3A_85 = tpu.memref_slice %arg6[%multiple_of3A_83, %dma_start3A_84] : memref<51200x128xi32, #tpu.memory_space<hbm>> -> memref<80x128xi32, #tpu.memory_space<hbm>>
        %dma_start3A_86 = arith.constant 0 : i32
        %dma_start3A_87 = tpu.memref_slice %arg6[%multiple_of3A_83, %dma_start3A_86] : memref<51200x128xi32, #tpu.memory_space<hbm>> -> memref<80x128xi32, #tpu.memory_space<hbm>>
        tpu.enqueue_dma source(%arg13 : memref<80x128xi32, #tpu.memory_space<vmem>>) target(%dma_start3A_87 : memref<80x128xi32, #tpu.memory_space<hbm>>) target_semaphore(%run_scoped3A : memref<!tpu.dma_semaphore, #tpu.memory_space<semaphore_mem>>)
        %dma_wait3A_88 = arith.constant 0 : i32
        %dma_wait3A_89 = tpu.memref_slice %arg6[%multiple_of3A_83, %dma_wait3A_88] : memref<51200x128xi32, #tpu.memory_space<hbm>> -> memref<80x128xi32, #tpu.memory_space<hbm>>
        %dma_wait3A_90 = arith.constant 0 : i32
        %dma_wait3A_91 = tpu.memref_slice %arg6[%multiple_of3A_83, %dma_wait3A_90] : memref<51200x128xi32, #tpu.memory_space<hbm>> -> memref<80x128xi32, #tpu.memory_space<hbm>>
        tpu.wait_dma2 semaphore(%run_scoped3A : memref<!tpu.dma_semaphore, #tpu.memory_space<semaphore_mem>>) src(%arg13 : memref<80x128xi32, #tpu.memory_space<vmem>>) dst(%dma_wait3A_91 : memref<80x128xi32, #tpu.memory_space<hbm>>)
        tpu.yield
      }) : () -> ()
    }
    %scan3A_18 = arith.constant 10 : i32
    return
  }
}

module attributes {stable_mosaic.version = 14 : i64} {
  func.func @body(%arg0: i32, %arg1: memref<2048x128xi32, #tpu.memory_space<vmem>>, %arg2: memref<1x1x2048xf32, #tpu.memory_space<vmem>>, %arg3: memref<1x1x2048xf32, #tpu.memory_space<vmem>>, %arg4: memref<1x1x2048xi32, #tpu.memory_space<vmem>>, %arg5: memref<32x128xf32, #tpu.memory_space<vmem>>, %arg6: memref<128x128xf32, #tpu.memory_space<vmem>>, %arg7: memref<64x128xf32, #tpu.memory_space<vmem>>, %arg8: memref<64x1xf32, #tpu.memory_space<vmem>>, %arg9: memref<64x1xf32, #tpu.memory_space<vmem>>, %arg10: memref<1x128xf32, #tpu.memory_space<vmem>>, %arg11: memref<1x128xf32, #tpu.memory_space<vmem>>, %arg12: memref<1x128xf32, #tpu.memory_space<vmem>>, %arg13: memref<2048x128xf32, #tpu.memory_space<vmem>>) attributes {dimension_semantics = [#tpu.dimension_semantics<arbitrary>], iteration_bounds = array<i64: 25>, scalar_prefetch = 0 : i64, scratch_operands = 0 : i64, tpu.core_type = #tpu.core_type<tc>, window_params = [{transform_indices = @transform_0, window_bounds = array<i64: 2048, 128>}, {transform_indices = @transform_1, window_bounds = array<i64: 1, 1, 2048>}, {transform_indices = @transform_2, window_bounds = array<i64: 1, 1, 2048>}, {transform_indices = @transform_3, window_bounds = array<i64: 1, 1, 2048>}, {pipeline_mode = #tpu.pipeline_mode<synchronous>, transform_indices = @transform_4, window_bounds = array<i64: 32, 128>}, {pipeline_mode = #tpu.pipeline_mode<synchronous>, transform_indices = @transform_5, window_bounds = array<i64: 128, 128>}, {pipeline_mode = #tpu.pipeline_mode<synchronous>, transform_indices = @transform_6, window_bounds = array<i64: 64, 128>}, {pipeline_mode = #tpu.pipeline_mode<synchronous>, transform_indices = @transform_7, window_bounds = array<i64: 64, 1>}, {pipeline_mode = #tpu.pipeline_mode<synchronous>, transform_indices = @transform_8, window_bounds = array<i64: 64, 1>}, {pipeline_mode = #tpu.pipeline_mode<synchronous>, transform_indices = @transform_9, window_bounds = array<i64: 1, 128>}, {pipeline_mode = #tpu.pipeline_mode<synchronous>, transform_indices = @transform_10, window_bounds = array<i64: 1, 128>}, {pipeline_mode = #tpu.pipeline_mode<synchronous>, transform_indices = @transform_11, window_bounds = array<i64: 1, 128>}, {transform_indices = @transform_12, window_bounds = array<i64: 2048, 128>}]} {
    %get3A = arith.constant 0 : index
    %get3A_0 = arith.constant 0 : index
    %get3A_1 = arith.constant 0 : index
    %get3A_2 = vector.load %arg2[%get3A, %get3A_0, %get3A_1] : memref<1x1x2048xf32, #tpu.memory_space<vmem>>, vector<1x1x2048xf32>
    %get3A_3 = vector.shape_cast %get3A_2 : vector<1x1x2048xf32> to vector<1x2048xf32>
    %get3A_4 = arith.constant 0 : index
    %get3A_5 = arith.constant 0 : index
    %get3A_6 = arith.constant 0 : index
    %get3A_7 = vector.load %arg3[%get3A_4, %get3A_5, %get3A_6] : memref<1x1x2048xf32, #tpu.memory_space<vmem>>, vector<1x1x2048xf32>
    %get3A_8 = vector.shape_cast %get3A_7 : vector<1x1x2048xf32> to vector<1x2048xf32>
    %get3A_9 = arith.constant 0 : index
    %get3A_10 = arith.constant 0 : index
    %get3A_11 = vector.load %arg8[%get3A_9, %get3A_10] : memref<64x1xf32, #tpu.memory_space<vmem>>, vector<64x1xf32>
    %get3A_12 = arith.constant 0 : index
    %get3A_13 = arith.constant 0 : index
    %get3A_14 = vector.load %arg9[%get3A_12, %get3A_13] : memref<64x1xf32, #tpu.memory_space<vmem>>, vector<64x1xf32>
    %slice3A = vector.extract_strided_slice %get3A_11 {offsets = [0, 0], sizes = [32, 1], strides = [1, 1]} : vector<64x1xf32> to vector<32x1xf32>
    %mul3A = vector.broadcast %get3A_3 : vector<1x2048xf32> to vector<32x2048xf32>
    %mul3A_15 = vector.broadcast %slice3A : vector<32x1xf32> to vector<32x2048xf32>
    %mul3A_16 = arith.mulf %mul3A, %mul3A_15 : vector<32x2048xf32>
    %slice3A_17 = vector.extract_strided_slice %get3A_14 {offsets = [0, 0], sizes = [32, 1], strides = [1, 1]} : vector<64x1xf32> to vector<32x1xf32>
    %add3A = vector.broadcast %slice3A_17 : vector<32x1xf32> to vector<32x2048xf32>
    %add3A_18 = arith.addf %mul3A_16, %add3A : vector<32x2048xf32>
    %slice3A_19 = vector.extract_strided_slice %get3A_11 {offsets = [32, 0], sizes = [32, 1], strides = [1, 1]} : vector<64x1xf32> to vector<32x1xf32>
    %mul3A_20 = vector.broadcast %get3A_8 : vector<1x2048xf32> to vector<32x2048xf32>
    %mul3A_21 = vector.broadcast %slice3A_19 : vector<32x1xf32> to vector<32x2048xf32>
    %mul3A_22 = arith.mulf %mul3A_20, %mul3A_21 : vector<32x2048xf32>
    %slice3A_23 = vector.extract_strided_slice %get3A_14 {offsets = [32, 0], sizes = [32, 1], strides = [1, 1]} : vector<64x1xf32> to vector<32x1xf32>
    %add3A_24 = vector.broadcast %slice3A_23 : vector<32x1xf32> to vector<32x2048xf32>
    %add3A_25 = arith.addf %mul3A_22, %add3A_24 : vector<32x2048xf32>
    %concatenate3A = tpu.concatenate %add3A_18, %add3A_25 in 0 : vector<32x2048xf32>, vector<32x2048xf32> -> vector<64x2048xf32>
    %mul3A_26 = arith.constant 0.159154937 : f32
    %mul3A_27 = vector.broadcast %mul3A_26 : f32 to vector<64x2048xf32>
    %mul3A_28 = arith.mulf %concatenate3A, %mul3A_27 : vector<64x2048xf32>
    %add3A_29 = arith.constant 0x4B400000 : f32
    %add3A_30 = vector.broadcast %add3A_29 : f32 to vector<64x2048xf32>
    %add3A_31 = arith.addf %mul3A_28, %add3A_30 : vector<64x2048xf32>
    %sub3A = arith.constant 0x4B400000 : f32
    %sub3A_32 = vector.broadcast %sub3A : f32 to vector<64x2048xf32>
    %sub3A_33 = arith.subf %add3A_31, %sub3A_32 : vector<64x2048xf32>
    %sub3A_34 = arith.subf %mul3A_28, %sub3A_33 : vector<64x2048xf32>
    %mul3A_35 = arith.mulf %sub3A_34, %sub3A_34 : vector<64x2048xf32>
    %mul3A_36 = arith.constant 32.7836723 : f32
    %mul3A_37 = vector.broadcast %mul3A_36 : f32 to vector<64x2048xf32>
    %mul3A_38 = arith.mulf %mul3A_35, %mul3A_37 : vector<64x2048xf32>
    %add3A_39 = arith.constant -74.4791717 : f32
    %add3A_40 = vector.broadcast %add3A_39 : f32 to vector<64x2048xf32>
    %add3A_41 = arith.addf %add3A_40, %mul3A_38 : vector<64x2048xf32>
    %mul3A_42 = arith.mulf %mul3A_35, %add3A_41 : vector<64x2048xf32>
    %add3A_43 = arith.constant 81.367012 : f32
    %add3A_44 = vector.broadcast %add3A_43 : f32 to vector<64x2048xf32>
    %add3A_45 = arith.addf %add3A_44, %mul3A_42 : vector<64x2048xf32>
    %mul3A_46 = arith.mulf %mul3A_35, %add3A_45 : vector<64x2048xf32>
    %add3A_47 = arith.constant -41.3312263 : f32
    %add3A_48 = vector.broadcast %add3A_47 : f32 to vector<64x2048xf32>
    %add3A_49 = arith.addf %add3A_48, %mul3A_46 : vector<64x2048xf32>
    %mul3A_50 = arith.mulf %mul3A_35, %add3A_49 : vector<64x2048xf32>
    %add3A_51 = arith.constant 6.28305578 : f32
    %add3A_52 = vector.broadcast %add3A_51 : f32 to vector<64x2048xf32>
    %add3A_53 = arith.addf %add3A_52, %mul3A_50 : vector<64x2048xf32>
    %mul3A_54 = arith.mulf %sub3A_34, %add3A_53 : vector<64x2048xf32>
    %get3A_55 = arith.constant 0 : index
    %get3A_56 = arith.constant 0 : index
    %get3A_57 = vector.load %arg1[%get3A_55, %get3A_56] : memref<2048x128xi32, #tpu.memory_space<vmem>>, vector<2048x128xi32>
    %shift_left3A = arith.constant 16 : i32
    %shift_left3A_58 = vector.broadcast %shift_left3A : i32 to vector<2048x128xi32>
    %shift_left3A_59 = arith.shli %get3A_57, %shift_left3A_58 : vector<2048x128xi32>
    %bitcast_convert_type3A = tpu.bitcast %shift_left3A_59 : vector<2048x128xi32> -> vector<2048x128xf32>
    %and3A = arith.constant -65536 : i32
    %and3A_60 = vector.broadcast %and3A : i32 to vector<2048x128xi32>
    %and3A_61 = arith.andi %get3A_57, %and3A_60 : vector<2048x128xi32>
    %bitcast_convert_type3A_62 = tpu.bitcast %and3A_61 : vector<2048x128xi32> -> vector<2048x128xf32>
    %get3A_63 = arith.constant 0 : index
    %get3A_64 = arith.constant 0 : index
    %get3A_65 = vector.load %arg6[%get3A_63, %get3A_64] : memref<128x128xf32, #tpu.memory_space<vmem>>, vector<128x128xf32>
    %dot_general3A = arith.constant dense<0.000000e+00> : vector<2048x128xf32>
    %dot_general3A_66 = tpu.matmul %bitcast_convert_type3A, %get3A_65, %dot_general3A {dimension_numbers = #tpu.dot_dimension_numbers<[1], [0], [0], [1], [0, 0, 1, 1], [], []>, transpose_lhs_hint = false} : vector<2048x128xf32>, vector<128x128xf32>, vector<2048x128xf32> -> vector<2048x128xf32>
    %get3A_67 = arith.constant 0 : index
    %get3A_68 = arith.constant 0 : index
    %get3A_69 = vector.load %arg7[%get3A_67, %get3A_68] : memref<64x128xf32, #tpu.memory_space<vmem>>, vector<64x128xf32>
    %dot_general3A_70 = arith.constant dense<0.000000e+00> : vector<2048x128xf32>
    %dot_general3A_71 = tpu.matmul %mul3A_54, %get3A_69, %dot_general3A_70 {dimension_numbers = #tpu.dot_dimension_numbers<[0], [0], [1], [1], [0, 1, 1, 1], [], []>, transpose_lhs_hint = false} : vector<64x2048xf32>, vector<64x128xf32>, vector<2048x128xf32> -> vector<2048x128xf32>
    %add3A_72 = arith.addf %dot_general3A_66, %dot_general3A_71 : vector<2048x128xf32>
    %get3A_73 = arith.constant 0 : index
    %get3A_74 = arith.constant 0 : index
    %get3A_75 = arith.constant 0 : index
    %get3A_76 = vector.load %arg4[%get3A_73, %get3A_74, %get3A_75] : memref<1x1x2048xi32, #tpu.memory_space<vmem>>, vector<1x1x2048xi32>
    %get3A_77 = vector.shape_cast %get3A_76 : vector<1x1x2048xi32> to vector<1x2048xi32>
    %iota3A = tpu.iota {dimensions = array<i32: 0>} : vector<32x2048xi32>
    %eq3A = vector.broadcast %get3A_77 : vector<1x2048xi32> to vector<32x2048xi32>
    %eq3A_78 = arith.cmpi eq, %iota3A, %eq3A : vector<32x2048xi32>
    %jit3A = arith.constant 1.000000e+00 : f32
    %jit3A_79 = arith.constant 0.000000e+00 : f32
    %broadcast_in_dim3A = vector.broadcast %jit3A : f32 to vector<32x2048xf32>
    %broadcast_in_dim3A_80 = vector.broadcast %jit3A_79 : f32 to vector<32x2048xf32>
    %select_n3A = arith.select %eq3A_78, %broadcast_in_dim3A, %broadcast_in_dim3A_80 : vector<32x2048xi1>, vector<32x2048xf32>
    %get3A_81 = arith.constant 0 : index
    %get3A_82 = arith.constant 0 : index
    %get3A_83 = vector.load %arg5[%get3A_81, %get3A_82] : memref<32x128xf32, #tpu.memory_space<vmem>>, vector<32x128xf32>
    %dot_general3A_84 = arith.constant dense<0.000000e+00> : vector<2048x128xf32>
    %dot_general3A_85 = tpu.matmul %select_n3A, %get3A_83, %dot_general3A_84 {dimension_numbers = #tpu.dot_dimension_numbers<[0], [0], [1], [1], [0, 1, 1, 1], [], []>, transpose_lhs_hint = false} : vector<32x2048xf32>, vector<32x128xf32>, vector<2048x128xf32> -> vector<2048x128xf32>
    %get3A_86 = arith.constant 0 : index
    %get3A_87 = arith.constant 0 : index
    %get3A_88 = vector.load %arg10[%get3A_86, %get3A_87] : memref<1x128xf32, #tpu.memory_space<vmem>>, vector<1x128xf32>
    %add3A_89 = vector.broadcast %get3A_88 : vector<1x128xf32> to vector<2048x128xf32>
    %add3A_90 = arith.addf %add3A_72, %add3A_89 : vector<2048x128xf32>
    %tanh3A = math.tanh %add3A_90 : vector<2048x128xf32>
    %add3A_91 = arith.addf %tanh3A, %bitcast_convert_type3A_62 : vector<2048x128xf32>
    %add3A_92 = arith.addf %add3A_91, %dot_general3A_85 : vector<2048x128xf32>
    %reduce_sum3A = arith.constant dense<0.000000e+00> : vector<2048xf32>
    %reduce_sum3A_93 = vector.multi_reduction <add>, %add3A_92, %reduce_sum3A [1] : vector<2048x128xf32> to vector<2048xf32>
    %broadcast_in_dim3A_94 = vector.shape_cast %reduce_sum3A_93 : vector<2048xf32> to vector<2048x1xf32>
    %div3A = arith.constant 1.280000e+02 : f32
    %div3A_95 = vector.broadcast %div3A : f32 to vector<2048x1xf32>
    %div3A_96 = arith.divf %broadcast_in_dim3A_94, %div3A_95 : vector<2048x1xf32>
    %sub3A_97 = vector.broadcast %div3A_96 : vector<2048x1xf32> to vector<2048x128xf32>
    %sub3A_98 = arith.subf %add3A_92, %sub3A_97 : vector<2048x128xf32>
    %square3A = arith.mulf %sub3A_98, %sub3A_98 : vector<2048x128xf32>
    %reduce_sum3A_99 = arith.constant dense<0.000000e+00> : vector<2048xf32>
    %reduce_sum3A_100 = vector.multi_reduction <add>, %square3A, %reduce_sum3A_99 [1] : vector<2048x128xf32> to vector<2048xf32>
    %broadcast_in_dim3A_101 = vector.shape_cast %reduce_sum3A_100 : vector<2048xf32> to vector<2048x1xf32>
    %div3A_102 = arith.constant 1.280000e+02 : f32
    %div3A_103 = vector.broadcast %div3A_102 : f32 to vector<2048x1xf32>
    %div3A_104 = arith.divf %broadcast_in_dim3A_101, %div3A_103 : vector<2048x1xf32>
    %sub3A_105 = vector.broadcast %div3A_96 : vector<2048x1xf32> to vector<2048x128xf32>
    %sub3A_106 = arith.subf %add3A_92, %sub3A_105 : vector<2048x128xf32>
    %add3A_107 = arith.constant 9.99999996E-13 : f32
    %add3A_108 = vector.broadcast %add3A_107 : f32 to vector<2048x1xf32>
    %add3A_109 = arith.addf %div3A_104, %add3A_108 : vector<2048x1xf32>
    %rsqrt3A = math.rsqrt %add3A_109 : vector<2048x1xf32>
    %mul3A_110 = vector.broadcast %rsqrt3A : vector<2048x1xf32> to vector<2048x128xf32>
    %mul3A_111 = arith.mulf %sub3A_106, %mul3A_110 : vector<2048x128xf32>
    %get3A_112 = arith.constant 0 : index
    %get3A_113 = arith.constant 0 : index
    %get3A_114 = vector.load %arg11[%get3A_112, %get3A_113] : memref<1x128xf32, #tpu.memory_space<vmem>>, vector<1x128xf32>
    %mul3A_115 = vector.broadcast %get3A_114 : vector<1x128xf32> to vector<2048x128xf32>
    %mul3A_116 = arith.mulf %mul3A_111, %mul3A_115 : vector<2048x128xf32>
    %get3A_117 = arith.constant 0 : index
    %get3A_118 = arith.constant 0 : index
    %get3A_119 = vector.load %arg12[%get3A_117, %get3A_118] : memref<1x128xf32, #tpu.memory_space<vmem>>, vector<1x128xf32>
    %add3A_120 = vector.broadcast %get3A_119 : vector<1x128xf32> to vector<2048x128xf32>
    %add3A_121 = arith.addf %mul3A_116, %add3A_120 : vector<2048x128xf32>
    %swap3A = arith.constant 0 : index
    %swap3A_122 = arith.constant 0 : index
    %swap3A_123 = vector.load %arg13[%swap3A, %swap3A_122] : memref<2048x128xf32, #tpu.memory_space<vmem>>, vector<2048x128xf32>
    tpu.vector_store %arg13[%swap3A, %swap3A_122], %add3A_121 {strides = array<i32>} : memref<2048x128xf32, #tpu.memory_space<vmem>>, vector<2048x128xf32>,
    return
  }
  func.func @transform_0(%arg0: i32) -> (i32, i32) {
    %c0_i32 = arith.constant 0 : i32
    %c0_i32_0 = arith.constant 0 : i32
    return %arg0, %c0_i32 : i32, i32
  }
  func.func @transform_1(%arg0: i32) -> (i32, i32, i32) {
    %c0_i32 = arith.constant 0 : i32
    %c0_i32_0 = arith.constant 0 : i32
    %c0_i32_1 = arith.constant 0 : i32
    return %arg0, %c0_i32, %c0_i32_0 : i32, i32, i32
  }
  func.func @transform_2(%arg0: i32) -> (i32, i32, i32) {
    %c0_i32 = arith.constant 0 : i32
    %c0_i32_0 = arith.constant 0 : i32
    %c0_i32_1 = arith.constant 0 : i32
    return %arg0, %c0_i32, %c0_i32_0 : i32, i32, i32
  }
  func.func @transform_3(%arg0: i32) -> (i32, i32, i32) {
    %c0_i32 = arith.constant 0 : i32
    %c0_i32_0 = arith.constant 0 : i32
    %c0_i32_1 = arith.constant 0 : i32
    return %arg0, %c0_i32, %c0_i32_0 : i32, i32, i32
  }
  func.func @transform_4(%arg0: i32) -> (i32, i32) {
    %c0_i32 = arith.constant 0 : i32
    %c0_i32_0 = arith.constant 0 : i32
    %c0_i32_1 = arith.constant 0 : i32
    return %c0_i32, %c0_i32_0 : i32, i32
  }
  func.func @transform_5(%arg0: i32) -> (i32, i32) {
    %c0_i32 = arith.constant 0 : i32
    %c0_i32_0 = arith.constant 0 : i32
    %c0_i32_1 = arith.constant 0 : i32
    return %c0_i32, %c0_i32_0 : i32, i32
  }
  func.func @transform_6(%arg0: i32) -> (i32, i32) {
    %c0_i32 = arith.constant 0 : i32
    %c0_i32_0 = arith.constant 0 : i32
    %c0_i32_1 = arith.constant 0 : i32
    return %c0_i32, %c0_i32_0 : i32, i32
  }
  func.func @transform_7(%arg0: i32) -> (i32, i32) {
    %c0_i32 = arith.constant 0 : i32
    %c0_i32_0 = arith.constant 0 : i32
    %c0_i32_1 = arith.constant 0 : i32
    return %c0_i32, %c0_i32_0 : i32, i32
  }
  func.func @transform_8(%arg0: i32) -> (i32, i32) {
    %c0_i32 = arith.constant 0 : i32
    %c0_i32_0 = arith.constant 0 : i32
    %c0_i32_1 = arith.constant 0 : i32
    return %c0_i32, %c0_i32_0 : i32, i32
  }
  func.func @transform_9(%arg0: i32) -> (i32, i32) {
    %c0_i32 = arith.constant 0 : i32
    %c0_i32_0 = arith.constant 0 : i32
    %c0_i32_1 = arith.constant 0 : i32
    return %c0_i32, %c0_i32_0 : i32, i32
  }
  func.func @transform_10(%arg0: i32) -> (i32, i32) {
    %c0_i32 = arith.constant 0 : i32
    %c0_i32_0 = arith.constant 0 : i32
    %c0_i32_1 = arith.constant 0 : i32
    return %c0_i32, %c0_i32_0 : i32, i32
  }
  func.func @transform_11(%arg0: i32) -> (i32, i32) {
    %c0_i32 = arith.constant 0 : i32
    %c0_i32_0 = arith.constant 0 : i32
    %c0_i32_1 = arith.constant 0 : i32
    return %c0_i32, %c0_i32_0 : i32, i32
  }
  func.func @transform_12(%arg0: i32) -> (i32, i32) {
    %add3A = arith.constant 0 : i32
    %add3A_0 = arith.addi %arg0, %add3A : i32
    %c0_i32 = arith.constant 0 : i32
    %c0_i32_1 = arith.constant 0 : i32
    return %add3A_0, %c0_i32 : i32, i32
  }
}

module attributes {stable_mosaic.version = 14 : i64} {
  func.func @body(%arg0: i32, %arg1: memref<204800x128xf32, #tpu.memory_space<hbm>>, %arg2: memref<2048x128xi32, #tpu.memory_space<vmem>>, %arg3: memref<1x1x2048xf32, #tpu.memory_space<vmem>>, %arg4: memref<1x1x2048xf32, #tpu.memory_space<vmem>>, %arg5: memref<1x1x2048xi32, #tpu.memory_space<vmem>>, %arg6: memref<32x128xf32, #tpu.memory_space<vmem>>, %arg7: memref<128x128xf32, #tpu.memory_space<vmem>>, %arg8: memref<64x128xf32, #tpu.memory_space<vmem>>, %arg9: memref<64x1xf32, #tpu.memory_space<vmem>>, %arg10: memref<64x1xf32, #tpu.memory_space<vmem>>, %arg11: memref<1x128xf32, #tpu.memory_space<vmem>>, %arg12: memref<1x128xf32, #tpu.memory_space<vmem>>, %arg13: memref<1x128xf32, #tpu.memory_space<vmem>>, %arg14: memref<2048x128xf32, #tpu.memory_space<vmem>>) attributes {dimension_semantics = [#tpu.dimension_semantics<arbitrary>], iteration_bounds = array<i64: 25>, scalar_prefetch = 0 : i64, scratch_operands = 0 : i64, tpu.core_type = #tpu.core_type<tc>, window_params = [{}, {transform_indices = @transform_1, window_bounds = array<i64: 2048, 128>}, {transform_indices = @transform_2, window_bounds = array<i64: 1, 1, 2048>}, {transform_indices = @transform_3, window_bounds = array<i64: 1, 1, 2048>}, {transform_indices = @transform_4, window_bounds = array<i64: 1, 1, 2048>}, {pipeline_mode = #tpu.pipeline_mode<synchronous>, transform_indices = @transform_5, window_bounds = array<i64: 32, 128>}, {pipeline_mode = #tpu.pipeline_mode<synchronous>, transform_indices = @transform_6, window_bounds = array<i64: 128, 128>}, {pipeline_mode = #tpu.pipeline_mode<synchronous>, transform_indices = @transform_7, window_bounds = array<i64: 64, 128>}, {pipeline_mode = #tpu.pipeline_mode<synchronous>, transform_indices = @transform_8, window_bounds = array<i64: 64, 1>}, {pipeline_mode = #tpu.pipeline_mode<synchronous>, transform_indices = @transform_9, window_bounds = array<i64: 64, 1>}, {pipeline_mode = #tpu.pipeline_mode<synchronous>, transform_indices = @transform_10, window_bounds = array<i64: 1, 128>}, {pipeline_mode = #tpu.pipeline_mode<synchronous>, transform_indices = @transform_11, window_bounds = array<i64: 1, 128>}, {pipeline_mode = #tpu.pipeline_mode<synchronous>, transform_indices = @transform_12, window_bounds = array<i64: 1, 128>}, {transform_indices = @transform_13, window_bounds = array<i64: 2048, 128>}]} {
    %get3A = arith.constant 0 : index
    %get3A_0 = arith.constant 0 : index
    %get3A_1 = arith.constant 0 : index
    %get3A_2 = vector.load %arg3[%get3A, %get3A_0, %get3A_1] : memref<1x1x2048xf32, #tpu.memory_space<vmem>>, vector<1x1x2048xf32>
    %get3A_3 = vector.shape_cast %get3A_2 : vector<1x1x2048xf32> to vector<1x2048xf32>
    %get3A_4 = arith.constant 0 : index
    %get3A_5 = arith.constant 0 : index
    %get3A_6 = arith.constant 0 : index
    %get3A_7 = vector.load %arg4[%get3A_4, %get3A_5, %get3A_6] : memref<1x1x2048xf32, #tpu.memory_space<vmem>>, vector<1x1x2048xf32>
    %get3A_8 = vector.shape_cast %get3A_7 : vector<1x1x2048xf32> to vector<1x2048xf32>
    %get3A_9 = arith.constant 0 : index
    %get3A_10 = arith.constant 0 : index
    %get3A_11 = vector.load %arg9[%get3A_9, %get3A_10] : memref<64x1xf32, #tpu.memory_space<vmem>>, vector<64x1xf32>
    %get3A_12 = arith.constant 0 : index
    %get3A_13 = arith.constant 0 : index
    %get3A_14 = vector.load %arg10[%get3A_12, %get3A_13] : memref<64x1xf32, #tpu.memory_space<vmem>>, vector<64x1xf32>
    %slice3A = vector.extract_strided_slice %get3A_11 {offsets = [0, 0], sizes = [32, 1], strides = [1, 1]} : vector<64x1xf32> to vector<32x1xf32>
    %mul3A = vector.broadcast %get3A_3 : vector<1x2048xf32> to vector<32x2048xf32>
    %mul3A_15 = vector.broadcast %slice3A : vector<32x1xf32> to vector<32x2048xf32>
    %mul3A_16 = arith.mulf %mul3A, %mul3A_15 : vector<32x2048xf32>
    %slice3A_17 = vector.extract_strided_slice %get3A_14 {offsets = [0, 0], sizes = [32, 1], strides = [1, 1]} : vector<64x1xf32> to vector<32x1xf32>
    %add3A = vector.broadcast %slice3A_17 : vector<32x1xf32> to vector<32x2048xf32>
    %add3A_18 = arith.addf %mul3A_16, %add3A : vector<32x2048xf32>
    %slice3A_19 = vector.extract_strided_slice %get3A_11 {offsets = [32, 0], sizes = [32, 1], strides = [1, 1]} : vector<64x1xf32> to vector<32x1xf32>
    %mul3A_20 = vector.broadcast %get3A_8 : vector<1x2048xf32> to vector<32x2048xf32>
    %mul3A_21 = vector.broadcast %slice3A_19 : vector<32x1xf32> to vector<32x2048xf32>
    %mul3A_22 = arith.mulf %mul3A_20, %mul3A_21 : vector<32x2048xf32>
    %slice3A_23 = vector.extract_strided_slice %get3A_14 {offsets = [32, 0], sizes = [32, 1], strides = [1, 1]} : vector<64x1xf32> to vector<32x1xf32>
    %add3A_24 = vector.broadcast %slice3A_23 : vector<32x1xf32> to vector<32x2048xf32>
    %add3A_25 = arith.addf %mul3A_22, %add3A_24 : vector<32x2048xf32>
    %concatenate3A = tpu.concatenate %add3A_18, %add3A_25 in 0 : vector<32x2048xf32>, vector<32x2048xf32> -> vector<64x2048xf32>
    %mul3A_26 = arith.constant 0.159154937 : f32
    %mul3A_27 = vector.broadcast %mul3A_26 : f32 to vector<64x2048xf32>
    %mul3A_28 = arith.mulf %concatenate3A, %mul3A_27 : vector<64x2048xf32>
    %add3A_29 = arith.constant 0x4B400000 : f32
    %add3A_30 = vector.broadcast %add3A_29 : f32 to vector<64x2048xf32>
    %add3A_31 = arith.addf %mul3A_28, %add3A_30 : vector<64x2048xf32>
    %sub3A = arith.constant 0x4B400000 : f32
    %sub3A_32 = vector.broadcast %sub3A : f32 to vector<64x2048xf32>
    %sub3A_33 = arith.subf %add3A_31, %sub3A_32 : vector<64x2048xf32>
    %sub3A_34 = arith.subf %mul3A_28, %sub3A_33 : vector<64x2048xf32>
    %mul3A_35 = arith.mulf %sub3A_34, %sub3A_34 : vector<64x2048xf32>
    %mul3A_36 = arith.constant 32.7836723 : f32
    %mul3A_37 = vector.broadcast %mul3A_36 : f32 to vector<64x2048xf32>
    %mul3A_38 = arith.mulf %mul3A_35, %mul3A_37 : vector<64x2048xf32>
    %add3A_39 = arith.constant -74.4791717 : f32
    %add3A_40 = vector.broadcast %add3A_39 : f32 to vector<64x2048xf32>
    %add3A_41 = arith.addf %add3A_40, %mul3A_38 : vector<64x2048xf32>
    %mul3A_42 = arith.mulf %mul3A_35, %add3A_41 : vector<64x2048xf32>
    %add3A_43 = arith.constant 81.367012 : f32
    %add3A_44 = vector.broadcast %add3A_43 : f32 to vector<64x2048xf32>
    %add3A_45 = arith.addf %add3A_44, %mul3A_42 : vector<64x2048xf32>
    %mul3A_46 = arith.mulf %mul3A_35, %add3A_45 : vector<64x2048xf32>
    %add3A_47 = arith.constant -41.3312263 : f32
    %add3A_48 = vector.broadcast %add3A_47 : f32 to vector<64x2048xf32>
    %add3A_49 = arith.addf %add3A_48, %mul3A_46 : vector<64x2048xf32>
    %mul3A_50 = arith.mulf %mul3A_35, %add3A_49 : vector<64x2048xf32>
    %add3A_51 = arith.constant 6.28305578 : f32
    %add3A_52 = vector.broadcast %add3A_51 : f32 to vector<64x2048xf32>
    %add3A_53 = arith.addf %add3A_52, %mul3A_50 : vector<64x2048xf32>
    %mul3A_54 = arith.mulf %sub3A_34, %add3A_53 : vector<64x2048xf32>
    %get3A_55 = arith.constant 0 : index
    %get3A_56 = arith.constant 0 : index
    %get3A_57 = vector.load %arg2[%get3A_55, %get3A_56] : memref<2048x128xi32, #tpu.memory_space<vmem>>, vector<2048x128xi32>
    %shift_left3A = arith.constant 16 : i32
    %shift_left3A_58 = vector.broadcast %shift_left3A : i32 to vector<2048x128xi32>
    %shift_left3A_59 = arith.shli %get3A_57, %shift_left3A_58 : vector<2048x128xi32>
    %bitcast_convert_type3A = tpu.bitcast %shift_left3A_59 : vector<2048x128xi32> -> vector<2048x128xf32>
    %and3A = arith.constant -65536 : i32
    %and3A_60 = vector.broadcast %and3A : i32 to vector<2048x128xi32>
    %and3A_61 = arith.andi %get3A_57, %and3A_60 : vector<2048x128xi32>
    %bitcast_convert_type3A_62 = tpu.bitcast %and3A_61 : vector<2048x128xi32> -> vector<2048x128xf32>
    %get3A_63 = arith.constant 0 : index
    %get3A_64 = arith.constant 0 : index
    %get3A_65 = vector.load %arg7[%get3A_63, %get3A_64] : memref<128x128xf32, #tpu.memory_space<vmem>>, vector<128x128xf32>
    %dot_general3A = arith.constant dense<0.000000e+00> : vector<2048x128xf32>
    %dot_general3A_66 = tpu.matmul %bitcast_convert_type3A, %get3A_65, %dot_general3A {dimension_numbers = #tpu.dot_dimension_numbers<[1], [0], [0], [1], [0, 0, 1, 1], [], []>, transpose_lhs_hint = false} : vector<2048x128xf32>, vector<128x128xf32>, vector<2048x128xf32> -> vector<2048x128xf32>
    %get3A_67 = arith.constant 0 : index
    %get3A_68 = arith.constant 0 : index
    %get3A_69 = vector.load %arg8[%get3A_67, %get3A_68] : memref<64x128xf32, #tpu.memory_space<vmem>>, vector<64x128xf32>
    %dot_general3A_70 = arith.constant dense<0.000000e+00> : vector<2048x128xf32>
    %dot_general3A_71 = tpu.matmul %mul3A_54, %get3A_69, %dot_general3A_70 {dimension_numbers = #tpu.dot_dimension_numbers<[0], [0], [1], [1], [0, 1, 1, 1], [], []>, transpose_lhs_hint = false} : vector<64x2048xf32>, vector<64x128xf32>, vector<2048x128xf32> -> vector<2048x128xf32>
    %add3A_72 = arith.addf %dot_general3A_66, %dot_general3A_71 : vector<2048x128xf32>
    %get3A_73 = arith.constant 0 : index
    %get3A_74 = arith.constant 0 : index
    %get3A_75 = arith.constant 0 : index
    %get3A_76 = vector.load %arg5[%get3A_73, %get3A_74, %get3A_75] : memref<1x1x2048xi32, #tpu.memory_space<vmem>>, vector<1x1x2048xi32>
    %get3A_77 = vector.shape_cast %get3A_76 : vector<1x1x2048xi32> to vector<1x2048xi32>
    %iota3A = tpu.iota {dimensions = array<i32: 0>} : vector<32x2048xi32>
    %eq3A = vector.broadcast %get3A_77 : vector<1x2048xi32> to vector<32x2048xi32>
    %eq3A_78 = arith.cmpi eq, %iota3A, %eq3A : vector<32x2048xi32>
    %jit3A = arith.constant 1.000000e+00 : f32
    %jit3A_79 = arith.constant 0.000000e+00 : f32
    %broadcast_in_dim3A = vector.broadcast %jit3A : f32 to vector<32x2048xf32>
    %broadcast_in_dim3A_80 = vector.broadcast %jit3A_79 : f32 to vector<32x2048xf32>
    %select_n3A = arith.select %eq3A_78, %broadcast_in_dim3A, %broadcast_in_dim3A_80 : vector<32x2048xi1>, vector<32x2048xf32>
    %get3A_81 = arith.constant 0 : index
    %get3A_82 = arith.constant 0 : index
    %get3A_83 = vector.load %arg6[%get3A_81, %get3A_82] : memref<32x128xf32, #tpu.memory_space<vmem>>, vector<32x128xf32>
    %dot_general3A_84 = arith.constant dense<0.000000e+00> : vector<2048x128xf32>
    %dot_general3A_85 = tpu.matmul %select_n3A, %get3A_83, %dot_general3A_84 {dimension_numbers = #tpu.dot_dimension_numbers<[0], [0], [1], [1], [0, 1, 1, 1], [], []>, transpose_lhs_hint = false} : vector<32x2048xf32>, vector<32x128xf32>, vector<2048x128xf32> -> vector<2048x128xf32>
    %get3A_86 = arith.constant 0 : index
    %get3A_87 = arith.constant 0 : index
    %get3A_88 = vector.load %arg11[%get3A_86, %get3A_87] : memref<1x128xf32, #tpu.memory_space<vmem>>, vector<1x128xf32>
    %add3A_89 = vector.broadcast %get3A_88 : vector<1x128xf32> to vector<2048x128xf32>
    %add3A_90 = arith.addf %add3A_72, %add3A_89 : vector<2048x128xf32>
    %tanh3A = math.tanh %add3A_90 : vector<2048x128xf32>
    %add3A_91 = arith.addf %tanh3A, %bitcast_convert_type3A_62 : vector<2048x128xf32>
    %add3A_92 = arith.addf %add3A_91, %dot_general3A_85 : vector<2048x128xf32>
    %reduce_sum3A = arith.constant dense<0.000000e+00> : vector<2048xf32>
    %reduce_sum3A_93 = vector.multi_reduction <add>, %add3A_92, %reduce_sum3A [1] : vector<2048x128xf32> to vector<2048xf32>
    %broadcast_in_dim3A_94 = vector.shape_cast %reduce_sum3A_93 : vector<2048xf32> to vector<2048x1xf32>
    %div3A = arith.constant 1.280000e+02 : f32
    %div3A_95 = vector.broadcast %div3A : f32 to vector<2048x1xf32>
    %div3A_96 = arith.divf %broadcast_in_dim3A_94, %div3A_95 : vector<2048x1xf32>
    %sub3A_97 = vector.broadcast %div3A_96 : vector<2048x1xf32> to vector<2048x128xf32>
    %sub3A_98 = arith.subf %add3A_92, %sub3A_97 : vector<2048x128xf32>
    %square3A = arith.mulf %sub3A_98, %sub3A_98 : vector<2048x128xf32>
    %reduce_sum3A_99 = arith.constant dense<0.000000e+00> : vector<2048xf32>
    %reduce_sum3A_100 = vector.multi_reduction <add>, %square3A, %reduce_sum3A_99 [1] : vector<2048x128xf32> to vector<2048xf32>
    %broadcast_in_dim3A_101 = vector.shape_cast %reduce_sum3A_100 : vector<2048xf32> to vector<2048x1xf32>
    %div3A_102 = arith.constant 1.280000e+02 : f32
    %div3A_103 = vector.broadcast %div3A_102 : f32 to vector<2048x1xf32>
    %div3A_104 = arith.divf %broadcast_in_dim3A_101, %div3A_103 : vector<2048x1xf32>
    %sub3A_105 = vector.broadcast %div3A_96 : vector<2048x1xf32> to vector<2048x128xf32>
    %sub3A_106 = arith.subf %add3A_92, %sub3A_105 : vector<2048x128xf32>
    %add3A_107 = arith.constant 9.99999996E-13 : f32
    %add3A_108 = vector.broadcast %add3A_107 : f32 to vector<2048x1xf32>
    %add3A_109 = arith.addf %div3A_104, %add3A_108 : vector<2048x1xf32>
    %rsqrt3A = math.rsqrt %add3A_109 : vector<2048x1xf32>
    %mul3A_110 = vector.broadcast %rsqrt3A : vector<2048x1xf32> to vector<2048x128xf32>
    %mul3A_111 = arith.mulf %sub3A_106, %mul3A_110 : vector<2048x128xf32>
    %get3A_112 = arith.constant 0 : index
    %get3A_113 = arith.constant 0 : index
    %get3A_114 = vector.load %arg12[%get3A_112, %get3A_113] : memref<1x128xf32, #tpu.memory_space<vmem>>, vector<1x128xf32>
    %mul3A_115 = vector.broadcast %get3A_114 : vector<1x128xf32> to vector<2048x128xf32>
    %mul3A_116 = arith.mulf %mul3A_111, %mul3A_115 : vector<2048x128xf32>
    %get3A_117 = arith.constant 0 : index
    %get3A_118 = arith.constant 0 : index
    %get3A_119 = vector.load %arg13[%get3A_117, %get3A_118] : memref<1x128xf32, #tpu.memory_space<vmem>>, vector<1x128xf32>
    %add3A_120 = vector.broadcast %get3A_119 : vector<1x128xf32> to vector<2048x128xf32>
    %add3A_121 = arith.addf %mul3A_116, %add3A_120 : vector<2048x128xf32>
    %swap3A = arith.constant 0 : index
    %swap3A_122 = arith.constant 0 : index
    %swap3A_123 = vector.load %arg14[%swap3A, %swap3A_122] : memref<2048x128xf32, #tpu.memory_space<vmem>>, vector<2048x128xf32>
    tpu.vector_store %arg14[%swap3A, %swap3A_122], %add3A_121 {strides = array<i32>} : memref<2048x128xf32, #tpu.memory_space<vmem>>, vector<2048x128xf32>,
    return
  }
  func.func @transform_1(%arg0: i32) -> (i32, i32) {
    %c0_i32 = arith.constant 0 : i32
    %c0_i32_0 = arith.constant 0 : i32
    return %arg0, %c0_i32 : i32, i32
  }
  func.func @transform_2(%arg0: i32) -> (i32, i32, i32) {
    %c0_i32 = arith.constant 0 : i32
    %c0_i32_0 = arith.constant 0 : i32
    %c0_i32_1 = arith.constant 0 : i32
    return %arg0, %c0_i32, %c0_i32_0 : i32, i32, i32
  }
  func.func @transform_3(%arg0: i32) -> (i32, i32, i32) {
    %c0_i32 = arith.constant 0 : i32
    %c0_i32_0 = arith.constant 0 : i32
    %c0_i32_1 = arith.constant 0 : i32
    return %arg0, %c0_i32, %c0_i32_0 : i32, i32, i32
  }
  func.func @transform_4(%arg0: i32) -> (i32, i32, i32) {
    %c0_i32 = arith.constant 0 : i32
    %c0_i32_0 = arith.constant 0 : i32
    %c0_i32_1 = arith.constant 0 : i32
    return %arg0, %c0_i32, %c0_i32_0 : i32, i32, i32
  }
  func.func @transform_5(%arg0: i32) -> (i32, i32) {
    %c0_i32 = arith.constant 0 : i32
    %c0_i32_0 = arith.constant 0 : i32
    %c0_i32_1 = arith.constant 0 : i32
    return %c0_i32, %c0_i32_0 : i32, i32
  }
  func.func @transform_6(%arg0: i32) -> (i32, i32) {
    %c0_i32 = arith.constant 0 : i32
    %c0_i32_0 = arith.constant 0 : i32
    %c0_i32_1 = arith.constant 0 : i32
    return %c0_i32, %c0_i32_0 : i32, i32
  }
  func.func @transform_7(%arg0: i32) -> (i32, i32) {
    %c0_i32 = arith.constant 0 : i32
    %c0_i32_0 = arith.constant 0 : i32
    %c0_i32_1 = arith.constant 0 : i32
    return %c0_i32, %c0_i32_0 : i32, i32
  }
  func.func @transform_8(%arg0: i32) -> (i32, i32) {
    %c0_i32 = arith.constant 0 : i32
    %c0_i32_0 = arith.constant 0 : i32
    %c0_i32_1 = arith.constant 0 : i32
    return %c0_i32, %c0_i32_0 : i32, i32
  }
  func.func @transform_9(%arg0: i32) -> (i32, i32) {
    %c0_i32 = arith.constant 0 : i32
    %c0_i32_0 = arith.constant 0 : i32
    %c0_i32_1 = arith.constant 0 : i32
    return %c0_i32, %c0_i32_0 : i32, i32
  }
  func.func @transform_10(%arg0: i32) -> (i32, i32) {
    %c0_i32 = arith.constant 0 : i32
    %c0_i32_0 = arith.constant 0 : i32
    %c0_i32_1 = arith.constant 0 : i32
    return %c0_i32, %c0_i32_0 : i32, i32
  }
  func.func @transform_11(%arg0: i32) -> (i32, i32) {
    %c0_i32 = arith.constant 0 : i32
    %c0_i32_0 = arith.constant 0 : i32
    %c0_i32_1 = arith.constant 0 : i32
    return %c0_i32, %c0_i32_0 : i32, i32
  }
  func.func @transform_12(%arg0: i32) -> (i32, i32) {
    %c0_i32 = arith.constant 0 : i32
    %c0_i32_0 = arith.constant 0 : i32
    %c0_i32_1 = arith.constant 0 : i32
    return %c0_i32, %c0_i32_0 : i32, i32
  }
  func.func @transform_13(%arg0: i32) -> (i32, i32) {
    %add3A = arith.constant 25 : i32
    %add3A_0 = arith.addi %arg0, %add3A : i32
    %c0_i32 = arith.constant 0 : i32
    %c0_i32_1 = arith.constant 0 : i32
    return %add3A_0, %c0_i32 : i32, i32
  }
}

module attributes {stable_mosaic.version = 14 : i64} {
  func.func @body(%arg0: i32, %arg1: memref<204800x128xf32, #tpu.memory_space<hbm>>, %arg2: memref<2048x128xi32, #tpu.memory_space<vmem>>, %arg3: memref<1x1x2048xf32, #tpu.memory_space<vmem>>, %arg4: memref<1x1x2048xf32, #tpu.memory_space<vmem>>, %arg5: memref<1x1x2048xi32, #tpu.memory_space<vmem>>, %arg6: memref<32x128xf32, #tpu.memory_space<vmem>>, %arg7: memref<128x128xf32, #tpu.memory_space<vmem>>, %arg8: memref<64x128xf32, #tpu.memory_space<vmem>>, %arg9: memref<64x1xf32, #tpu.memory_space<vmem>>, %arg10: memref<64x1xf32, #tpu.memory_space<vmem>>, %arg11: memref<1x128xf32, #tpu.memory_space<vmem>>, %arg12: memref<1x128xf32, #tpu.memory_space<vmem>>, %arg13: memref<1x128xf32, #tpu.memory_space<vmem>>, %arg14: memref<2048x128xf32, #tpu.memory_space<vmem>>) attributes {dimension_semantics = [#tpu.dimension_semantics<arbitrary>], iteration_bounds = array<i64: 25>, scalar_prefetch = 0 : i64, scratch_operands = 0 : i64, tpu.core_type = #tpu.core_type<tc>, window_params = [{}, {transform_indices = @transform_1, window_bounds = array<i64: 2048, 128>}, {transform_indices = @transform_2, window_bounds = array<i64: 1, 1, 2048>}, {transform_indices = @transform_3, window_bounds = array<i64: 1, 1, 2048>}, {transform_indices = @transform_4, window_bounds = array<i64: 1, 1, 2048>}, {pipeline_mode = #tpu.pipeline_mode<synchronous>, transform_indices = @transform_5, window_bounds = array<i64: 32, 128>}, {pipeline_mode = #tpu.pipeline_mode<synchronous>, transform_indices = @transform_6, window_bounds = array<i64: 128, 128>}, {pipeline_mode = #tpu.pipeline_mode<synchronous>, transform_indices = @transform_7, window_bounds = array<i64: 64, 128>}, {pipeline_mode = #tpu.pipeline_mode<synchronous>, transform_indices = @transform_8, window_bounds = array<i64: 64, 1>}, {pipeline_mode = #tpu.pipeline_mode<synchronous>, transform_indices = @transform_9, window_bounds = array<i64: 64, 1>}, {pipeline_mode = #tpu.pipeline_mode<synchronous>, transform_indices = @transform_10, window_bounds = array<i64: 1, 128>}, {pipeline_mode = #tpu.pipeline_mode<synchronous>, transform_indices = @transform_11, window_bounds = array<i64: 1, 128>}, {pipeline_mode = #tpu.pipeline_mode<synchronous>, transform_indices = @transform_12, window_bounds = array<i64: 1, 128>}, {transform_indices = @transform_13, window_bounds = array<i64: 2048, 128>}]} {
    %get3A = arith.constant 0 : index
    %get3A_0 = arith.constant 0 : index
    %get3A_1 = arith.constant 0 : index
    %get3A_2 = vector.load %arg3[%get3A, %get3A_0, %get3A_1] : memref<1x1x2048xf32, #tpu.memory_space<vmem>>, vector<1x1x2048xf32>
    %get3A_3 = vector.shape_cast %get3A_2 : vector<1x1x2048xf32> to vector<1x2048xf32>
    %get3A_4 = arith.constant 0 : index
    %get3A_5 = arith.constant 0 : index
    %get3A_6 = arith.constant 0 : index
    %get3A_7 = vector.load %arg4[%get3A_4, %get3A_5, %get3A_6] : memref<1x1x2048xf32, #tpu.memory_space<vmem>>, vector<1x1x2048xf32>
    %get3A_8 = vector.shape_cast %get3A_7 : vector<1x1x2048xf32> to vector<1x2048xf32>
    %get3A_9 = arith.constant 0 : index
    %get3A_10 = arith.constant 0 : index
    %get3A_11 = vector.load %arg9[%get3A_9, %get3A_10] : memref<64x1xf32, #tpu.memory_space<vmem>>, vector<64x1xf32>
    %get3A_12 = arith.constant 0 : index
    %get3A_13 = arith.constant 0 : index
    %get3A_14 = vector.load %arg10[%get3A_12, %get3A_13] : memref<64x1xf32, #tpu.memory_space<vmem>>, vector<64x1xf32>
    %slice3A = vector.extract_strided_slice %get3A_11 {offsets = [0, 0], sizes = [32, 1], strides = [1, 1]} : vector<64x1xf32> to vector<32x1xf32>
    %mul3A = vector.broadcast %get3A_3 : vector<1x2048xf32> to vector<32x2048xf32>
    %mul3A_15 = vector.broadcast %slice3A : vector<32x1xf32> to vector<32x2048xf32>
    %mul3A_16 = arith.mulf %mul3A, %mul3A_15 : vector<32x2048xf32>
    %slice3A_17 = vector.extract_strided_slice %get3A_14 {offsets = [0, 0], sizes = [32, 1], strides = [1, 1]} : vector<64x1xf32> to vector<32x1xf32>
    %add3A = vector.broadcast %slice3A_17 : vector<32x1xf32> to vector<32x2048xf32>
    %add3A_18 = arith.addf %mul3A_16, %add3A : vector<32x2048xf32>
    %slice3A_19 = vector.extract_strided_slice %get3A_11 {offsets = [32, 0], sizes = [32, 1], strides = [1, 1]} : vector<64x1xf32> to vector<32x1xf32>
    %mul3A_20 = vector.broadcast %get3A_8 : vector<1x2048xf32> to vector<32x2048xf32>
    %mul3A_21 = vector.broadcast %slice3A_19 : vector<32x1xf32> to vector<32x2048xf32>
    %mul3A_22 = arith.mulf %mul3A_20, %mul3A_21 : vector<32x2048xf32>
    %slice3A_23 = vector.extract_strided_slice %get3A_14 {offsets = [32, 0], sizes = [32, 1], strides = [1, 1]} : vector<64x1xf32> to vector<32x1xf32>
    %add3A_24 = vector.broadcast %slice3A_23 : vector<32x1xf32> to vector<32x2048xf32>
    %add3A_25 = arith.addf %mul3A_22, %add3A_24 : vector<32x2048xf32>
    %concatenate3A = tpu.concatenate %add3A_18, %add3A_25 in 0 : vector<32x2048xf32>, vector<32x2048xf32> -> vector<64x2048xf32>
    %mul3A_26 = arith.constant 0.159154937 : f32
    %mul3A_27 = vector.broadcast %mul3A_26 : f32 to vector<64x2048xf32>
    %mul3A_28 = arith.mulf %concatenate3A, %mul3A_27 : vector<64x2048xf32>
    %add3A_29 = arith.constant 0x4B400000 : f32
    %add3A_30 = vector.broadcast %add3A_29 : f32 to vector<64x2048xf32>
    %add3A_31 = arith.addf %mul3A_28, %add3A_30 : vector<64x2048xf32>
    %sub3A = arith.constant 0x4B400000 : f32
    %sub3A_32 = vector.broadcast %sub3A : f32 to vector<64x2048xf32>
    %sub3A_33 = arith.subf %add3A_31, %sub3A_32 : vector<64x2048xf32>
    %sub3A_34 = arith.subf %mul3A_28, %sub3A_33 : vector<64x2048xf32>
    %mul3A_35 = arith.mulf %sub3A_34, %sub3A_34 : vector<64x2048xf32>
    %mul3A_36 = arith.constant 32.7836723 : f32
    %mul3A_37 = vector.broadcast %mul3A_36 : f32 to vector<64x2048xf32>
    %mul3A_38 = arith.mulf %mul3A_35, %mul3A_37 : vector<64x2048xf32>
    %add3A_39 = arith.constant -74.4791717 : f32
    %add3A_40 = vector.broadcast %add3A_39 : f32 to vector<64x2048xf32>
    %add3A_41 = arith.addf %add3A_40, %mul3A_38 : vector<64x2048xf32>
    %mul3A_42 = arith.mulf %mul3A_35, %add3A_41 : vector<64x2048xf32>
    %add3A_43 = arith.constant 81.367012 : f32
    %add3A_44 = vector.broadcast %add3A_43 : f32 to vector<64x2048xf32>
    %add3A_45 = arith.addf %add3A_44, %mul3A_42 : vector<64x2048xf32>
    %mul3A_46 = arith.mulf %mul3A_35, %add3A_45 : vector<64x2048xf32>
    %add3A_47 = arith.constant -41.3312263 : f32
    %add3A_48 = vector.broadcast %add3A_47 : f32 to vector<64x2048xf32>
    %add3A_49 = arith.addf %add3A_48, %mul3A_46 : vector<64x2048xf32>
    %mul3A_50 = arith.mulf %mul3A_35, %add3A_49 : vector<64x2048xf32>
    %add3A_51 = arith.constant 6.28305578 : f32
    %add3A_52 = vector.broadcast %add3A_51 : f32 to vector<64x2048xf32>
    %add3A_53 = arith.addf %add3A_52, %mul3A_50 : vector<64x2048xf32>
    %mul3A_54 = arith.mulf %sub3A_34, %add3A_53 : vector<64x2048xf32>
    %get3A_55 = arith.constant 0 : index
    %get3A_56 = arith.constant 0 : index
    %get3A_57 = vector.load %arg2[%get3A_55, %get3A_56] : memref<2048x128xi32, #tpu.memory_space<vmem>>, vector<2048x128xi32>
    %shift_left3A = arith.constant 16 : i32
    %shift_left3A_58 = vector.broadcast %shift_left3A : i32 to vector<2048x128xi32>
    %shift_left3A_59 = arith.shli %get3A_57, %shift_left3A_58 : vector<2048x128xi32>
    %bitcast_convert_type3A = tpu.bitcast %shift_left3A_59 : vector<2048x128xi32> -> vector<2048x128xf32>
    %and3A = arith.constant -65536 : i32
    %and3A_60 = vector.broadcast %and3A : i32 to vector<2048x128xi32>
    %and3A_61 = arith.andi %get3A_57, %and3A_60 : vector<2048x128xi32>
    %bitcast_convert_type3A_62 = tpu.bitcast %and3A_61 : vector<2048x128xi32> -> vector<2048x128xf32>
    %get3A_63 = arith.constant 0 : index
    %get3A_64 = arith.constant 0 : index
    %get3A_65 = vector.load %arg7[%get3A_63, %get3A_64] : memref<128x128xf32, #tpu.memory_space<vmem>>, vector<128x128xf32>
    %dot_general3A = arith.constant dense<0.000000e+00> : vector<2048x128xf32>
    %dot_general3A_66 = tpu.matmul %bitcast_convert_type3A, %get3A_65, %dot_general3A {dimension_numbers = #tpu.dot_dimension_numbers<[1], [0], [0], [1], [0, 0, 1, 1], [], []>, transpose_lhs_hint = false} : vector<2048x128xf32>, vector<128x128xf32>, vector<2048x128xf32> -> vector<2048x128xf32>
    %get3A_67 = arith.constant 0 : index
    %get3A_68 = arith.constant 0 : index
    %get3A_69 = vector.load %arg8[%get3A_67, %get3A_68] : memref<64x128xf32, #tpu.memory_space<vmem>>, vector<64x128xf32>
    %dot_general3A_70 = arith.constant dense<0.000000e+00> : vector<2048x128xf32>
    %dot_general3A_71 = tpu.matmul %mul3A_54, %get3A_69, %dot_general3A_70 {dimension_numbers = #tpu.dot_dimension_numbers<[0], [0], [1], [1], [0, 1, 1, 1], [], []>, transpose_lhs_hint = false} : vector<64x2048xf32>, vector<64x128xf32>, vector<2048x128xf32> -> vector<2048x128xf32>
    %add3A_72 = arith.addf %dot_general3A_66, %dot_general3A_71 : vector<2048x128xf32>
    %get3A_73 = arith.constant 0 : index
    %get3A_74 = arith.constant 0 : index
    %get3A_75 = arith.constant 0 : index
    %get3A_76 = vector.load %arg5[%get3A_73, %get3A_74, %get3A_75] : memref<1x1x2048xi32, #tpu.memory_space<vmem>>, vector<1x1x2048xi32>
    %get3A_77 = vector.shape_cast %get3A_76 : vector<1x1x2048xi32> to vector<1x2048xi32>
    %iota3A = tpu.iota {dimensions = array<i32: 0>} : vector<32x2048xi32>
    %eq3A = vector.broadcast %get3A_77 : vector<1x2048xi32> to vector<32x2048xi32>
    %eq3A_78 = arith.cmpi eq, %iota3A, %eq3A : vector<32x2048xi32>
    %jit3A = arith.constant 1.000000e+00 : f32
    %jit3A_79 = arith.constant 0.000000e+00 : f32
    %broadcast_in_dim3A = vector.broadcast %jit3A : f32 to vector<32x2048xf32>
    %broadcast_in_dim3A_80 = vector.broadcast %jit3A_79 : f32 to vector<32x2048xf32>
    %select_n3A = arith.select %eq3A_78, %broadcast_in_dim3A, %broadcast_in_dim3A_80 : vector<32x2048xi1>, vector<32x2048xf32>
    %get3A_81 = arith.constant 0 : index
    %get3A_82 = arith.constant 0 : index
    %get3A_83 = vector.load %arg6[%get3A_81, %get3A_82] : memref<32x128xf32, #tpu.memory_space<vmem>>, vector<32x128xf32>
    %dot_general3A_84 = arith.constant dense<0.000000e+00> : vector<2048x128xf32>
    %dot_general3A_85 = tpu.matmul %select_n3A, %get3A_83, %dot_general3A_84 {dimension_numbers = #tpu.dot_dimension_numbers<[0], [0], [1], [1], [0, 1, 1, 1], [], []>, transpose_lhs_hint = false} : vector<32x2048xf32>, vector<32x128xf32>, vector<2048x128xf32> -> vector<2048x128xf32>
    %get3A_86 = arith.constant 0 : index
    %get3A_87 = arith.constant 0 : index
    %get3A_88 = vector.load %arg11[%get3A_86, %get3A_87] : memref<1x128xf32, #tpu.memory_space<vmem>>, vector<1x128xf32>
    %add3A_89 = vector.broadcast %get3A_88 : vector<1x128xf32> to vector<2048x128xf32>
    %add3A_90 = arith.addf %add3A_72, %add3A_89 : vector<2048x128xf32>
    %tanh3A = math.tanh %add3A_90 : vector<2048x128xf32>
    %add3A_91 = arith.addf %tanh3A, %bitcast_convert_type3A_62 : vector<2048x128xf32>
    %add3A_92 = arith.addf %add3A_91, %dot_general3A_85 : vector<2048x128xf32>
    %reduce_sum3A = arith.constant dense<0.000000e+00> : vector<2048xf32>
    %reduce_sum3A_93 = vector.multi_reduction <add>, %add3A_92, %reduce_sum3A [1] : vector<2048x128xf32> to vector<2048xf32>
    %broadcast_in_dim3A_94 = vector.shape_cast %reduce_sum3A_93 : vector<2048xf32> to vector<2048x1xf32>
    %div3A = arith.constant 1.280000e+02 : f32
    %div3A_95 = vector.broadcast %div3A : f32 to vector<2048x1xf32>
    %div3A_96 = arith.divf %broadcast_in_dim3A_94, %div3A_95 : vector<2048x1xf32>
    %sub3A_97 = vector.broadcast %div3A_96 : vector<2048x1xf32> to vector<2048x128xf32>
    %sub3A_98 = arith.subf %add3A_92, %sub3A_97 : vector<2048x128xf32>
    %square3A = arith.mulf %sub3A_98, %sub3A_98 : vector<2048x128xf32>
    %reduce_sum3A_99 = arith.constant dense<0.000000e+00> : vector<2048xf32>
    %reduce_sum3A_100 = vector.multi_reduction <add>, %square3A, %reduce_sum3A_99 [1] : vector<2048x128xf32> to vector<2048xf32>
    %broadcast_in_dim3A_101 = vector.shape_cast %reduce_sum3A_100 : vector<2048xf32> to vector<2048x1xf32>
    %div3A_102 = arith.constant 1.280000e+02 : f32
    %div3A_103 = vector.broadcast %div3A_102 : f32 to vector<2048x1xf32>
    %div3A_104 = arith.divf %broadcast_in_dim3A_101, %div3A_103 : vector<2048x1xf32>
    %sub3A_105 = vector.broadcast %div3A_96 : vector<2048x1xf32> to vector<2048x128xf32>
    %sub3A_106 = arith.subf %add3A_92, %sub3A_105 : vector<2048x128xf32>
    %add3A_107 = arith.constant 9.99999996E-13 : f32
    %add3A_108 = vector.broadcast %add3A_107 : f32 to vector<2048x1xf32>
    %add3A_109 = arith.addf %div3A_104, %add3A_108 : vector<2048x1xf32>
    %rsqrt3A = math.rsqrt %add3A_109 : vector<2048x1xf32>
    %mul3A_110 = vector.broadcast %rsqrt3A : vector<2048x1xf32> to vector<2048x128xf32>
    %mul3A_111 = arith.mulf %sub3A_106, %mul3A_110 : vector<2048x128xf32>
    %get3A_112 = arith.constant 0 : index
    %get3A_113 = arith.constant 0 : index
    %get3A_114 = vector.load %arg12[%get3A_112, %get3A_113] : memref<1x128xf32, #tpu.memory_space<vmem>>, vector<1x128xf32>
    %mul3A_115 = vector.broadcast %get3A_114 : vector<1x128xf32> to vector<2048x128xf32>
    %mul3A_116 = arith.mulf %mul3A_111, %mul3A_115 : vector<2048x128xf32>
    %get3A_117 = arith.constant 0 : index
    %get3A_118 = arith.constant 0 : index
    %get3A_119 = vector.load %arg13[%get3A_117, %get3A_118] : memref<1x128xf32, #tpu.memory_space<vmem>>, vector<1x128xf32>
    %add3A_120 = vector.broadcast %get3A_119 : vector<1x128xf32> to vector<2048x128xf32>
    %add3A_121 = arith.addf %mul3A_116, %add3A_120 : vector<2048x128xf32>
    %swap3A = arith.constant 0 : index
    %swap3A_122 = arith.constant 0 : index
    %swap3A_123 = vector.load %arg14[%swap3A, %swap3A_122] : memref<2048x128xf32, #tpu.memory_space<vmem>>, vector<2048x128xf32>
    tpu.vector_store %arg14[%swap3A, %swap3A_122], %add3A_121 {strides = array<i32>} : memref<2048x128xf32, #tpu.memory_space<vmem>>, vector<2048x128xf32>,
    return
  }
  func.func @transform_1(%arg0: i32) -> (i32, i32) {
    %c0_i32 = arith.constant 0 : i32
    %c0_i32_0 = arith.constant 0 : i32
    return %arg0, %c0_i32 : i32, i32
  }
  func.func @transform_2(%arg0: i32) -> (i32, i32, i32) {
    %c0_i32 = arith.constant 0 : i32
    %c0_i32_0 = arith.constant 0 : i32
    %c0_i32_1 = arith.constant 0 : i32
    return %arg0, %c0_i32, %c0_i32_0 : i32, i32, i32
  }
  func.func @transform_3(%arg0: i32) -> (i32, i32, i32) {
    %c0_i32 = arith.constant 0 : i32
    %c0_i32_0 = arith.constant 0 : i32
    %c0_i32_1 = arith.constant 0 : i32
    return %arg0, %c0_i32, %c0_i32_0 : i32, i32, i32
  }
  func.func @transform_4(%arg0: i32) -> (i32, i32, i32) {
    %c0_i32 = arith.constant 0 : i32
    %c0_i32_0 = arith.constant 0 : i32
    %c0_i32_1 = arith.constant 0 : i32
    return %arg0, %c0_i32, %c0_i32_0 : i32, i32, i32
  }
  func.func @transform_5(%arg0: i32) -> (i32, i32) {
    %c0_i32 = arith.constant 0 : i32
    %c0_i32_0 = arith.constant 0 : i32
    %c0_i32_1 = arith.constant 0 : i32
    return %c0_i32, %c0_i32_0 : i32, i32
  }
  func.func @transform_6(%arg0: i32) -> (i32, i32) {
    %c0_i32 = arith.constant 0 : i32
    %c0_i32_0 = arith.constant 0 : i32
    %c0_i32_1 = arith.constant 0 : i32
    return %c0_i32, %c0_i32_0 : i32, i32
  }
  func.func @transform_7(%arg0: i32) -> (i32, i32) {
    %c0_i32 = arith.constant 0 : i32
    %c0_i32_0 = arith.constant 0 : i32
    %c0_i32_1 = arith.constant 0 : i32
    return %c0_i32, %c0_i32_0 : i32, i32
  }
  func.func @transform_8(%arg0: i32) -> (i32, i32) {
    %c0_i32 = arith.constant 0 : i32
    %c0_i32_0 = arith.constant 0 : i32
    %c0_i32_1 = arith.constant 0 : i32
    return %c0_i32, %c0_i32_0 : i32, i32
  }
  func.func @transform_9(%arg0: i32) -> (i32, i32) {
    %c0_i32 = arith.constant 0 : i32
    %c0_i32_0 = arith.constant 0 : i32
    %c0_i32_1 = arith.constant 0 : i32
    return %c0_i32, %c0_i32_0 : i32, i32
  }
  func.func @transform_10(%arg0: i32) -> (i32, i32) {
    %c0_i32 = arith.constant 0 : i32
    %c0_i32_0 = arith.constant 0 : i32
    %c0_i32_1 = arith.constant 0 : i32
    return %c0_i32, %c0_i32_0 : i32, i32
  }
  func.func @transform_11(%arg0: i32) -> (i32, i32) {
    %c0_i32 = arith.constant 0 : i32
    %c0_i32_0 = arith.constant 0 : i32
    %c0_i32_1 = arith.constant 0 : i32
    return %c0_i32, %c0_i32_0 : i32, i32
  }
  func.func @transform_12(%arg0: i32) -> (i32, i32) {
    %c0_i32 = arith.constant 0 : i32
    %c0_i32_0 = arith.constant 0 : i32
    %c0_i32_1 = arith.constant 0 : i32
    return %c0_i32, %c0_i32_0 : i32, i32
  }
  func.func @transform_13(%arg0: i32) -> (i32, i32) {
    %add3A = arith.constant 50 : i32
    %add3A_0 = arith.addi %arg0, %add3A : i32
    %c0_i32 = arith.constant 0 : i32
    %c0_i32_1 = arith.constant 0 : i32
    return %add3A_0, %c0_i32 : i32, i32
  }
}

module attributes {stable_mosaic.version = 14 : i64} {
  func.func @body(%arg0: i32, %arg1: memref<204800x128xf32, #tpu.memory_space<hbm>>, %arg2: memref<2048x128xi32, #tpu.memory_space<vmem>>, %arg3: memref<1x1x2048xf32, #tpu.memory_space<vmem>>, %arg4: memref<1x1x2048xf32, #tpu.memory_space<vmem>>, %arg5: memref<1x1x2048xi32, #tpu.memory_space<vmem>>, %arg6: memref<32x128xf32, #tpu.memory_space<vmem>>, %arg7: memref<128x128xf32, #tpu.memory_space<vmem>>, %arg8: memref<64x128xf32, #tpu.memory_space<vmem>>, %arg9: memref<64x1xf32, #tpu.memory_space<vmem>>, %arg10: memref<64x1xf32, #tpu.memory_space<vmem>>, %arg11: memref<1x128xf32, #tpu.memory_space<vmem>>, %arg12: memref<1x128xf32, #tpu.memory_space<vmem>>, %arg13: memref<1x128xf32, #tpu.memory_space<vmem>>, %arg14: memref<2048x128xf32, #tpu.memory_space<vmem>>) attributes {dimension_semantics = [#tpu.dimension_semantics<arbitrary>], iteration_bounds = array<i64: 25>, scalar_prefetch = 0 : i64, scratch_operands = 0 : i64, tpu.core_type = #tpu.core_type<tc>, window_params = [{}, {transform_indices = @transform_1, window_bounds = array<i64: 2048, 128>}, {transform_indices = @transform_2, window_bounds = array<i64: 1, 1, 2048>}, {transform_indices = @transform_3, window_bounds = array<i64: 1, 1, 2048>}, {transform_indices = @transform_4, window_bounds = array<i64: 1, 1, 2048>}, {pipeline_mode = #tpu.pipeline_mode<synchronous>, transform_indices = @transform_5, window_bounds = array<i64: 32, 128>}, {pipeline_mode = #tpu.pipeline_mode<synchronous>, transform_indices = @transform_6, window_bounds = array<i64: 128, 128>}, {pipeline_mode = #tpu.pipeline_mode<synchronous>, transform_indices = @transform_7, window_bounds = array<i64: 64, 128>}, {pipeline_mode = #tpu.pipeline_mode<synchronous>, transform_indices = @transform_8, window_bounds = array<i64: 64, 1>}, {pipeline_mode = #tpu.pipeline_mode<synchronous>, transform_indices = @transform_9, window_bounds = array<i64: 64, 1>}, {pipeline_mode = #tpu.pipeline_mode<synchronous>, transform_indices = @transform_10, window_bounds = array<i64: 1, 128>}, {pipeline_mode = #tpu.pipeline_mode<synchronous>, transform_indices = @transform_11, window_bounds = array<i64: 1, 128>}, {pipeline_mode = #tpu.pipeline_mode<synchronous>, transform_indices = @transform_12, window_bounds = array<i64: 1, 128>}, {transform_indices = @transform_13, window_bounds = array<i64: 2048, 128>}]} {
    %get3A = arith.constant 0 : index
    %get3A_0 = arith.constant 0 : index
    %get3A_1 = arith.constant 0 : index
    %get3A_2 = vector.load %arg3[%get3A, %get3A_0, %get3A_1] : memref<1x1x2048xf32, #tpu.memory_space<vmem>>, vector<1x1x2048xf32>
    %get3A_3 = vector.shape_cast %get3A_2 : vector<1x1x2048xf32> to vector<1x2048xf32>
    %get3A_4 = arith.constant 0 : index
    %get3A_5 = arith.constant 0 : index
    %get3A_6 = arith.constant 0 : index
    %get3A_7 = vector.load %arg4[%get3A_4, %get3A_5, %get3A_6] : memref<1x1x2048xf32, #tpu.memory_space<vmem>>, vector<1x1x2048xf32>
    %get3A_8 = vector.shape_cast %get3A_7 : vector<1x1x2048xf32> to vector<1x2048xf32>
    %get3A_9 = arith.constant 0 : index
    %get3A_10 = arith.constant 0 : index
    %get3A_11 = vector.load %arg9[%get3A_9, %get3A_10] : memref<64x1xf32, #tpu.memory_space<vmem>>, vector<64x1xf32>
    %get3A_12 = arith.constant 0 : index
    %get3A_13 = arith.constant 0 : index
    %get3A_14 = vector.load %arg10[%get3A_12, %get3A_13] : memref<64x1xf32, #tpu.memory_space<vmem>>, vector<64x1xf32>
    %slice3A = vector.extract_strided_slice %get3A_11 {offsets = [0, 0], sizes = [32, 1], strides = [1, 1]} : vector<64x1xf32> to vector<32x1xf32>
    %mul3A = vector.broadcast %get3A_3 : vector<1x2048xf32> to vector<32x2048xf32>
    %mul3A_15 = vector.broadcast %slice3A : vector<32x1xf32> to vector<32x2048xf32>
    %mul3A_16 = arith.mulf %mul3A, %mul3A_15 : vector<32x2048xf32>
    %slice3A_17 = vector.extract_strided_slice %get3A_14 {offsets = [0, 0], sizes = [32, 1], strides = [1, 1]} : vector<64x1xf32> to vector<32x1xf32>
    %add3A = vector.broadcast %slice3A_17 : vector<32x1xf32> to vector<32x2048xf32>
    %add3A_18 = arith.addf %mul3A_16, %add3A : vector<32x2048xf32>
    %slice3A_19 = vector.extract_strided_slice %get3A_11 {offsets = [32, 0], sizes = [32, 1], strides = [1, 1]} : vector<64x1xf32> to vector<32x1xf32>
    %mul3A_20 = vector.broadcast %get3A_8 : vector<1x2048xf32> to vector<32x2048xf32>
    %mul3A_21 = vector.broadcast %slice3A_19 : vector<32x1xf32> to vector<32x2048xf32>
    %mul3A_22 = arith.mulf %mul3A_20, %mul3A_21 : vector<32x2048xf32>
    %slice3A_23 = vector.extract_strided_slice %get3A_14 {offsets = [32, 0], sizes = [32, 1], strides = [1, 1]} : vector<64x1xf32> to vector<32x1xf32>
    %add3A_24 = vector.broadcast %slice3A_23 : vector<32x1xf32> to vector<32x2048xf32>
    %add3A_25 = arith.addf %mul3A_22, %add3A_24 : vector<32x2048xf32>
    %concatenate3A = tpu.concatenate %add3A_18, %add3A_25 in 0 : vector<32x2048xf32>, vector<32x2048xf32> -> vector<64x2048xf32>
    %mul3A_26 = arith.constant 0.159154937 : f32
    %mul3A_27 = vector.broadcast %mul3A_26 : f32 to vector<64x2048xf32>
    %mul3A_28 = arith.mulf %concatenate3A, %mul3A_27 : vector<64x2048xf32>
    %add3A_29 = arith.constant 0x4B400000 : f32
    %add3A_30 = vector.broadcast %add3A_29 : f32 to vector<64x2048xf32>
    %add3A_31 = arith.addf %mul3A_28, %add3A_30 : vector<64x2048xf32>
    %sub3A = arith.constant 0x4B400000 : f32
    %sub3A_32 = vector.broadcast %sub3A : f32 to vector<64x2048xf32>
    %sub3A_33 = arith.subf %add3A_31, %sub3A_32 : vector<64x2048xf32>
    %sub3A_34 = arith.subf %mul3A_28, %sub3A_33 : vector<64x2048xf32>
    %mul3A_35 = arith.mulf %sub3A_34, %sub3A_34 : vector<64x2048xf32>
    %mul3A_36 = arith.constant 32.7836723 : f32
    %mul3A_37 = vector.broadcast %mul3A_36 : f32 to vector<64x2048xf32>
    %mul3A_38 = arith.mulf %mul3A_35, %mul3A_37 : vector<64x2048xf32>
    %add3A_39 = arith.constant -74.4791717 : f32
    %add3A_40 = vector.broadcast %add3A_39 : f32 to vector<64x2048xf32>
    %add3A_41 = arith.addf %add3A_40, %mul3A_38 : vector<64x2048xf32>
    %mul3A_42 = arith.mulf %mul3A_35, %add3A_41 : vector<64x2048xf32>
    %add3A_43 = arith.constant 81.367012 : f32
    %add3A_44 = vector.broadcast %add3A_43 : f32 to vector<64x2048xf32>
    %add3A_45 = arith.addf %add3A_44, %mul3A_42 : vector<64x2048xf32>
    %mul3A_46 = arith.mulf %mul3A_35, %add3A_45 : vector<64x2048xf32>
    %add3A_47 = arith.constant -41.3312263 : f32
    %add3A_48 = vector.broadcast %add3A_47 : f32 to vector<64x2048xf32>
    %add3A_49 = arith.addf %add3A_48, %mul3A_46 : vector<64x2048xf32>
    %mul3A_50 = arith.mulf %mul3A_35, %add3A_49 : vector<64x2048xf32>
    %add3A_51 = arith.constant 6.28305578 : f32
    %add3A_52 = vector.broadcast %add3A_51 : f32 to vector<64x2048xf32>
    %add3A_53 = arith.addf %add3A_52, %mul3A_50 : vector<64x2048xf32>
    %mul3A_54 = arith.mulf %sub3A_34, %add3A_53 : vector<64x2048xf32>
    %get3A_55 = arith.constant 0 : index
    %get3A_56 = arith.constant 0 : index
    %get3A_57 = vector.load %arg2[%get3A_55, %get3A_56] : memref<2048x128xi32, #tpu.memory_space<vmem>>, vector<2048x128xi32>
    %shift_left3A = arith.constant 16 : i32
    %shift_left3A_58 = vector.broadcast %shift_left3A : i32 to vector<2048x128xi32>
    %shift_left3A_59 = arith.shli %get3A_57, %shift_left3A_58 : vector<2048x128xi32>
    %bitcast_convert_type3A = tpu.bitcast %shift_left3A_59 : vector<2048x128xi32> -> vector<2048x128xf32>
    %and3A = arith.constant -65536 : i32
    %and3A_60 = vector.broadcast %and3A : i32 to vector<2048x128xi32>
    %and3A_61 = arith.andi %get3A_57, %and3A_60 : vector<2048x128xi32>
    %bitcast_convert_type3A_62 = tpu.bitcast %and3A_61 : vector<2048x128xi32> -> vector<2048x128xf32>
    %get3A_63 = arith.constant 0 : index
    %get3A_64 = arith.constant 0 : index
    %get3A_65 = vector.load %arg7[%get3A_63, %get3A_64] : memref<128x128xf32, #tpu.memory_space<vmem>>, vector<128x128xf32>
    %dot_general3A = arith.constant dense<0.000000e+00> : vector<2048x128xf32>
    %dot_general3A_66 = tpu.matmul %bitcast_convert_type3A, %get3A_65, %dot_general3A {dimension_numbers = #tpu.dot_dimension_numbers<[1], [0], [0], [1], [0, 0, 1, 1], [], []>, transpose_lhs_hint = false} : vector<2048x128xf32>, vector<128x128xf32>, vector<2048x128xf32> -> vector<2048x128xf32>
    %get3A_67 = arith.constant 0 : index
    %get3A_68 = arith.constant 0 : index
    %get3A_69 = vector.load %arg8[%get3A_67, %get3A_68] : memref<64x128xf32, #tpu.memory_space<vmem>>, vector<64x128xf32>
    %dot_general3A_70 = arith.constant dense<0.000000e+00> : vector<2048x128xf32>
    %dot_general3A_71 = tpu.matmul %mul3A_54, %get3A_69, %dot_general3A_70 {dimension_numbers = #tpu.dot_dimension_numbers<[0], [0], [1], [1], [0, 1, 1, 1], [], []>, transpose_lhs_hint = false} : vector<64x2048xf32>, vector<64x128xf32>, vector<2048x128xf32> -> vector<2048x128xf32>
    %add3A_72 = arith.addf %dot_general3A_66, %dot_general3A_71 : vector<2048x128xf32>
    %get3A_73 = arith.constant 0 : index
    %get3A_74 = arith.constant 0 : index
    %get3A_75 = arith.constant 0 : index
    %get3A_76 = vector.load %arg5[%get3A_73, %get3A_74, %get3A_75] : memref<1x1x2048xi32, #tpu.memory_space<vmem>>, vector<1x1x2048xi32>
    %get3A_77 = vector.shape_cast %get3A_76 : vector<1x1x2048xi32> to vector<1x2048xi32>
    %iota3A = tpu.iota {dimensions = array<i32: 0>} : vector<32x2048xi32>
    %eq3A = vector.broadcast %get3A_77 : vector<1x2048xi32> to vector<32x2048xi32>
    %eq3A_78 = arith.cmpi eq, %iota3A, %eq3A : vector<32x2048xi32>
    %jit3A = arith.constant 1.000000e+00 : f32
    %jit3A_79 = arith.constant 0.000000e+00 : f32
    %broadcast_in_dim3A = vector.broadcast %jit3A : f32 to vector<32x2048xf32>
    %broadcast_in_dim3A_80 = vector.broadcast %jit3A_79 : f32 to vector<32x2048xf32>
    %select_n3A = arith.select %eq3A_78, %broadcast_in_dim3A, %broadcast_in_dim3A_80 : vector<32x2048xi1>, vector<32x2048xf32>
    %get3A_81 = arith.constant 0 : index
    %get3A_82 = arith.constant 0 : index
    %get3A_83 = vector.load %arg6[%get3A_81, %get3A_82] : memref<32x128xf32, #tpu.memory_space<vmem>>, vector<32x128xf32>
    %dot_general3A_84 = arith.constant dense<0.000000e+00> : vector<2048x128xf32>
    %dot_general3A_85 = tpu.matmul %select_n3A, %get3A_83, %dot_general3A_84 {dimension_numbers = #tpu.dot_dimension_numbers<[0], [0], [1], [1], [0, 1, 1, 1], [], []>, transpose_lhs_hint = false} : vector<32x2048xf32>, vector<32x128xf32>, vector<2048x128xf32> -> vector<2048x128xf32>
    %get3A_86 = arith.constant 0 : index
    %get3A_87 = arith.constant 0 : index
    %get3A_88 = vector.load %arg11[%get3A_86, %get3A_87] : memref<1x128xf32, #tpu.memory_space<vmem>>, vector<1x128xf32>
    %add3A_89 = vector.broadcast %get3A_88 : vector<1x128xf32> to vector<2048x128xf32>
    %add3A_90 = arith.addf %add3A_72, %add3A_89 : vector<2048x128xf32>
    %tanh3A = math.tanh %add3A_90 : vector<2048x128xf32>
    %add3A_91 = arith.addf %tanh3A, %bitcast_convert_type3A_62 : vector<2048x128xf32>
    %add3A_92 = arith.addf %add3A_91, %dot_general3A_85 : vector<2048x128xf32>
    %reduce_sum3A = arith.constant dense<0.000000e+00> : vector<2048xf32>
    %reduce_sum3A_93 = vector.multi_reduction <add>, %add3A_92, %reduce_sum3A [1] : vector<2048x128xf32> to vector<2048xf32>
    %broadcast_in_dim3A_94 = vector.shape_cast %reduce_sum3A_93 : vector<2048xf32> to vector<2048x1xf32>
    %div3A = arith.constant 1.280000e+02 : f32
    %div3A_95 = vector.broadcast %div3A : f32 to vector<2048x1xf32>
    %div3A_96 = arith.divf %broadcast_in_dim3A_94, %div3A_95 : vector<2048x1xf32>
    %sub3A_97 = vector.broadcast %div3A_96 : vector<2048x1xf32> to vector<2048x128xf32>
    %sub3A_98 = arith.subf %add3A_92, %sub3A_97 : vector<2048x128xf32>
    %square3A = arith.mulf %sub3A_98, %sub3A_98 : vector<2048x128xf32>
    %reduce_sum3A_99 = arith.constant dense<0.000000e+00> : vector<2048xf32>
    %reduce_sum3A_100 = vector.multi_reduction <add>, %square3A, %reduce_sum3A_99 [1] : vector<2048x128xf32> to vector<2048xf32>
    %broadcast_in_dim3A_101 = vector.shape_cast %reduce_sum3A_100 : vector<2048xf32> to vector<2048x1xf32>
    %div3A_102 = arith.constant 1.280000e+02 : f32
    %div3A_103 = vector.broadcast %div3A_102 : f32 to vector<2048x1xf32>
    %div3A_104 = arith.divf %broadcast_in_dim3A_101, %div3A_103 : vector<2048x1xf32>
    %sub3A_105 = vector.broadcast %div3A_96 : vector<2048x1xf32> to vector<2048x128xf32>
    %sub3A_106 = arith.subf %add3A_92, %sub3A_105 : vector<2048x128xf32>
    %add3A_107 = arith.constant 9.99999996E-13 : f32
    %add3A_108 = vector.broadcast %add3A_107 : f32 to vector<2048x1xf32>
    %add3A_109 = arith.addf %div3A_104, %add3A_108 : vector<2048x1xf32>
    %rsqrt3A = math.rsqrt %add3A_109 : vector<2048x1xf32>
    %mul3A_110 = vector.broadcast %rsqrt3A : vector<2048x1xf32> to vector<2048x128xf32>
    %mul3A_111 = arith.mulf %sub3A_106, %mul3A_110 : vector<2048x128xf32>
    %get3A_112 = arith.constant 0 : index
    %get3A_113 = arith.constant 0 : index
    %get3A_114 = vector.load %arg12[%get3A_112, %get3A_113] : memref<1x128xf32, #tpu.memory_space<vmem>>, vector<1x128xf32>
    %mul3A_115 = vector.broadcast %get3A_114 : vector<1x128xf32> to vector<2048x128xf32>
    %mul3A_116 = arith.mulf %mul3A_111, %mul3A_115 : vector<2048x128xf32>
    %get3A_117 = arith.constant 0 : index
    %get3A_118 = arith.constant 0 : index
    %get3A_119 = vector.load %arg13[%get3A_117, %get3A_118] : memref<1x128xf32, #tpu.memory_space<vmem>>, vector<1x128xf32>
    %add3A_120 = vector.broadcast %get3A_119 : vector<1x128xf32> to vector<2048x128xf32>
    %add3A_121 = arith.addf %mul3A_116, %add3A_120 : vector<2048x128xf32>
    %swap3A = arith.constant 0 : index
    %swap3A_122 = arith.constant 0 : index
    %swap3A_123 = vector.load %arg14[%swap3A, %swap3A_122] : memref<2048x128xf32, #tpu.memory_space<vmem>>, vector<2048x128xf32>
    tpu.vector_store %arg14[%swap3A, %swap3A_122], %add3A_121 {strides = array<i32>} : memref<2048x128xf32, #tpu.memory_space<vmem>>, vector<2048x128xf32>,
    return
  }
  func.func @transform_1(%arg0: i32) -> (i32, i32) {
    %c0_i32 = arith.constant 0 : i32
    %c0_i32_0 = arith.constant 0 : i32
    return %arg0, %c0_i32 : i32, i32
  }
  func.func @transform_2(%arg0: i32) -> (i32, i32, i32) {
    %c0_i32 = arith.constant 0 : i32
    %c0_i32_0 = arith.constant 0 : i32
    %c0_i32_1 = arith.constant 0 : i32
    return %arg0, %c0_i32, %c0_i32_0 : i32, i32, i32
  }
  func.func @transform_3(%arg0: i32) -> (i32, i32, i32) {
    %c0_i32 = arith.constant 0 : i32
    %c0_i32_0 = arith.constant 0 : i32
    %c0_i32_1 = arith.constant 0 : i32
    return %arg0, %c0_i32, %c0_i32_0 : i32, i32, i32
  }
  func.func @transform_4(%arg0: i32) -> (i32, i32, i32) {
    %c0_i32 = arith.constant 0 : i32
    %c0_i32_0 = arith.constant 0 : i32
    %c0_i32_1 = arith.constant 0 : i32
    return %arg0, %c0_i32, %c0_i32_0 : i32, i32, i32
  }
  func.func @transform_5(%arg0: i32) -> (i32, i32) {
    %c0_i32 = arith.constant 0 : i32
    %c0_i32_0 = arith.constant 0 : i32
    %c0_i32_1 = arith.constant 0 : i32
    return %c0_i32, %c0_i32_0 : i32, i32
  }
  func.func @transform_6(%arg0: i32) -> (i32, i32) {
    %c0_i32 = arith.constant 0 : i32
    %c0_i32_0 = arith.constant 0 : i32
    %c0_i32_1 = arith.constant 0 : i32
    return %c0_i32, %c0_i32_0 : i32, i32
  }
  func.func @transform_7(%arg0: i32) -> (i32, i32) {
    %c0_i32 = arith.constant 0 : i32
    %c0_i32_0 = arith.constant 0 : i32
    %c0_i32_1 = arith.constant 0 : i32
    return %c0_i32, %c0_i32_0 : i32, i32
  }
  func.func @transform_8(%arg0: i32) -> (i32, i32) {
    %c0_i32 = arith.constant 0 : i32
    %c0_i32_0 = arith.constant 0 : i32
    %c0_i32_1 = arith.constant 0 : i32
    return %c0_i32, %c0_i32_0 : i32, i32
  }
  func.func @transform_9(%arg0: i32) -> (i32, i32) {
    %c0_i32 = arith.constant 0 : i32
    %c0_i32_0 = arith.constant 0 : i32
    %c0_i32_1 = arith.constant 0 : i32
    return %c0_i32, %c0_i32_0 : i32, i32
  }
  func.func @transform_10(%arg0: i32) -> (i32, i32) {
    %c0_i32 = arith.constant 0 : i32
    %c0_i32_0 = arith.constant 0 : i32
    %c0_i32_1 = arith.constant 0 : i32
    return %c0_i32, %c0_i32_0 : i32, i32
  }
  func.func @transform_11(%arg0: i32) -> (i32, i32) {
    %c0_i32 = arith.constant 0 : i32
    %c0_i32_0 = arith.constant 0 : i32
    %c0_i32_1 = arith.constant 0 : i32
    return %c0_i32, %c0_i32_0 : i32, i32
  }
  func.func @transform_12(%arg0: i32) -> (i32, i32) {
    %c0_i32 = arith.constant 0 : i32
    %c0_i32_0 = arith.constant 0 : i32
    %c0_i32_1 = arith.constant 0 : i32
    return %c0_i32, %c0_i32_0 : i32, i32
  }
  func.func @transform_13(%arg0: i32) -> (i32, i32) {
    %add3A = arith.constant 75 : i32
    %add3A_0 = arith.addi %arg0, %add3A : i32
    %c0_i32 = arith.constant 0 : i32
    %c0_i32_1 = arith.constant 0 : i32
    return %add3A_0, %c0_i32 : i32, i32
  }
}

</mosaic_0001>

<sc_bundles>
// kernel: kernel.10.cloned.1.call-start
scs
__scs_entry_jumppad:
0x0: {  	(pc) =	sbr.rel $0x88, $3  }
0x1: {  	(tag) =	ssettag $0x0;
	lr =	simm.s32 $0x1  }
0x2: {  	[smem:$0x3F8F] =	sst lr;
	_ =	strace $0xD0000000  }
0x3: {  	_ = 	snop  }
0x4: {  	_ = 	snop  }
0x5: {  	_ = 	snop  }
0x6: {  	_ = 	snop  }
0x7: {  	_ = 	snop  }
__scs_overlays_trampoline_lowered:
0x8: {  	[smem:$0x3F9E] =	sst s0  }
0x9: {  	[smem:$0x3F9F] =	sst s1  }
0xa: {  	[smem:$0x3FA0] =	sst s2  }
0xb: {  	[smem:$0x3FA1] =	sst s3  }
0xc: {  	[smem:$0x3FA2] =	sst s4  }
0xd: {  	[smem:$0x3FA3] =	sst s5  }
0xe: {  	[smem:$0x3FA4] =	sst s6  }
0xf: {  	[smem:$0x3FA5] =	sst s7  }
0x10: {  	[smem:$0x3FA6] =	sst s8  }
0x11: {  	[smem:$0x3FA7] =	sst s9;
	s0 =	simm.s32 @!p0 $0x0  }
0x12: {  	s1 =	sld [smem:$0x3F8D];
	s0 =	simm.s32 @p0 $0x1  }
0x13: {  	[smem:$0x3FA8] =	sst s0;
	s0 =	simm.s32 @!p1 $0x0  }
0x14: {  	s2 =	sld [smem:$0x3F8C];
	s0 =	simm.s32 @p1 $0x1  }
0x15: {  	[smem:$0x3FA9] =	sst s0;
	s0 =	simm.s32 @!p2 $0x0  }
0x16: {  	s3 =	sld [smem:$0x3FDB];
	s0 =	simm.s32 @p2 $0x1  }
0x17: {  	s4 =	simm.s32 $0x1BF5;
	[smem:$0x3FAB] =	sst s0  }
0x18: {  	s0 =	sld [smem:$0x3F8E];
	_ =	swait.ge [sflag:s4], $0x0  }
0x19: {  	s7 =	sld [smem:$0x3F8F]  }
0x1a: {  	s8 =	sadd.s32 $0xFFFFE003, lr  }
0x1b: {  	s9 =	sadd.s32 $0xFFFFFEF7, lr;
	s5 =	simm.s32 $0xFFFFFFFF;
	p2 =	slt.u32 s8, $0xFFFFF086  }
0x1c: {  	p1 =	slt.u32 s9, $0xF7A;
	s5 =	simm.s32 @!p2 $0x0  }
0x1d: {  	s5 =	simm.s32 @p1 $0x1;
	p0 =	seq.s32 s7, s2  }
0x1e: {  	s7 =	smul.u32 @!p0 $0xF7A, s2;
	p2 =	seq.s32 @!p0 s5, $0x0  }
0x1f: {  	s9 =	smul.u32 $0xF7A, s1;
	s8 =	simm.s32 @!p0 $0x1BF5;
	p2 =	por !p2, p0  }
0x20: {  	[sflag:s8] =	ssyncset.s32 @!p0 $0xFFFFF086;
	s6 =	sadd.s32 @!p0 s3, s7;
	s7 =	simm.s32 @!p0 $0x108  }
0x21: {  	s3 =	sadd.s32 s3, s9;
	s6 =	sadd.s32 @!p0 $0x88, s6;
	s7 =	simm.s32 @p2 $0x1082  }
0x22: {  	[simem:s7], [sflag:s8] =	dma.local @!p0 [hbm:s6], $0xF7A  }
0x23: {  	s9 =	sor.u32 $0xD0000000, s2;
	s6 =	simm.s32 $0x108;
	_ =	swait.ge @!p0 [sflag:s8], $0x0  }
0x24: {  	s3 =	sadd.s32 $0x88, s3;
	s6 =	simm.s32 @!p1 $0x1082;
	[sflag:s4] =	ssyncset.s32 $0xFFFFF086  }
0x25: {  	[simem:s6], [sflag:s4] =	dma.local [hbm:s3], $0xF7A  }
0x26: {  	[smem:$0x3F8F] =	sst s1;
	(tag) =	ssettag s2;
	_ =	strace s9  }
0x27: {  	s1 =	sld [smem:$0x3F9F]  }
0x28: {  	s2 =	sld [smem:$0x3FA0]  }
0x29: {  	s4 =	sld [smem:$0x3FA2]  }
0x2a: {  	p0 =	seq.s32 s5, $0x0;
	s5 =	sld [smem:$0x3FA3]  }
0x2b: {  	s6 =	sld [smem:$0x3FA4]  }
0x2c: {  	s7 =	sld [smem:$0x3FA5]  }
0x2d: {  	s3 =	simm.s32 $0x108;
	s8 =	sld [smem:$0x3FA6]  }
0x2e: {  	s3 =	simm.s32 @!p0 $0x1082;
	s9 =	sld [smem:$0x3FA7]  }
0x2f: {  	lr =	sadd.s32 s0, s3;
	s0 =	sld [smem:$0x3F9E]  }
0x30: {  	s3 =	sld [smem:$0x3FA1]  }
0x31: {  	[smem:$0x3FAA] =	sst s10  }
0x32: {  	s10 =	sld [smem:$0x3FA8];
	_ =	sdelay $0x3  }
0x33: {  	p0 =	seq.s32 s10, $0x1;
	s10 =	sld [smem:$0x3FAA];
	_ =	sdelay $0x3  }
0x34: {  	[smem:$0x3FAA] =	sst s10  }
0x35: {  	s10 =	sld [smem:$0x3FA9];
	_ =	sdelay $0x3  }
0x36: {  	p1 =	seq.s32 s10, $0x1;
	s10 =	sld [smem:$0x3FAA];
	_ =	sdelay $0x3  }
0x37: {  	[smem:$0x3FAA] =	sst s10  }
0x38: {  	s10 =	sld [smem:$0x3FAB]  }
0x39: {  	_ = 	snop;
	(pc) =	sbr.ind lr, $3  }
0x3a: {  	_ = 	snop  }
0x3b: {  	_ = 	snop  }
0x3c: {  	p2 =	seq.s32 s10, $0x1;
	s10 =	sld [smem:$0x3FAA]  }
0x3d: {  	_ =	shalt  }
0x3e: {  	_ =	shalt  }
0x3f: {  	_ =	shalt  }
0x40: {  	_ =	shalt  }
0x41: {  	_ =	shalt  }
0x42: {  	_ =	shalt  }
0x43: {  	_ =	shalt  }
0x44: {  	_ =	shalt  }
0x45: {  	_ =	shalt  }
0x46: {  	_ =	shalt  }
0x47: {  	_ =	shalt  }
0x48: {  	_ =	shalt  }
0x49: {  	_ =	shalt  }
0x4a: {  	_ =	shalt  }
0x4b: {  	_ =	shalt  }
0x4c: {  	_ =	shalt  }
0x4d: {  	_ =	shalt  }
0x4e: {  	_ =	shalt  }
0x4f: {  	_ =	shalt  }
0x50: {  	_ =	shalt  }
0x51: {  	_ =	shalt  }
0x52: {  	_ =	shalt  }
0x53: {  	_ =	shalt  }
0x54: {  	_ =	shalt  }
0x55: {  	_ =	shalt  }
0x56: {  	_ =	shalt  }
0x57: {  	_ =	shalt  }
0x58: {  	_ =	shalt  }
0x59: {  	_ =	shalt  }
0x5a: {  	_ =	shalt  }
0x5b: {  	_ =	shalt  }
0x5c: {  	_ =	shalt  }
0x5d: {  	_ =	shalt  }
0x5e: {  	_ =	shalt  }
0x5f: {  	_ =	shalt  }
0x60: {  	_ =	shalt  }
0x61: {  	_ =	shalt  }
0x62: {  	_ =	shalt  }
0x63: {  	_ =	shalt  }
0x64: {  	_ =	shalt  }
0x65: {  	_ =	shalt  }
0x66: {  	_ =	shalt  }
0x67: {  	_ =	shalt  }
0x68: {  	_ =	shalt  }
0x69: {  	_ =	shalt  }
0x6a: {  	_ =	shalt  }
0x6b: {  	_ =	shalt  }
0x6c: {  	_ =	shalt  }
0x6d: {  	_ =	shalt  }
0x6e: {  	_ =	shalt  }
0x6f: {  	_ =	shalt  }
0x70: {  	_ =	shalt  }
0x71: {  	_ =	shalt  }
0x72: {  	_ =	shalt  }
0x73: {  	_ =	shalt  }
0x74: {  	_ =	shalt  }
0x75: {  	_ =	shalt  }
0x76: {  	_ =	shalt  }
0x77: {  	_ =	shalt  }
0x78: {  	_ =	shalt  }
0x79: {  	_ =	shalt  }
0x7a: {  	_ =	shalt  }
0x7b: {  	_ =	shalt  }
0x7c: {  	_ =	shalt  }
0x7d: {  	_ =	shalt  }
0x7e: {  	_ =	shalt  }
0x7f: {  	_ =	shalt  }
0x80: {  	_ =	shalt  }
0x81: {  	_ =	shalt  }
0x82: {  	_ =	shalt  }
0x83: {  	_ =	shalt  }
0x84: {  	_ =	shalt  }
0x85: {  	_ =	shalt  }
0x86: {  	_ =	shalt  }
0x87: {  	_ =	shalt  }
.Lfunc_end0:
.L_simem_size_0:
called_computation_lowered:
.L_overlay_start_0:
0x88: {  	s2 =	sld [smem:$0x3FD9]  }
0x89: {  	s3 =	sld [smem:$0x3FFE];
	_ =	sdelay $0x1  }
0x8a: {  	s1 =	srdreg.scid  }
0x8b: {  	s0 =	sand.u32 $0x1, s1  }
0x8c: {  	s17 =	sshll.u32 s0, $0xA;
	s2 =	sadd.s32 s3, s2  }
0x8d: {  	s2 =	sadd.s32 s2, s17  }
0x8e: {  	[smem:$0x3FB6] =	sst s2  }
0x8f: {  	_ = 	snop  }
0x90: {  	s2 =	sld [smem:$0x3FD0];
	(tm) =	ssettm $0x1  }
0x91: {  	s18 =	sld [smem:$0x3FFB];
	_ =	sdelay $0x3  }
0x92: {  	_ =	strace s18  }
0x93: {  	s3 =	sld [smem:$0x3FFC];
	_ =	sdelay $0x3  }
0x94: {  	_ =	strace s3  }
0x95: {  	s3 =	sld [smem:$0x3FFD];
	_ =	sdelay $0x3  }
0x96: {  	_ =	strace s3  }
0x97: {  	_ =	strace $0x8FFFFFFF  }
0x98: {  	s19 =	sld [smem:$0x3FDB];
	_ =	sdelay $0x1  }
0x99: {  	s4 =	simm.s32 $_scs_section_size  }
0x9a: {  	s5 =	simm.s32 $_size__tile_overlayer_lowered;
	s6 =	simm.s32 $_tile_overlayer_lowered  }
0x9b: {  	s22 =	simm.s32 $0x1BFF;
	s21 =	sshll.u32 s6, $0x1;
	s3 =	sadd.s32 s4, s19  }
0x9c: {  	s7 =	simm.s32 $0x0;
	s20 =	sshll.u32 s5, $0x1;
	s5 =	sadd.s32 s21, s3  }
0x9d: {  	[timem:s7], [sflag:s22] =	dma.local [hbm:s5], s20  }
0x9e: {  	_ =	swait.ge [sflag:s22], s20  }
0x9f: {  	s4 =	ssub.s32 $0x0, s20;
	[sflag:s22] =	ssyncset.done $0x0  }
0xa0: {  	[sflag:s22] =	ssyncadd.s32 s4;
	_ =	sdelay $0x1  }
0xa1: {  	s23 =	simm.s32 $0x1B8B  }
0xa2: {  	_ =	swait.ge [sflag:s23], $0x1  }
0xa3: {  	[sflag:s23] =	ssyncset.done $0x0  }
0xa4: {  	s25 =	simm.s32 $0x1B8E;
	s24 =	sld [smem:$0x3FFE];
	[sflag:s23] =	ssyncadd.s32 $0xFFFFFFFF  }
0xa5: {  	s26 =	simm.s32 $execute0_lowered;
	[smem:$0x3FD2] =	sst s25  }
0xa6: {  	s5 =	sshll.u32 s26, $0x1;
	_ =	strace $0x80000046;
	[dreg:$0x1] =	wrdreg $0xFFFFFFFF  }
0xa7: {  	s28 =	simm.s32 $_size_execute0_lowered;
	s3 =	sadd.s32 s3, s5;
	[dreg:$0x0] =	wrdreg $0x0  }
0xa8: {  	s5 =	sshll.u32 s28, $0x1;
	[dreg:$0x2] =	wrdreg s3  }
0xa9: {  	[dreg:$0x3] =	wrdreg s5  }
0xaa: {  	[dreg:$0x4] =	wrdreg $0xC0  }
0xab: {  	_ =	task [dreg:s7], $0x5FFFF  }
0xac: {  	[dreg:$0x1] =	wrdreg $0xFFFFFFFF  }
0xad: {  	[dreg:$0x0] =	wrdreg $0x60  }
0xae: {  	[dreg:$0x2] =	wrdreg s24  }
0xaf: {  	[dreg:$0x3] =	wrdreg s2  }
0xb0: {  	[dreg:$0x4] =	wrdreg $0xD5000  }
0xb1: {  	[dreg:$0x5] =	wrdreg $0x9  }
0xb2: {  	_ =	task.clear_ibuf [dreg:s7], $0x6FFFF;
	_ =	strace $0x90000046  }
0xb3: {  	s29 =	simm.s32 $0x9;
	_ =	strace $0x80000048  }
0xb4: {  	_ =	swait.ge [sflag:s29], $0x1  }
0xb5: {  	[sflag:s29] =	ssyncadd.s32 $0xFFFFFFFF  }
0xb6: {  	_ =	strace $0x90000048  }
0xb7: {  	_ =	sfence  }
0xb8: {  	s30 =	sld [smem:$0x0];
	_ =	sdelay $0x2  }
0xb9: {  	s31 =	sshll.u32 s1, $0xD;
	s1 =	sshrl.u32 s1, $0x2  }
0xba: {  	s3 =	sand.u32 $0x4000, s31;
	s1 =	sadd.s32 s1, s30  }
0xbb: {  	s0 =	sor.u32 s3, s0;
	s1 =	sshll.u32 s1, $0x11  }
0xbc: {  	s0 =	sor.u32 s1, s0  }
0xbd: {  	s0 =	sadd.s32 $0x8F2B, s0  }
0xbe: {  	[sflag:s0] =	ssyncadd.remote.s32 $0x1  }
0xbf: {  	_ =	sfence.sel $0xFFFF  }
0xc0: {  	[dreg:$0x0] =	wrdreg $0xFFFFFFFF;
	(pc) =	sbr.abs _section_cstart, $3  }
0xc1: {  	[dreg:$0x1] =	wrdreg $0xFFFFFFFF  }
0xc2: {  	_ =	task.clear_ibuf [dreg:s7], $0x2FFFF;
	_ =	strace $0x9FFFFFFF  }
0xc3: {  	(tm) =	ssettm $0x7FFFFFFF  }
tec
execute0_lowered:
.L_overlay_start_1:
0x0: {  	(tag) =	ssettag $0x1  }
0x1: {  	s6 =	rddreg [dreg:$0x0]  }
0x2: {  	s7 =	rddreg [dreg:$0x1];
	s0 =	srdreg.scid  }
0x3: {  	s9 =	stileid.u32;
	s1 =	rddreg [dreg:$0x2];
	s2 =	simm.s32 $0x0  }
0x4: {  	s13 =	simm.s32 $0x50;
	s14 =	simm.s32 $0xD00;
	s15 =	simm.s32 $0x3500  }
0x5: {  	s16 =	simm.s32 $0x5D00;
	s17 =	simm.s32 $0x8500;
	s18 =	simm.s32 $0x1  }
0x6: {  	s19 =	simm.s32 $0x2;
	s20 =	simm.s32 $0xAD00;
	s21 =	simm.s32 $0x3  }
0x7: {  	s22 =	simm.s32 $0x4;
	s5 =	sand.u32 $0x1, s0;
	s0 =	rddreg [dreg:$0x3]  }
0x8: {  	s23 =	simm.s32 $0x0;
	s3 =	sshll.u32 s9, $0x1;
	[smem:$0x7FF] =	sst s2  }
0x9: {  	s4 =	sadd.s32 $0x4A00, s6;
	s3 =	sor.u32 s5, s3;
	s8 =	ssub.s32 $0x2, s5  }
0xa: {  	p0 =	sne.s32 s9, $0x0;
	s3 =	smul.u32 $0x640, s3;
	s11 =	sshrl.u32 s8, $0x1  }
0xb: {  	_ =	strace $0x80000047;
	s5 =	sadd.s32 $0x18B400, s6;
	s11 =	ssub.s32 s8, s11  }
0xc: {  	s10 =	sshrl.u32 s3, $0x3;
	s9 =	smax.u32 s11, $0x1;
	s11 =	simm.s32 $0x5  }
0xd: {  	s12 =	sadd.s32 s10, s6;
	s6 =	sadd.s32 $0x18EE00, s6;
	s7 =	sadd.s32 s7, s10  }
0xe: {  	s10 =	sshrl.u32 @!p0 s1, $0x3;
	s8 =	sadd.s32 $0x18D400, s12;
	s12 =	simm.s32 $0x680  }
.LBB2_1:
0xf: {  	s24 =	simm.s32 @!p0 $0x1C05  }
0x10: {  	[spmem:s10], [sflag:s24] =	dma.local @!p0 [hbm:s5], $0x2000  }
0x11: {  	s24 =	simm.s32 @!p0 $0x5  }
0x12: {  	_ =	swait.ge @!p0 [sflag:s24], $0x2000  }
0x13: {  	[sflag:s24] =	ssyncset.done @!p0 $0x0  }
0x14: {  	[sflag:s24] =	ssyncadd.s32 @!p0 $0xFFFFE000  }
0x15: {  	[tilespmem:s2], [sflag:$0x5] =	stream.linear.gather [hbm4b:s7+s2], $0x640, $0x38;
	[tilespmem:$0xE500] =	vst v63  }
0x16: {  	_ =	swait.ge [sflag:s11], $0x640  }
0x17: {  	[sflag:s11] =	ssyncset.done $0x0  }
0x18: {  	[sflag:s11] =	ssyncadd.s32 $0xFFFFF9C0  }
0x19: {  	[tilespmem:s12], [sflag:$0x5] =	stream.linear.gather [hbm4b:s8+s2], $0x640, $0x38;
	[tilespmem:$0xE500] =	vst v63  }
0x1a: {  	_ =	swait.ge [sflag:s11], $0x640  }
0x1b: {  	[sflag:s11] =	ssyncset.done $0x0  }
0x1c: {  	[sflag:s11] =	ssyncadd.s32 $0xFFFFF9C0  }
0x1d: {  	[bflag:$0x0] =	sbarrier.arrive $0xFFFF  }
0x1e: {  	[tilespmem:s14], [sflag:$0x1] =	stream.indirect.gather [hbm4b:s4+s13], $0x80, s2, s13, $0xb8;
	[tilespmem:$0xE500] =	vst v63  }
0x1f: {  	s24 =	simm.s32 $0x0  }
0x20: {  	[tilespmem:s15], [sflag:$0x2] =	stream.indirect.gather [spmem:s1], $0x80, s12, s13, $0xb8;
	[tilespmem:$0xE500] =	vst v63  }
.LBB2_2:
0x21: {  	s26 =	smul.u32 $0xA0, s24;
	_ =	sdelay $0x1  }
0x22: {  	s25 =	sadd.s32 $0x50, s26  }
0x23: {  	[tilespmem:s16], [sflag:$0x3] =	stream.indirect.gather [hbm4b:s4+s13], $0x80, s25, s13, $0xb8;
	[tilespmem:$0xE500] =	vst v63  }
0x24: {  	s28 =	sadd.s32 $0x6D0, s26  }
0x25: {  	[tilespmem:s17], [sflag:$0x4] =	stream.indirect.gather [spmem:s1], $0x80, s28, s13, $0xb8;
	[tilespmem:$0xE500] =	vst v63  }
0x26: {  	_ =	swait.ge [sflag:s18], $0x2800  }
0x27: {  	[sflag:s18] =	ssyncset.done $0x0  }
0x28: {  	[sflag:s18] =	ssyncadd.s32 $0xFFFFD800  }
0x29: {  	_ =	swait.ge [sflag:s19], $0x2800  }
0x2a: {  	[sflag:s19] =	ssyncset.done $0x0  }
0x2b: {  	s28 =	simm.s32 $0x0;
	[sflag:s19] =	ssyncadd.s32 $0xFFFFD800  }
0x2c: {  	v0 =	vld [tilespmem:s28+$0xD70]  }
0x2d: {  	v1 =	vld [tilespmem:s28+$0x3570]  }
0x2e: {  	v2 =	vld [tilespmem:s28+$0xD00]  }
0x2f: {  	v3 =	vld [tilespmem:s28+$0x3500]  }
0x30: {  	v4 =	vld [tilespmem:s28+$0xD10]  }
0x31: {  	v5 =	vld [tilespmem:s28+$0x3510]  }
0x32: {  	v6 =	vld [tilespmem:s28+$0xD20]  }
0x33: {  	v7 =	vld [tilespmem:s28+$0x3520];
	v0 =	vshrl.u32 v0, $0x10;
	v1 =	vand.u32 $0xFFFF0000, v1  }
0x34: {  	v8 =	vld [tilespmem:s28+$0xD30];
	v0 =	vor.u32 v0, v1;
	v1 =	vshrl.u32 v2, $0x10;
	v2 =	vand.u32 $0xFFFF0000, v3  }
0x35: {  	v9 =	vld [tilespmem:s28+$0x3530];
	[tilespmem:s28+$0xAD70] =	vst v0;
	v0 =	vor.u32 v1, v2  }
0x36: {  	v10 =	vld [tilespmem:s28+$0x3540];
	v1 =	vand.u32 $0xFFFF0000, v5;
	[tilespmem:s28+$0xAD00] =	vst v0;
	v0 =	vshrl.u32 v4, $0x10  }
0x37: {  	v5 =	vld [tilespmem:s28+$0xD40];
	v0 =	vor.u32 v0, v1  }
0x38: {  	v2 =	vld [tilespmem:s28+$0xD50];
	v1 =	vand.u32 $0xFFFF0000, v7;
	[tilespmem:s28+$0xAD10] =	vst v0;
	v0 =	vshrl.u32 v6, $0x10  }
0x39: {  	v3 =	vld [tilespmem:s28+$0x3550];
	v0 =	vor.u32 v0, v1  }
0x3a: {  	v6 =	vand.u32 $0xFFFF0000, v9;
	v1 =	vld [tilespmem:s28+$0xD60];
	[tilespmem:s28+$0xAD20] =	vst v0;
	v0 =	vshrl.u32 v8, $0x10  }
0x3b: {  	s29 =	simm.s32 $0x80;
	v4 =	vld [tilespmem:s28+$0x3560];
	v6 =	vor.u32 v0, v6  }
0x3c: {  	s30 =	simm.s32 $0x400;
	v5 =	vshrl.u32 v5, $0x10;
	v0 =	vld [tilespmem:s29+$0xD70];
	[tilespmem:s28+$0xAD30] =	vst v6;
	v6 =	vand.u32 $0xFFFF0000, v10  }
.LBB2_3:
0x3d: {  	p1 =	sne.s32 s30, $0x9E00;
	v7 =	vld [tilespmem:s29+$0x3570];
	v5 =	vor.u32 v5, v6;
	v2 =	vshrl.u32 v2, $0x10  }
0x3e: {  	v6 =	vld [tilespmem:s29+$0xD00];
	[tilespmem:s28+$0xAD40] =	vst v5;
	v3 =	vand.u32 $0xFFFF0000, v3  }
0x3f: {  	v5 =	vld [tilespmem:s29+$0x3500];
	v2 =	vor.u32 v2, v3;
	v1 =	vshrl.u32 v1, $0x10  }
0x40: {  	v3 =	vld [tilespmem:s29+$0xD10];
	[tilespmem:s28+$0xAD50] =	vst v2;
	v2 =	vand.u32 $0xFFFF0000, v4  }
0x41: {  	v4 =	vld [tilespmem:s29+$0x3510];
	v1 =	vor.u32 v1, v2  }
0x42: {  	v0 =	vshrl.u32 v0, $0x10;
	v2 =	vld [tilespmem:s29+$0xD20];
	v7 =	vand.u32 $0xFFFF0000, v7;
	[tilespmem:s28+$0xAD60] =	vst v1;
	s28 =	smov.u32 s29  }
0x43: {  	v1 =	vshrl.u32 v6, $0x10;
	v6 =	vld [tilespmem:s28+$0x3520];
	v0 =	vor.u32 v0, v7  }
0x44: {  	v5 =	vand.u32 $0xFFFF0000, v5;
	v7 =	vld [tilespmem:s28+$0xD30];
	[tilespmem:s28+$0xAD70] =	vst v0  }
0x45: {  	v0 =	vor.u32 v1, v5;
	v1 =	vshrl.u32 v3, $0x10;
	v5 =	vld [tilespmem:s28+$0x3530]  }
0x46: {  	[tilespmem:s28+$0xAD00] =	vst v0;
	v0 =	vand.u32 $0xFFFF0000, v4;
	v4 =	vld [tilespmem:s28+$0xD40]  }
0x47: {  	v0 =	vor.u32 v1, v0;
	v1 =	vshrl.u32 v2, $0x10;
	v8 =	vld [tilespmem:s28+$0x3540]  }
.Ltmp0:
0x48: {  	[tilespmem:s28+$0xAD10] =	vst v0;
	v0 =	vand.u32 $0xFFFF0000, v6;
	v2 =	vld [tilespmem:s28+$0xD50];
	(pc) =	sbr.rel @p1 .LBB2_3-.Ltmp0, $4  }
0x49: {  	v0 =	vor.u32 v1, v0;
	v6 =	vshrl.u32 v7, $0x10;
	v3 =	vld [tilespmem:s28+$0x3550]  }
0x4a: {  	[tilespmem:s28+$0xAD20] =	vst v0;
	v0 =	vand.u32 $0xFFFF0000, v5;
	v1 =	vld [tilespmem:s28+$0xD60]  }
0x4b: {  	s29 =	sshra.s32 s30, $0x2;
	v6 =	vor.u32 v6, v0;
	v5 =	vshrl.u32 v4, $0x10;
	v4 =	vld [tilespmem:s28+$0x3560]  }
0x4c: {  	s30 =	sadd.s32 $0x200, s30;
	v0 =	vld [tilespmem:s29+$0xD70];
	[tilespmem:s28+$0xAD30] =	vst v6;
	v6 =	vand.u32 $0xFFFF0000, v8  }
0x4d: {  	v7 =	vld [tilespmem:s29+$0x3570];
	v5 =	vor.u32 v5, v6  }
0x4e: {  	v6 =	vld [tilespmem:s29+$0xD00];
	v2 =	vshrl.u32 v2, $0x10;
	[tilespmem:s28+$0xAD40] =	vst v5;
	v3 =	vand.u32 $0xFFFF0000, v3  }
0x4f: {  	v5 =	vld [tilespmem:s29+$0x3500];
	v2 =	vor.u32 v2, v3  }
0x50: {  	v3 =	vld [tilespmem:s29+$0xD10];
	v1 =	vshrl.u32 v1, $0x10;
	[tilespmem:s28+$0xAD50] =	vst v2;
	v2 =	vand.u32 $0xFFFF0000, v4  }
0x51: {  	v4 =	vld [tilespmem:s29+$0x3510];
	v1 =	vor.u32 v1, v2  }
0x52: {  	v2 =	vld [tilespmem:s29+$0xD20];
	[tilespmem:s28+$0xAD60] =	vst v1  }
0x53: {  	v0 =	vshrl.u32 v0, $0x10;
	v1 =	vand.u32 $0xFFFF0000, v7;
	v7 =	vld [tilespmem:s29+$0x3520]  }
0x54: {  	v6 =	vshrl.u32 v6, $0x10;
	v0 =	vor.u32 v0, v1;
	v1 =	vld [tilespmem:s29+$0xD30];
	v5 =	vand.u32 $0xFFFF0000, v5  }
0x55: {  	[tilespmem:s29+$0xAD70] =	vst v0;
	v0 =	vor.u32 v6, v5;
	v5 =	vld [tilespmem:s29+$0x3530]  }
0x56: {  	v6 =	vld [tilespmem:s29+$0xD50]  }
0x57: {  	[tilespmem:s29+$0xAD00] =	vst v0;
	v0 =	vshrl.u32 v3, $0x10;
	v3 =	vand.u32 $0xFFFF0000, v4;
	v4 =	vld [tilespmem:s29+$0xD40]  }
0x58: {  	v0 =	vor.u32 v0, v3;
	v3 =	vld [tilespmem:s29+$0x3540]  }
0x59: {  	[tilespmem:s29+$0xAD10] =	vst v0;
	v0 =	vshrl.u32 v2, $0x10;
	v2 =	vand.u32 $0xFFFF0000, v7;
	v7 =	vld [tilespmem:s29+$0x3560]  }
0x5a: {  	v0 =	vor.u32 v0, v2;
	v2 =	vld [tilespmem:s29+$0x3550]  }
0x5b: {  	[tilespmem:s29+$0xAD20] =	vst v0;
	v0 =	vld [tilespmem:s29+$0xD60];
	_ =	sdelay $0x1  }
0x5c: {  	v1 =	vshrl.u32 v1, $0x10;
	v5 =	vand.u32 $0xFFFF0000, v5  }
0x5d: {  	v1 =	vor.u32 v1, v5;
	v4 =	vshrl.u32 v4, $0x10;
	v3 =	vand.u32 $0xFFFF0000, v3  }
0x5e: {  	[tilespmem:s29+$0xAD30] =	vst v1;
	v1 =	vor.u32 v4, v3;
	v3 =	vshrl.u32 v6, $0x10;
	v2 =	vand.u32 $0xFFFF0000, v2  }
0x5f: {  	s28 =	sadd.s32 s3, s26;
	[tilespmem:s29+$0xAD40] =	vst v1;
	v1 =	vor.u32 v3, v2;
	v0 =	vshrl.u32 v0, $0x10;
	v2 =	vand.u32 $0xFFFF0000, v7  }
0x60: {  	s28 =	sshll.u32 s28, $0x4;
	[tilespmem:s29+$0xAD50] =	vst v1;
	v0 =	vor.u32 v0, v2  }
0x61: {  	s28 =	sadd.s32 s6, s28;
	[tilespmem:s29+$0xAD60] =	vst v0  }
0x62: {  	[hbm4b:s28+s2] =	stream.linear.scatter [tilespmem:s20], [sflag:$0x5], $0x2800, $0x38;
	[tilespmem:$0xE500] =	vst v63  }
0x63: {  	p1 =	seq.s32 s24, $0x9;
	_ =	swait.ge [sflag:s11], $0x2800  }
0x64: {  	s30 =	simm.s32 @!p1 $0xD00;
	[sflag:s11] =	ssyncset.done $0x0  }
0x65: {  	s29 =	simm.s32 @!p1 $0x50;
	s28 =	sadd.s32 @!p1 $0xA0, s26;
	[sflag:s11] =	ssyncadd.s32 $0xFFFFD800  }
0x66: {  	[tilespmem:s30], [sflag:$0x1] =	stream.indirect.gather @!p1 [hbm4b:s4+s29], $0x80, s28, s29, $0xb8;
	[tilespmem:$0xE500] =	vst v63  }
0x67: {  	s26 =	sadd.s32 @!p1 $0x720, s26;
	s28 =	simm.s32 @!p1 $0x3500  }
0x68: {  	[tilespmem:s28], [sflag:$0x2] =	stream.indirect.gather @!p1 [spmem:s1], $0x80, s26, s29, $0xb8;
	[tilespmem:$0xE500] =	vst v63  }
0x69: {  	_ =	swait.ge [sflag:s21], $0x2800  }
0x6a: {  	[sflag:s21] =	ssyncset.done $0x0  }
0x6b: {  	[sflag:s21] =	ssyncadd.s32 $0xFFFFD800  }
0x6c: {  	_ =	swait.ge [sflag:s22], $0x2800  }
0x6d: {  	[sflag:s22] =	ssyncset.done $0x0  }
0x6e: {  	s26 =	simm.s32 $0x0;
	[sflag:s22] =	ssyncadd.s32 $0xFFFFD800  }
0x6f: {  	v0 =	vld [tilespmem:s26+$0x5D70]  }
0x70: {  	v1 =	vld [tilespmem:s26+$0x8570]  }
0x71: {  	v2 =	vld [tilespmem:s26+$0x5D00]  }
0x72: {  	v3 =	vld [tilespmem:s26+$0x8500]  }
0x73: {  	v4 =	vld [tilespmem:s26+$0x5D10]  }
0x74: {  	v5 =	vld [tilespmem:s26+$0x8510]  }
0x75: {  	v6 =	vld [tilespmem:s26+$0x5D20]  }
0x76: {  	v7 =	vld [tilespmem:s26+$0x8520];
	v0 =	vshrl.u32 v0, $0x10;
	v1 =	vand.u32 $0xFFFF0000, v1  }
0x77: {  	v8 =	vld [tilespmem:s26+$0x5D30];
	v0 =	vor.u32 v0, v1;
	v1 =	vshrl.u32 v2, $0x10;
	v2 =	vand.u32 $0xFFFF0000, v3  }
0x78: {  	v9 =	vld [tilespmem:s26+$0x8530];
	[tilespmem:s26+$0xAD70] =	vst v0;
	v0 =	vor.u32 v1, v2  }
0x79: {  	v10 =	vld [tilespmem:s26+$0x8540];
	v1 =	vand.u32 $0xFFFF0000, v5;
	[tilespmem:s26+$0xAD00] =	vst v0;
	v0 =	vshrl.u32 v4, $0x10  }
0x7a: {  	v5 =	vld [tilespmem:s26+$0x5D40];
	v0 =	vor.u32 v0, v1  }
0x7b: {  	v2 =	vld [tilespmem:s26+$0x5D50];
	v1 =	vand.u32 $0xFFFF0000, v7;
	[tilespmem:s26+$0xAD10] =	vst v0;
	v0 =	vshrl.u32 v6, $0x10  }
0x7c: {  	v3 =	vld [tilespmem:s26+$0x8550];
	v0 =	vor.u32 v0, v1  }
0x7d: {  	v6 =	vand.u32 $0xFFFF0000, v9;
	v1 =	vld [tilespmem:s26+$0x5D60];
	[tilespmem:s26+$0xAD20] =	vst v0;
	v0 =	vshrl.u32 v8, $0x10  }
0x7e: {  	s28 =	simm.s32 $0x80;
	v4 =	vld [tilespmem:s26+$0x8560];
	v6 =	vor.u32 v0, v6  }
0x7f: {  	s29 =	simm.s32 $0x400;
	v5 =	vshrl.u32 v5, $0x10;
	v0 =	vld [tilespmem:s28+$0x5D70];
	[tilespmem:s26+$0xAD30] =	vst v6;
	v6 =	vand.u32 $0xFFFF0000, v10  }
.LBB2_5:
0x80: {  	p1 =	sne.s32 s29, $0x9E00;
	v7 =	vld [tilespmem:s28+$0x8570];
	v5 =	vor.u32 v5, v6;
	v2 =	vshrl.u32 v2, $0x10  }
0x81: {  	v6 =	vld [tilespmem:s28+$0x5D00];
	[tilespmem:s26+$0xAD40] =	vst v5;
	v3 =	vand.u32 $0xFFFF0000, v3  }
0x82: {  	v5 =	vld [tilespmem:s28+$0x8500];
	v2 =	vor.u32 v2, v3;
	v1 =	vshrl.u32 v1, $0x10  }
0x83: {  	v3 =	vld [tilespmem:s28+$0x5D10];
	[tilespmem:s26+$0xAD50] =	vst v2;
	v2 =	vand.u32 $0xFFFF0000, v4  }
0x84: {  	v4 =	vld [tilespmem:s28+$0x8510];
	v1 =	vor.u32 v1, v2  }
0x85: {  	v0 =	vshrl.u32 v0, $0x10;
	v2 =	vld [tilespmem:s28+$0x5D20];
	v7 =	vand.u32 $0xFFFF0000, v7;
	[tilespmem:s26+$0xAD60] =	vst v1;
	s26 =	smov.u32 s28  }
0x86: {  	v1 =	vshrl.u32 v6, $0x10;
	v6 =	vld [tilespmem:s26+$0x8520];
	v0 =	vor.u32 v0, v7  }
0x87: {  	v5 =	vand.u32 $0xFFFF0000, v5;
	v7 =	vld [tilespmem:s26+$0x5D30];
	[tilespmem:s26+$0xAD70] =	vst v0  }
0x88: {  	v0 =	vor.u32 v1, v5;
	v1 =	vshrl.u32 v3, $0x10;
	v5 =	vld [tilespmem:s26+$0x8530]  }
0x89: {  	[tilespmem:s26+$0xAD00] =	vst v0;
	v0 =	vand.u32 $0xFFFF0000, v4;
	v4 =	vld [tilespmem:s26+$0x5D40]  }
0x8a: {  	v0 =	vor.u32 v1, v0;
	v1 =	vshrl.u32 v2, $0x10;
	v8 =	vld [tilespmem:s26+$0x8540]  }
.Ltmp1:
0x8b: {  	[tilespmem:s26+$0xAD10] =	vst v0;
	v0 =	vand.u32 $0xFFFF0000, v6;
	v2 =	vld [tilespmem:s26+$0x5D50];
	(pc) =	sbr.rel @p1 .LBB2_5-.Ltmp1, $4  }
0x8c: {  	v0 =	vor.u32 v1, v0;
	v6 =	vshrl.u32 v7, $0x10;
	v3 =	vld [tilespmem:s26+$0x8550]  }
0x8d: {  	[tilespmem:s26+$0xAD20] =	vst v0;
	v0 =	vand.u32 $0xFFFF0000, v5;
	v1 =	vld [tilespmem:s26+$0x5D60]  }
0x8e: {  	s28 =	sshra.s32 s29, $0x2;
	v6 =	vor.u32 v6, v0;
	v5 =	vshrl.u32 v4, $0x10;
	v4 =	vld [tilespmem:s26+$0x8560]  }
0x8f: {  	s29 =	sadd.s32 $0x200, s29;
	v0 =	vld [tilespmem:s28+$0x5D70];
	[tilespmem:s26+$0xAD30] =	vst v6;
	v6 =	vand.u32 $0xFFFF0000, v8  }
0x90: {  	v7 =	vld [tilespmem:s28+$0x8570];
	v5 =	vor.u32 v5, v6  }
0x91: {  	v40 =	vld [tilespmem:s28+$0x5D00];
	v2 =	vshrl.u32 v2, $0x10;
	[tilespmem:s26+$0xAD40] =	vst v5;
	v3 =	vand.u32 $0xFFFF0000, v3  }
0x92: {  	v5 =	vld [tilespmem:s28+$0x8500];
	v2 =	vor.u32 v2, v3  }
0x93: {  	v41 =	vld [tilespmem:s28+$0x5D10];
	v1 =	vshrl.u32 v1, $0x10;
	[tilespmem:s26+$0xAD50] =	vst v2;
	v42 =	vand.u32 $0xFFFF0000, v4  }
0x94: {  	v43 =	vld [tilespmem:s28+$0x8510];
	v1 =	vor.u32 v1, v42  }
0x95: {  	v44 =	vld [tilespmem:s28+$0x5D20];
	[tilespmem:s26+$0xAD60] =	vst v1  }
0x96: {  	v46 =	vld [tilespmem:s28+$0x8520]  }
0x97: {  	v47 =	vld [tilespmem:s28+$0x5D30]  }
0x98: {  	v49 =	vld [tilespmem:s28+$0x8530]  }
0x99: {  	v52 =	vld [tilespmem:s28+$0x5D40]  }
0x9a: {  	v53 =	vld [tilespmem:s28+$0x8540]  }
0x9b: {  	v56 =	vld [tilespmem:s28+$0x5D50]  }
0x9c: {  	v0 =	vshrl.u32 v0, $0x10;
	v45 =	vand.u32 $0xFFFF0000, v7;
	v57 =	vld [tilespmem:s28+$0x8550]  }
0x9d: {  	v6 =	vshrl.u32 v40, $0x10;
	v0 =	vor.u32 v0, v45;
	v58 =	vld [tilespmem:s28+$0x5D60];
	v5 =	vand.u32 $0xFFFF0000, v5  }
0x9e: {  	v59 =	vld [tilespmem:s28+$0x8560];
	[tilespmem:s28+$0xAD70] =	vst v0;
	v50 =	vshrl.u32 v41, $0x10;
	v48 =	vor.u32 v6, v5;
	v51 =	vand.u32 $0xFFFF0000, v43  }
0x9f: {  	[tilespmem:s28+$0xAD00] =	vst v48;
	v54 =	vshrl.u32 v44, $0x10;
	v0 =	vor.u32 v50, v51;
	v55 =	vand.u32 $0xFFFF0000, v46  }
0xa0: {  	[tilespmem:s28+$0xAD10] =	vst v0;
	v1 =	vshrl.u32 v47, $0x10;
	v5 =	vand.u32 $0xFFFF0000, v49;
	v0 =	vor.u32 v54, v55  }
0xa1: {  	v4 =	vshrl.u32 v52, $0x10;
	v3 =	vand.u32 $0xFFFF0000, v53;
	v1 =	vor.u32 v1, v5;
	[tilespmem:s28+$0xAD20] =	vst v0  }
0xa2: {  	v61 =	vshrl.u32 v56, $0x10;
	v2 =	vand.u32 $0xFFFF0000, v57;
	v60 =	vor.u32 v4, v3;
	[tilespmem:s28+$0xAD30] =	vst v1  }
0xa3: {  	s25 =	sadd.s32 s3, s25;
	s24 =	sadd.s32 $0x1, s24;
	v63 =	vand.u32 $0xFFFF0000, v59;
	v62 =	vor.u32 v61, v2;
	[tilespmem:s28+$0xAD40] =	vst v60;
	v0 =	vshrl.u32 v58, $0x10  }
0xa4: {  	s25 =	sshll.u32 s25, $0x4;
	p1 =	sne.s32 s24, $0xA;
	[tilespmem:s28+$0xAD50] =	vst v62;
	v0 =	vor.u32 v0, v63  }
.Ltmp2:
0xa5: {  	s25 =	sadd.s32 s6, s25;
	[tilespmem:s28+$0xAD60] =	vst v0;
	(pc) =	sbr.rel @p1 .LBB2_2-.Ltmp2, $4  }
0xa6: {  	[hbm4b:s25+s2] =	stream.linear.scatter [tilespmem:s20], [sflag:$0x5], $0x2800, $0x38;
	[tilespmem:$0xE500] =	vst v63  }
0xa7: {  	_ =	swait.ge [sflag:s11], $0x2800  }
0xa8: {  	[sflag:s11] =	ssyncset.done $0x0  }
0xa9: {  	[sflag:s11] =	ssyncadd.s32 $0xFFFFD800  }
0xaa: {  	s23 =	sadd.s32 $0x1, s23  }
0xab: {  	p1 =	sne.s32 s23, s9  }
.Ltmp3:
0xac: {  	_ = 	snop;
	(pc) =	sbr.rel @p1 .LBB2_1-.Ltmp3, $1  }
0xad: {  	_ =	sdelay $0x3  }
0xae: {  	_ =	sfence.sel $0x180000  }
0xaf: {  	[bflag:$0x0] =	sbarrier.arrive $0xFFFF  }
0xb0: {  	_ =	strace $0x90000047  }
0xb1: {  	s0 =	sadd.s32 @!p0 $0x100000, s0;
	[bflag:$0x2] =	sbarrier.arrive $0xFFFF  }
0xb2: {  	[sflag:s0] =	ssyncadd.tile.s32 @!p0 $0x1;
	_ =	shalt  }
.Lfunc_end2:
_tile_overlayer_lowered:
.L_overlay_start_2:
0xb3: {  	(tag) =	ssettag $0x2  }
0xb4: {  	s0 =	rddreg [dreg:$0x0];
	s2 =	stileid.u32  }
0xb5: {  	s1 =	rddreg [dreg:$0x1];
	p0 =	sne.s32 s2, $0x0  }
0xb6: {  	s3 =	rddreg [dreg:$0x2];
	[bflag:$0x3] =	sbarrier.arrive $0xFFFF;
	s2 =	simm.s32 @!p0 $0x1C05  }
0xb7: {  	[timem:s3], [sflag:s2] =	dma.local @!p0 [hbm:s0], s1  }
0xb8: {  	s0 =	simm.s32 @!p0 $0x5  }
0xb9: {  	_ =	swait.ge @!p0 [sflag:s0], s1  }
0xba: {  	s1 =	ssub.s32 @!p0 $0x0, s1;
	[sflag:s0] =	ssyncset.done @!p0 $0x0  }
0xbb: {  	[sflag:s0] =	ssyncadd.s32 @!p0 s1  }
0xbc: {  	[bflag:$0x3] =	sbarrier.arrive $0xFFFF  }
0xbd: {  	_ =	shalt  }

// kernel: kernel.13.cloned.1.call-start
scs
__scs_entry_jumppad:
0x0: {  	(pc) =	sbr.rel $0x88, $3  }
0x1: {  	(tag) =	ssettag $0x0;
	lr =	simm.s32 $0x1  }
0x2: {  	[smem:$0x3F8F] =	sst lr;
	_ =	strace $0xD0000000  }
0x3: {  	_ = 	snop  }
0x4: {  	_ = 	snop  }
0x5: {  	_ = 	snop  }
0x6: {  	_ = 	snop  }
0x7: {  	_ = 	snop  }
__scs_overlays_trampoline_lowered:
0x8: {  	[smem:$0x3F9E] =	sst s0  }
0x9: {  	[smem:$0x3F9F] =	sst s1  }
0xa: {  	[smem:$0x3FA0] =	sst s2  }
0xb: {  	[smem:$0x3FA1] =	sst s3  }
0xc: {  	[smem:$0x3FA2] =	sst s4  }
0xd: {  	[smem:$0x3FA3] =	sst s5  }
0xe: {  	[smem:$0x3FA4] =	sst s6  }
0xf: {  	[smem:$0x3FA5] =	sst s7  }
0x10: {  	[smem:$0x3FA6] =	sst s8  }
0x11: {  	[smem:$0x3FA7] =	sst s9;
	s0 =	simm.s32 @!p0 $0x0  }
0x12: {  	s1 =	sld [smem:$0x3F8D];
	s0 =	simm.s32 @p0 $0x1  }
0x13: {  	[smem:$0x3FA8] =	sst s0;
	s0 =	simm.s32 @!p1 $0x0  }
0x14: {  	s2 =	sld [smem:$0x3F8C];
	s0 =	simm.s32 @p1 $0x1  }
0x15: {  	[smem:$0x3FA9] =	sst s0;
	s0 =	simm.s32 @!p2 $0x0  }
0x16: {  	s3 =	sld [smem:$0x3FDB];
	s0 =	simm.s32 @p2 $0x1  }
0x17: {  	s4 =	simm.s32 $0x1BF5;
	[smem:$0x3FAB] =	sst s0  }
0x18: {  	s0 =	sld [smem:$0x3F8E];
	_ =	swait.ge [sflag:s4], $0x0  }
0x19: {  	s7 =	sld [smem:$0x3F8F]  }
0x1a: {  	s8 =	sadd.s32 $0xFFFFE003, lr  }
0x1b: {  	s9 =	sadd.s32 $0xFFFFFEF7, lr;
	s5 =	simm.s32 $0xFFFFFFFF;
	p2 =	slt.u32 s8, $0xFFFFF086  }
0x1c: {  	p1 =	slt.u32 s9, $0xF7A;
	s5 =	simm.s32 @!p2 $0x0  }
0x1d: {  	s5 =	simm.s32 @p1 $0x1;
	p0 =	seq.s32 s7, s2  }
0x1e: {  	s7 =	smul.u32 @!p0 $0xF7A, s2;
	p2 =	seq.s32 @!p0 s5, $0x0  }
0x1f: {  	s9 =	smul.u32 $0xF7A, s1;
	s8 =	simm.s32 @!p0 $0x1BF5;
	p2 =	por !p2, p0  }
0x20: {  	[sflag:s8] =	ssyncset.s32 @!p0 $0xFFFFF086;
	s6 =	sadd.s32 @!p0 s3, s7;
	s7 =	simm.s32 @!p0 $0x108  }
0x21: {  	s3 =	sadd.s32 s3, s9;
	s6 =	sadd.s32 @!p0 $0x88, s6;
	s7 =	simm.s32 @p2 $0x1082  }
0x22: {  	[simem:s7], [sflag:s8] =	dma.local @!p0 [hbm:s6], $0xF7A  }
0x23: {  	s9 =	sor.u32 $0xD0000000, s2;
	s6 =	simm.s32 $0x108;
	_ =	swait.ge @!p0 [sflag:s8], $0x0  }
0x24: {  	s3 =	sadd.s32 $0x88, s3;
	s6 =	simm.s32 @!p1 $0x1082;
	[sflag:s4] =	ssyncset.s32 $0xFFFFF086  }
0x25: {  	[simem:s6], [sflag:s4] =	dma.local [hbm:s3], $0xF7A  }
0x26: {  	[smem:$0x3F8F] =	sst s1;
	(tag) =	ssettag s2;
	_ =	strace s9  }
0x27: {  	s1 =	sld [smem:$0x3F9F]  }
0x28: {  	s2 =	sld [smem:$0x3FA0]  }
0x29: {  	s4 =	sld [smem:$0x3FA2]  }
0x2a: {  	p0 =	seq.s32 s5, $0x0;
	s5 =	sld [smem:$0x3FA3]  }
0x2b: {  	s6 =	sld [smem:$0x3FA4]  }
0x2c: {  	s7 =	sld [smem:$0x3FA5]  }
0x2d: {  	s3 =	simm.s32 $0x108;
	s8 =	sld [smem:$0x3FA6]  }
0x2e: {  	s3 =	simm.s32 @!p0 $0x1082;
	s9 =	sld [smem:$0x3FA7]  }
0x2f: {  	lr =	sadd.s32 s0, s3;
	s0 =	sld [smem:$0x3F9E]  }
0x30: {  	s3 =	sld [smem:$0x3FA1]  }
0x31: {  	[smem:$0x3FAA] =	sst s10  }
0x32: {  	s10 =	sld [smem:$0x3FA8];
	_ =	sdelay $0x3  }
0x33: {  	p0 =	seq.s32 s10, $0x1;
	s10 =	sld [smem:$0x3FAA];
	_ =	sdelay $0x3  }
0x34: {  	[smem:$0x3FAA] =	sst s10  }
0x35: {  	s10 =	sld [smem:$0x3FA9];
	_ =	sdelay $0x3  }
0x36: {  	p1 =	seq.s32 s10, $0x1;
	s10 =	sld [smem:$0x3FAA];
	_ =	sdelay $0x3  }
0x37: {  	[smem:$0x3FAA] =	sst s10  }
0x38: {  	s10 =	sld [smem:$0x3FAB]  }
0x39: {  	_ = 	snop;
	(pc) =	sbr.ind lr, $3  }
0x3a: {  	_ = 	snop  }
0x3b: {  	_ = 	snop  }
0x3c: {  	p2 =	seq.s32 s10, $0x1;
	s10 =	sld [smem:$0x3FAA]  }
0x3d: {  	_ =	shalt  }
0x3e: {  	_ =	shalt  }
0x3f: {  	_ =	shalt  }
0x40: {  	_ =	shalt  }
0x41: {  	_ =	shalt  }
0x42: {  	_ =	shalt  }
0x43: {  	_ =	shalt  }
0x44: {  	_ =	shalt  }
0x45: {  	_ =	shalt  }
0x46: {  	_ =	shalt  }
0x47: {  	_ =	shalt  }
0x48: {  	_ =	shalt  }
0x49: {  	_ =	shalt  }
0x4a: {  	_ =	shalt  }
0x4b: {  	_ =	shalt  }
0x4c: {  	_ =	shalt  }
0x4d: {  	_ =	shalt  }
0x4e: {  	_ =	shalt  }
0x4f: {  	_ =	shalt  }
0x50: {  	_ =	shalt  }
0x51: {  	_ =	shalt  }
0x52: {  	_ =	shalt  }
0x53: {  	_ =	shalt  }
0x54: {  	_ =	shalt  }
0x55: {  	_ =	shalt  }
0x56: {  	_ =	shalt  }
0x57: {  	_ =	shalt  }
0x58: {  	_ =	shalt  }
0x59: {  	_ =	shalt  }
0x5a: {  	_ =	shalt  }
0x5b: {  	_ =	shalt  }
0x5c: {  	_ =	shalt  }
0x5d: {  	_ =	shalt  }
0x5e: {  	_ =	shalt  }
0x5f: {  	_ =	shalt  }
0x60: {  	_ =	shalt  }
0x61: {  	_ =	shalt  }
0x62: {  	_ =	shalt  }
0x63: {  	_ =	shalt  }
0x64: {  	_ =	shalt  }
0x65: {  	_ =	shalt  }
0x66: {  	_ =	shalt  }
0x67: {  	_ =	shalt  }
0x68: {  	_ =	shalt  }
0x69: {  	_ =	shalt  }
0x6a: {  	_ =	shalt  }
0x6b: {  	_ =	shalt  }
0x6c: {  	_ =	shalt  }
0x6d: {  	_ =	shalt  }
0x6e: {  	_ =	shalt  }
0x6f: {  	_ =	shalt  }
0x70: {  	_ =	shalt  }
0x71: {  	_ =	shalt  }
0x72: {  	_ =	shalt  }
0x73: {  	_ =	shalt  }
0x74: {  	_ =	shalt  }
0x75: {  	_ =	shalt  }
0x76: {  	_ =	shalt  }
0x77: {  	_ =	shalt  }
0x78: {  	_ =	shalt  }
0x79: {  	_ =	shalt  }
0x7a: {  	_ =	shalt  }
0x7b: {  	_ =	shalt  }
0x7c: {  	_ =	shalt  }
0x7d: {  	_ =	shalt  }
0x7e: {  	_ =	shalt  }
0x7f: {  	_ =	shalt  }
0x80: {  	_ =	shalt  }
0x81: {  	_ =	shalt  }
0x82: {  	_ =	shalt  }
0x83: {  	_ =	shalt  }
0x84: {  	_ =	shalt  }
0x85: {  	_ =	shalt  }
0x86: {  	_ =	shalt  }
0x87: {  	_ =	shalt  }
.Lfunc_end0:
.L_simem_size_0:
called_computation.1_lowered:
.L_overlay_start_0:
0x88: {  	s2 =	sld [smem:$0x3FD9]  }
0x89: {  	s3 =	sld [smem:$0x3FFE];
	_ =	sdelay $0x1  }
0x8a: {  	s1 =	srdreg.scid  }
0x8b: {  	s0 =	sand.u32 $0x1, s1  }
0x8c: {  	s17 =	sshll.u32 s0, $0xA;
	s2 =	sadd.s32 s3, s2  }
0x8d: {  	s2 =	sadd.s32 s2, s17  }
0x8e: {  	[smem:$0x3FB6] =	sst s2  }
0x8f: {  	_ = 	snop  }
0x90: {  	(tm) =	ssettm $0x1  }
0x91: {  	s18 =	sld [smem:$0x3FFB];
	_ =	sdelay $0x3  }
0x92: {  	_ =	strace s18  }
0x93: {  	s2 =	sld [smem:$0x3FFC];
	_ =	sdelay $0x3  }
0x94: {  	_ =	strace s2  }
0x95: {  	s2 =	sld [smem:$0x3FFD];
	_ =	sdelay $0x3  }
0x96: {  	_ =	strace s2  }
0x97: {  	_ =	strace $0x8FFFFFFF  }
0x98: {  	s19 =	sld [smem:$0x3FDB];
	_ =	sdelay $0x1  }
0x99: {  	s20 =	simm.s32 $_scs_section_size  }
0x9a: {  	s4 =	simm.s32 $_size__tile_overlayer_lowered;
	s5 =	simm.s32 $_tile_overlayer_lowered  }
0x9b: {  	s6 =	simm.s32 $0x1BFF;
	s21 =	sshll.u32 s5, $0x1;
	s3 =	sadd.s32 s20, s19  }
0x9c: {  	s22 =	simm.s32 $0x0;
	s4 =	sshll.u32 s4, $0x1;
	s5 =	sadd.s32 s21, s3  }
0x9d: {  	[timem:s22], [sflag:s6] =	dma.local [hbm:s5], s4  }
0x9e: {  	_ =	swait.ge [sflag:s6], s4  }
0x9f: {  	s4 =	ssub.s32 $0x0, s4;
	[sflag:s6] =	ssyncset.done $0x0  }
0xa0: {  	[sflag:s6] =	ssyncadd.s32 s4;
	_ =	sdelay $0x1  }
0xa1: {  	s23 =	simm.s32 $0x1B8B  }
0xa2: {  	_ =	swait.ge [sflag:s23], $0x1  }
0xa3: {  	[sflag:s23] =	ssyncset.done $0x0  }
0xa4: {  	[sflag:s23] =	ssyncadd.s32 $0xFFFFFFFF  }
0xa5: {  	s4 =	sld [smem:$0x0]  }
0xa6: {  	s5 =	sand.u32 $0xFFFFFFFE, s1  }
0xa7: {  	p0 =	sne.s32 s1, s5  }
0xa8: {  	s5 =	sshll.u32 @p0 s5, $0xE  }
0xa9: {  	s5 =	sadd.s32 @p0 $0x11B8D, s5;
	s6 =	sshll.u32 @p0 s4, $0x11  }
0xaa: {  	s5 =	sor.u32 @p0 s6, s5  }
0xab: {  	[sflag:s5] =	ssyncadd.remote.s32 @p0 $0x1;
	_ =	sdelay $0x1  }
0xac: {  	s5 =	simm.s32 @p0 $0x1B8D  }
0xad: {  	_ =	swait.eq @p0 [sflag:s5], $0x1  }
0xae: {  	[sflag:s5] =	ssyncadd.s32 @p0 $0xFFFFFFFF  }
0xaf: {  	s6 =	sshll.u32 @!p0 s1, $0xE  }
0xb0: {  	s6 =	sor.u32 @!p0 $0x4000, s6;
	s5 =	simm.s32 @!p0 $0x1B8D  }
0xb1: {  	s4 =	sshll.u32 @!p0 s4, $0x11;
	s6 =	sadd.s32 @!p0 $0x11B8D, s6;
	_ =	swait.eq @!p0 [sflag:s5], $0x1  }
0xb2: {  	s4 =	sor.u32 @!p0 s4, s6;
	[sflag:s5] =	ssyncadd.s32 @!p0 $0xFFFFFFFF  }
0xb3: {  	s25 =	simm.s32 $0x1B8E;
	s24 =	sld [smem:$0x3FFE];
	[sflag:s4] =	ssyncadd.remote.s32 @!p0 $0x1  }
0xb4: {  	s26 =	simm.s32 $execute0_lowered;
	[smem:$0x3FD2] =	sst s25  }
0xb5: {  	s5 =	sshll.u32 s26, $0x1;
	_ =	strace $0x80000049;
	[dreg:$0x1] =	wrdreg $0xFFFFFFFF  }
0xb6: {  	s28 =	simm.s32 $_size_execute0_lowered;
	s3 =	sadd.s32 s3, s5;
	[dreg:$0x0] =	wrdreg $0x0  }
0xb7: {  	s5 =	sshll.u32 s28, $0x1;
	[dreg:$0x2] =	wrdreg s3  }
0xb8: {  	[dreg:$0x3] =	wrdreg s5  }
0xb9: {  	[dreg:$0x4] =	wrdreg $0xC0  }
0xba: {  	_ =	task [dreg:s22], $0x5FFFF  }
0xbb: {  	[dreg:$0x1] =	wrdreg $0xFFFFFFFF  }
0xbc: {  	[dreg:$0x0] =	wrdreg $0x60  }
0xbd: {  	[dreg:$0x2] =	wrdreg s24  }
0xbe: {  	[dreg:$0x3] =	wrdreg $0xD5000  }
0xbf: {  	[dreg:$0x4] =	wrdreg $0xA  }
0xc0: {  	_ =	task.clear_ibuf [dreg:s22], $0x5FFFF;
	_ =	strace $0x90000049  }
0xc1: {  	s29 =	simm.s32 $0xA;
	_ =	strace $0x8000004B  }
0xc2: {  	_ =	swait.ge [sflag:s29], $0x1  }
0xc3: {  	[sflag:s29] =	ssyncadd.s32 $0xFFFFFFFF  }
0xc4: {  	_ =	strace $0x9000004B  }
0xc5: {  	_ =	sfence  }
0xc6: {  	s30 =	sld [smem:$0x0];
	_ =	sdelay $0x2  }
0xc7: {  	s31 =	sshll.u32 s1, $0xD;
	s1 =	sshrl.u32 s1, $0x2  }
0xc8: {  	s4 =	sand.u32 $0x4000, s31;
	s1 =	sadd.s32 s1, s30  }
0xc9: {  	s0 =	sor.u32 s4, s0;
	s1 =	sshll.u32 s1, $0x11  }
0xca: {  	s0 =	sor.u32 s1, s0  }
0xcb: {  	s0 =	sadd.s32 $0x8F2B, s0  }
0xcc: {  	[sflag:s0] =	ssyncadd.remote.s32 $0x1  }
0xcd: {  	_ =	sfence.sel $0xFFFF  }
0xce: {  	[dreg:$0x0] =	wrdreg $0xFFFFFFFF;
	(pc) =	sbr.abs _section_cstart, $3  }
0xcf: {  	[dreg:$0x1] =	wrdreg $0xFFFFFFFF  }
0xd0: {  	_ =	task.clear_ibuf [dreg:s22], $0x2FFFF;
	_ =	strace $0x9FFFFFFF  }
0xd1: {  	(tm) =	ssettm $0x7FFFFFFF  }
tec
execute0_lowered:
.L_overlay_start_1:
0x0: {  	(tag) =	ssettag $0x1  }
0x1: {  	s6 =	rddreg [dreg:$0x0];
	s0 =	srdreg.scid  }
0x2: {  	s9 =	stileid.u32;
	s1 =	rddreg [dreg:$0x1];
	s2 =	simm.s32 $0x0  }
0x3: {  	s11 =	simm.s32 $0x5;
	s12 =	simm.s32 $0x680;
	s13 =	simm.s32 $0x50  }
0x4: {  	s14 =	simm.s32 $0xD00;
	s15 =	simm.s32 $0x3500;
	s16 =	simm.s32 $0x5D00  }
0x5: {  	s17 =	simm.s32 $0x8500;
	s18 =	simm.s32 $0x1;
	s19 =	simm.s32 $0x2  }
0x6: {  	s20 =	simm.s32 $0xAD00;
	s21 =	simm.s32 $0x3;
	s22 =	simm.s32 $0x4  }
0x7: {  	s5 =	sand.u32 $0x1, s0;
	s3 =	sshll.u32 s9, $0x1;
	s0 =	rddreg [dreg:$0x2]  }
0x8: {  	s23 =	simm.s32 $0x0;
	[smem:$0x7FF] =	sst s2;
	s3 =	sor.u32 s5, s3  }
0x9: {  	s4 =	sadd.s32 $0x4A00, s6;
	s7 =	ssub.s32 $0x2, s5;
	s3 =	smul.u32 $0x640, s3  }
0xa: {  	p0 =	sne.s32 s9, $0x0;
	_ =	strace $0x8000004A;
	s10 =	sshrl.u32 s7, $0x1  }
0xb: {  	s5 =	sadd.s32 $0x18B400, s6;
	s10 =	ssub.s32 s7, s10;
	s8 =	sshrl.u32 s3, $0x3  }
0xc: {  	s9 =	smax.u32 s10, $0x1;
	s8 =	sadd.s32 s8, s6;
	s6 =	sadd.s32 $0x260A00, s6  }
0xd: {  	s10 =	sshrl.u32 @!p0 s1, $0x3;
	s7 =	sadd.s32 $0x258800, s8;
	s8 =	sadd.s32 $0x256E00, s8  }
.LBB2_1:
0xe: {  	s24 =	simm.s32 @!p0 $0x1C05  }
0xf: {  	[spmem:s10], [sflag:s24] =	dma.local @!p0 [hbm:s5], $0x2000  }
0x10: {  	s24 =	simm.s32 @!p0 $0x5  }
0x11: {  	_ =	swait.ge @!p0 [sflag:s24], $0x2000  }
0x12: {  	[sflag:s24] =	ssyncset.done @!p0 $0x0  }
0x13: {  	[sflag:s24] =	ssyncadd.s32 @!p0 $0xFFFFE000  }
0x14: {  	[tilespmem:s2], [sflag:$0x5] =	stream.linear.gather [hbm4b:s7+s2], $0x640, $0x38;
	[tilespmem:$0xE500] =	vst v63  }
0x15: {  	_ =	swait.ge [sflag:s11], $0x640  }
0x16: {  	[sflag:s11] =	ssyncset.done $0x0  }
0x17: {  	[sflag:s11] =	ssyncadd.s32 $0xFFFFF9C0  }
0x18: {  	[tilespmem:s12], [sflag:$0x5] =	stream.linear.gather [hbm4b:s8+s2], $0x640, $0x38;
	[tilespmem:$0xE500] =	vst v63  }
0x19: {  	_ =	swait.ge [sflag:s11], $0x640  }
0x1a: {  	[sflag:s11] =	ssyncset.done $0x0  }
0x1b: {  	[sflag:s11] =	ssyncadd.s32 $0xFFFFF9C0  }
0x1c: {  	[bflag:$0x0] =	sbarrier.arrive $0xFFFF  }
0x1d: {  	[tilespmem:s14], [sflag:$0x1] =	stream.indirect.gather [hbm4b:s4+s13], $0x80, s2, s13, $0xb8;
	[tilespmem:$0xE500] =	vst v63  }
0x1e: {  	s24 =	simm.s32 $0x0  }
0x1f: {  	[tilespmem:s15], [sflag:$0x2] =	stream.indirect.gather [spmem:s1], $0x80, s12, s13, $0xb8;
	[tilespmem:$0xE500] =	vst v63  }
.LBB2_2:
0x20: {  	s26 =	smul.u32 $0xA0, s24;
	_ =	sdelay $0x1  }
0x21: {  	s25 =	sadd.s32 $0x50, s26  }
0x22: {  	[tilespmem:s16], [sflag:$0x3] =	stream.indirect.gather [hbm4b:s4+s13], $0x80, s25, s13, $0xb8;
	[tilespmem:$0xE500] =	vst v63  }
0x23: {  	s28 =	sadd.s32 $0x6D0, s26  }
0x24: {  	[tilespmem:s17], [sflag:$0x4] =	stream.indirect.gather [spmem:s1], $0x80, s28, s13, $0xb8;
	[tilespmem:$0xE500] =	vst v63  }
0x25: {  	_ =	swait.ge [sflag:s18], $0x2800  }
0x26: {  	[sflag:s18] =	ssyncset.done $0x0  }
0x27: {  	[sflag:s18] =	ssyncadd.s32 $0xFFFFD800  }
0x28: {  	_ =	swait.ge [sflag:s19], $0x2800  }
0x29: {  	[sflag:s19] =	ssyncset.done $0x0  }
0x2a: {  	s28 =	simm.s32 $0x0;
	[sflag:s19] =	ssyncadd.s32 $0xFFFFD800  }
0x2b: {  	v0 =	vld [tilespmem:s28+$0xD70]  }
0x2c: {  	v1 =	vld [tilespmem:s28+$0x3570]  }
0x2d: {  	v2 =	vld [tilespmem:s28+$0xD00]  }
0x2e: {  	v3 =	vld [tilespmem:s28+$0x3500]  }
0x2f: {  	v4 =	vld [tilespmem:s28+$0xD10]  }
0x30: {  	v5 =	vld [tilespmem:s28+$0x3510]  }
0x31: {  	v6 =	vld [tilespmem:s28+$0xD20]  }
0x32: {  	v7 =	vld [tilespmem:s28+$0x3520];
	v0 =	vshrl.u32 v0, $0x10;
	v1 =	vand.u32 $0xFFFF0000, v1  }
0x33: {  	v8 =	vld [tilespmem:s28+$0xD30];
	v0 =	vor.u32 v0, v1;
	v1 =	vshrl.u32 v2, $0x10;
	v2 =	vand.u32 $0xFFFF0000, v3  }
0x34: {  	v9 =	vld [tilespmem:s28+$0x3530];
	[tilespmem:s28+$0xAD70] =	vst v0;
	v0 =	vor.u32 v1, v2  }
0x35: {  	v10 =	vld [tilespmem:s28+$0x3540];
	v1 =	vand.u32 $0xFFFF0000, v5;
	[tilespmem:s28+$0xAD00] =	vst v0;
	v0 =	vshrl.u32 v4, $0x10  }
0x36: {  	v5 =	vld [tilespmem:s28+$0xD40];
	v0 =	vor.u32 v0, v1  }
0x37: {  	v2 =	vld [tilespmem:s28+$0xD50];
	v1 =	vand.u32 $0xFFFF0000, v7;
	[tilespmem:s28+$0xAD10] =	vst v0;
	v0 =	vshrl.u32 v6, $0x10  }
0x38: {  	v3 =	vld [tilespmem:s28+$0x3550];
	v0 =	vor.u32 v0, v1  }
0x39: {  	v6 =	vand.u32 $0xFFFF0000, v9;
	v1 =	vld [tilespmem:s28+$0xD60];
	[tilespmem:s28+$0xAD20] =	vst v0;
	v0 =	vshrl.u32 v8, $0x10  }
0x3a: {  	s29 =	simm.s32 $0x80;
	v4 =	vld [tilespmem:s28+$0x3560];
	v6 =	vor.u32 v0, v6  }
0x3b: {  	s30 =	simm.s32 $0x400;
	v5 =	vshrl.u32 v5, $0x10;
	v0 =	vld [tilespmem:s29+$0xD70];
	[tilespmem:s28+$0xAD30] =	vst v6;
	v6 =	vand.u32 $0xFFFF0000, v10  }
.LBB2_3:
0x3c: {  	p1 =	sne.s32 s30, $0x9E00;
	v7 =	vld [tilespmem:s29+$0x3570];
	v5 =	vor.u32 v5, v6;
	v2 =	vshrl.u32 v2, $0x10  }
0x3d: {  	v6 =	vld [tilespmem:s29+$0xD00];
	[tilespmem:s28+$0xAD40] =	vst v5;
	v3 =	vand.u32 $0xFFFF0000, v3  }
0x3e: {  	v5 =	vld [tilespmem:s29+$0x3500];
	v2 =	vor.u32 v2, v3;
	v1 =	vshrl.u32 v1, $0x10  }
0x3f: {  	v3 =	vld [tilespmem:s29+$0xD10];
	[tilespmem:s28+$0xAD50] =	vst v2;
	v2 =	vand.u32 $0xFFFF0000, v4  }
0x40: {  	v4 =	vld [tilespmem:s29+$0x3510];
	v1 =	vor.u32 v1, v2  }
0x41: {  	v0 =	vshrl.u32 v0, $0x10;
	v2 =	vld [tilespmem:s29+$0xD20];
	v7 =	vand.u32 $0xFFFF0000, v7;
	[tilespmem:s28+$0xAD60] =	vst v1;
	s28 =	smov.u32 s29  }
0x42: {  	v1 =	vshrl.u32 v6, $0x10;
	v6 =	vld [tilespmem:s28+$0x3520];
	v0 =	vor.u32 v0, v7  }
0x43: {  	v5 =	vand.u32 $0xFFFF0000, v5;
	v7 =	vld [tilespmem:s28+$0xD30];
	[tilespmem:s28+$0xAD70] =	vst v0  }
0x44: {  	v0 =	vor.u32 v1, v5;
	v1 =	vshrl.u32 v3, $0x10;
	v5 =	vld [tilespmem:s28+$0x3530]  }
0x45: {  	[tilespmem:s28+$0xAD00] =	vst v0;
	v0 =	vand.u32 $0xFFFF0000, v4;
	v4 =	vld [tilespmem:s28+$0xD40]  }
0x46: {  	v0 =	vor.u32 v1, v0;
	v1 =	vshrl.u32 v2, $0x10;
	v8 =	vld [tilespmem:s28+$0x3540]  }
.Ltmp0:
0x47: {  	[tilespmem:s28+$0xAD10] =	vst v0;
	v0 =	vand.u32 $0xFFFF0000, v6;
	v2 =	vld [tilespmem:s28+$0xD50];
	(pc) =	sbr.rel @p1 .LBB2_3-.Ltmp0, $4  }
0x48: {  	v0 =	vor.u32 v1, v0;
	v6 =	vshrl.u32 v7, $0x10;
	v3 =	vld [tilespmem:s28+$0x3550]  }
0x49: {  	[tilespmem:s28+$0xAD20] =	vst v0;
	v0 =	vand.u32 $0xFFFF0000, v5;
	v1 =	vld [tilespmem:s28+$0xD60]  }
0x4a: {  	s29 =	sshra.s32 s30, $0x2;
	v6 =	vor.u32 v6, v0;
	v5 =	vshrl.u32 v4, $0x10;
	v4 =	vld [tilespmem:s28+$0x3560]  }
0x4b: {  	s30 =	sadd.s32 $0x200, s30;
	v0 =	vld [tilespmem:s29+$0xD70];
	[tilespmem:s28+$0xAD30] =	vst v6;
	v6 =	vand.u32 $0xFFFF0000, v8  }
0x4c: {  	v7 =	vld [tilespmem:s29+$0x3570];
	v5 =	vor.u32 v5, v6  }
0x4d: {  	v6 =	vld [tilespmem:s29+$0xD00];
	v2 =	vshrl.u32 v2, $0x10;
	[tilespmem:s28+$0xAD40] =	vst v5;
	v3 =	vand.u32 $0xFFFF0000, v3  }
0x4e: {  	v5 =	vld [tilespmem:s29+$0x3500];
	v2 =	vor.u32 v2, v3  }
0x4f: {  	v3 =	vld [tilespmem:s29+$0xD10];
	v1 =	vshrl.u32 v1, $0x10;
	[tilespmem:s28+$0xAD50] =	vst v2;
	v2 =	vand.u32 $0xFFFF0000, v4  }
0x50: {  	v4 =	vld [tilespmem:s29+$0x3510];
	v1 =	vor.u32 v1, v2  }
0x51: {  	v2 =	vld [tilespmem:s29+$0xD20];
	[tilespmem:s28+$0xAD60] =	vst v1  }
0x52: {  	v0 =	vshrl.u32 v0, $0x10;
	v1 =	vand.u32 $0xFFFF0000, v7;
	v7 =	vld [tilespmem:s29+$0x3520]  }
0x53: {  	v6 =	vshrl.u32 v6, $0x10;
	v0 =	vor.u32 v0, v1;
	v1 =	vld [tilespmem:s29+$0xD30];
	v5 =	vand.u32 $0xFFFF0000, v5  }
0x54: {  	[tilespmem:s29+$0xAD70] =	vst v0;
	v0 =	vor.u32 v6, v5;
	v5 =	vld [tilespmem:s29+$0x3530]  }
0x55: {  	v6 =	vld [tilespmem:s29+$0xD50]  }
0x56: {  	[tilespmem:s29+$0xAD00] =	vst v0;
	v0 =	vshrl.u32 v3, $0x10;
	v3 =	vand.u32 $0xFFFF0000, v4;
	v4 =	vld [tilespmem:s29+$0xD40]  }
0x57: {  	v0 =	vor.u32 v0, v3;
	v3 =	vld [tilespmem:s29+$0x3540]  }
0x58: {  	[tilespmem:s29+$0xAD10] =	vst v0;
	v0 =	vshrl.u32 v2, $0x10;
	v2 =	vand.u32 $0xFFFF0000, v7;
	v7 =	vld [tilespmem:s29+$0x3560]  }
0x59: {  	v0 =	vor.u32 v0, v2;
	v2 =	vld [tilespmem:s29+$0x3550]  }
0x5a: {  	[tilespmem:s29+$0xAD20] =	vst v0;
	v0 =	vld [tilespmem:s29+$0xD60];
	_ =	sdelay $0x1  }
0x5b: {  	v1 =	vshrl.u32 v1, $0x10;
	v5 =	vand.u32 $0xFFFF0000, v5  }
0x5c: {  	v1 =	vor.u32 v1, v5;
	v4 =	vshrl.u32 v4, $0x10;
	v3 =	vand.u32 $0xFFFF0000, v3  }
0x5d: {  	[tilespmem:s29+$0xAD30] =	vst v1;
	v1 =	vor.u32 v4, v3;
	v3 =	vshrl.u32 v6, $0x10;
	v2 =	vand.u32 $0xFFFF0000, v2  }
0x5e: {  	s28 =	sadd.s32 s3, s26;
	[tilespmem:s29+$0xAD40] =	vst v1;
	v1 =	vor.u32 v3, v2;
	v0 =	vshrl.u32 v0, $0x10;
	v2 =	vand.u32 $0xFFFF0000, v7  }
0x5f: {  	s28 =	sshll.u32 s28, $0x4;
	[tilespmem:s29+$0xAD50] =	vst v1;
	v0 =	vor.u32 v0, v2  }
0x60: {  	s28 =	sadd.s32 s6, s28;
	[tilespmem:s29+$0xAD60] =	vst v0  }
0x61: {  	[hbm4b:s28+s2] =	stream.linear.scatter [tilespmem:s20], [sflag:$0x5], $0x2800, $0x38;
	[tilespmem:$0xE500] =	vst v63  }
0x62: {  	p1 =	seq.s32 s24, $0x9;
	_ =	swait.ge [sflag:s11], $0x2800  }
0x63: {  	s30 =	simm.s32 @!p1 $0xD00;
	[sflag:s11] =	ssyncset.done $0x0  }
0x64: {  	s29 =	simm.s32 @!p1 $0x50;
	s28 =	sadd.s32 @!p1 $0xA0, s26;
	[sflag:s11] =	ssyncadd.s32 $0xFFFFD800  }
0x65: {  	[tilespmem:s30], [sflag:$0x1] =	stream.indirect.gather @!p1 [hbm4b:s4+s29], $0x80, s28, s29, $0xb8;
	[tilespmem:$0xE500] =	vst v63  }
0x66: {  	s26 =	sadd.s32 @!p1 $0x720, s26;
	s28 =	simm.s32 @!p1 $0x3500  }
0x67: {  	[tilespmem:s28], [sflag:$0x2] =	stream.indirect.gather @!p1 [spmem:s1], $0x80, s26, s29, $0xb8;
	[tilespmem:$0xE500] =	vst v63  }
0x68: {  	_ =	swait.ge [sflag:s21], $0x2800  }
0x69: {  	[sflag:s21] =	ssyncset.done $0x0  }
0x6a: {  	[sflag:s21] =	ssyncadd.s32 $0xFFFFD800  }
0x6b: {  	_ =	swait.ge [sflag:s22], $0x2800  }
0x6c: {  	[sflag:s22] =	ssyncset.done $0x0  }
0x6d: {  	s26 =	simm.s32 $0x0;
	[sflag:s22] =	ssyncadd.s32 $0xFFFFD800  }
0x6e: {  	v0 =	vld [tilespmem:s26+$0x5D70]  }
0x6f: {  	v1 =	vld [tilespmem:s26+$0x8570]  }
0x70: {  	v2 =	vld [tilespmem:s26+$0x5D00]  }
0x71: {  	v3 =	vld [tilespmem:s26+$0x8500]  }
0x72: {  	v4 =	vld [tilespmem:s26+$0x5D10]  }
0x73: {  	v5 =	vld [tilespmem:s26+$0x8510]  }
0x74: {  	v6 =	vld [tilespmem:s26+$0x5D20]  }
0x75: {  	v7 =	vld [tilespmem:s26+$0x8520];
	v0 =	vshrl.u32 v0, $0x10;
	v1 =	vand.u32 $0xFFFF0000, v1  }
0x76: {  	v8 =	vld [tilespmem:s26+$0x5D30];
	v0 =	vor.u32 v0, v1;
	v1 =	vshrl.u32 v2, $0x10;
	v2 =	vand.u32 $0xFFFF0000, v3  }
0x77: {  	v9 =	vld [tilespmem:s26+$0x8530];
	[tilespmem:s26+$0xAD70] =	vst v0;
	v0 =	vor.u32 v1, v2  }
0x78: {  	v10 =	vld [tilespmem:s26+$0x8540];
	v1 =	vand.u32 $0xFFFF0000, v5;
	[tilespmem:s26+$0xAD00] =	vst v0;
	v0 =	vshrl.u32 v4, $0x10  }
0x79: {  	v5 =	vld [tilespmem:s26+$0x5D40];
	v0 =	vor.u32 v0, v1  }
0x7a: {  	v2 =	vld [tilespmem:s26+$0x5D50];
	v1 =	vand.u32 $0xFFFF0000, v7;
	[tilespmem:s26+$0xAD10] =	vst v0;
	v0 =	vshrl.u32 v6, $0x10  }
0x7b: {  	v3 =	vld [tilespmem:s26+$0x8550];
	v0 =	vor.u32 v0, v1  }
0x7c: {  	v6 =	vand.u32 $0xFFFF0000, v9;
	v1 =	vld [tilespmem:s26+$0x5D60];
	[tilespmem:s26+$0xAD20] =	vst v0;
	v0 =	vshrl.u32 v8, $0x10  }
0x7d: {  	s28 =	simm.s32 $0x80;
	v4 =	vld [tilespmem:s26+$0x8560];
	v6 =	vor.u32 v0, v6  }
0x7e: {  	s29 =	simm.s32 $0x400;
	v5 =	vshrl.u32 v5, $0x10;
	v0 =	vld [tilespmem:s28+$0x5D70];
	[tilespmem:s26+$0xAD30] =	vst v6;
	v6 =	vand.u32 $0xFFFF0000, v10  }
.LBB2_5:
0x7f: {  	p1 =	sne.s32 s29, $0x9E00;
	v7 =	vld [tilespmem:s28+$0x8570];
	v5 =	vor.u32 v5, v6;
	v2 =	vshrl.u32 v2, $0x10  }
0x80: {  	v6 =	vld [tilespmem:s28+$0x5D00];
	[tilespmem:s26+$0xAD40] =	vst v5;
	v3 =	vand.u32 $0xFFFF0000, v3  }
0x81: {  	v5 =	vld [tilespmem:s28+$0x8500];
	v2 =	vor.u32 v2, v3;
	v1 =	vshrl.u32 v1, $0x10  }
0x82: {  	v3 =	vld [tilespmem:s28+$0x5D10];
	[tilespmem:s26+$0xAD50] =	vst v2;
	v2 =	vand.u32 $0xFFFF0000, v4  }
0x83: {  	v4 =	vld [tilespmem:s28+$0x8510];
	v1 =	vor.u32 v1, v2  }
0x84: {  	v0 =	vshrl.u32 v0, $0x10;
	v2 =	vld [tilespmem:s28+$0x5D20];
	v7 =	vand.u32 $0xFFFF0000, v7;
	[tilespmem:s26+$0xAD60] =	vst v1;
	s26 =	smov.u32 s28  }
0x85: {  	v1 =	vshrl.u32 v6, $0x10;
	v6 =	vld [tilespmem:s26+$0x8520];
	v0 =	vor.u32 v0, v7  }
0x86: {  	v5 =	vand.u32 $0xFFFF0000, v5;
	v7 =	vld [tilespmem:s26+$0x5D30];
	[tilespmem:s26+$0xAD70] =	vst v0  }
0x87: {  	v0 =	vor.u32 v1, v5;
	v1 =	vshrl.u32 v3, $0x10;
	v5 =	vld [tilespmem:s26+$0x8530]  }
0x88: {  	[tilespmem:s26+$0xAD00] =	vst v0;
	v0 =	vand.u32 $0xFFFF0000, v4;
	v4 =	vld [tilespmem:s26+$0x5D40]  }
0x89: {  	v0 =	vor.u32 v1, v0;
	v1 =	vshrl.u32 v2, $0x10;
	v8 =	vld [tilespmem:s26+$0x8540]  }
.Ltmp1:
0x8a: {  	[tilespmem:s26+$0xAD10] =	vst v0;
	v0 =	vand.u32 $0xFFFF0000, v6;
	v2 =	vld [tilespmem:s26+$0x5D50];
	(pc) =	sbr.rel @p1 .LBB2_5-.Ltmp1, $4  }
0x8b: {  	v0 =	vor.u32 v1, v0;
	v6 =	vshrl.u32 v7, $0x10;
	v3 =	vld [tilespmem:s26+$0x8550]  }
0x8c: {  	[tilespmem:s26+$0xAD20] =	vst v0;
	v0 =	vand.u32 $0xFFFF0000, v5;
	v1 =	vld [tilespmem:s26+$0x5D60]  }
0x8d: {  	s28 =	sshra.s32 s29, $0x2;
	v6 =	vor.u32 v6, v0;
	v5 =	vshrl.u32 v4, $0x10;
	v4 =	vld [tilespmem:s26+$0x8560]  }
0x8e: {  	s29 =	sadd.s32 $0x200, s29;
	v0 =	vld [tilespmem:s28+$0x5D70];
	[tilespmem:s26+$0xAD30] =	vst v6;
	v6 =	vand.u32 $0xFFFF0000, v8  }
0x8f: {  	v7 =	vld [tilespmem:s28+$0x8570];
	v5 =	vor.u32 v5, v6  }
0x90: {  	v40 =	vld [tilespmem:s28+$0x5D00];
	v2 =	vshrl.u32 v2, $0x10;
	[tilespmem:s26+$0xAD40] =	vst v5;
	v3 =	vand.u32 $0xFFFF0000, v3  }
0x91: {  	v5 =	vld [tilespmem:s28+$0x8500];
	v2 =	vor.u32 v2, v3  }
0x92: {  	v41 =	vld [tilespmem:s28+$0x5D10];
	v1 =	vshrl.u32 v1, $0x10;
	[tilespmem:s26+$0xAD50] =	vst v2;
	v42 =	vand.u32 $0xFFFF0000, v4  }
0x93: {  	v43 =	vld [tilespmem:s28+$0x8510];
	v1 =	vor.u32 v1, v42  }
0x94: {  	v44 =	vld [tilespmem:s28+$0x5D20];
	[tilespmem:s26+$0xAD60] =	vst v1  }
0x95: {  	v46 =	vld [tilespmem:s28+$0x8520]  }
0x96: {  	v47 =	vld [tilespmem:s28+$0x5D30]  }
0x97: {  	v49 =	vld [tilespmem:s28+$0x8530]  }
0x98: {  	v52 =	vld [tilespmem:s28+$0x5D40]  }
0x99: {  	v53 =	vld [tilespmem:s28+$0x8540]  }
0x9a: {  	v56 =	vld [tilespmem:s28+$0x5D50]  }
0x9b: {  	v0 =	vshrl.u32 v0, $0x10;
	v45 =	vand.u32 $0xFFFF0000, v7;
	v57 =	vld [tilespmem:s28+$0x8550]  }
0x9c: {  	v6 =	vshrl.u32 v40, $0x10;
	v0 =	vor.u32 v0, v45;
	v58 =	vld [tilespmem:s28+$0x5D60];
	v5 =	vand.u32 $0xFFFF0000, v5  }
0x9d: {  	v59 =	vld [tilespmem:s28+$0x8560];
	[tilespmem:s28+$0xAD70] =	vst v0;
	v50 =	vshrl.u32 v41, $0x10;
	v48 =	vor.u32 v6, v5;
	v51 =	vand.u32 $0xFFFF0000, v43  }
0x9e: {  	[tilespmem:s28+$0xAD00] =	vst v48;
	v54 =	vshrl.u32 v44, $0x10;
	v0 =	vor.u32 v50, v51;
	v55 =	vand.u32 $0xFFFF0000, v46  }
0x9f: {  	[tilespmem:s28+$0xAD10] =	vst v0;
	v1 =	vshrl.u32 v47, $0x10;
	v5 =	vand.u32 $0xFFFF0000, v49;
	v0 =	vor.u32 v54, v55  }
0xa0: {  	v4 =	vshrl.u32 v52, $0x10;
	v3 =	vand.u32 $0xFFFF0000, v53;
	v1 =	vor.u32 v1, v5;
	[tilespmem:s28+$0xAD20] =	vst v0  }
0xa1: {  	v61 =	vshrl.u32 v56, $0x10;
	v2 =	vand.u32 $0xFFFF0000, v57;
	v60 =	vor.u32 v4, v3;
	[tilespmem:s28+$0xAD30] =	vst v1  }
0xa2: {  	s25 =	sadd.s32 s3, s25;
	s24 =	sadd.s32 $0x1, s24;
	v63 =	vand.u32 $0xFFFF0000, v59;
	v62 =	vor.u32 v61, v2;
	[tilespmem:s28+$0xAD40] =	vst v60;
	v0 =	vshrl.u32 v58, $0x10  }
0xa3: {  	s25 =	sshll.u32 s25, $0x4;
	p1 =	sne.s32 s24, $0xA;
	[tilespmem:s28+$0xAD50] =	vst v62;
	v0 =	vor.u32 v0, v63  }
.Ltmp2:
0xa4: {  	s25 =	sadd.s32 s6, s25;
	[tilespmem:s28+$0xAD60] =	vst v0;
	(pc) =	sbr.rel @p1 .LBB2_2-.Ltmp2, $4  }
0xa5: {  	[hbm4b:s25+s2] =	stream.linear.scatter [tilespmem:s20], [sflag:$0x5], $0x2800, $0x38;
	[tilespmem:$0xE500] =	vst v63  }
0xa6: {  	_ =	swait.ge [sflag:s11], $0x2800  }
0xa7: {  	[sflag:s11] =	ssyncset.done $0x0  }
0xa8: {  	[sflag:s11] =	ssyncadd.s32 $0xFFFFD800  }
0xa9: {  	s23 =	sadd.s32 $0x1, s23  }
0xaa: {  	p1 =	sne.s32 s23, s9  }
.Ltmp3:
0xab: {  	_ = 	snop;
	(pc) =	sbr.rel @p1 .LBB2_1-.Ltmp3, $1  }
0xac: {  	_ =	sdelay $0x3  }
0xad: {  	_ =	sfence.sel $0x180000  }
0xae: {  	[bflag:$0x0] =	sbarrier.arrive $0xFFFF  }
0xaf: {  	_ =	strace $0x9000004A  }
0xb0: {  	s0 =	sadd.s32 @!p0 $0x100000, s0;
	[bflag:$0x2] =	sbarrier.arrive $0xFFFF  }
0xb1: {  	[sflag:s0] =	ssyncadd.tile.s32 @!p0 $0x1;
	_ =	shalt  }
.Lfunc_end2:
_tile_overlayer_lowered:
.L_overlay_start_2:
0xb2: {  	(tag) =	ssettag $0x2  }
0xb3: {  	s0 =	rddreg [dreg:$0x0];
	s2 =	stileid.u32  }
0xb4: {  	s1 =	rddreg [dreg:$0x1];
	p0 =	sne.s32 s2, $0x0  }
0xb5: {  	s3 =	rddreg [dreg:$0x2];
	[bflag:$0x3] =	sbarrier.arrive $0xFFFF;
	s2 =	simm.s32 @!p0 $0x1C05  }
0xb6: {  	[timem:s3], [sflag:s2] =	dma.local @!p0 [hbm:s0], s1  }
0xb7: {  	s0 =	simm.s32 @!p0 $0x5  }
0xb8: {  	_ =	swait.ge @!p0 [sflag:s0], s1  }
0xb9: {  	s1 =	ssub.s32 @!p0 $0x0, s1;
	[sflag:s0] =	ssyncset.done @!p0 $0x0  }
0xba: {  	[sflag:s0] =	ssyncadd.s32 @!p0 s1  }
0xbb: {  	[bflag:$0x3] =	sbarrier.arrive $0xFFFF  }
0xbc: {  	_ =	shalt  }

// kernel: kernel.16.cloned.1.call-start
scs
__scs_entry_jumppad:
0x0: {  	(pc) =	sbr.rel $0x88, $3  }
0x1: {  	(tag) =	ssettag $0x0;
	lr =	simm.s32 $0x1  }
0x2: {  	[smem:$0x3F8F] =	sst lr;
	_ =	strace $0xD0000000  }
0x3: {  	_ = 	snop  }
0x4: {  	_ = 	snop  }
0x5: {  	_ = 	snop  }
0x6: {  	_ = 	snop  }
0x7: {  	_ = 	snop  }
__scs_overlays_trampoline_lowered:
0x8: {  	[smem:$0x3F9E] =	sst s0  }
0x9: {  	[smem:$0x3F9F] =	sst s1  }
0xa: {  	[smem:$0x3FA0] =	sst s2  }
0xb: {  	[smem:$0x3FA1] =	sst s3  }
0xc: {  	[smem:$0x3FA2] =	sst s4  }
0xd: {  	[smem:$0x3FA3] =	sst s5  }
0xe: {  	[smem:$0x3FA4] =	sst s6  }
0xf: {  	[smem:$0x3FA5] =	sst s7  }
0x10: {  	[smem:$0x3FA6] =	sst s8  }
0x11: {  	[smem:$0x3FA7] =	sst s9;
	s0 =	simm.s32 @!p0 $0x0  }
0x12: {  	s1 =	sld [smem:$0x3F8D];
	s0 =	simm.s32 @p0 $0x1  }
0x13: {  	[smem:$0x3FA8] =	sst s0;
	s0 =	simm.s32 @!p1 $0x0  }
0x14: {  	s2 =	sld [smem:$0x3F8C];
	s0 =	simm.s32 @p1 $0x1  }
0x15: {  	[smem:$0x3FA9] =	sst s0;
	s0 =	simm.s32 @!p2 $0x0  }
0x16: {  	s3 =	sld [smem:$0x3FDB];
	s0 =	simm.s32 @p2 $0x1  }
0x17: {  	s4 =	simm.s32 $0x1BF5;
	[smem:$0x3FAB] =	sst s0  }
0x18: {  	s0 =	sld [smem:$0x3F8E];
	_ =	swait.ge [sflag:s4], $0x0  }
0x19: {  	s7 =	sld [smem:$0x3F8F]  }
0x1a: {  	s8 =	sadd.s32 $0xFFFFE003, lr  }
0x1b: {  	s9 =	sadd.s32 $0xFFFFFEF7, lr;
	s5 =	simm.s32 $0xFFFFFFFF;
	p2 =	slt.u32 s8, $0xFFFFF086  }
0x1c: {  	p1 =	slt.u32 s9, $0xF7A;
	s5 =	simm.s32 @!p2 $0x0  }
0x1d: {  	s5 =	simm.s32 @p1 $0x1;
	p0 =	seq.s32 s7, s2  }
0x1e: {  	s7 =	smul.u32 @!p0 $0xF7A, s2;
	p2 =	seq.s32 @!p0 s5, $0x0  }
0x1f: {  	s9 =	smul.u32 $0xF7A, s1;
	s8 =	simm.s32 @!p0 $0x1BF5;
	p2 =	por !p2, p0  }
0x20: {  	[sflag:s8] =	ssyncset.s32 @!p0 $0xFFFFF086;
	s6 =	sadd.s32 @!p0 s3, s7;
	s7 =	simm.s32 @!p0 $0x108  }
0x21: {  	s3 =	sadd.s32 s3, s9;
	s6 =	sadd.s32 @!p0 $0x88, s6;
	s7 =	simm.s32 @p2 $0x1082  }
0x22: {  	[simem:s7], [sflag:s8] =	dma.local @!p0 [hbm:s6], $0xF7A  }
0x23: {  	s9 =	sor.u32 $0xD0000000, s2;
	s6 =	simm.s32 $0x108;
	_ =	swait.ge @!p0 [sflag:s8], $0x0  }
0x24: {  	s3 =	sadd.s32 $0x88, s3;
	s6 =	simm.s32 @!p1 $0x1082;
	[sflag:s4] =	ssyncset.s32 $0xFFFFF086  }
0x25: {  	[simem:s6], [sflag:s4] =	dma.local [hbm:s3], $0xF7A  }
0x26: {  	[smem:$0x3F8F] =	sst s1;
	(tag) =	ssettag s2;
	_ =	strace s9  }
0x27: {  	s1 =	sld [smem:$0x3F9F]  }
0x28: {  	s2 =	sld [smem:$0x3FA0]  }
0x29: {  	s4 =	sld [smem:$0x3FA2]  }
0x2a: {  	p0 =	seq.s32 s5, $0x0;
	s5 =	sld [smem:$0x3FA3]  }
0x2b: {  	s6 =	sld [smem:$0x3FA4]  }
0x2c: {  	s7 =	sld [smem:$0x3FA5]  }
0x2d: {  	s3 =	simm.s32 $0x108;
	s8 =	sld [smem:$0x3FA6]  }
0x2e: {  	s3 =	simm.s32 @!p0 $0x1082;
	s9 =	sld [smem:$0x3FA7]  }
0x2f: {  	lr =	sadd.s32 s0, s3;
	s0 =	sld [smem:$0x3F9E]  }
0x30: {  	s3 =	sld [smem:$0x3FA1]  }
0x31: {  	[smem:$0x3FAA] =	sst s10  }
0x32: {  	s10 =	sld [smem:$0x3FA8];
	_ =	sdelay $0x3  }
0x33: {  	p0 =	seq.s32 s10, $0x1;
	s10 =	sld [smem:$0x3FAA];
	_ =	sdelay $0x3  }
0x34: {  	[smem:$0x3FAA] =	sst s10  }
0x35: {  	s10 =	sld [smem:$0x3FA9];
	_ =	sdelay $0x3  }
0x36: {  	p1 =	seq.s32 s10, $0x1;
	s10 =	sld [smem:$0x3FAA];
	_ =	sdelay $0x3  }
0x37: {  	[smem:$0x3FAA] =	sst s10  }
0x38: {  	s10 =	sld [smem:$0x3FAB]  }
0x39: {  	_ = 	snop;
	(pc) =	sbr.ind lr, $3  }
0x3a: {  	_ = 	snop  }
0x3b: {  	_ = 	snop  }
0x3c: {  	p2 =	seq.s32 s10, $0x1;
	s10 =	sld [smem:$0x3FAA]  }
0x3d: {  	_ =	shalt  }
0x3e: {  	_ =	shalt  }
0x3f: {  	_ =	shalt  }
0x40: {  	_ =	shalt  }
0x41: {  	_ =	shalt  }
0x42: {  	_ =	shalt  }
0x43: {  	_ =	shalt  }
0x44: {  	_ =	shalt  }
0x45: {  	_ =	shalt  }
0x46: {  	_ =	shalt  }
0x47: {  	_ =	shalt  }
0x48: {  	_ =	shalt  }
0x49: {  	_ =	shalt  }
0x4a: {  	_ =	shalt  }
0x4b: {  	_ =	shalt  }
0x4c: {  	_ =	shalt  }
0x4d: {  	_ =	shalt  }
0x4e: {  	_ =	shalt  }
0x4f: {  	_ =	shalt  }
0x50: {  	_ =	shalt  }
0x51: {  	_ =	shalt  }
0x52: {  	_ =	shalt  }
0x53: {  	_ =	shalt  }
0x54: {  	_ =	shalt  }
0x55: {  	_ =	shalt  }
0x56: {  	_ =	shalt  }
0x57: {  	_ =	shalt  }
0x58: {  	_ =	shalt  }
0x59: {  	_ =	shalt  }
0x5a: {  	_ =	shalt  }
0x5b: {  	_ =	shalt  }
0x5c: {  	_ =	shalt  }
0x5d: {  	_ =	shalt  }
0x5e: {  	_ =	shalt  }
0x5f: {  	_ =	shalt  }
0x60: {  	_ =	shalt  }
0x61: {  	_ =	shalt  }
0x62: {  	_ =	shalt  }
0x63: {  	_ =	shalt  }
0x64: {  	_ =	shalt  }
0x65: {  	_ =	shalt  }
0x66: {  	_ =	shalt  }
0x67: {  	_ =	shalt  }
0x68: {  	_ =	shalt  }
0x69: {  	_ =	shalt  }
0x6a: {  	_ =	shalt  }
0x6b: {  	_ =	shalt  }
0x6c: {  	_ =	shalt  }
0x6d: {  	_ =	shalt  }
0x6e: {  	_ =	shalt  }
0x6f: {  	_ =	shalt  }
0x70: {  	_ =	shalt  }
0x71: {  	_ =	shalt  }
0x72: {  	_ =	shalt  }
0x73: {  	_ =	shalt  }
0x74: {  	_ =	shalt  }
0x75: {  	_ =	shalt  }
0x76: {  	_ =	shalt  }
0x77: {  	_ =	shalt  }
0x78: {  	_ =	shalt  }
0x79: {  	_ =	shalt  }
0x7a: {  	_ =	shalt  }
0x7b: {  	_ =	shalt  }
0x7c: {  	_ =	shalt  }
0x7d: {  	_ =	shalt  }
0x7e: {  	_ =	shalt  }
0x7f: {  	_ =	shalt  }
0x80: {  	_ =	shalt  }
0x81: {  	_ =	shalt  }
0x82: {  	_ =	shalt  }
0x83: {  	_ =	shalt  }
0x84: {  	_ =	shalt  }
0x85: {  	_ =	shalt  }
0x86: {  	_ =	shalt  }
0x87: {  	_ =	shalt  }
.Lfunc_end0:
.L_simem_size_0:
called_computation.2_lowered:
.L_overlay_start_0:
0x88: {  	s2 =	sld [smem:$0x3FD9]  }
0x89: {  	s3 =	sld [smem:$0x3FFE];
	_ =	sdelay $0x1  }
0x8a: {  	s1 =	srdreg.scid  }
0x8b: {  	s0 =	sand.u32 $0x1, s1  }
0x8c: {  	s17 =	sshll.u32 s0, $0xA;
	s2 =	sadd.s32 s3, s2  }
0x8d: {  	s2 =	sadd.s32 s2, s17  }
0x8e: {  	[smem:$0x3FB6] =	sst s2  }
0x8f: {  	_ = 	snop  }
0x90: {  	(tm) =	ssettm $0x1  }
0x91: {  	s18 =	sld [smem:$0x3FFB];
	_ =	sdelay $0x3  }
0x92: {  	_ =	strace s18  }
0x93: {  	s2 =	sld [smem:$0x3FFC];
	_ =	sdelay $0x3  }
0x94: {  	_ =	strace s2  }
0x95: {  	s2 =	sld [smem:$0x3FFD];
	_ =	sdelay $0x3  }
0x96: {  	_ =	strace s2  }
0x97: {  	_ =	strace $0x8FFFFFFF  }
0x98: {  	s19 =	sld [smem:$0x3FDB];
	_ =	sdelay $0x1  }
0x99: {  	s20 =	simm.s32 $_scs_section_size  }
0x9a: {  	s4 =	simm.s32 $_size__tile_overlayer_lowered;
	s5 =	simm.s32 $_tile_overlayer_lowered  }
0x9b: {  	s6 =	simm.s32 $0x1BFF;
	s21 =	sshll.u32 s5, $0x1;
	s3 =	sadd.s32 s20, s19  }
0x9c: {  	s22 =	simm.s32 $0x0;
	s4 =	sshll.u32 s4, $0x1;
	s5 =	sadd.s32 s21, s3  }
0x9d: {  	[timem:s22], [sflag:s6] =	dma.local [hbm:s5], s4  }
0x9e: {  	_ =	swait.ge [sflag:s6], s4  }
0x9f: {  	s4 =	ssub.s32 $0x0, s4;
	[sflag:s6] =	ssyncset.done $0x0  }
0xa0: {  	[sflag:s6] =	ssyncadd.s32 s4;
	_ =	sdelay $0x1  }
0xa1: {  	s23 =	simm.s32 $0x1B8B  }
0xa2: {  	_ =	swait.ge [sflag:s23], $0x1  }
0xa3: {  	[sflag:s23] =	ssyncset.done $0x0  }
0xa4: {  	[sflag:s23] =	ssyncadd.s32 $0xFFFFFFFF  }
0xa5: {  	s4 =	sld [smem:$0x0]  }
0xa6: {  	s5 =	sand.u32 $0xFFFFFFFE, s1  }
0xa7: {  	p0 =	sne.s32 s1, s5  }
0xa8: {  	s5 =	sshll.u32 @p0 s5, $0xE  }
0xa9: {  	s5 =	sadd.s32 @p0 $0x11B8D, s5;
	s6 =	sshll.u32 @p0 s4, $0x11  }
0xaa: {  	s5 =	sor.u32 @p0 s6, s5  }
0xab: {  	[sflag:s5] =	ssyncadd.remote.s32 @p0 $0x1;
	_ =	sdelay $0x1  }
0xac: {  	s5 =	simm.s32 @p0 $0x1B8D  }
0xad: {  	_ =	swait.eq @p0 [sflag:s5], $0x1  }
0xae: {  	[sflag:s5] =	ssyncadd.s32 @p0 $0xFFFFFFFF  }
0xaf: {  	s6 =	sshll.u32 @!p0 s1, $0xE  }
0xb0: {  	s6 =	sor.u32 @!p0 $0x4000, s6;
	s5 =	simm.s32 @!p0 $0x1B8D  }
0xb1: {  	s4 =	sshll.u32 @!p0 s4, $0x11;
	s6 =	sadd.s32 @!p0 $0x11B8D, s6;
	_ =	swait.eq @!p0 [sflag:s5], $0x1  }
0xb2: {  	s4 =	sor.u32 @!p0 s4, s6;
	[sflag:s5] =	ssyncadd.s32 @!p0 $0xFFFFFFFF  }
0xb3: {  	s25 =	simm.s32 $0x1B8E;
	s24 =	sld [smem:$0x3FFE];
	[sflag:s4] =	ssyncadd.remote.s32 @!p0 $0x1  }
0xb4: {  	s26 =	simm.s32 $execute0_lowered;
	[smem:$0x3FD2] =	sst s25  }
0xb5: {  	s5 =	sshll.u32 s26, $0x1;
	_ =	strace $0x8000004C;
	[dreg:$0x1] =	wrdreg $0xFFFFFFFF  }
0xb6: {  	s28 =	simm.s32 $_size_execute0_lowered;
	s3 =	sadd.s32 s3, s5;
	[dreg:$0x0] =	wrdreg $0x0  }
0xb7: {  	s5 =	sshll.u32 s28, $0x1;
	[dreg:$0x2] =	wrdreg s3  }
0xb8: {  	[dreg:$0x3] =	wrdreg s5  }
0xb9: {  	[dreg:$0x4] =	wrdreg $0xC0  }
0xba: {  	_ =	task [dreg:s22], $0x5FFFF  }
0xbb: {  	[dreg:$0x1] =	wrdreg $0xFFFFFFFF  }
0xbc: {  	[dreg:$0x0] =	wrdreg $0x60  }
0xbd: {  	[dreg:$0x2] =	wrdreg s24  }
0xbe: {  	[dreg:$0x3] =	wrdreg $0xD5000  }
0xbf: {  	[dreg:$0x4] =	wrdreg $0xB  }
0xc0: {  	_ =	task.clear_ibuf [dreg:s22], $0x5FFFF;
	_ =	strace $0x9000004C  }
0xc1: {  	s29 =	simm.s32 $0xB;
	_ =	strace $0x8000004E  }
0xc2: {  	_ =	swait.ge [sflag:s29], $0x1  }
0xc3: {  	[sflag:s29] =	ssyncadd.s32 $0xFFFFFFFF  }
0xc4: {  	_ =	strace $0x9000004E  }
0xc5: {  	_ =	sfence  }
0xc6: {  	s30 =	sld [smem:$0x0];
	_ =	sdelay $0x2  }
0xc7: {  	s31 =	sshll.u32 s1, $0xD;
	s1 =	sshrl.u32 s1, $0x2  }
0xc8: {  	s4 =	sand.u32 $0x4000, s31;
	s1 =	sadd.s32 s1, s30  }
0xc9: {  	s0 =	sor.u32 s4, s0;
	s1 =	sshll.u32 s1, $0x11  }
0xca: {  	s0 =	sor.u32 s1, s0  }
0xcb: {  	s0 =	sadd.s32 $0x8F2B, s0  }
0xcc: {  	[sflag:s0] =	ssyncadd.remote.s32 $0x1  }
0xcd: {  	_ =	sfence.sel $0xFFFF  }
0xce: {  	[dreg:$0x0] =	wrdreg $0xFFFFFFFF;
	(pc) =	sbr.abs _section_cstart, $3  }
0xcf: {  	[dreg:$0x1] =	wrdreg $0xFFFFFFFF  }
0xd0: {  	_ =	task.clear_ibuf [dreg:s22], $0x2FFFF;
	_ =	strace $0x9FFFFFFF  }
0xd1: {  	(tm) =	ssettm $0x7FFFFFFF  }
tec
execute0_lowered:
.L_overlay_start_1:
0x0: {  	(tag) =	ssettag $0x1  }
0x1: {  	s6 =	rddreg [dreg:$0x0];
	s0 =	srdreg.scid  }
0x2: {  	s9 =	stileid.u32;
	s1 =	rddreg [dreg:$0x1];
	s2 =	simm.s32 $0x0  }
0x3: {  	s11 =	simm.s32 $0x5;
	s12 =	simm.s32 $0x680;
	s13 =	simm.s32 $0x50  }
0x4: {  	s14 =	simm.s32 $0xD00;
	s15 =	simm.s32 $0x3500;
	s16 =	simm.s32 $0x5D00  }
0x5: {  	s17 =	simm.s32 $0x8500;
	s18 =	simm.s32 $0x1;
	s19 =	simm.s32 $0x2  }
0x6: {  	s20 =	simm.s32 $0xAD00;
	s21 =	simm.s32 $0x3;
	s22 =	simm.s32 $0x4  }
0x7: {  	s5 =	sand.u32 $0x1, s0;
	s3 =	sshll.u32 s9, $0x1;
	s0 =	rddreg [dreg:$0x2]  }
0x8: {  	s23 =	simm.s32 $0x0;
	[smem:$0x7FF] =	sst s2;
	s3 =	sor.u32 s5, s3  }
0x9: {  	s4 =	sadd.s32 $0x4A00, s6;
	s7 =	ssub.s32 $0x2, s5;
	s3 =	smul.u32 $0x640, s3  }
0xa: {  	p0 =	sne.s32 s9, $0x0;
	_ =	strace $0x8000004D;
	s10 =	sshrl.u32 s7, $0x1  }
0xb: {  	s5 =	sadd.s32 $0x18B400, s6;
	s10 =	ssub.s32 s7, s10;
	s8 =	sshrl.u32 s3, $0x3  }
0xc: {  	s9 =	smax.u32 s10, $0x1;
	s8 =	sadd.s32 s8, s6;
	s6 =	sadd.s32 $0x328A00, s6  }
0xd: {  	s10 =	sshrl.u32 @!p0 s1, $0x3;
	s7 =	sadd.s32 $0x25BC00, s8;
	s8 =	sadd.s32 $0x25A200, s8  }
.LBB2_1:
0xe: {  	s24 =	simm.s32 @!p0 $0x1C05  }
0xf: {  	[spmem:s10], [sflag:s24] =	dma.local @!p0 [hbm:s5], $0x2000  }
0x10: {  	s24 =	simm.s32 @!p0 $0x5  }
0x11: {  	_ =	swait.ge @!p0 [sflag:s24], $0x2000  }
0x12: {  	[sflag:s24] =	ssyncset.done @!p0 $0x0  }
0x13: {  	[sflag:s24] =	ssyncadd.s32 @!p0 $0xFFFFE000  }
0x14: {  	[tilespmem:s2], [sflag:$0x5] =	stream.linear.gather [hbm4b:s7+s2], $0x640, $0x38;
	[tilespmem:$0xE500] =	vst v63  }
0x15: {  	_ =	swait.ge [sflag:s11], $0x640  }
0x16: {  	[sflag:s11] =	ssyncset.done $0x0  }
0x17: {  	[sflag:s11] =	ssyncadd.s32 $0xFFFFF9C0  }
0x18: {  	[tilespmem:s12], [sflag:$0x5] =	stream.linear.gather [hbm4b:s8+s2], $0x640, $0x38;
	[tilespmem:$0xE500] =	vst v63  }
0x19: {  	_ =	swait.ge [sflag:s11], $0x640  }
0x1a: {  	[sflag:s11] =	ssyncset.done $0x0  }
0x1b: {  	[sflag:s11] =	ssyncadd.s32 $0xFFFFF9C0  }
0x1c: {  	[bflag:$0x0] =	sbarrier.arrive $0xFFFF  }
0x1d: {  	[tilespmem:s14], [sflag:$0x1] =	stream.indirect.gather [hbm4b:s4+s13], $0x80, s2, s13, $0xb8;
	[tilespmem:$0xE500] =	vst v63  }
0x1e: {  	s24 =	simm.s32 $0x0  }
0x1f: {  	[tilespmem:s15], [sflag:$0x2] =	stream.indirect.gather [spmem:s1], $0x80, s12, s13, $0xb8;
	[tilespmem:$0xE500] =	vst v63  }
.LBB2_2:
0x20: {  	s26 =	smul.u32 $0xA0, s24;
	_ =	sdelay $0x1  }
0x21: {  	s25 =	sadd.s32 $0x50, s26  }
0x22: {  	[tilespmem:s16], [sflag:$0x3] =	stream.indirect.gather [hbm4b:s4+s13], $0x80, s25, s13, $0xb8;
	[tilespmem:$0xE500] =	vst v63  }
0x23: {  	s28 =	sadd.s32 $0x6D0, s26  }
0x24: {  	[tilespmem:s17], [sflag:$0x4] =	stream.indirect.gather [spmem:s1], $0x80, s28, s13, $0xb8;
	[tilespmem:$0xE500] =	vst v63  }
0x25: {  	_ =	swait.ge [sflag:s18], $0x2800  }
0x26: {  	[sflag:s18] =	ssyncset.done $0x0  }
0x27: {  	[sflag:s18] =	ssyncadd.s32 $0xFFFFD800  }
0x28: {  	_ =	swait.ge [sflag:s19], $0x2800  }
0x29: {  	[sflag:s19] =	ssyncset.done $0x0  }
0x2a: {  	s28 =	simm.s32 $0x0;
	[sflag:s19] =	ssyncadd.s32 $0xFFFFD800  }
0x2b: {  	v0 =	vld [tilespmem:s28+$0xD70]  }
0x2c: {  	v1 =	vld [tilespmem:s28+$0x3570]  }
0x2d: {  	v2 =	vld [tilespmem:s28+$0xD00]  }
0x2e: {  	v3 =	vld [tilespmem:s28+$0x3500]  }
0x2f: {  	v4 =	vld [tilespmem:s28+$0xD10]  }
0x30: {  	v5 =	vld [tilespmem:s28+$0x3510]  }
0x31: {  	v6 =	vld [tilespmem:s28+$0xD20]  }
0x32: {  	v7 =	vld [tilespmem:s28+$0x3520];
	v0 =	vshrl.u32 v0, $0x10;
	v1 =	vand.u32 $0xFFFF0000, v1  }
0x33: {  	v8 =	vld [tilespmem:s28+$0xD30];
	v0 =	vor.u32 v0, v1;
	v1 =	vshrl.u32 v2, $0x10;
	v2 =	vand.u32 $0xFFFF0000, v3  }
0x34: {  	v9 =	vld [tilespmem:s28+$0x3530];
	[tilespmem:s28+$0xAD70] =	vst v0;
	v0 =	vor.u32 v1, v2  }
0x35: {  	v10 =	vld [tilespmem:s28+$0x3540];
	v1 =	vand.u32 $0xFFFF0000, v5;
	[tilespmem:s28+$0xAD00] =	vst v0;
	v0 =	vshrl.u32 v4, $0x10  }
0x36: {  	v5 =	vld [tilespmem:s28+$0xD40];
	v0 =	vor.u32 v0, v1  }
0x37: {  	v2 =	vld [tilespmem:s28+$0xD50];
	v1 =	vand.u32 $0xFFFF0000, v7;
	[tilespmem:s28+$0xAD10] =	vst v0;
	v0 =	vshrl.u32 v6, $0x10  }
0x38: {  	v3 =	vld [tilespmem:s28+$0x3550];
	v0 =	vor.u32 v0, v1  }
0x39: {  	v6 =	vand.u32 $0xFFFF0000, v9;
	v1 =	vld [tilespmem:s28+$0xD60];
	[tilespmem:s28+$0xAD20] =	vst v0;
	v0 =	vshrl.u32 v8, $0x10  }
0x3a: {  	s29 =	simm.s32 $0x80;
	v4 =	vld [tilespmem:s28+$0x3560];
	v6 =	vor.u32 v0, v6  }
0x3b: {  	s30 =	simm.s32 $0x400;
	v5 =	vshrl.u32 v5, $0x10;
	v0 =	vld [tilespmem:s29+$0xD70];
	[tilespmem:s28+$0xAD30] =	vst v6;
	v6 =	vand.u32 $0xFFFF0000, v10  }
.LBB2_3:
0x3c: {  	p1 =	sne.s32 s30, $0x9E00;
	v7 =	vld [tilespmem:s29+$0x3570];
	v5 =	vor.u32 v5, v6;
	v2 =	vshrl.u32 v2, $0x10  }
0x3d: {  	v6 =	vld [tilespmem:s29+$0xD00];
	[tilespmem:s28+$0xAD40] =	vst v5;
	v3 =	vand.u32 $0xFFFF0000, v3  }
0x3e: {  	v5 =	vld [tilespmem:s29+$0x3500];
	v2 =	vor.u32 v2, v3;
	v1 =	vshrl.u32 v1, $0x10  }
0x3f: {  	v3 =	vld [tilespmem:s29+$0xD10];
	[tilespmem:s28+$0xAD50] =	vst v2;
	v2 =	vand.u32 $0xFFFF0000, v4  }
0x40: {  	v4 =	vld [tilespmem:s29+$0x3510];
	v1 =	vor.u32 v1, v2  }
0x41: {  	v0 =	vshrl.u32 v0, $0x10;
	v2 =	vld [tilespmem:s29+$0xD20];
	v7 =	vand.u32 $0xFFFF0000, v7;
	[tilespmem:s28+$0xAD60] =	vst v1;
	s28 =	smov.u32 s29  }
0x42: {  	v1 =	vshrl.u32 v6, $0x10;
	v6 =	vld [tilespmem:s28+$0x3520];
	v0 =	vor.u32 v0, v7  }
0x43: {  	v5 =	vand.u32 $0xFFFF0000, v5;
	v7 =	vld [tilespmem:s28+$0xD30];
	[tilespmem:s28+$0xAD70] =	vst v0  }
0x44: {  	v0 =	vor.u32 v1, v5;
	v1 =	vshrl.u32 v3, $0x10;
	v5 =	vld [tilespmem:s28+$0x3530]  }
0x45: {  	[tilespmem:s28+$0xAD00] =	vst v0;
	v0 =	vand.u32 $0xFFFF0000, v4;
	v4 =	vld [tilespmem:s28+$0xD40]  }
0x46: {  	v0 =	vor.u32 v1, v0;
	v1 =	vshrl.u32 v2, $0x10;
	v8 =	vld [tilespmem:s28+$0x3540]  }
.Ltmp0:
0x47: {  	[tilespmem:s28+$0xAD10] =	vst v0;
	v0 =	vand.u32 $0xFFFF0000, v6;
	v2 =	vld [tilespmem:s28+$0xD50];
	(pc) =	sbr.rel @p1 .LBB2_3-.Ltmp0, $4  }
0x48: {  	v0 =	vor.u32 v1, v0;
	v6 =	vshrl.u32 v7, $0x10;
	v3 =	vld [tilespmem:s28+$0x3550]  }
0x49: {  	[tilespmem:s28+$0xAD20] =	vst v0;
	v0 =	vand.u32 $0xFFFF0000, v5;
	v1 =	vld [tilespmem:s28+$0xD60]  }
0x4a: {  	s29 =	sshra.s32 s30, $0x2;
	v6 =	vor.u32 v6, v0;
	v5 =	vshrl.u32 v4, $0x10;
	v4 =	vld [tilespmem:s28+$0x3560]  }
0x4b: {  	s30 =	sadd.s32 $0x200, s30;
	v0 =	vld [tilespmem:s29+$0xD70];
	[tilespmem:s28+$0xAD30] =	vst v6;
	v6 =	vand.u32 $0xFFFF0000, v8  }
0x4c: {  	v7 =	vld [tilespmem:s29+$0x3570];
	v5 =	vor.u32 v5, v6  }
0x4d: {  	v6 =	vld [tilespmem:s29+$0xD00];
	v2 =	vshrl.u32 v2, $0x10;
	[tilespmem:s28+$0xAD40] =	vst v5;
	v3 =	vand.u32 $0xFFFF0000, v3  }
0x4e: {  	v5 =	vld [tilespmem:s29+$0x3500];
	v2 =	vor.u32 v2, v3  }
0x4f: {  	v3 =	vld [tilespmem:s29+$0xD10];
	v1 =	vshrl.u32 v1, $0x10;
	[tilespmem:s28+$0xAD50] =	vst v2;
	v2 =	vand.u32 $0xFFFF0000, v4  }
0x50: {  	v4 =	vld [tilespmem:s29+$0x3510];
	v1 =	vor.u32 v1, v2  }
0x51: {  	v2 =	vld [tilespmem:s29+$0xD20];
	[tilespmem:s28+$0xAD60] =	vst v1  }
0x52: {  	v0 =	vshrl.u32 v0, $0x10;
	v1 =	vand.u32 $0xFFFF0000, v7;
	v7 =	vld [tilespmem:s29+$0x3520]  }
0x53: {  	v6 =	vshrl.u32 v6, $0x10;
	v0 =	vor.u32 v0, v1;
	v1 =	vld [tilespmem:s29+$0xD30];
	v5 =	vand.u32 $0xFFFF0000, v5  }
0x54: {  	[tilespmem:s29+$0xAD70] =	vst v0;
	v0 =	vor.u32 v6, v5;
	v5 =	vld [tilespmem:s29+$0x3530]  }
0x55: {  	v6 =	vld [tilespmem:s29+$0xD50]  }
0x56: {  	[tilespmem:s29+$0xAD00] =	vst v0;
	v0 =	vshrl.u32 v3, $0x10;
	v3 =	vand.u32 $0xFFFF0000, v4;
	v4 =	vld [tilespmem:s29+$0xD40]  }
0x57: {  	v0 =	vor.u32 v0, v3;
	v3 =	vld [tilespmem:s29+$0x3540]  }
0x58: {  	[tilespmem:s29+$0xAD10] =	vst v0;
	v0 =	vshrl.u32 v2, $0x10;
	v2 =	vand.u32 $0xFFFF0000, v7;
	v7 =	vld [tilespmem:s29+$0x3560]  }
0x59: {  	v0 =	vor.u32 v0, v2;
	v2 =	vld [tilespmem:s29+$0x3550]  }
0x5a: {  	[tilespmem:s29+$0xAD20] =	vst v0;
	v0 =	vld [tilespmem:s29+$0xD60];
	_ =	sdelay $0x1  }
0x5b: {  	v1 =	vshrl.u32 v1, $0x10;
	v5 =	vand.u32 $0xFFFF0000, v5  }
0x5c: {  	v1 =	vor.u32 v1, v5;
	v4 =	vshrl.u32 v4, $0x10;
	v3 =	vand.u32 $0xFFFF0000, v3  }
0x5d: {  	[tilespmem:s29+$0xAD30] =	vst v1;
	v1 =	vor.u32 v4, v3;
	v3 =	vshrl.u32 v6, $0x10;
	v2 =	vand.u32 $0xFFFF0000, v2  }
0x5e: {  	s28 =	sadd.s32 s3, s26;
	[tilespmem:s29+$0xAD40] =	vst v1;
	v1 =	vor.u32 v3, v2;
	v0 =	vshrl.u32 v0, $0x10;
	v2 =	vand.u32 $0xFFFF0000, v7  }
0x5f: {  	s28 =	sshll.u32 s28, $0x4;
	[tilespmem:s29+$0xAD50] =	vst v1;
	v0 =	vor.u32 v0, v2  }
0x60: {  	s28 =	sadd.s32 s6, s28;
	[tilespmem:s29+$0xAD60] =	vst v0  }
0x61: {  	[hbm4b:s28+s2] =	stream.linear.scatter [tilespmem:s20], [sflag:$0x5], $0x2800, $0x38;
	[tilespmem:$0xE500] =	vst v63  }
0x62: {  	p1 =	seq.s32 s24, $0x9;
	_ =	swait.ge [sflag:s11], $0x2800  }
0x63: {  	s30 =	simm.s32 @!p1 $0xD00;
	[sflag:s11] =	ssyncset.done $0x0  }
0x64: {  	s29 =	simm.s32 @!p1 $0x50;
	s28 =	sadd.s32 @!p1 $0xA0, s26;
	[sflag:s11] =	ssyncadd.s32 $0xFFFFD800  }
0x65: {  	[tilespmem:s30], [sflag:$0x1] =	stream.indirect.gather @!p1 [hbm4b:s4+s29], $0x80, s28, s29, $0xb8;
	[tilespmem:$0xE500] =	vst v63  }
0x66: {  	s26 =	sadd.s32 @!p1 $0x720, s26;
	s28 =	simm.s32 @!p1 $0x3500  }
0x67: {  	[tilespmem:s28], [sflag:$0x2] =	stream.indirect.gather @!p1 [spmem:s1], $0x80, s26, s29, $0xb8;
	[tilespmem:$0xE500] =	vst v63  }
0x68: {  	_ =	swait.ge [sflag:s21], $0x2800  }
0x69: {  	[sflag:s21] =	ssyncset.done $0x0  }
0x6a: {  	[sflag:s21] =	ssyncadd.s32 $0xFFFFD800  }
0x6b: {  	_ =	swait.ge [sflag:s22], $0x2800  }
0x6c: {  	[sflag:s22] =	ssyncset.done $0x0  }
0x6d: {  	s26 =	simm.s32 $0x0;
	[sflag:s22] =	ssyncadd.s32 $0xFFFFD800  }
0x6e: {  	v0 =	vld [tilespmem:s26+$0x5D70]  }
0x6f: {  	v1 =	vld [tilespmem:s26+$0x8570]  }
0x70: {  	v2 =	vld [tilespmem:s26+$0x5D00]  }
0x71: {  	v3 =	vld [tilespmem:s26+$0x8500]  }
0x72: {  	v4 =	vld [tilespmem:s26+$0x5D10]  }
0x73: {  	v5 =	vld [tilespmem:s26+$0x8510]  }
0x74: {  	v6 =	vld [tilespmem:s26+$0x5D20]  }
0x75: {  	v7 =	vld [tilespmem:s26+$0x8520];
	v0 =	vshrl.u32 v0, $0x10;
	v1 =	vand.u32 $0xFFFF0000, v1  }
0x76: {  	v8 =	vld [tilespmem:s26+$0x5D30];
	v0 =	vor.u32 v0, v1;
	v1 =	vshrl.u32 v2, $0x10;
	v2 =	vand.u32 $0xFFFF0000, v3  }
0x77: {  	v9 =	vld [tilespmem:s26+$0x8530];
	[tilespmem:s26+$0xAD70] =	vst v0;
	v0 =	vor.u32 v1, v2  }
0x78: {  	v10 =	vld [tilespmem:s26+$0x8540];
	v1 =	vand.u32 $0xFFFF0000, v5;
	[tilespmem:s26+$0xAD00] =	vst v0;
	v0 =	vshrl.u32 v4, $0x10  }
0x79: {  	v5 =	vld [tilespmem:s26+$0x5D40];
	v0 =	vor.u32 v0, v1  }
0x7a: {  	v2 =	vld [tilespmem:s26+$0x5D50];
	v1 =	vand.u32 $0xFFFF0000, v7;
	[tilespmem:s26+$0xAD10] =	vst v0;
	v0 =	vshrl.u32 v6, $0x10  }
0x7b: {  	v3 =	vld [tilespmem:s26+$0x8550];
	v0 =	vor.u32 v0, v1  }
0x7c: {  	v6 =	vand.u32 $0xFFFF0000, v9;
	v1 =	vld [tilespmem:s26+$0x5D60];
	[tilespmem:s26+$0xAD20] =	vst v0;
	v0 =	vshrl.u32 v8, $0x10  }
0x7d: {  	s28 =	simm.s32 $0x80;
	v4 =	vld [tilespmem:s26+$0x8560];
	v6 =	vor.u32 v0, v6  }
0x7e: {  	s29 =	simm.s32 $0x400;
	v5 =	vshrl.u32 v5, $0x10;
	v0 =	vld [tilespmem:s28+$0x5D70];
	[tilespmem:s26+$0xAD30] =	vst v6;
	v6 =	vand.u32 $0xFFFF0000, v10  }
.LBB2_5:
0x7f: {  	p1 =	sne.s32 s29, $0x9E00;
	v7 =	vld [tilespmem:s28+$0x8570];
	v5 =	vor.u32 v5, v6;
	v2 =	vshrl.u32 v2, $0x10  }
0x80: {  	v6 =	vld [tilespmem:s28+$0x5D00];
	[tilespmem:s26+$0xAD40] =	vst v5;
	v3 =	vand.u32 $0xFFFF0000, v3  }
0x81: {  	v5 =	vld [tilespmem:s28+$0x8500];
	v2 =	vor.u32 v2, v3;
	v1 =	vshrl.u32 v1, $0x10  }
0x82: {  	v3 =	vld [tilespmem:s28+$0x5D10];
	[tilespmem:s26+$0xAD50] =	vst v2;
	v2 =	vand.u32 $0xFFFF0000, v4  }
0x83: {  	v4 =	vld [tilespmem:s28+$0x8510];
	v1 =	vor.u32 v1, v2  }
0x84: {  	v0 =	vshrl.u32 v0, $0x10;
	v2 =	vld [tilespmem:s28+$0x5D20];
	v7 =	vand.u32 $0xFFFF0000, v7;
	[tilespmem:s26+$0xAD60] =	vst v1;
	s26 =	smov.u32 s28  }
0x85: {  	v1 =	vshrl.u32 v6, $0x10;
	v6 =	vld [tilespmem:s26+$0x8520];
	v0 =	vor.u32 v0, v7  }
0x86: {  	v5 =	vand.u32 $0xFFFF0000, v5;
	v7 =	vld [tilespmem:s26+$0x5D30];
	[tilespmem:s26+$0xAD70] =	vst v0  }
0x87: {  	v0 =	vor.u32 v1, v5;
	v1 =	vshrl.u32 v3, $0x10;
	v5 =	vld [tilespmem:s26+$0x8530]  }
0x88: {  	[tilespmem:s26+$0xAD00] =	vst v0;
	v0 =	vand.u32 $0xFFFF0000, v4;
	v4 =	vld [tilespmem:s26+$0x5D40]  }
0x89: {  	v0 =	vor.u32 v1, v0;
	v1 =	vshrl.u32 v2, $0x10;
	v8 =	vld [tilespmem:s26+$0x8540]  }
.Ltmp1:
0x8a: {  	[tilespmem:s26+$0xAD10] =	vst v0;
	v0 =	vand.u32 $0xFFFF0000, v6;
	v2 =	vld [tilespmem:s26+$0x5D50];
	(pc) =	sbr.rel @p1 .LBB2_5-.Ltmp1, $4  }
0x8b: {  	v0 =	vor.u32 v1, v0;
	v6 =	vshrl.u32 v7, $0x10;
	v3 =	vld [tilespmem:s26+$0x8550]  }
0x8c: {  	[tilespmem:s26+$0xAD20] =	vst v0;
	v0 =	vand.u32 $0xFFFF0000, v5;
	v1 =	vld [tilespmem:s26+$0x5D60]  }
0x8d: {  	s28 =	sshra.s32 s29, $0x2;
	v6 =	vor.u32 v6, v0;
	v5 =	vshrl.u32 v4, $0x10;
	v4 =	vld [tilespmem:s26+$0x8560]  }
0x8e: {  	s29 =	sadd.s32 $0x200, s29;
	v0 =	vld [tilespmem:s28+$0x5D70];
	[tilespmem:s26+$0xAD30] =	vst v6;
	v6 =	vand.u32 $0xFFFF0000, v8  }
0x8f: {  	v7 =	vld [tilespmem:s28+$0x8570];
	v5 =	vor.u32 v5, v6  }
0x90: {  	v40 =	vld [tilespmem:s28+$0x5D00];
	v2 =	vshrl.u32 v2, $0x10;
	[tilespmem:s26+$0xAD40] =	vst v5;
	v3 =	vand.u32 $0xFFFF0000, v3  }
0x91: {  	v5 =	vld [tilespmem:s28+$0x8500];
	v2 =	vor.u32 v2, v3  }
0x92: {  	v41 =	vld [tilespmem:s28+$0x5D10];
	v1 =	vshrl.u32 v1, $0x10;
	[tilespmem:s26+$0xAD50] =	vst v2;
	v42 =	vand.u32 $0xFFFF0000, v4  }
0x93: {  	v43 =	vld [tilespmem:s28+$0x8510];
	v1 =	vor.u32 v1, v42  }
0x94: {  	v44 =	vld [tilespmem:s28+$0x5D20];
	[tilespmem:s26+$0xAD60] =	vst v1  }
0x95: {  	v46 =	vld [tilespmem:s28+$0x8520]  }
0x96: {  	v47 =	vld [tilespmem:s28+$0x5D30]  }
0x97: {  	v49 =	vld [tilespmem:s28+$0x8530]  }
0x98: {  	v52 =	vld [tilespmem:s28+$0x5D40]  }
0x99: {  	v53 =	vld [tilespmem:s28+$0x8540]  }
0x9a: {  	v56 =	vld [tilespmem:s28+$0x5D50]  }
0x9b: {  	v0 =	vshrl.u32 v0, $0x10;
	v45 =	vand.u32 $0xFFFF0000, v7;
	v57 =	vld [tilespmem:s28+$0x8550]  }
0x9c: {  	v6 =	vshrl.u32 v40, $0x10;
	v0 =	vor.u32 v0, v45;
	v58 =	vld [tilespmem:s28+$0x5D60];
	v5 =	vand.u32 $0xFFFF0000, v5  }
0x9d: {  	v59 =	vld [tilespmem:s28+$0x8560];
	[tilespmem:s28+$0xAD70] =	vst v0;
	v50 =	vshrl.u32 v41, $0x10;
	v48 =	vor.u32 v6, v5;
	v51 =	vand.u32 $0xFFFF0000, v43  }
0x9e: {  	[tilespmem:s28+$0xAD00] =	vst v48;
	v54 =	vshrl.u32 v44, $0x10;
	v0 =	vor.u32 v50, v51;
	v55 =	vand.u32 $0xFFFF0000, v46  }
0x9f: {  	[tilespmem:s28+$0xAD10] =	vst v0;
	v1 =	vshrl.u32 v47, $0x10;
	v5 =	vand.u32 $0xFFFF0000, v49;
	v0 =	vor.u32 v54, v55  }
0xa0: {  	v4 =	vshrl.u32 v52, $0x10;
	v3 =	vand.u32 $0xFFFF0000, v53;
	v1 =	vor.u32 v1, v5;
	[tilespmem:s28+$0xAD20] =	vst v0  }
0xa1: {  	v61 =	vshrl.u32 v56, $0x10;
	v2 =	vand.u32 $0xFFFF0000, v57;
	v60 =	vor.u32 v4, v3;
	[tilespmem:s28+$0xAD30] =	vst v1  }
0xa2: {  	s25 =	sadd.s32 s3, s25;
	s24 =	sadd.s32 $0x1, s24;
	v63 =	vand.u32 $0xFFFF0000, v59;
	v62 =	vor.u32 v61, v2;
	[tilespmem:s28+$0xAD40] =	vst v60;
	v0 =	vshrl.u32 v58, $0x10  }
0xa3: {  	s25 =	sshll.u32 s25, $0x4;
	p1 =	sne.s32 s24, $0xA;
	[tilespmem:s28+$0xAD50] =	vst v62;
	v0 =	vor.u32 v0, v63  }
.Ltmp2:
0xa4: {  	s25 =	sadd.s32 s6, s25;
	[tilespmem:s28+$0xAD60] =	vst v0;
	(pc) =	sbr.rel @p1 .LBB2_2-.Ltmp2, $4  }
0xa5: {  	[hbm4b:s25+s2] =	stream.linear.scatter [tilespmem:s20], [sflag:$0x5], $0x2800, $0x38;
	[tilespmem:$0xE500] =	vst v63  }
0xa6: {  	_ =	swait.ge [sflag:s11], $0x2800  }
0xa7: {  	[sflag:s11] =	ssyncset.done $0x0  }
0xa8: {  	[sflag:s11] =	ssyncadd.s32 $0xFFFFD800  }
0xa9: {  	s23 =	sadd.s32 $0x1, s23  }
0xaa: {  	p1 =	sne.s32 s23, s9  }
.Ltmp3:
0xab: {  	_ = 	snop;
	(pc) =	sbr.rel @p1 .LBB2_1-.Ltmp3, $1  }
0xac: {  	_ =	sdelay $0x3  }
0xad: {  	_ =	sfence.sel $0x180000  }
0xae: {  	[bflag:$0x0] =	sbarrier.arrive $0xFFFF  }
0xaf: {  	_ =	strace $0x9000004D  }
0xb0: {  	s0 =	sadd.s32 @!p0 $0x100000, s0;
	[bflag:$0x2] =	sbarrier.arrive $0xFFFF  }
0xb1: {  	[sflag:s0] =	ssyncadd.tile.s32 @!p0 $0x1;
	_ =	shalt  }
.Lfunc_end2:
_tile_overlayer_lowered:
.L_overlay_start_2:
0xb2: {  	(tag) =	ssettag $0x2  }
0xb3: {  	s0 =	rddreg [dreg:$0x0];
	s2 =	stileid.u32  }
0xb4: {  	s1 =	rddreg [dreg:$0x1];
	p0 =	sne.s32 s2, $0x0  }
0xb5: {  	s3 =	rddreg [dreg:$0x2];
	[bflag:$0x3] =	sbarrier.arrive $0xFFFF;
	s2 =	simm.s32 @!p0 $0x1C05  }
0xb6: {  	[timem:s3], [sflag:s2] =	dma.local @!p0 [hbm:s0], s1  }
0xb7: {  	s0 =	simm.s32 @!p0 $0x5  }
0xb8: {  	_ =	swait.ge @!p0 [sflag:s0], s1  }
0xb9: {  	s1 =	ssub.s32 @!p0 $0x0, s1;
	[sflag:s0] =	ssyncset.done @!p0 $0x0  }
0xba: {  	[sflag:s0] =	ssyncadd.s32 @!p0 s1  }
0xbb: {  	[bflag:$0x3] =	sbarrier.arrive $0xFFFF  }
0xbc: {  	_ =	shalt  }

// kernel: kernel.19.cloned.1.call-start
scs
__scs_entry_jumppad:
0x0: {  	(pc) =	sbr.rel $0x88, $3  }
0x1: {  	(tag) =	ssettag $0x0;
	lr =	simm.s32 $0x1  }
0x2: {  	[smem:$0x3F8F] =	sst lr;
	_ =	strace $0xD0000000  }
0x3: {  	_ = 	snop  }
0x4: {  	_ = 	snop  }
0x5: {  	_ = 	snop  }
0x6: {  	_ = 	snop  }
0x7: {  	_ = 	snop  }
__scs_overlays_trampoline_lowered:
0x8: {  	[smem:$0x3F9E] =	sst s0  }
0x9: {  	[smem:$0x3F9F] =	sst s1  }
0xa: {  	[smem:$0x3FA0] =	sst s2  }
0xb: {  	[smem:$0x3FA1] =	sst s3  }
0xc: {  	[smem:$0x3FA2] =	sst s4  }
0xd: {  	[smem:$0x3FA3] =	sst s5  }
0xe: {  	[smem:$0x3FA4] =	sst s6  }
0xf: {  	[smem:$0x3FA5] =	sst s7  }
0x10: {  	[smem:$0x3FA6] =	sst s8  }
0x11: {  	[smem:$0x3FA7] =	sst s9;
	s0 =	simm.s32 @!p0 $0x0  }
0x12: {  	s1 =	sld [smem:$0x3F8D];
	s0 =	simm.s32 @p0 $0x1  }
0x13: {  	[smem:$0x3FA8] =	sst s0;
	s0 =	simm.s32 @!p1 $0x0  }
0x14: {  	s2 =	sld [smem:$0x3F8C];
	s0 =	simm.s32 @p1 $0x1  }
0x15: {  	[smem:$0x3FA9] =	sst s0;
	s0 =	simm.s32 @!p2 $0x0  }
0x16: {  	s3 =	sld [smem:$0x3FDB];
	s0 =	simm.s32 @p2 $0x1  }
0x17: {  	s4 =	simm.s32 $0x1BF5;
	[smem:$0x3FAB] =	sst s0  }
0x18: {  	s0 =	sld [smem:$0x3F8E];
	_ =	swait.ge [sflag:s4], $0x0  }
0x19: {  	s7 =	sld [smem:$0x3F8F]  }
0x1a: {  	s8 =	sadd.s32 $0xFFFFE003, lr  }
0x1b: {  	s9 =	sadd.s32 $0xFFFFFEF7, lr;
	s5 =	simm.s32 $0xFFFFFFFF;
	p2 =	slt.u32 s8, $0xFFFFF086  }
0x1c: {  	p1 =	slt.u32 s9, $0xF7A;
	s5 =	simm.s32 @!p2 $0x0  }
0x1d: {  	s5 =	simm.s32 @p1 $0x1;
	p0 =	seq.s32 s7, s2  }
0x1e: {  	s7 =	smul.u32 @!p0 $0xF7A, s2;
	p2 =	seq.s32 @!p0 s5, $0x0  }
0x1f: {  	s9 =	smul.u32 $0xF7A, s1;
	s8 =	simm.s32 @!p0 $0x1BF5;
	p2 =	por !p2, p0  }
0x20: {  	[sflag:s8] =	ssyncset.s32 @!p0 $0xFFFFF086;
	s6 =	sadd.s32 @!p0 s3, s7;
	s7 =	simm.s32 @!p0 $0x108  }
0x21: {  	s3 =	sadd.s32 s3, s9;
	s6 =	sadd.s32 @!p0 $0x88, s6;
	s7 =	simm.s32 @p2 $0x1082  }
0x22: {  	[simem:s7], [sflag:s8] =	dma.local @!p0 [hbm:s6], $0xF7A  }
0x23: {  	s9 =	sor.u32 $0xD0000000, s2;
	s6 =	simm.s32 $0x108;
	_ =	swait.ge @!p0 [sflag:s8], $0x0  }
0x24: {  	s3 =	sadd.s32 $0x88, s3;
	s6 =	simm.s32 @!p1 $0x1082;
	[sflag:s4] =	ssyncset.s32 $0xFFFFF086  }
0x25: {  	[simem:s6], [sflag:s4] =	dma.local [hbm:s3], $0xF7A  }
0x26: {  	[smem:$0x3F8F] =	sst s1;
	(tag) =	ssettag s2;
	_ =	strace s9  }
0x27: {  	s1 =	sld [smem:$0x3F9F]  }
0x28: {  	s2 =	sld [smem:$0x3FA0]  }
0x29: {  	s4 =	sld [smem:$0x3FA2]  }
0x2a: {  	p0 =	seq.s32 s5, $0x0;
	s5 =	sld [smem:$0x3FA3]  }
0x2b: {  	s6 =	sld [smem:$0x3FA4]  }
0x2c: {  	s7 =	sld [smem:$0x3FA5]  }
0x2d: {  	s3 =	simm.s32 $0x108;
	s8 =	sld [smem:$0x3FA6]  }
0x2e: {  	s3 =	simm.s32 @!p0 $0x1082;
	s9 =	sld [smem:$0x3FA7]  }
0x2f: {  	lr =	sadd.s32 s0, s3;
	s0 =	sld [smem:$0x3F9E]  }
0x30: {  	s3 =	sld [smem:$0x3FA1]  }
0x31: {  	[smem:$0x3FAA] =	sst s10  }
0x32: {  	s10 =	sld [smem:$0x3FA8];
	_ =	sdelay $0x3  }
0x33: {  	p0 =	seq.s32 s10, $0x1;
	s10 =	sld [smem:$0x3FAA];
	_ =	sdelay $0x3  }
0x34: {  	[smem:$0x3FAA] =	sst s10  }
0x35: {  	s10 =	sld [smem:$0x3FA9];
	_ =	sdelay $0x3  }
0x36: {  	p1 =	seq.s32 s10, $0x1;
	s10 =	sld [smem:$0x3FAA];
	_ =	sdelay $0x3  }
0x37: {  	[smem:$0x3FAA] =	sst s10  }
0x38: {  	s10 =	sld [smem:$0x3FAB]  }
0x39: {  	_ = 	snop;
	(pc) =	sbr.ind lr, $3  }
0x3a: {  	_ = 	snop  }
0x3b: {  	_ = 	snop  }
0x3c: {  	p2 =	seq.s32 s10, $0x1;
	s10 =	sld [smem:$0x3FAA]  }
0x3d: {  	_ =	shalt  }
0x3e: {  	_ =	shalt  }
0x3f: {  	_ =	shalt  }
0x40: {  	_ =	shalt  }
0x41: {  	_ =	shalt  }
0x42: {  	_ =	shalt  }
0x43: {  	_ =	shalt  }
0x44: {  	_ =	shalt  }
0x45: {  	_ =	shalt  }
0x46: {  	_ =	shalt  }
0x47: {  	_ =	shalt  }
0x48: {  	_ =	shalt  }
0x49: {  	_ =	shalt  }
0x4a: {  	_ =	shalt  }
0x4b: {  	_ =	shalt  }
0x4c: {  	_ =	shalt  }
0x4d: {  	_ =	shalt  }
0x4e: {  	_ =	shalt  }
0x4f: {  	_ =	shalt  }
0x50: {  	_ =	shalt  }
0x51: {  	_ =	shalt  }
0x52: {  	_ =	shalt  }
0x53: {  	_ =	shalt  }
0x54: {  	_ =	shalt  }
0x55: {  	_ =	shalt  }
0x56: {  	_ =	shalt  }
0x57: {  	_ =	shalt  }
0x58: {  	_ =	shalt  }
0x59: {  	_ =	shalt  }
0x5a: {  	_ =	shalt  }
0x5b: {  	_ =	shalt  }
0x5c: {  	_ =	shalt  }
0x5d: {  	_ =	shalt  }
0x5e: {  	_ =	shalt  }
0x5f: {  	_ =	shalt  }
0x60: {  	_ =	shalt  }
0x61: {  	_ =	shalt  }
0x62: {  	_ =	shalt  }
0x63: {  	_ =	shalt  }
0x64: {  	_ =	shalt  }
0x65: {  	_ =	shalt  }
0x66: {  	_ =	shalt  }
0x67: {  	_ =	shalt  }
0x68: {  	_ =	shalt  }
0x69: {  	_ =	shalt  }
0x6a: {  	_ =	shalt  }
0x6b: {  	_ =	shalt  }
0x6c: {  	_ =	shalt  }
0x6d: {  	_ =	shalt  }
0x6e: {  	_ =	shalt  }
0x6f: {  	_ =	shalt  }
0x70: {  	_ =	shalt  }
0x71: {  	_ =	shalt  }
0x72: {  	_ =	shalt  }
0x73: {  	_ =	shalt  }
0x74: {  	_ =	shalt  }
0x75: {  	_ =	shalt  }
0x76: {  	_ =	shalt  }
0x77: {  	_ =	shalt  }
0x78: {  	_ =	shalt  }
0x79: {  	_ =	shalt  }
0x7a: {  	_ =	shalt  }
0x7b: {  	_ =	shalt  }
0x7c: {  	_ =	shalt  }
0x7d: {  	_ =	shalt  }
0x7e: {  	_ =	shalt  }
0x7f: {  	_ =	shalt  }
0x80: {  	_ =	shalt  }
0x81: {  	_ =	shalt  }
0x82: {  	_ =	shalt  }
0x83: {  	_ =	shalt  }
0x84: {  	_ =	shalt  }
0x85: {  	_ =	shalt  }
0x86: {  	_ =	shalt  }
0x87: {  	_ =	shalt  }
.Lfunc_end0:
.L_simem_size_0:
called_computation.3_lowered:
.L_overlay_start_0:
0x88: {  	s2 =	sld [smem:$0x3FD9]  }
0x89: {  	s3 =	sld [smem:$0x3FFE];
	_ =	sdelay $0x1  }
0x8a: {  	s1 =	srdreg.scid  }
0x8b: {  	s0 =	sand.u32 $0x1, s1  }
0x8c: {  	s17 =	sshll.u32 s0, $0xA;
	s2 =	sadd.s32 s3, s2  }
0x8d: {  	s2 =	sadd.s32 s2, s17  }
0x8e: {  	[smem:$0x3FB6] =	sst s2  }
0x8f: {  	_ = 	snop  }
0x90: {  	(tm) =	ssettm $0x1  }
0x91: {  	s18 =	sld [smem:$0x3FFB];
	_ =	sdelay $0x3  }
0x92: {  	_ =	strace s18  }
0x93: {  	s2 =	sld [smem:$0x3FFC];
	_ =	sdelay $0x3  }
0x94: {  	_ =	strace s2  }
0x95: {  	s2 =	sld [smem:$0x3FFD];
	_ =	sdelay $0x3  }
0x96: {  	_ =	strace s2  }
0x97: {  	_ =	strace $0x8FFFFFFF  }
0x98: {  	s19 =	sld [smem:$0x3FDB];
	_ =	sdelay $0x1  }
0x99: {  	s20 =	simm.s32 $_scs_section_size  }
0x9a: {  	s4 =	simm.s32 $_size__tile_overlayer_lowered;
	s5 =	simm.s32 $_tile_overlayer_lowered  }
0x9b: {  	s6 =	simm.s32 $0x1BFF;
	s21 =	sshll.u32 s5, $0x1;
	s3 =	sadd.s32 s20, s19  }
0x9c: {  	s22 =	simm.s32 $0x0;
	s4 =	sshll.u32 s4, $0x1;
	s5 =	sadd.s32 s21, s3  }
0x9d: {  	[timem:s22], [sflag:s6] =	dma.local [hbm:s5], s4  }
0x9e: {  	_ =	swait.ge [sflag:s6], s4  }
0x9f: {  	s4 =	ssub.s32 $0x0, s4;
	[sflag:s6] =	ssyncset.done $0x0  }
0xa0: {  	[sflag:s6] =	ssyncadd.s32 s4;
	_ =	sdelay $0x1  }
0xa1: {  	s23 =	simm.s32 $0x1B8B  }
0xa2: {  	_ =	swait.ge [sflag:s23], $0x1  }
0xa3: {  	[sflag:s23] =	ssyncset.done $0x0  }
0xa4: {  	[sflag:s23] =	ssyncadd.s32 $0xFFFFFFFF  }
0xa5: {  	s4 =	sld [smem:$0x0]  }
0xa6: {  	s5 =	sand.u32 $0xFFFFFFFE, s1  }
0xa7: {  	p0 =	sne.s32 s1, s5  }
0xa8: {  	s5 =	sshll.u32 @p0 s5, $0xE  }
0xa9: {  	s5 =	sadd.s32 @p0 $0x11B8D, s5;
	s6 =	sshll.u32 @p0 s4, $0x11  }
0xaa: {  	s5 =	sor.u32 @p0 s6, s5  }
0xab: {  	[sflag:s5] =	ssyncadd.remote.s32 @p0 $0x1;
	_ =	sdelay $0x1  }
0xac: {  	s5 =	simm.s32 @p0 $0x1B8D  }
0xad: {  	_ =	swait.eq @p0 [sflag:s5], $0x1  }
0xae: {  	[sflag:s5] =	ssyncadd.s32 @p0 $0xFFFFFFFF  }
0xaf: {  	s6 =	sshll.u32 @!p0 s1, $0xE  }
0xb0: {  	s6 =	sor.u32 @!p0 $0x4000, s6;
	s5 =	simm.s32 @!p0 $0x1B8D  }
0xb1: {  	s4 =	sshll.u32 @!p0 s4, $0x11;
	s6 =	sadd.s32 @!p0 $0x11B8D, s6;
	_ =	swait.eq @!p0 [sflag:s5], $0x1  }
0xb2: {  	s4 =	sor.u32 @!p0 s4, s6;
	[sflag:s5] =	ssyncadd.s32 @!p0 $0xFFFFFFFF  }
0xb3: {  	s25 =	simm.s32 $0x1B8E;
	s24 =	sld [smem:$0x3FFE];
	[sflag:s4] =	ssyncadd.remote.s32 @!p0 $0x1  }
0xb4: {  	s26 =	simm.s32 $execute0_lowered;
	[smem:$0x3FD2] =	sst s25  }
0xb5: {  	s5 =	sshll.u32 s26, $0x1;
	_ =	strace $0x8000004F;
	[dreg:$0x1] =	wrdreg $0xFFFFFFFF  }
0xb6: {  	s28 =	simm.s32 $_size_execute0_lowered;
	s3 =	sadd.s32 s3, s5;
	[dreg:$0x0] =	wrdreg $0x0  }
0xb7: {  	s5 =	sshll.u32 s28, $0x1;
	[dreg:$0x2] =	wrdreg s3  }
0xb8: {  	[dreg:$0x3] =	wrdreg s5  }
0xb9: {  	[dreg:$0x4] =	wrdreg $0xC0  }
0xba: {  	_ =	task [dreg:s22], $0x5FFFF  }
0xbb: {  	[dreg:$0x1] =	wrdreg $0xFFFFFFFF  }
0xbc: {  	[dreg:$0x0] =	wrdreg $0x60  }
0xbd: {  	[dreg:$0x2] =	wrdreg s24  }
0xbe: {  	[dreg:$0x3] =	wrdreg $0xD5000  }
0xbf: {  	[dreg:$0x4] =	wrdreg $0xC  }
0xc0: {  	_ =	task.clear_ibuf [dreg:s22], $0x5FFFF;
	_ =	strace $0x9000004F  }
0xc1: {  	s29 =	simm.s32 $0xC;
	_ =	strace $0x80000051  }
0xc2: {  	_ =	swait.ge [sflag:s29], $0x1  }
0xc3: {  	[sflag:s29] =	ssyncadd.s32 $0xFFFFFFFF  }
0xc4: {  	_ =	strace $0x90000051  }
0xc5: {  	_ =	sfence  }
0xc6: {  	s30 =	sld [smem:$0x0];
	_ =	sdelay $0x2  }
0xc7: {  	s31 =	sshll.u32 s1, $0xD;
	s1 =	sshrl.u32 s1, $0x2  }
0xc8: {  	s4 =	sand.u32 $0x4000, s31;
	s1 =	sadd.s32 s1, s30  }
0xc9: {  	s0 =	sor.u32 s4, s0;
	s1 =	sshll.u32 s1, $0x11  }
0xca: {  	s0 =	sor.u32 s1, s0  }
0xcb: {  	s0 =	sadd.s32 $0x8F2B, s0  }
0xcc: {  	[sflag:s0] =	ssyncadd.remote.s32 $0x1  }
0xcd: {  	_ =	sfence.sel $0xFFFF  }
0xce: {  	[dreg:$0x0] =	wrdreg $0xFFFFFFFF;
	(pc) =	sbr.abs _section_cstart, $3  }
0xcf: {  	[dreg:$0x1] =	wrdreg $0xFFFFFFFF  }
0xd0: {  	_ =	task.clear_ibuf [dreg:s22], $0x2FFFF;
	_ =	strace $0x9FFFFFFF  }
0xd1: {  	(tm) =	ssettm $0x7FFFFFFF  }
tec
execute0_lowered:
.L_overlay_start_1:
0x0: {  	(tag) =	ssettag $0x1  }
0x1: {  	s6 =	rddreg [dreg:$0x0];
	s0 =	srdreg.scid  }
0x2: {  	s9 =	stileid.u32;
	s1 =	rddreg [dreg:$0x1];
	s2 =	simm.s32 $0x0  }
0x3: {  	s11 =	simm.s32 $0x5;
	s12 =	simm.s32 $0x680;
	s13 =	simm.s32 $0x50  }
0x4: {  	s14 =	simm.s32 $0xD00;
	s15 =	simm.s32 $0x3500;
	s16 =	simm.s32 $0x5D00  }
0x5: {  	s17 =	simm.s32 $0x8500;
	s18 =	simm.s32 $0x1;
	s19 =	simm.s32 $0x2  }
0x6: {  	s20 =	simm.s32 $0xAD00;
	s21 =	simm.s32 $0x3;
	s22 =	simm.s32 $0x4  }
0x7: {  	s5 =	sand.u32 $0x1, s0;
	s3 =	sshll.u32 s9, $0x1;
	s0 =	rddreg [dreg:$0x2]  }
0x8: {  	s23 =	simm.s32 $0x0;
	[smem:$0x7FF] =	sst s2;
	s3 =	sor.u32 s5, s3  }
0x9: {  	s4 =	sadd.s32 $0x4A00, s6;
	s7 =	ssub.s32 $0x2, s5;
	s3 =	smul.u32 $0x640, s3  }
0xa: {  	p0 =	sne.s32 s9, $0x0;
	_ =	strace $0x80000050;
	s10 =	sshrl.u32 s7, $0x1  }
0xb: {  	s5 =	sadd.s32 $0x18B400, s6;
	s10 =	ssub.s32 s7, s10;
	s8 =	sshrl.u32 s3, $0x3  }
0xc: {  	s9 =	smax.u32 s10, $0x1;
	s8 =	sadd.s32 s8, s6;
	s6 =	sadd.s32 $0x3F0A00, s6  }
0xd: {  	s10 =	sshrl.u32 @!p0 s1, $0x3;
	s7 =	sadd.s32 $0x25F000, s8;
	s8 =	sadd.s32 $0x25D600, s8  }
.LBB2_1:
0xe: {  	s24 =	simm.s32 @!p0 $0x1C05  }
0xf: {  	[spmem:s10], [sflag:s24] =	dma.local @!p0 [hbm:s5], $0x2000  }
0x10: {  	s24 =	simm.s32 @!p0 $0x5  }
0x11: {  	_ =	swait.ge @!p0 [sflag:s24], $0x2000  }
0x12: {  	[sflag:s24] =	ssyncset.done @!p0 $0x0  }
0x13: {  	[sflag:s24] =	ssyncadd.s32 @!p0 $0xFFFFE000  }
0x14: {  	[tilespmem:s2], [sflag:$0x5] =	stream.linear.gather [hbm4b:s7+s2], $0x640, $0x38;
	[tilespmem:$0xE500] =	vst v63  }
0x15: {  	_ =	swait.ge [sflag:s11], $0x640  }
0x16: {  	[sflag:s11] =	ssyncset.done $0x0  }
0x17: {  	[sflag:s11] =	ssyncadd.s32 $0xFFFFF9C0  }
0x18: {  	[tilespmem:s12], [sflag:$0x5] =	stream.linear.gather [hbm4b:s8+s2], $0x640, $0x38;
	[tilespmem:$0xE500] =	vst v63  }
0x19: {  	_ =	swait.ge [sflag:s11], $0x640  }
0x1a: {  	[sflag:s11] =	ssyncset.done $0x0  }
0x1b: {  	[sflag:s11] =	ssyncadd.s32 $0xFFFFF9C0  }
0x1c: {  	[bflag:$0x0] =	sbarrier.arrive $0xFFFF  }
0x1d: {  	[tilespmem:s14], [sflag:$0x1] =	stream.indirect.gather [hbm4b:s4+s13], $0x80, s2, s13, $0xb8;
	[tilespmem:$0xE500] =	vst v63  }
0x1e: {  	s24 =	simm.s32 $0x0  }
0x1f: {  	[tilespmem:s15], [sflag:$0x2] =	stream.indirect.gather [spmem:s1], $0x80, s12, s13, $0xb8;
	[tilespmem:$0xE500] =	vst v63  }
.LBB2_2:
0x20: {  	s26 =	smul.u32 $0xA0, s24;
	_ =	sdelay $0x1  }
0x21: {  	s25 =	sadd.s32 $0x50, s26  }
0x22: {  	[tilespmem:s16], [sflag:$0x3] =	stream.indirect.gather [hbm4b:s4+s13], $0x80, s25, s13, $0xb8;
	[tilespmem:$0xE500] =	vst v63  }
0x23: {  	s28 =	sadd.s32 $0x6D0, s26  }
0x24: {  	[tilespmem:s17], [sflag:$0x4] =	stream.indirect.gather [spmem:s1], $0x80, s28, s13, $0xb8;
	[tilespmem:$0xE500] =	vst v63  }
0x25: {  	_ =	swait.ge [sflag:s18], $0x2800  }
0x26: {  	[sflag:s18] =	ssyncset.done $0x0  }
0x27: {  	[sflag:s18] =	ssyncadd.s32 $0xFFFFD800  }
0x28: {  	_ =	swait.ge [sflag:s19], $0x2800  }
0x29: {  	[sflag:s19] =	ssyncset.done $0x0  }
0x2a: {  	s28 =	simm.s32 $0x0;
	[sflag:s19] =	ssyncadd.s32 $0xFFFFD800  }
0x2b: {  	v0 =	vld [tilespmem:s28+$0xD70]  }
0x2c: {  	v1 =	vld [tilespmem:s28+$0x3570]  }
0x2d: {  	v2 =	vld [tilespmem:s28+$0xD00]  }
0x2e: {  	v3 =	vld [tilespmem:s28+$0x3500]  }
0x2f: {  	v4 =	vld [tilespmem:s28+$0xD10]  }
0x30: {  	v5 =	vld [tilespmem:s28+$0x3510]  }
0x31: {  	v6 =	vld [tilespmem:s28+$0xD20]  }
0x32: {  	v7 =	vld [tilespmem:s28+$0x3520];
	v0 =	vshrl.u32 v0, $0x10;
	v1 =	vand.u32 $0xFFFF0000, v1  }
0x33: {  	v8 =	vld [tilespmem:s28+$0xD30];
	v0 =	vor.u32 v0, v1;
	v1 =	vshrl.u32 v2, $0x10;
	v2 =	vand.u32 $0xFFFF0000, v3  }
0x34: {  	v9 =	vld [tilespmem:s28+$0x3530];
	[tilespmem:s28+$0xAD70] =	vst v0;
	v0 =	vor.u32 v1, v2  }
0x35: {  	v10 =	vld [tilespmem:s28+$0x3540];
	v1 =	vand.u32 $0xFFFF0000, v5;
	[tilespmem:s28+$0xAD00] =	vst v0;
	v0 =	vshrl.u32 v4, $0x10  }
0x36: {  	v5 =	vld [tilespmem:s28+$0xD40];
	v0 =	vor.u32 v0, v1  }
0x37: {  	v2 =	vld [tilespmem:s28+$0xD50];
	v1 =	vand.u32 $0xFFFF0000, v7;
	[tilespmem:s28+$0xAD10] =	vst v0;
	v0 =	vshrl.u32 v6, $0x10  }
0x38: {  	v3 =	vld [tilespmem:s28+$0x3550];
	v0 =	vor.u32 v0, v1  }
0x39: {  	v6 =	vand.u32 $0xFFFF0000, v9;
	v1 =	vld [tilespmem:s28+$0xD60];
	[tilespmem:s28+$0xAD20] =	vst v0;
	v0 =	vshrl.u32 v8, $0x10  }
0x3a: {  	s29 =	simm.s32 $0x80;
	v4 =	vld [tilespmem:s28+$0x3560];
	v6 =	vor.u32 v0, v6  }
0x3b: {  	s30 =	simm.s32 $0x400;
	v5 =	vshrl.u32 v5, $0x10;
	v0 =	vld [tilespmem:s29+$0xD70];
	[tilespmem:s28+$0xAD30] =	vst v6;
	v6 =	vand.u32 $0xFFFF0000, v10  }
.LBB2_3:
0x3c: {  	p1 =	sne.s32 s30, $0x9E00;
	v7 =	vld [tilespmem:s29+$0x3570];
	v5 =	vor.u32 v5, v6;
	v2 =	vshrl.u32 v2, $0x10  }
0x3d: {  	v6 =	vld [tilespmem:s29+$0xD00];
	[tilespmem:s28+$0xAD40] =	vst v5;
	v3 =	vand.u32 $0xFFFF0000, v3  }
0x3e: {  	v5 =	vld [tilespmem:s29+$0x3500];
	v2 =	vor.u32 v2, v3;
	v1 =	vshrl.u32 v1, $0x10  }
0x3f: {  	v3 =	vld [tilespmem:s29+$0xD10];
	[tilespmem:s28+$0xAD50] =	vst v2;
	v2 =	vand.u32 $0xFFFF0000, v4  }
0x40: {  	v4 =	vld [tilespmem:s29+$0x3510];
	v1 =	vor.u32 v1, v2  }
0x41: {  	v0 =	vshrl.u32 v0, $0x10;
	v2 =	vld [tilespmem:s29+$0xD20];
	v7 =	vand.u32 $0xFFFF0000, v7;
	[tilespmem:s28+$0xAD60] =	vst v1;
	s28 =	smov.u32 s29  }
0x42: {  	v1 =	vshrl.u32 v6, $0x10;
	v6 =	vld [tilespmem:s28+$0x3520];
	v0 =	vor.u32 v0, v7  }
0x43: {  	v5 =	vand.u32 $0xFFFF0000, v5;
	v7 =	vld [tilespmem:s28+$0xD30];
	[tilespmem:s28+$0xAD70] =	vst v0  }
0x44: {  	v0 =	vor.u32 v1, v5;
	v1 =	vshrl.u32 v3, $0x10;
	v5 =	vld [tilespmem:s28+$0x3530]  }
0x45: {  	[tilespmem:s28+$0xAD00] =	vst v0;
	v0 =	vand.u32 $0xFFFF0000, v4;
	v4 =	vld [tilespmem:s28+$0xD40]  }
0x46: {  	v0 =	vor.u32 v1, v0;
	v1 =	vshrl.u32 v2, $0x10;
	v8 =	vld [tilespmem:s28+$0x3540]  }
.Ltmp0:
0x47: {  	[tilespmem:s28+$0xAD10] =	vst v0;
	v0 =	vand.u32 $0xFFFF0000, v6;
	v2 =	vld [tilespmem:s28+$0xD50];
	(pc) =	sbr.rel @p1 .LBB2_3-.Ltmp0, $4  }
0x48: {  	v0 =	vor.u32 v1, v0;
	v6 =	vshrl.u32 v7, $0x10;
	v3 =	vld [tilespmem:s28+$0x3550]  }
0x49: {  	[tilespmem:s28+$0xAD20] =	vst v0;
	v0 =	vand.u32 $0xFFFF0000, v5;
	v1 =	vld [tilespmem:s28+$0xD60]  }
0x4a: {  	s29 =	sshra.s32 s30, $0x2;
	v6 =	vor.u32 v6, v0;
	v5 =	vshrl.u32 v4, $0x10;
	v4 =	vld [tilespmem:s28+$0x3560]  }
0x4b: {  	s30 =	sadd.s32 $0x200, s30;
	v0 =	vld [tilespmem:s29+$0xD70];
	[tilespmem:s28+$0xAD30] =	vst v6;
	v6 =	vand.u32 $0xFFFF0000, v8  }
0x4c: {  	v7 =	vld [tilespmem:s29+$0x3570];
	v5 =	vor.u32 v5, v6  }
0x4d: {  	v6 =	vld [tilespmem:s29+$0xD00];
	v2 =	vshrl.u32 v2, $0x10;
	[tilespmem:s28+$0xAD40] =	vst v5;
	v3 =	vand.u32 $0xFFFF0000, v3  }
0x4e: {  	v5 =	vld [tilespmem:s29+$0x3500];
	v2 =	vor.u32 v2, v3  }
0x4f: {  	v3 =	vld [tilespmem:s29+$0xD10];
	v1 =	vshrl.u32 v1, $0x10;
	[tilespmem:s28+$0xAD50] =	vst v2;
	v2 =	vand.u32 $0xFFFF0000, v4  }
0x50: {  	v4 =	vld [tilespmem:s29+$0x3510];
	v1 =	vor.u32 v1, v2  }
0x51: {  	v2 =	vld [tilespmem:s29+$0xD20];
	[tilespmem:s28+$0xAD60] =	vst v1  }
0x52: {  	v0 =	vshrl.u32 v0, $0x10;
	v1 =	vand.u32 $0xFFFF0000, v7;
	v7 =	vld [tilespmem:s29+$0x3520]  }
0x53: {  	v6 =	vshrl.u32 v6, $0x10;
	v0 =	vor.u32 v0, v1;
	v1 =	vld [tilespmem:s29+$0xD30];
	v5 =	vand.u32 $0xFFFF0000, v5  }
0x54: {  	[tilespmem:s29+$0xAD70] =	vst v0;
	v0 =	vor.u32 v6, v5;
	v5 =	vld [tilespmem:s29+$0x3530]  }
0x55: {  	v6 =	vld [tilespmem:s29+$0xD50]  }
0x56: {  	[tilespmem:s29+$0xAD00] =	vst v0;
	v0 =	vshrl.u32 v3, $0x10;
	v3 =	vand.u32 $0xFFFF0000, v4;
	v4 =	vld [tilespmem:s29+$0xD40]  }
0x57: {  	v0 =	vor.u32 v0, v3;
	v3 =	vld [tilespmem:s29+$0x3540]  }
0x58: {  	[tilespmem:s29+$0xAD10] =	vst v0;
	v0 =	vshrl.u32 v2, $0x10;
	v2 =	vand.u32 $0xFFFF0000, v7;
	v7 =	vld [tilespmem:s29+$0x3560]  }
0x59: {  	v0 =	vor.u32 v0, v2;
	v2 =	vld [tilespmem:s29+$0x3550]  }
0x5a: {  	[tilespmem:s29+$0xAD20] =	vst v0;
	v0 =	vld [tilespmem:s29+$0xD60];
	_ =	sdelay $0x1  }
0x5b: {  	v1 =	vshrl.u32 v1, $0x10;
	v5 =	vand.u32 $0xFFFF0000, v5  }
0x5c: {  	v1 =	vor.u32 v1, v5;
	v4 =	vshrl.u32 v4, $0x10;
	v3 =	vand.u32 $0xFFFF0000, v3  }
0x5d: {  	[tilespmem:s29+$0xAD30] =	vst v1;
	v1 =	vor.u32 v4, v3;
	v3 =	vshrl.u32 v6, $0x10;
	v2 =	vand.u32 $0xFFFF0000, v2  }
0x5e: {  	s28 =	sadd.s32 s3, s26;
	[tilespmem:s29+$0xAD40] =	vst v1;
	v1 =	vor.u32 v3, v2;
	v0 =	vshrl.u32 v0, $0x10;
	v2 =	vand.u32 $0xFFFF0000, v7  }
0x5f: {  	s28 =	sshll.u32 s28, $0x4;
	[tilespmem:s29+$0xAD50] =	vst v1;
	v0 =	vor.u32 v0, v2  }
0x60: {  	s28 =	sadd.s32 s6, s28;
	[tilespmem:s29+$0xAD60] =	vst v0  }
0x61: {  	[hbm4b:s28+s2] =	stream.linear.scatter [tilespmem:s20], [sflag:$0x5], $0x2800, $0x38;
	[tilespmem:$0xE500] =	vst v63  }
0x62: {  	p1 =	seq.s32 s24, $0x9;
	_ =	swait.ge [sflag:s11], $0x2800  }
0x63: {  	s30 =	simm.s32 @!p1 $0xD00;
	[sflag:s11] =	ssyncset.done $0x0  }
0x64: {  	s29 =	simm.s32 @!p1 $0x50;
	s28 =	sadd.s32 @!p1 $0xA0, s26;
	[sflag:s11] =	ssyncadd.s32 $0xFFFFD800  }
0x65: {  	[tilespmem:s30], [sflag:$0x1] =	stream.indirect.gather @!p1 [hbm4b:s4+s29], $0x80, s28, s29, $0xb8;
	[tilespmem:$0xE500] =	vst v63  }
0x66: {  	s26 =	sadd.s32 @!p1 $0x720, s26;
	s28 =	simm.s32 @!p1 $0x3500  }
0x67: {  	[tilespmem:s28], [sflag:$0x2] =	stream.indirect.gather @!p1 [spmem:s1], $0x80, s26, s29, $0xb8;
	[tilespmem:$0xE500] =	vst v63  }
0x68: {  	_ =	swait.ge [sflag:s21], $0x2800  }
0x69: {  	[sflag:s21] =	ssyncset.done $0x0  }
0x6a: {  	[sflag:s21] =	ssyncadd.s32 $0xFFFFD800  }
0x6b: {  	_ =	swait.ge [sflag:s22], $0x2800  }
0x6c: {  	[sflag:s22] =	ssyncset.done $0x0  }
0x6d: {  	s26 =	simm.s32 $0x0;
	[sflag:s22] =	ssyncadd.s32 $0xFFFFD800  }
0x6e: {  	v0 =	vld [tilespmem:s26+$0x5D70]  }
0x6f: {  	v1 =	vld [tilespmem:s26+$0x8570]  }
0x70: {  	v2 =	vld [tilespmem:s26+$0x5D00]  }
0x71: {  	v3 =	vld [tilespmem:s26+$0x8500]  }
0x72: {  	v4 =	vld [tilespmem:s26+$0x5D10]  }
0x73: {  	v5 =	vld [tilespmem:s26+$0x8510]  }
0x74: {  	v6 =	vld [tilespmem:s26+$0x5D20]  }
0x75: {  	v7 =	vld [tilespmem:s26+$0x8520];
	v0 =	vshrl.u32 v0, $0x10;
	v1 =	vand.u32 $0xFFFF0000, v1  }
0x76: {  	v8 =	vld [tilespmem:s26+$0x5D30];
	v0 =	vor.u32 v0, v1;
	v1 =	vshrl.u32 v2, $0x10;
	v2 =	vand.u32 $0xFFFF0000, v3  }
0x77: {  	v9 =	vld [tilespmem:s26+$0x8530];
	[tilespmem:s26+$0xAD70] =	vst v0;
	v0 =	vor.u32 v1, v2  }
0x78: {  	v10 =	vld [tilespmem:s26+$0x8540];
	v1 =	vand.u32 $0xFFFF0000, v5;
	[tilespmem:s26+$0xAD00] =	vst v0;
	v0 =	vshrl.u32 v4, $0x10  }
0x79: {  	v5 =	vld [tilespmem:s26+$0x5D40];
	v0 =	vor.u32 v0, v1  }
0x7a: {  	v2 =	vld [tilespmem:s26+$0x5D50];
	v1 =	vand.u32 $0xFFFF0000, v7;
	[tilespmem:s26+$0xAD10] =	vst v0;
	v0 =	vshrl.u32 v6, $0x10  }
0x7b: {  	v3 =	vld [tilespmem:s26+$0x8550];
	v0 =	vor.u32 v0, v1  }
0x7c: {  	v6 =	vand.u32 $0xFFFF0000, v9;
	v1 =	vld [tilespmem:s26+$0x5D60];
	[tilespmem:s26+$0xAD20] =	vst v0;
	v0 =	vshrl.u32 v8, $0x10  }
0x7d: {  	s28 =	simm.s32 $0x80;
	v4 =	vld [tilespmem:s26+$0x8560];
	v6 =	vor.u32 v0, v6  }
0x7e: {  	s29 =	simm.s32 $0x400;
	v5 =	vshrl.u32 v5, $0x10;
	v0 =	vld [tilespmem:s28+$0x5D70];
	[tilespmem:s26+$0xAD30] =	vst v6;
	v6 =	vand.u32 $0xFFFF0000, v10  }
.LBB2_5:
0x7f: {  	p1 =	sne.s32 s29, $0x9E00;
	v7 =	vld [tilespmem:s28+$0x8570];
	v5 =	vor.u32 v5, v6;
	v2 =	vshrl.u32 v2, $0x10  }
0x80: {  	v6 =	vld [tilespmem:s28+$0x5D00];
	[tilespmem:s26+$0xAD40] =	vst v5;
	v3 =	vand.u32 $0xFFFF0000, v3  }
0x81: {  	v5 =	vld [tilespmem:s28+$0x8500];
	v2 =	vor.u32 v2, v3;
	v1 =	vshrl.u32 v1, $0x10  }
0x82: {  	v3 =	vld [tilespmem:s28+$0x5D10];
	[tilespmem:s26+$0xAD50] =	vst v2;
	v2 =	vand.u32 $0xFFFF0000, v4  }
0x83: {  	v4 =	vld [tilespmem:s28+$0x8510];
	v1 =	vor.u32 v1, v2  }
0x84: {  	v0 =	vshrl.u32 v0, $0x10;
	v2 =	vld [tilespmem:s28+$0x5D20];
	v7 =	vand.u32 $0xFFFF0000, v7;
	[tilespmem:s26+$0xAD60] =	vst v1;
	s26 =	smov.u32 s28  }
0x85: {  	v1 =	vshrl.u32 v6, $0x10;
	v6 =	vld [tilespmem:s26+$0x8520];
	v0 =	vor.u32 v0, v7  }
0x86: {  	v5 =	vand.u32 $0xFFFF0000, v5;
	v7 =	vld [tilespmem:s26+$0x5D30];
	[tilespmem:s26+$0xAD70] =	vst v0  }
0x87: {  	v0 =	vor.u32 v1, v5;
	v1 =	vshrl.u32 v3, $0x10;
	v5 =	vld [tilespmem:s26+$0x8530]  }
0x88: {  	[tilespmem:s26+$0xAD00] =	vst v0;
	v0 =	vand.u32 $0xFFFF0000, v4;
	v4 =	vld [tilespmem:s26+$0x5D40]  }
0x89: {  	v0 =	vor.u32 v1, v0;
	v1 =	vshrl.u32 v2, $0x10;
	v8 =	vld [tilespmem:s26+$0x8540]  }
.Ltmp1:
0x8a: {  	[tilespmem:s26+$0xAD10] =	vst v0;
	v0 =	vand.u32 $0xFFFF0000, v6;
	v2 =	vld [tilespmem:s26+$0x5D50];
	(pc) =	sbr.rel @p1 .LBB2_5-.Ltmp1, $4  }
0x8b: {  	v0 =	vor.u32 v1, v0;
	v6 =	vshrl.u32 v7, $0x10;
	v3 =	vld [tilespmem:s26+$0x8550]  }
0x8c: {  	[tilespmem:s26+$0xAD20] =	vst v0;
	v0 =	vand.u32 $0xFFFF0000, v5;
	v1 =	vld [tilespmem:s26+$0x5D60]  }
0x8d: {  	s28 =	sshra.s32 s29, $0x2;
	v6 =	vor.u32 v6, v0;
	v5 =	vshrl.u32 v4, $0x10;
	v4 =	vld [tilespmem:s26+$0x8560]  }
0x8e: {  	s29 =	sadd.s32 $0x200, s29;
	v0 =	vld [tilespmem:s28+$0x5D70];
	[tilespmem:s26+$0xAD30] =	vst v6;
	v6 =	vand.u32 $0xFFFF0000, v8  }
0x8f: {  	v7 =	vld [tilespmem:s28+$0x8570];
	v5 =	vor.u32 v5, v6  }
0x90: {  	v40 =	vld [tilespmem:s28+$0x5D00];
	v2 =	vshrl.u32 v2, $0x10;
	[tilespmem:s26+$0xAD40] =	vst v5;
	v3 =	vand.u32 $0xFFFF0000, v3  }
0x91: {  	v5 =	vld [tilespmem:s28+$0x8500];
	v2 =	vor.u32 v2, v3  }
0x92: {  	v41 =	vld [tilespmem:s28+$0x5D10];
	v1 =	vshrl.u32 v1, $0x10;
	[tilespmem:s26+$0xAD50] =	vst v2;
	v42 =	vand.u32 $0xFFFF0000, v4  }
0x93: {  	v43 =	vld [tilespmem:s28+$0x8510];
	v1 =	vor.u32 v1, v42  }
0x94: {  	v44 =	vld [tilespmem:s28+$0x5D20];
	[tilespmem:s26+$0xAD60] =	vst v1  }
0x95: {  	v46 =	vld [tilespmem:s28+$0x8520]  }
0x96: {  	v47 =	vld [tilespmem:s28+$0x5D30]  }
0x97: {  	v49 =	vld [tilespmem:s28+$0x8530]  }
0x98: {  	v52 =	vld [tilespmem:s28+$0x5D40]  }
0x99: {  	v53 =	vld [tilespmem:s28+$0x8540]  }
0x9a: {  	v56 =	vld [tilespmem:s28+$0x5D50]  }
0x9b: {  	v0 =	vshrl.u32 v0, $0x10;
	v45 =	vand.u32 $0xFFFF0000, v7;
	v57 =	vld [tilespmem:s28+$0x8550]  }
0x9c: {  	v6 =	vshrl.u32 v40, $0x10;
	v0 =	vor.u32 v0, v45;
	v58 =	vld [tilespmem:s28+$0x5D60];
	v5 =	vand.u32 $0xFFFF0000, v5  }
0x9d: {  	v59 =	vld [tilespmem:s28+$0x8560];
	[tilespmem:s28+$0xAD70] =	vst v0;
	v50 =	vshrl.u32 v41, $0x10;
	v48 =	vor.u32 v6, v5;
	v51 =	vand.u32 $0xFFFF0000, v43  }
0x9e: {  	[tilespmem:s28+$0xAD00] =	vst v48;
	v54 =	vshrl.u32 v44, $0x10;
	v0 =	vor.u32 v50, v51;
	v55 =	vand.u32 $0xFFFF0000, v46  }
0x9f: {  	[tilespmem:s28+$0xAD10] =	vst v0;
	v1 =	vshrl.u32 v47, $0x10;
	v5 =	vand.u32 $0xFFFF0000, v49;
	v0 =	vor.u32 v54, v55  }
0xa0: {  	v4 =	vshrl.u32 v52, $0x10;
	v3 =	vand.u32 $0xFFFF0000, v53;
	v1 =	vor.u32 v1, v5;
	[tilespmem:s28+$0xAD20] =	vst v0  }
0xa1: {  	v61 =	vshrl.u32 v56, $0x10;
	v2 =	vand.u32 $0xFFFF0000, v57;
	v60 =	vor.u32 v4, v3;
	[tilespmem:s28+$0xAD30] =	vst v1  }
0xa2: {  	s25 =	sadd.s32 s3, s25;
	s24 =	sadd.s32 $0x1, s24;
	v63 =	vand.u32 $0xFFFF0000, v59;
	v62 =	vor.u32 v61, v2;
	[tilespmem:s28+$0xAD40] =	vst v60;
	v0 =	vshrl.u32 v58, $0x10  }
0xa3: {  	s25 =	sshll.u32 s25, $0x4;
	p1 =	sne.s32 s24, $0xA;
	[tilespmem:s28+$0xAD50] =	vst v62;
	v0 =	vor.u32 v0, v63  }
.Ltmp2:
0xa4: {  	s25 =	sadd.s32 s6, s25;
	[tilespmem:s28+$0xAD60] =	vst v0;
	(pc) =	sbr.rel @p1 .LBB2_2-.Ltmp2, $4  }
0xa5: {  	[hbm4b:s25+s2] =	stream.linear.scatter [tilespmem:s20], [sflag:$0x5], $0x2800, $0x38;
	[tilespmem:$0xE500] =	vst v63  }
0xa6: {  	_ =	swait.ge [sflag:s11], $0x2800  }
0xa7: {  	[sflag:s11] =	ssyncset.done $0x0  }
0xa8: {  	[sflag:s11] =	ssyncadd.s32 $0xFFFFD800  }
0xa9: {  	s23 =	sadd.s32 $0x1, s23  }
0xaa: {  	p1 =	sne.s32 s23, s9  }
.Ltmp3:
0xab: {  	_ = 	snop;
	(pc) =	sbr.rel @p1 .LBB2_1-.Ltmp3, $1  }
0xac: {  	_ =	sdelay $0x3  }
0xad: {  	_ =	sfence.sel $0x180000  }
0xae: {  	[bflag:$0x0] =	sbarrier.arrive $0xFFFF  }
0xaf: {  	_ =	strace $0x90000050  }
0xb0: {  	s0 =	sadd.s32 @!p0 $0x100000, s0;
	[bflag:$0x2] =	sbarrier.arrive $0xFFFF  }
0xb1: {  	[sflag:s0] =	ssyncadd.tile.s32 @!p0 $0x1;
	_ =	shalt  }
.Lfunc_end2:
_tile_overlayer_lowered:
.L_overlay_start_2:
0xb2: {  	(tag) =	ssettag $0x2  }
0xb3: {  	s0 =	rddreg [dreg:$0x0];
	s2 =	stileid.u32  }
0xb4: {  	s1 =	rddreg [dreg:$0x1];
	p0 =	sne.s32 s2, $0x0  }
0xb5: {  	s3 =	rddreg [dreg:$0x2];
	[bflag:$0x3] =	sbarrier.arrive $0xFFFF;
	s2 =	simm.s32 @!p0 $0x1C05  }
0xb6: {  	[timem:s3], [sflag:s2] =	dma.local @!p0 [hbm:s0], s1  }
0xb7: {  	s0 =	simm.s32 @!p0 $0x5  }
0xb8: {  	_ =	swait.ge @!p0 [sflag:s0], s1  }
0xb9: {  	s1 =	ssub.s32 @!p0 $0x0, s1;
	[sflag:s0] =	ssyncset.done @!p0 $0x0  }
0xba: {  	[sflag:s0] =	ssyncadd.s32 @!p0 s1  }
0xbb: {  	[bflag:$0x3] =	sbarrier.arrive $0xFFFF  }
0xbc: {  	_ =	shalt  }

</sc_bundles>
